<compile_context>
chip_gen: v7x
topology: tpu7x:2x2x1
jax: 0.10.2.dev20260603
libtpu: 0.0.44.dev20260713+nightly
codegen_flags: <defaults>
</compile_context>

<pallas_src>
import functools

import jax
import jax.numpy as jnp
from jax import lax
from jax.experimental import pallas as pl
from jax.experimental.pallas import tpu as pltpu
from jax.experimental.pallas import tpu_sc as plsc

F32 = jnp.float32
BF16 = jnp.bfloat16
I32 = jnp.int32

D = 32
V = 50000
T = 800000
NIMG = 5000
OBJ_PER_IMG = 10

NC, NS = 2, 16
NW = NC * NS
CH = 128

TPAD = 802816
TB = 4096
TGRID = TPAD // TB
CHUNKS = TPAD // NS // CH
PAIRS = CHUNKS // 2
SEG = 56

VPAD = 51200
NB = 2000
NGRID = V // NB
VSTRIPE = VPAD // NS
VCH = VSTRIPE // CH

def _mesh():
    return plsc.VectorSubcoreMesh(
        core_axis_name="c", subcore_axis_name="s",
        num_cores=NC, num_subcores=NS)


def _gather_body(table, idx3, out, idxbuf, r0, r1, r2, r3,
                 s0, s1, s2, s3):
    c = lax.axis_index("c")
    s = lax.axis_index("s")
    w = c * NS + s
    pltpu.sync_copy(idx3.at[w], idxbuf)
    base = w * (CHUNKS * CH)
    bufs = (r0, r1, r2, r3)
    sems = (s0, s1, s2, s3)

    def start(j, buf, sem):
        return pltpu.async_copy(table.at[idxbuf.at[j]], buf, sem)

    for u in range(4):
        start(u, bufs[u], sems[u])

    def body(i, _):
        j0 = 4 * i
        for u in range(4):
            pltpu.make_async_copy(table.at[idxbuf.at[j0 + u]], bufs[u],
                                  sems[u]).wait()
            pltpu.sync_copy(bufs[u], out.at[pl.ds(base + (j0 + u) * CH, CH)])
            start(lax.rem(j0 + u + 4, CHUNKS), bufs[u], sems[u])
        return 0

    lax.fori_loop(0, CHUNKS // 4, body, 0)
    for u in range(4):
        pltpu.make_async_copy(table.at[idxbuf.at[u]], bufs[u], sems[u]).wait()


def _gather(table, gidx3):
    return pl.kernel(
        _gather_body,
        out_type=jax.ShapeDtypeStruct((2 * TPAD, D), BF16),
        mesh=_mesh(),
        compiler_params=pltpu.CompilerParams(use_tc_tiling_on_sc=False),
        scratch_types=[
            pltpu.VMEM((CHUNKS, CH), I32),
            pltpu.VMEM((CH, D), BF16),
            pltpu.VMEM((CH, D), BF16),
            pltpu.VMEM((CH, D), BF16),
            pltpu.VMEM((CH, D), BF16),
            pltpu.SemaphoreType.DMA,
            pltpu.SemaphoreType.DMA,
            pltpu.SemaphoreType.DMA,
            pltpu.SemaphoreType.DMA,
        ],
    )(table, gidx3)


def _scatter_body(nsno, idxcat, zrow, out, idxbuf, r0, r1, r2, r3, acc,
                  s0, s1, s2, s3):
    c = lax.axis_index("c")
    s = lax.axis_index("s")
    off = c * 64
    bufs = (r0, r1, r2, r3)
    sems = (s0, s1, s2, s3)
    pltpu.sync_copy(zrow, r0)

    def zbody(k, _):
        pltpu.sync_copy(r0, acc.at[pl.ds(s * VSTRIPE + k * CH, CH)])
        return 0

    lax.fori_loop(0, VCH, zbody, 0)
    plsc.subcore_barrier()

    base = s * (CHUNKS * CH)

    def seg_body(t, _):
        pltpu.sync_copy(idxcat.at[c, s, pl.ds(t * SEG, SEG)], idxbuf)
        segbase = base + t * SEG * CH

        def start(j, buf, sem):
            return pltpu.async_copy(
                nsno.at[pl.ds(segbase + j * CH, CH), pl.ds(off, 32)],
                buf, sem)

        for u in range(4):
            start(u, bufs[u], sems[u])

        def body(i, _):
            j0 = 4 * i
            for u in range(4):
                pltpu.make_async_copy(
                    nsno.at[pl.ds(segbase, CH), pl.ds(off, 32)],
                    bufs[u], sems[u]).wait()
                pltpu.sync_copy(bufs[u], acc.at[idxbuf.at[j0 + u]], add=True)
                start(lax.rem(j0 + u + 4, SEG), bufs[u], sems[u])
            return 0

        lax.fori_loop(0, SEG // 4, body, 0)
        for u in range(4):
            pltpu.make_async_copy(
                nsno.at[pl.ds(segbase, CH), pl.ds(off, 32)],
                bufs[u], sems[u]).wait()
        return 0

    lax.fori_loop(0, CHUNKS // SEG, seg_body, 0)
    plsc.subcore_barrier()

    def wbody(k, _):
        r = s * VSTRIPE + k * CH
        pltpu.sync_copy(acc.at[pl.ds(r, CH)], r0)
        pltpu.sync_copy(r0, out.at[c, pl.ds(r, CH)])
        return 0

    lax.fori_loop(0, VCH, wbody, 0)


def _scatter(nsno, idxcat, zrow):
    return pl.kernel(
        _scatter_body,
        out_type=jax.ShapeDtypeStruct((NC, VPAD, D), F32),
        mesh=_mesh(),
        compiler_params=pltpu.CompilerParams(use_tc_tiling_on_sc=False),
        scratch_types=[
            pltpu.VMEM((SEG, CH), I32),
            pltpu.VMEM((CH, D), F32),
            pltpu.VMEM((CH, D), F32),
            pltpu.VMEM((CH, D), F32),
            pltpu.VMEM((CH, D), F32),
            pltpu.VMEM_SHARED((VPAD, D), F32),
            pltpu.SemaphoreType.DMA,
            pltpu.SemaphoreType.DMA,
            pltpu.SemaphoreType.DMA,
            pltpu.SemaphoreType.DMA,
        ],
    )(nsno, idxcat, zrow)


def _count_body(idxcat, ones16, zrow16, out, idxbuf, ones_v, buf16, acc, sem):
    c = lax.axis_index("c")
    s = lax.axis_index("s")
    pltpu.sync_copy(zrow16, buf16)

    def zbody(k, _):
        pltpu.sync_copy(buf16, acc.at[pl.ds(s * VSTRIPE + k * CH, CH)])
        return 0

    lax.fori_loop(0, VCH, zbody, 0)
    pltpu.sync_copy(ones16, ones_v)
    pltpu.sync_copy(idxcat.at[c, s], idxbuf)
    plsc.subcore_barrier()

    def body(i, _):
        for u in range(8):
            pltpu.async_copy(ones_v, acc.at[idxbuf.at[8 * i + u]], sem,
                             add=True)
        for u in range(8):
            pltpu.make_async_copy(ones_v, acc.at[idxbuf.at[8 * i + u]],
                                  sem).wait()
        return 0

    lax.fori_loop(0, CHUNKS // 8, body, 0)
    plsc.subcore_barrier()

    def wbody(k, _):
        r = s * VSTRIPE + k * CH
        pltpu.sync_copy(acc.at[pl.ds(r, CH)], buf16)
        pltpu.sync_copy(buf16, out.at[c, pl.ds(r, CH)])
        return 0

    lax.fori_loop(0, VCH, wbody, 0)


def _count(idxcat, ones16, zrow16):
    return pl.kernel(
        _count_body,
        out_type=jax.ShapeDtypeStruct((NC, VPAD, 16), F32),
        mesh=_mesh(),
        compiler_params=pltpu.CompilerParams(use_tc_tiling_on_sc=False),
        scratch_types=[
            pltpu.VMEM((CHUNKS, CH), I32),
            pltpu.VMEM((CH, 16), F32),
            pltpu.VMEM((CH, 16), F32),
            pltpu.VMEM_SHARED((VPAD, 16), F32),
            pltpu.SemaphoreType.DMA,
        ],
    )(idxcat, ones16, zrow16)


def _pro_body(objs_ref, boxes_ref, embp_ref, wfull_ref, ov_ref, stat):
    p = pl.program_id(0)
    i = pl.program_id(1)
    n = float(V)

    def _y():
        oh = (lax.broadcasted_iota(I32, (NB, 32), 1)
              == objs_ref[...]).astype(F32)
        emb = jnp.dot(oh, embp_ref[...], preferred_element_type=F32,
                      precision='highest')
        bx = (boxes_ref[...] - stat[7:8, 0:4]) / (stat[2:3, 0:4] + 1e-7)
        return jnp.dot(jnp.concatenate([emb, bx], axis=1), wfull_ref[...],
                       preferred_element_type=F32)

    @pl.when(p == 0)
    def _():
        @pl.when(i == 0)
        def _():
            stat[0:2, :] = jnp.zeros((2, 128), F32)
        b = boxes_ref[...]
        stat[0:1, 0:4] = stat[0:1, 0:4] + jnp.sum(b, 0, keepdims=True)
        stat[1:2, 0:4] = stat[1:2, 0:4] + jnp.sum(b * b, 0, keepdims=True)

    @pl.when(p == 1)
    def _():
        @pl.when(i == 0)
        def _():
            mean = stat[0:1, 0:4] / n
            var = (stat[1:2, 0:4] - n * mean * mean) / (n - 1.0)
            stat[7:8, 0:4] = mean
            stat[2:3, 0:4] = jnp.sqrt(var)
            stat[3:5, :] = jnp.zeros((2, 128), F32)
        y = _y()
        stat[3:4, 0:D] = stat[3:4, 0:D] + jnp.sum(y, 0, keepdims=True)
        stat[4:5, 0:D] = stat[4:5, 0:D] + jnp.sum(y * y, 0, keepdims=True)

    @pl.when(p == 2)
    def _():
        @pl.when(i == 0)
        def _():
            mean = stat[3:4, 0:D] / n
            var = stat[4:5, 0:D] / n - mean * mean
            stat[5:6, 0:D] = mean
            stat[6:7, 0:D] = jnp.sqrt(var + 1e-5)
        y = _y()
        ov_ref[...] = jax.nn.relu((y - stat[5:6, 0:D]) / stat[6:7, 0:D])


def _prologue(objs2, boxes, embp, wfull):
    return pl.pallas_call(
        _pro_body,
        grid=(3, NGRID),
        in_specs=[
            pl.BlockSpec((NB, 1), lambda p, i: (i, 0)),
            pl.BlockSpec((NB, 4), lambda p, i: (i, 0)),
            pl.BlockSpec((32, 32), lambda p, i: (0, 0)),
            pl.BlockSpec((36, 32), lambda p, i: (0, 0)),
        ],
        out_specs=pl.BlockSpec((NB, D), lambda p, i: (i, 0)),
        out_shape=jax.ShapeDtypeStruct((V, D), F32),
        scratch_shapes=[pltpu.VMEM((8, 128), F32)],
    )(objs2, boxes, embp, wfull)


def _triple0_body(gs_ref, go_ref, pr_ref, pe_ref, w1_ref, b1_ref, w2_ref,
                  b2_ref, t128_ref):
    oh = (lax.broadcasted_iota(I32, (TB, 16), 1) == pr_ref[...]).astype(F32)
    pv = jnp.dot(oh, pe_ref[...], preferred_element_type=F32,
                 precision='highest')
    t_in = jnp.concatenate([gs_ref[...].astype(F32), pv,
                            go_ref[...].astype(F32)], axis=1)
    h = jax.nn.relu(jnp.dot(t_in, w1_ref[...], preferred_element_type=F32)
                    + b1_ref[...])
    t_out = jax.nn.relu(jnp.dot(h, w2_ref[...], preferred_element_type=F32)
                        + b2_ref[...])
    t128_ref[...] = jnp.concatenate(
        [t_out, jnp.zeros((TB, D), F32)], axis=1)


def _triple1_body(gs_ref, go_ref, pv_ref, w1_ref, b1_ref, w2_ref, b2_ref,
                  t128_ref):
    t_in = jnp.concatenate([gs_ref[...].astype(F32), pv_ref[:, D:2 * D],
                            go_ref[...].astype(F32)], axis=1)
    h = jax.nn.relu(jnp.dot(t_in, w1_ref[...], preferred_element_type=F32)
                    + b1_ref[...])
    t_out = jax.nn.relu(jnp.dot(h, w2_ref[...], preferred_element_type=F32)
                        + b2_ref[...])
    t128_ref[...] = jnp.concatenate(
        [t_out, jnp.zeros((TB, D), F32)], axis=1)


def _triples0(gath, pr2, pe, w1, b1, w2, b2):
    return pl.pallas_call(
        _triple0_body,
        grid=(TGRID,),
        in_specs=[
            pl.BlockSpec((TB, D), lambda i: (i, 0)),
            pl.BlockSpec((TB, D), lambda i: (i + TGRID, 0)),
            pl.BlockSpec((TB, 1), lambda i: (i, 0)),
            pl.BlockSpec((16, 32), lambda i: (0, 0)),
            pl.BlockSpec((96, 32), lambda i: (0, 0)),
            pl.BlockSpec((1, 32), lambda i: (0, 0)),
            pl.BlockSpec((32, 96), lambda i: (0, 0)),
            pl.BlockSpec((1, 96), lambda i: (0, 0)),
        ],
        out_specs=pl.BlockSpec((TB, 128), lambda i: (i, 0)),
        out_shape=jax.ShapeDtypeStruct((TPAD, 128), F32),
    )(gath, gath, pr2, pe, w1, b1, w2, b2)


def _triples1(gath, pv, w1, b1, w2, b2):
    return pl.pallas_call(
        _triple1_body,
        grid=(TGRID,),
        in_specs=[
            pl.BlockSpec((TB, D), lambda i: (i, 0)),
            pl.BlockSpec((TB, D), lambda i: (i + TGRID, 0)),
            pl.BlockSpec((TB, 128), lambda i: (i, 0)),
            pl.BlockSpec((96, 32), lambda i: (0, 0)),
            pl.BlockSpec((1, 32), lambda i: (0, 0)),
            pl.BlockSpec((32, 96), lambda i: (0, 0)),
            pl.BlockSpec((1, 96), lambda i: (0, 0)),
        ],
        out_specs=pl.BlockSpec((TB, 128), lambda i: (i, 0)),
        out_shape=jax.ShapeDtypeStruct((TPAD, 128), F32),
    )(gath, gath, pv, w1, b1, w2, b2)


def _node_body(q_ref, cnt_ref, w1_ref, b1_ref, w2_ref, b2_ref, ov_ref):
    cnt = cnt_ref[0][:, 0:1] + cnt_ref[1][:, 0:1]
    pooled = (q_ref[0] + q_ref[1]) / jnp.maximum(cnt, 1.0)
    h = jax.nn.relu(jnp.dot(pooled, w1_ref[...], preferred_element_type=F32)
                    + b1_ref[...])
    ov_ref[...] = jax.nn.relu(
        jnp.dot(h, w2_ref[...], preferred_element_type=F32) + b2_ref[...])


def _node_update(q, cnt, w1, b1, w2, b2):
    return pl.pallas_call(
        _node_body,
        grid=(NGRID,),
        in_specs=[
            pl.BlockSpec((2, NB, D), lambda i: (0, i, 0)),
            pl.BlockSpec((2, NB, 16), lambda i: (0, i, 0)),
            pl.BlockSpec((32, 32), lambda i: (0, 0)),
            pl.BlockSpec((1, 32), lambda i: (0, 0)),
            pl.BlockSpec((32, 32), lambda i: (0, 0)),
            pl.BlockSpec((1, 32), lambda i: (0, 0)),
        ],
        out_specs=pl.BlockSpec((NB, D), lambda i: (i, 0)),
        out_shape=jax.ShapeDtypeStruct((V, D), F32),
    )(q, cnt, w1, b1, w2, b2)


def _final_body(x_ref, s_ref, r_ref, bm_ref, c_ref, aw_ref, w1_ref, b1_ref,
                w2_ref, b2_ref, out_ref):
    x = x_ref[...]
    proj = jnp.dot(x, aw_ref[...], preferred_element_type=F32)
    y = jnp.dot(proj, s_ref[...], preferred_element_type=F32,
                precision='highest')
    tg = jnp.tanh(y / float(OBJ_PER_IMG))
    e = x * jnp.dot(tg, r_ref[...], preferred_element_type=F32,
                    precision='highest')
    sg = jax.nn.sigmoid(jnp.dot(e, bm_ref[...], preferred_element_type=F32,
                                precision='highest'))
    wt = jnp.dot(sg, c_ref[...], preferred_element_type=F32,
                 precision='highest')
    g = jnp.dot(x * wt, s_ref[...], preferred_element_type=F32,
                precision='highest')
    hp = jnp.dot(g, w1_ref[...], preferred_element_type=F32) + b1_ref[...]
    mean = jnp.mean(hp, 0, keepdims=True)
    var = jnp.mean((hp - mean) ** 2, 0, keepdims=True)
    h = jax.nn.relu((hp - mean) / jnp.sqrt(var + 1e-5))
    out_ref[...] = jax.nn.sigmoid(
        jnp.dot(h, w2_ref[...], preferred_element_type=F32) + b2_ref[...])


def _final(x, smat, rmat, bmat, cmat, aw, w1, b1, w2, b2):
    return pl.pallas_call(
        _final_body,
        out_shape=jax.ShapeDtypeStruct((NIMG, 1), F32),
    )(x, smat, rmat, bmat, cmat, aw, w1, b1, w2, b2)


def kernel(objs, boxes, triples, obj_to_img, params):
    p = params
    del obj_to_img

    objs2 = objs.astype(I32).reshape(V, 1)
    sidx = triples[:, 0].astype(I32)
    oidx = triples[:, 2].astype(I32)
    pr = triples[:, 1].astype(I32)

    padn = TPAD - T
    zpad = jnp.zeros((padn,), I32)
    tpad = jnp.full((padn,), V, I32)
    gidx3 = jnp.concatenate(
        [sidx, zpad, oidx, zpad]).reshape(NW, CHUNKS, CH)
    idxcat = jnp.stack([
        jnp.concatenate([sidx, tpad]).reshape(NS, CHUNKS, CH),
        jnp.concatenate([oidx, tpad]).reshape(NS, CHUNKS, CH),
    ])
    pr2 = jnp.concatenate([pr, zpad]).reshape(TPAD, 1)

    embp = jnp.zeros((32, 32), F32).at[:31].set(p['obj_emb'])
    pe = jnp.zeros((16, 32), F32).at[:10].set(p['pred_emb'])

    zrow = jnp.zeros((CH, D), F32)
    zrow16 = jnp.zeros((CH, 16), F32)
    ones16 = jnp.ones((CH, 16), F32)

    fid = jnp.arange(OBJ_PER_IMG * D, dtype=I32)
    smat = (fid[:, None] % D == jnp.arange(D)[None, :]).astype(F32)
    bmat = (fid[:, None] // D == jnp.arange(16)[None, :]).astype(F32)

    ov = _prologue(objs2, boxes, embp, p['lin_W'])
    cnt = _count(idxcat, ones16, zrow16)

    gath0 = _gather(ov.astype(BF16), gidx3)
    t128_0 = _triples0(gath0, pr2, pe,
                       p['g0_n1_W1'], p['g0_n1_b1'].reshape(1, 32),
                       p['g0_n1_W2'], p['g0_n1_b2'].reshape(1, 96))
    q = _scatter(t128_0, idxcat, zrow)
    ov = _node_update(q, cnt,
                      p['g0_n2_W1'], p['g0_n2_b1'].reshape(1, 32),
                      p['g0_n2_W2'], p['g0_n2_b2'].reshape(1, 32))

    gath1 = _gather(ov.astype(BF16), gidx3)
    t128_1 = _triples1(gath1, t128_0,
                       p['g1_n1_W1'], p['g1_n1_b1'].reshape(1, 32),
                       p['g1_n1_W2'], p['g1_n1_b2'].reshape(1, 96))
    q = _scatter(t128_1, idxcat, zrow)
    ov = _node_update(q, cnt,
                      p['g1_n2_W1'], p['g1_n2_b1'].reshape(1, 32),
                      p['g1_n2_W2'], p['g1_n2_b2'].reshape(1, 32))

    awbd = jnp.kron(jnp.eye(OBJ_PER_IMG, dtype=F32), p['att_W'])
    x = ov.reshape(NIMG, OBJ_PER_IMG * D)
    return _final(x, smat, smat.T, bmat, bmat.T, awbd,
                  p['m_W1'], p['m_b1'].reshape(1, 32),
                  p['m_W2'], p['m_b2'].reshape(1, 1))

# --- scband reference (transcript-rebuilt; emitter-appended) ---
"""Pipeline reference for scband-layout-discriminator-40450001994096 (READ-ONLY COPY).

The authoritative reference and input builder live on the scoring server;
editing this copy changes nothing except your own understanding.
"""

import jax, jax.numpy as jnp
import numpy as np

N_OBJ_TOTAL = 50000
N_TRIPLES = 800000
N_IMG = 5000
NUM_OBJS = 30
NUM_PREDS = 10
D = 32


def _xavier_normal(key, shape):
    std = np.sqrt(2.0 / (shape[0] + shape[1]))
    return jax.random.normal(key, shape, dtype=jnp.float32) * std


def _make_params(key):
    ks = jax.random.split(key, 20)
    p = {}
    p['obj_emb'] = jax.random.normal(ks[0], (NUM_OBJS + 1, D), dtype=jnp.float32)
    p['pred_emb'] = jax.random.normal(ks[1], (NUM_PREDS, D), dtype=jnp.float32)
    p['lin_W'] = _xavier_normal(ks[2], (D + 4, D))
    p['lin_b'] = jnp.zeros((D,), jnp.float32)
    for li, base in [(0, 3), (1, 9)]:
        p['g%d_n1_W1' % li] = _xavier_normal(ks[base + 0], (3 * D, D))
        p['g%d_n1_b1' % li] = jnp.zeros((D,), jnp.float32)
        p['g%d_n1_W2' % li] = _xavier_normal(ks[base + 1], (D, 3 * D))
        p['g%d_n1_b2' % li] = jnp.zeros((3 * D,), jnp.float32)
        p['g%d_n2_W1' % li] = _xavier_normal(ks[base + 2], (D, D))
        p['g%d_n2_b1' % li] = jnp.zeros((D,), jnp.float32)
        p['g%d_n2_W2' % li] = _xavier_normal(ks[base + 3], (D, D))
        p['g%d_n2_b2' % li] = jnp.zeros((D,), jnp.float32)
    bound = np.sqrt(6.0 / (D + D))
    p['att_W'] = jax.random.uniform(ks[15], (D, D), jnp.float32, -bound, bound)
    p['m_W1'] = _xavier_normal(ks[16], (D, D))
    p['m_b1'] = jnp.zeros((D,), jnp.float32)
    p['m_W2'] = _xavier_normal(ks[17], (D, 1))
    p['m_b2'] = jnp.zeros((1,), jnp.float32)
    return p


def setup_inputs(seed: int = 0):
    key = jax.random.key(seed)
    k1, k2, k3, k4, k5 = jax.random.split(key, 5)
    objs = jax.random.randint(k1, (N_OBJ_TOTAL,), 0, NUM_OBJS + 1)
    boxes = jax.random.uniform(k2, (N_OBJ_TOTAL, 4), dtype=jnp.float32)
    s = jax.random.randint(k3, (N_TRIPLES,), 0, N_OBJ_TOTAL)
    o = jax.random.randint(k4, (N_TRIPLES,), 0, N_OBJ_TOTAL)
    pr = jax.random.randint(k5, (N_TRIPLES,), 0, NUM_PREDS)
    triples = jnp.stack([s, pr, o], axis=1)
    obj_to_img = jnp.repeat(jnp.arange(N_IMG), N_OBJ_TOTAL // N_IMG)
    params = _make_params(jax.random.fold_in(key, 7))
    return {"objs": objs, "boxes": boxes, "triples": triples, "obj_to_img": obj_to_img, "params": params}


def _bn(x, eps=1e-5):
    m = jnp.mean(x, axis=0, keepdims=True)
    v = jnp.var(x, axis=0, keepdims=True)
    return (x - m) / jnp.sqrt(v + eps)


def _mlp2(x, W1, b1, W2, b2):
    return jax.nn.relu(jax.nn.relu(x @ W1 + b1) @ W2 + b2)


def _gconv(obj_vecs, pred_vecs, edges, p, li):
    s = edges[:, 0]
    o = edges[:, 1]
    t_in = jnp.concatenate([obj_vecs[s], pred_vecs, obj_vecs[o]], axis=1)
    t_out = _mlp2(t_in, p['g%d_n1_W1' % li], p['g%d_n1_b1' % li], p['g%d_n1_W2' % li], p['g%d_n1_b2' % li])
    new_s = t_out[:, :D]
    new_p = t_out[:, D:2 * D]
    new_o = t_out[:, 2 * D:]
    O = obj_vecs.shape[0]
    pooled = jnp.zeros((O, D), jnp.float32).at[s].add(new_s).at[o].add(new_o)
    counts = jnp.zeros((O,), jnp.float32).at[s].add(1.0).at[o].add(1.0)
    pooled = pooled / jnp.clip(counts, 1.0, None)[:, None]
    new_obj = _mlp2(pooled, p['g%d_n2_W1' % li], p['g%d_n2_b1' % li], p['g%d_n2_W2' % li], p['g%d_n2_b2' % li])
    return new_obj, new_p


def _attention_encoder(emb, obj_to_img, W, num_img):
    proj = emb @ W
    seg_sum = jax.ops.segment_sum(proj, obj_to_img, num_segments=num_img)
    cnt = jax.ops.segment_sum(jnp.ones((emb.shape[0],), jnp.float32), obj_to_img, num_segments=num_img)
    global_ctx = seg_sum / cnt[:, None]
    tg = jnp.tanh(global_ctx)
    scores = jax.nn.sigmoid(jnp.sum(emb * tg[obj_to_img], axis=1, keepdims=True))
    return jax.ops.segment_sum(emb * scores, obj_to_img, num_segments=num_img)


def _forward(objs, boxes, triples, obj_to_img, params, num_img):
    m = jax.lax.stop_gradient(jnp.mean(boxes, axis=0))
    sd = jax.lax.stop_gradient(jnp.std(boxes, axis=0, ddof=1))
    boxes_n = (boxes - m) / (sd + 1e-7)
    ov = jnp.take(params['obj_emb'], objs, axis=0)
    ov = jnp.concatenate([ov, boxes_n], axis=1)
    ov = jax.nn.relu(_bn(ov @ params['lin_W'] + params['lin_b']))
    s = triples[:, 0]
    pidx = triples[:, 1]
    o = triples[:, 2]
    edges = jnp.stack([s, o], axis=1)
    pv = jnp.take(params['pred_emb'], pidx, axis=0)
    ov, pv = _gconv(ov, pv, edges, params, 0)
    ov, pv = _gconv(ov, pv, edges, params, 1)
    g = _attention_encoder(ov, obj_to_img, params['att_W'], num_img)
    h = jax.nn.relu(_bn(g @ params['m_W1'] + params['m_b1']))
    return jax.nn.sigmoid(h @ params['m_W2'] + params['m_b2'])


def reference(objs, boxes, triples, obj_to_img, params):
    num_img = N_IMG
    return _forward(objs, boxes, triples, obj_to_img, params, num_img)

if __name__ == "__main__":
    import jax
    _d = setup_inputs()
    print(jax.jit(kernel)(*tuple(_d.values())))

</pallas_src>

<mosaic_0001>
#map = affine_map<(d0, d1) -> (0, 0)>
#map1 = affine_map<(d0, d1) -> (0, 0, 0)>
module attributes {stable_mosaic.version = 14 : i64} {
  func.func @_gather_body(%arg0: i32, %arg1: i32, %arg2: memref<50000x32xbf16, #tpu.memory_space<hbm>>, %arg3: memref<32x392x128xi32, #tpu.memory_space<hbm>>, %arg4: memref<1605632x32xbf16, #tpu.memory_space<hbm>>, %arg5: memref<392x128xi32, #tpu.memory_space<vmem>>, %arg6: memref<128x32xbf16, #tpu.memory_space<vmem>>, %arg7: memref<128x32xbf16, #tpu.memory_space<vmem>>, %arg8: memref<128x32xbf16, #tpu.memory_space<vmem>>, %arg9: memref<128x32xbf16, #tpu.memory_space<vmem>>, %arg10: memref<!tpu.dma_semaphore, #tpu.memory_space<semaphore_mem>>, %arg11: memref<!tpu.dma_semaphore, #tpu.memory_space<semaphore_mem>>, %arg12: memref<!tpu.dma_semaphore, #tpu.memory_space<semaphore_mem>>, %arg13: memref<!tpu.dma_semaphore, #tpu.memory_space<semaphore_mem>>) attributes {dimension_semantics = [#tpu.dimension_semantics<core_parallel>, #tpu.dimension_semantics<subcore_parallel>], iteration_bounds = array<i64: 2, 16>, scalar_prefetch = 0 : i64, scratch_operands = 9 : i64, tpu.core_type = #tpu.core_type<sc_vector_subcore>, window_params = [{transform_indices = #map}, {transform_indices = #map1}, {transform_indices = #map}]} {
    %mul3A = arith.constant 16 : i32
    %mul3A_0 = arith.muli %arg0, %mul3A : i32
    %add3A = arith.addi %mul3A_0, %arg1 : i32
    "tpu.region"() ({
      %run_scoped3A = tpu.sem_alloc : memref<!tpu.dma_semaphore, #tpu.memory_space<semaphore_mem>>
      %dma_start3A_63 = arith.constant 0 : i32
      %dma_start3A_64 = arith.constant 0 : i32
      %dma_start3A_65 = tpu.memref_slice %arg3[%add3A, %dma_start3A_63, %dma_start3A_64] : memref<32x392x128xi32, #tpu.memory_space<hbm>> -> memref<1x392x128xi32, #tpu.memory_space<hbm>>
      %dma_start3A_66 = tpu.memref_squeeze %dma_start3A_65 : memref<1x392x128xi32, #tpu.memory_space<hbm>> -> memref<392x128xi32, #tpu.memory_space<hbm>>
      %dma_start3A_67 = arith.constant 0 : i32
      %dma_start3A_68 = arith.constant 0 : i32
      %dma_start3A_69 = tpu.memref_slice %arg3[%add3A, %dma_start3A_67, %dma_start3A_68] : memref<32x392x128xi32, #tpu.memory_space<hbm>> -> memref<1x392x128xi32, #tpu.memory_space<hbm>>
      %dma_start3A_70 = tpu.memref_squeeze %dma_start3A_69 : memref<1x392x128xi32, #tpu.memory_space<hbm>> -> memref<392x128xi32, #tpu.memory_space<hbm>>
      tpu.enqueue_dma source(%dma_start3A_70 : memref<392x128xi32, #tpu.memory_space<hbm>>) target(%arg5 : memref<392x128xi32, #tpu.memory_space<vmem>>) target_semaphore(%run_scoped3A : memref<!tpu.dma_semaphore, #tpu.memory_space<semaphore_mem>>)
      %dma_wait3A_71 = arith.constant 0 : i32
      %dma_wait3A_72 = arith.constant 0 : i32
      %dma_wait3A_73 = tpu.memref_slice %arg3[%add3A, %dma_wait3A_71, %dma_wait3A_72] : memref<32x392x128xi32, #tpu.memory_space<hbm>> -> memref<1x392x128xi32, #tpu.memory_space<hbm>>
      %dma_wait3A_74 = tpu.memref_squeeze %dma_wait3A_73 : memref<1x392x128xi32, #tpu.memory_space<hbm>> -> memref<392x128xi32, #tpu.memory_space<hbm>>
      %dma_wait3A_75 = arith.constant 0 : i32
      %dma_wait3A_76 = arith.constant 0 : i32
      %dma_wait3A_77 = tpu.memref_slice %arg3[%add3A, %dma_wait3A_75, %dma_wait3A_76] : memref<32x392x128xi32, #tpu.memory_space<hbm>> -> memref<1x392x128xi32, #tpu.memory_space<hbm>>
      %dma_wait3A_78 = tpu.memref_squeeze %dma_wait3A_77 : memref<1x392x128xi32, #tpu.memory_space<hbm>> -> memref<392x128xi32, #tpu.memory_space<hbm>>
      tpu.wait_dma2 semaphore(%run_scoped3A : memref<!tpu.dma_semaphore, #tpu.memory_space<semaphore_mem>>) src(%dma_wait3A_78 : memref<392x128xi32, #tpu.memory_space<hbm>>) dst(%arg5 : memref<392x128xi32, #tpu.memory_space<vmem>>)
      tpu.yield
    }) : () -> ()
    %mul3A_1 = arith.constant 50176 : i32
    %mul3A_2 = arith.muli %add3A, %mul3A_1 : i32
    %dma_start3A = arith.constant 0 : i32
    %dma_start3A_3 = arith.constant 0 : i32
    %dma_start3A_4 = tpu.memref_slice %arg5[%dma_start3A, %dma_start3A_3] : memref<392x128xi32, #tpu.memory_space<vmem>> -> memref<1x128xi32, #tpu.memory_space<vmem>>
    %dma_start3A_5 = tpu.memref_squeeze %dma_start3A_4 : memref<1x128xi32, #tpu.memory_space<vmem>> -> memref<128xi32, #tpu.memory_space<vmem>>
    %dma_start3A_6 = arith.constant 0 : i32
    %dma_start3A_7 = arith.constant 0 : i32
    %dma_start3A_8 = tpu.memref_slice %arg2[%dma_start3A_6, %dma_start3A_7] : memref<50000x32xbf16, #tpu.memory_space<hbm>> -> memref<50000x32xbf16, #tpu.memory_space<hbm>>
    tpu.enqueue_indirect_dma source(%dma_start3A_8 : memref<50000x32xbf16, #tpu.memory_space<hbm>>) target(%arg6 : memref<128x32xbf16, #tpu.memory_space<vmem>>) offsets(%dma_start3A_5 : memref<128xi32, #tpu.memory_space<vmem>>) semaphore(%arg10 : memref<!tpu.dma_semaphore, #tpu.memory_space<semaphore_mem>>)
    %dma_start3A_9 = arith.constant 1 : i32
    %dma_start3A_10 = arith.constant 0 : i32
    %dma_start3A_11 = tpu.memref_slice %arg5[%dma_start3A_9, %dma_start3A_10] : memref<392x128xi32, #tpu.memory_space<vmem>> -> memref<1x128xi32, #tpu.memory_space<vmem>>
    %dma_start3A_12 = tpu.memref_squeeze %dma_start3A_11 : memref<1x128xi32, #tpu.memory_space<vmem>> -> memref<128xi32, #tpu.memory_space<vmem>>
    %dma_start3A_13 = arith.constant 0 : i32
    %dma_start3A_14 = arith.constant 0 : i32
    %dma_start3A_15 = tpu.memref_slice %arg2[%dma_start3A_13, %dma_start3A_14] : memref<50000x32xbf16, #tpu.memory_space<hbm>> -> memref<50000x32xbf16, #tpu.memory_space<hbm>>
    tpu.enqueue_indirect_dma source(%dma_start3A_15 : memref<50000x32xbf16, #tpu.memory_space<hbm>>) target(%arg7 : memref<128x32xbf16, #tpu.memory_space<vmem>>) offsets(%dma_start3A_12 : memref<128xi32, #tpu.memory_space<vmem>>) semaphore(%arg11 : memref<!tpu.dma_semaphore, #tpu.memory_space<semaphore_mem>>)
    %dma_start3A_16 = arith.constant 2 : i32
    %dma_start3A_17 = arith.constant 0 : i32
    %dma_start3A_18 = tpu.memref_slice %arg5[%dma_start3A_16, %dma_start3A_17] : memref<392x128xi32, #tpu.memory_space<vmem>> -> memref<1x128xi32, #tpu.memory_space<vmem>>
    %dma_start3A_19 = tpu.memref_squeeze %dma_start3A_18 : memref<1x128xi32, #tpu.memory_space<vmem>> -> memref<128xi32, #tpu.memory_space<vmem>>
    %dma_start3A_20 = arith.constant 0 : i32
    %dma_start3A_21 = arith.constant 0 : i32
    %dma_start3A_22 = tpu.memref_slice %arg2[%dma_start3A_20, %dma_start3A_21] : memref<50000x32xbf16, #tpu.memory_space<hbm>> -> memref<50000x32xbf16, #tpu.memory_space<hbm>>
    tpu.enqueue_indirect_dma source(%dma_start3A_22 : memref<50000x32xbf16, #tpu.memory_space<hbm>>) target(%arg8 : memref<128x32xbf16, #tpu.memory_space<vmem>>) offsets(%dma_start3A_19 : memref<128xi32, #tpu.memory_space<vmem>>) semaphore(%arg12 : memref<!tpu.dma_semaphore, #tpu.memory_space<semaphore_mem>>)
    %dma_start3A_23 = arith.constant 3 : i32
    %dma_start3A_24 = arith.constant 0 : i32
    %dma_start3A_25 = tpu.memref_slice %arg5[%dma_start3A_23, %dma_start3A_24] : memref<392x128xi32, #tpu.memory_space<vmem>> -> memref<1x128xi32, #tpu.memory_space<vmem>>
    %dma_start3A_26 = tpu.memref_squeeze %dma_start3A_25 : memref<1x128xi32, #tpu.memory_space<vmem>> -> memref<128xi32, #tpu.memory_space<vmem>>
    %dma_start3A_27 = arith.constant 0 : i32
    %dma_start3A_28 = arith.constant 0 : i32
    %dma_start3A_29 = tpu.memref_slice %arg2[%dma_start3A_27, %dma_start3A_28] : memref<50000x32xbf16, #tpu.memory_space<hbm>> -> memref<50000x32xbf16, #tpu.memory_space<hbm>>
    tpu.enqueue_indirect_dma source(%dma_start3A_29 : memref<50000x32xbf16, #tpu.memory_space<hbm>>) target(%arg9 : memref<128x32xbf16, #tpu.memory_space<vmem>>) offsets(%dma_start3A_26 : memref<128xi32, #tpu.memory_space<vmem>>) semaphore(%arg13 : memref<!tpu.dma_semaphore, #tpu.memory_space<semaphore_mem>>)
    %scan3A = arith.constant 0 : i32
    %scan3A_30 = arith.constant 0 : i32
    %scan3A_31 = arith.constant 98 : i32
    %scan3A_32 = arith.addi %scan3A_30, %scan3A_31 : i32
    %scan3A_33 = arith.constant 1 : i32
    %scan3A_34 = scf.for %scan3A_63 = %scan3A_30 to %scan3A_32 step %scan3A_33 iter_args(%scan3A_64 = %scan3A) -> (i32)  : i32 {
      %mul3A_65 = arith.constant 4 : i32
      %mul3A_66 = arith.muli %mul3A_65, %scan3A_63 : i32
      %add3A_67 = arith.constant 0 : i32
      %add3A_68 = arith.addi %mul3A_66, %add3A_67 : i32
      %dma_wait3A_69 = arith.constant 0 : i32
      %dma_wait3A_70 = tpu.memref_slice %arg5[%add3A_68, %dma_wait3A_69] : memref<392x128xi32, #tpu.memory_space<vmem>> -> memref<1x128xi32, #tpu.memory_space<vmem>>
      %dma_wait3A_71 = tpu.memref_squeeze %dma_wait3A_70 : memref<1x128xi32, #tpu.memory_space<vmem>> -> memref<128xi32, #tpu.memory_space<vmem>>
      %dma_wait3A_72 = arith.constant 0 : i32
      %dma_wait3A_73 = arith.constant 0 : i32
      %dma_wait3A_74 = tpu.memref_slice %arg2[%dma_wait3A_72, %dma_wait3A_73] : memref<50000x32xbf16, #tpu.memory_space<hbm>> -> memref<50000x32xbf16, #tpu.memory_space<hbm>>
      tpu.wait_indirect_dma semaphore(%arg10 : memref<!tpu.dma_semaphore, #tpu.memory_space<semaphore_mem>>) src(%dma_wait3A_74 : memref<50000x32xbf16, #tpu.memory_space<hbm>>) dst(%arg6 : memref<128x32xbf16, #tpu.memory_space<vmem>>)
      %add3A_75 = arith.constant 0 : i32
      %add3A_76 = arith.addi %mul3A_66, %add3A_75 : i32
      %mul3A_77 = arith.constant 128 : i32
      %mul3A_78 = arith.muli %add3A_76, %mul3A_77 : i32
      %add3A_79 = arith.addi %mul3A_2, %mul3A_78 : i32
      "tpu.region"() ({
        %run_scoped3A = tpu.sem_alloc : memref<!tpu.dma_semaphore, #tpu.memory_space<semaphore_mem>>
        %dma_start3A_167 = arith.constant 0 : i32
        %dma_start3A_168 = tpu.memref_slice %arg4[%add3A_79, %dma_start3A_167] : memref<1605632x32xbf16, #tpu.memory_space<hbm>> -> memref<128x32xbf16, #tpu.memory_space<hbm>>
        %dma_start3A_169 = arith.constant 0 : i32
        %dma_start3A_170 = tpu.memref_slice %arg4[%add3A_79, %dma_start3A_169] : memref<1605632x32xbf16, #tpu.memory_space<hbm>> -> memref<128x32xbf16, #tpu.memory_space<hbm>>
        tpu.enqueue_dma source(%arg6 : memref<128x32xbf16, #tpu.memory_space<vmem>>) target(%dma_start3A_170 : memref<128x32xbf16, #tpu.memory_space<hbm>>) target_semaphore(%run_scoped3A : memref<!tpu.dma_semaphore, #tpu.memory_space<semaphore_mem>>)
        %dma_wait3A_171 = arith.constant 0 : i32
        %dma_wait3A_172 = tpu.memref_slice %arg4[%add3A_79, %dma_wait3A_171] : memref<1605632x32xbf16, #tpu.memory_space<hbm>> -> memref<128x32xbf16, #tpu.memory_space<hbm>>
        %dma_wait3A_173 = arith.constant 0 : i32
        %dma_wait3A_174 = tpu.memref_slice %arg4[%add3A_79, %dma_wait3A_173] : memref<1605632x32xbf16, #tpu.memory_space<hbm>> -> memref<128x32xbf16, #tpu.memory_space<hbm>>
        tpu.wait_dma2 semaphore(%run_scoped3A : memref<!tpu.dma_semaphore, #tpu.memory_space<semaphore_mem>>) src(%arg6 : memref<128x32xbf16, #tpu.memory_space<vmem>>) dst(%dma_wait3A_174 : memref<128x32xbf16, #tpu.memory_space<hbm>>)
        tpu.yield
      }) : () -> ()
      %add3A_80 = arith.constant 0 : i32
      %add3A_81 = arith.addi %mul3A_66, %add3A_80 : i32
      %add3A_82 = arith.constant 4 : i32
      %add3A_83 = arith.addi %add3A_81, %add3A_82 : i32
      %rem3A = arith.constant 392 : i32
      %rem3A_84 = arith.remsi %add3A_83, %rem3A : i32
      %dma_start3A_85 = arith.constant 0 : i32
      %dma_start3A_86 = tpu.memref_slice %arg5[%rem3A_84, %dma_start3A_85] : memref<392x128xi32, #tpu.memory_space<vmem>> -> memref<1x128xi32, #tpu.memory_space<vmem>>
      %dma_start3A_87 = tpu.memref_squeeze %dma_start3A_86 : memref<1x128xi32, #tpu.memory_space<vmem>> -> memref<128xi32, #tpu.memory_space<vmem>>
      %dma_start3A_88 = arith.constant 0 : i32
      %dma_start3A_89 = arith.constant 0 : i32
      %dma_start3A_90 = tpu.memref_slice %arg2[%dma_start3A_88, %dma_start3A_89] : memref<50000x32xbf16, #tpu.memory_space<hbm>> -> memref<50000x32xbf16, #tpu.memory_space<hbm>>
      tpu.enqueue_indirect_dma source(%dma_start3A_90 : memref<50000x32xbf16, #tpu.memory_space<hbm>>) target(%arg6 : memref<128x32xbf16, #tpu.memory_space<vmem>>) offsets(%dma_start3A_87 : memref<128xi32, #tpu.memory_space<vmem>>) semaphore(%arg10 : memref<!tpu.dma_semaphore, #tpu.memory_space<semaphore_mem>>)
      %add3A_91 = arith.constant 1 : i32
      %add3A_92 = arith.addi %mul3A_66, %add3A_91 : i32
      %dma_wait3A_93 = arith.constant 0 : i32
      %dma_wait3A_94 = tpu.memref_slice %arg5[%add3A_92, %dma_wait3A_93] : memref<392x128xi32, #tpu.memory_space<vmem>> -> memref<1x128xi32, #tpu.memory_space<vmem>>
      %dma_wait3A_95 = tpu.memref_squeeze %dma_wait3A_94 : memref<1x128xi32, #tpu.memory_space<vmem>> -> memref<128xi32, #tpu.memory_space<vmem>>
      %dma_wait3A_96 = arith.constant 0 : i32
      %dma_wait3A_97 = arith.constant 0 : i32
      %dma_wait3A_98 = tpu.memref_slice %arg2[%dma_wait3A_96, %dma_wait3A_97] : memref<50000x32xbf16, #tpu.memory_space<hbm>> -> memref<50000x32xbf16, #tpu.memory_space<hbm>>
      tpu.wait_indirect_dma semaphore(%arg11 : memref<!tpu.dma_semaphore, #tpu.memory_space<semaphore_mem>>) src(%dma_wait3A_98 : memref<50000x32xbf16, #tpu.memory_space<hbm>>) dst(%arg7 : memref<128x32xbf16, #tpu.memory_space<vmem>>)
      %add3A_99 = arith.constant 1 : i32
      %add3A_100 = arith.addi %mul3A_66, %add3A_99 : i32
      %mul3A_101 = arith.constant 128 : i32
      %mul3A_102 = arith.muli %add3A_100, %mul3A_101 : i32
      %add3A_103 = arith.addi %mul3A_2, %mul3A_102 : i32
      "tpu.region"() ({
        %run_scoped3A = tpu.sem_alloc : memref<!tpu.dma_semaphore, #tpu.memory_space<semaphore_mem>>
        %dma_start3A_167 = arith.constant 0 : i32
        %dma_start3A_168 = tpu.memref_slice %arg4[%add3A_103, %dma_start3A_167] : memref<1605632x32xbf16, #tpu.memory_space<hbm>> -> memref<128x32xbf16, #tpu.memory_space<hbm>>
        %dma_start3A_169 = arith.constant 0 : i32
        %dma_start3A_170 = tpu.memref_slice %arg4[%add3A_103, %dma_start3A_169] : memref<1605632x32xbf16, #tpu.memory_space<hbm>> -> memref<128x32xbf16, #tpu.memory_space<hbm>>
        tpu.enqueue_dma source(%arg7 : memref<128x32xbf16, #tpu.memory_space<vmem>>) target(%dma_start3A_170 : memref<128x32xbf16, #tpu.memory_space<hbm>>) target_semaphore(%run_scoped3A : memref<!tpu.dma_semaphore, #tpu.memory_space<semaphore_mem>>)
        %dma_wait3A_171 = arith.constant 0 : i32
        %dma_wait3A_172 = tpu.memref_slice %arg4[%add3A_103, %dma_wait3A_171] : memref<1605632x32xbf16, #tpu.memory_space<hbm>> -> memref<128x32xbf16, #tpu.memory_space<hbm>>
        %dma_wait3A_173 = arith.constant 0 : i32
        %dma_wait3A_174 = tpu.memref_slice %arg4[%add3A_103, %dma_wait3A_173] : memref<1605632x32xbf16, #tpu.memory_space<hbm>> -> memref<128x32xbf16, #tpu.memory_space<hbm>>
        tpu.wait_dma2 semaphore(%run_scoped3A : memref<!tpu.dma_semaphore, #tpu.memory_space<semaphore_mem>>) src(%arg7 : memref<128x32xbf16, #tpu.memory_space<vmem>>) dst(%dma_wait3A_174 : memref<128x32xbf16, #tpu.memory_space<hbm>>)
        tpu.yield
      }) : () -> ()
      %add3A_104 = arith.constant 1 : i32
      %add3A_105 = arith.addi %mul3A_66, %add3A_104 : i32
      %add3A_106 = arith.constant 4 : i32
      %add3A_107 = arith.addi %add3A_105, %add3A_106 : i32
      %rem3A_108 = arith.constant 392 : i32
      %rem3A_109 = arith.remsi %add3A_107, %rem3A_108 : i32
      %dma_start3A_110 = arith.constant 0 : i32
      %dma_start3A_111 = tpu.memref_slice %arg5[%rem3A_109, %dma_start3A_110] : memref<392x128xi32, #tpu.memory_space<vmem>> -> memref<1x128xi32, #tpu.memory_space<vmem>>
      %dma_start3A_112 = tpu.memref_squeeze %dma_start3A_111 : memref<1x128xi32, #tpu.memory_space<vmem>> -> memref<128xi32, #tpu.memory_space<vmem>>
      %dma_start3A_113 = arith.constant 0 : i32
      %dma_start3A_114 = arith.constant 0 : i32
      %dma_start3A_115 = tpu.memref_slice %arg2[%dma_start3A_113, %dma_start3A_114] : memref<50000x32xbf16, #tpu.memory_space<hbm>> -> memref<50000x32xbf16, #tpu.memory_space<hbm>>
      tpu.enqueue_indirect_dma source(%dma_start3A_115 : memref<50000x32xbf16, #tpu.memory_space<hbm>>) target(%arg7 : memref<128x32xbf16, #tpu.memory_space<vmem>>) offsets(%dma_start3A_112 : memref<128xi32, #tpu.memory_space<vmem>>) semaphore(%arg11 : memref<!tpu.dma_semaphore, #tpu.memory_space<semaphore_mem>>)
      %add3A_116 = arith.constant 2 : i32
      %add3A_117 = arith.addi %mul3A_66, %add3A_116 : i32
      %dma_wait3A_118 = arith.constant 0 : i32
      %dma_wait3A_119 = tpu.memref_slice %arg5[%add3A_117, %dma_wait3A_118] : memref<392x128xi32, #tpu.memory_space<vmem>> -> memref<1x128xi32, #tpu.memory_space<vmem>>
      %dma_wait3A_120 = tpu.memref_squeeze %dma_wait3A_119 : memref<1x128xi32, #tpu.memory_space<vmem>> -> memref<128xi32, #tpu.memory_space<vmem>>
      %dma_wait3A_121 = arith.constant 0 : i32
      %dma_wait3A_122 = arith.constant 0 : i32
      %dma_wait3A_123 = tpu.memref_slice %arg2[%dma_wait3A_121, %dma_wait3A_122] : memref<50000x32xbf16, #tpu.memory_space<hbm>> -> memref<50000x32xbf16, #tpu.memory_space<hbm>>
      tpu.wait_indirect_dma semaphore(%arg12 : memref<!tpu.dma_semaphore, #tpu.memory_space<semaphore_mem>>) src(%dma_wait3A_123 : memref<50000x32xbf16, #tpu.memory_space<hbm>>) dst(%arg8 : memref<128x32xbf16, #tpu.memory_space<vmem>>)
      %add3A_124 = arith.constant 2 : i32
      %add3A_125 = arith.addi %mul3A_66, %add3A_124 : i32
      %mul3A_126 = arith.constant 128 : i32
      %mul3A_127 = arith.muli %add3A_125, %mul3A_126 : i32
      %add3A_128 = arith.addi %mul3A_2, %mul3A_127 : i32
      "tpu.region"() ({
        %run_scoped3A = tpu.sem_alloc : memref<!tpu.dma_semaphore, #tpu.memory_space<semaphore_mem>>
        %dma_start3A_167 = arith.constant 0 : i32
        %dma_start3A_168 = tpu.memref_slice %arg4[%add3A_128, %dma_start3A_167] : memref<1605632x32xbf16, #tpu.memory_space<hbm>> -> memref<128x32xbf16, #tpu.memory_space<hbm>>
        %dma_start3A_169 = arith.constant 0 : i32
        %dma_start3A_170 = tpu.memref_slice %arg4[%add3A_128, %dma_start3A_169] : memref<1605632x32xbf16, #tpu.memory_space<hbm>> -> memref<128x32xbf16, #tpu.memory_space<hbm>>
        tpu.enqueue_dma source(%arg8 : memref<128x32xbf16, #tpu.memory_space<vmem>>) target(%dma_start3A_170 : memref<128x32xbf16, #tpu.memory_space<hbm>>) target_semaphore(%run_scoped3A : memref<!tpu.dma_semaphore, #tpu.memory_space<semaphore_mem>>)
        %dma_wait3A_171 = arith.constant 0 : i32
        %dma_wait3A_172 = tpu.memref_slice %arg4[%add3A_128, %dma_wait3A_171] : memref<1605632x32xbf16, #tpu.memory_space<hbm>> -> memref<128x32xbf16, #tpu.memory_space<hbm>>
        %dma_wait3A_173 = arith.constant 0 : i32
        %dma_wait3A_174 = tpu.memref_slice %arg4[%add3A_128, %dma_wait3A_173] : memref<1605632x32xbf16, #tpu.memory_space<hbm>> -> memref<128x32xbf16, #tpu.memory_space<hbm>>
        tpu.wait_dma2 semaphore(%run_scoped3A : memref<!tpu.dma_semaphore, #tpu.memory_space<semaphore_mem>>) src(%arg8 : memref<128x32xbf16, #tpu.memory_space<vmem>>) dst(%dma_wait3A_174 : memref<128x32xbf16, #tpu.memory_space<hbm>>)
        tpu.yield
      }) : () -> ()
      %add3A_129 = arith.constant 2 : i32
      %add3A_130 = arith.addi %mul3A_66, %add3A_129 : i32
      %add3A_131 = arith.constant 4 : i32
      %add3A_132 = arith.addi %add3A_130, %add3A_131 : i32
      %rem3A_133 = arith.constant 392 : i32
      %rem3A_134 = arith.remsi %add3A_132, %rem3A_133 : i32
      %dma_start3A_135 = arith.constant 0 : i32
      %dma_start3A_136 = tpu.memref_slice %arg5[%rem3A_134, %dma_start3A_135] : memref<392x128xi32, #tpu.memory_space<vmem>> -> memref<1x128xi32, #tpu.memory_space<vmem>>
      %dma_start3A_137 = tpu.memref_squeeze %dma_start3A_136 : memref<1x128xi32, #tpu.memory_space<vmem>> -> memref<128xi32, #tpu.memory_space<vmem>>
      %dma_start3A_138 = arith.constant 0 : i32
      %dma_start3A_139 = arith.constant 0 : i32
      %dma_start3A_140 = tpu.memref_slice %arg2[%dma_start3A_138, %dma_start3A_139] : memref<50000x32xbf16, #tpu.memory_space<hbm>> -> memref<50000x32xbf16, #tpu.memory_space<hbm>>
      tpu.enqueue_indirect_dma source(%dma_start3A_140 : memref<50000x32xbf16, #tpu.memory_space<hbm>>) target(%arg8 : memref<128x32xbf16, #tpu.memory_space<vmem>>) offsets(%dma_start3A_137 : memref<128xi32, #tpu.memory_space<vmem>>) semaphore(%arg12 : memref<!tpu.dma_semaphore, #tpu.memory_space<semaphore_mem>>)
      %add3A_141 = arith.constant 3 : i32
      %add3A_142 = arith.addi %mul3A_66, %add3A_141 : i32
      %dma_wait3A_143 = arith.constant 0 : i32
      %dma_wait3A_144 = tpu.memref_slice %arg5[%add3A_142, %dma_wait3A_143] : memref<392x128xi32, #tpu.memory_space<vmem>> -> memref<1x128xi32, #tpu.memory_space<vmem>>
      %dma_wait3A_145 = tpu.memref_squeeze %dma_wait3A_144 : memref<1x128xi32, #tpu.memory_space<vmem>> -> memref<128xi32, #tpu.memory_space<vmem>>
      %dma_wait3A_146 = arith.constant 0 : i32
      %dma_wait3A_147 = arith.constant 0 : i32
      %dma_wait3A_148 = tpu.memref_slice %arg2[%dma_wait3A_146, %dma_wait3A_147] : memref<50000x32xbf16, #tpu.memory_space<hbm>> -> memref<50000x32xbf16, #tpu.memory_space<hbm>>
      tpu.wait_indirect_dma semaphore(%arg13 : memref<!tpu.dma_semaphore, #tpu.memory_space<semaphore_mem>>) src(%dma_wait3A_148 : memref<50000x32xbf16, #tpu.memory_space<hbm>>) dst(%arg9 : memref<128x32xbf16, #tpu.memory_space<vmem>>)
      %add3A_149 = arith.constant 3 : i32
      %add3A_150 = arith.addi %mul3A_66, %add3A_149 : i32
      %mul3A_151 = arith.constant 128 : i32
      %mul3A_152 = arith.muli %add3A_150, %mul3A_151 : i32
      %add3A_153 = arith.addi %mul3A_2, %mul3A_152 : i32
      "tpu.region"() ({
        %run_scoped3A = tpu.sem_alloc : memref<!tpu.dma_semaphore, #tpu.memory_space<semaphore_mem>>
        %dma_start3A_167 = arith.constant 0 : i32
        %dma_start3A_168 = tpu.memref_slice %arg4[%add3A_153, %dma_start3A_167] : memref<1605632x32xbf16, #tpu.memory_space<hbm>> -> memref<128x32xbf16, #tpu.memory_space<hbm>>
        %dma_start3A_169 = arith.constant 0 : i32
        %dma_start3A_170 = tpu.memref_slice %arg4[%add3A_153, %dma_start3A_169] : memref<1605632x32xbf16, #tpu.memory_space<hbm>> -> memref<128x32xbf16, #tpu.memory_space<hbm>>
        tpu.enqueue_dma source(%arg9 : memref<128x32xbf16, #tpu.memory_space<vmem>>) target(%dma_start3A_170 : memref<128x32xbf16, #tpu.memory_space<hbm>>) target_semaphore(%run_scoped3A : memref<!tpu.dma_semaphore, #tpu.memory_space<semaphore_mem>>)
        %dma_wait3A_171 = arith.constant 0 : i32
        %dma_wait3A_172 = tpu.memref_slice %arg4[%add3A_153, %dma_wait3A_171] : memref<1605632x32xbf16, #tpu.memory_space<hbm>> -> memref<128x32xbf16, #tpu.memory_space<hbm>>
        %dma_wait3A_173 = arith.constant 0 : i32
        %dma_wait3A_174 = tpu.memref_slice %arg4[%add3A_153, %dma_wait3A_173] : memref<1605632x32xbf16, #tpu.memory_space<hbm>> -> memref<128x32xbf16, #tpu.memory_space<hbm>>
        tpu.wait_dma2 semaphore(%run_scoped3A : memref<!tpu.dma_semaphore, #tpu.memory_space<semaphore_mem>>) src(%arg9 : memref<128x32xbf16, #tpu.memory_space<vmem>>) dst(%dma_wait3A_174 : memref<128x32xbf16, #tpu.memory_space<hbm>>)
        tpu.yield
      }) : () -> ()
      %add3A_154 = arith.constant 3 : i32
      %add3A_155 = arith.addi %mul3A_66, %add3A_154 : i32
      %add3A_156 = arith.constant 4 : i32
      %add3A_157 = arith.addi %add3A_155, %add3A_156 : i32
      %rem3A_158 = arith.constant 392 : i32
      %rem3A_159 = arith.remsi %add3A_157, %rem3A_158 : i32
      %dma_start3A_160 = arith.constant 0 : i32
      %dma_start3A_161 = tpu.memref_slice %arg5[%rem3A_159, %dma_start3A_160] : memref<392x128xi32, #tpu.memory_space<vmem>> -> memref<1x128xi32, #tpu.memory_space<vmem>>
      %dma_start3A_162 = tpu.memref_squeeze %dma_start3A_161 : memref<1x128xi32, #tpu.memory_space<vmem>> -> memref<128xi32, #tpu.memory_space<vmem>>
      %dma_start3A_163 = arith.constant 0 : i32
      %dma_start3A_164 = arith.constant 0 : i32
      %dma_start3A_165 = tpu.memref_slice %arg2[%dma_start3A_163, %dma_start3A_164] : memref<50000x32xbf16, #tpu.memory_space<hbm>> -> memref<50000x32xbf16, #tpu.memory_space<hbm>>
      tpu.enqueue_indirect_dma source(%dma_start3A_165 : memref<50000x32xbf16, #tpu.memory_space<hbm>>) target(%arg9 : memref<128x32xbf16, #tpu.memory_space<vmem>>) offsets(%dma_start3A_162 : memref<128xi32, #tpu.memory_space<vmem>>) semaphore(%arg13 : memref<!tpu.dma_semaphore, #tpu.memory_space<semaphore_mem>>)
      %scan3A_166 = arith.constant 0 : i32
      scf.yield %scan3A_166 : i32
    }
    %scan3A_35 = arith.constant 98 : i32
    %dma_wait3A = arith.constant 0 : i32
    %dma_wait3A_36 = arith.constant 0 : i32
    %dma_wait3A_37 = tpu.memref_slice %arg5[%dma_wait3A, %dma_wait3A_36] : memref<392x128xi32, #tpu.memory_space<vmem>> -> memref<1x128xi32, #tpu.memory_space<vmem>>
    %dma_wait3A_38 = tpu.memref_squeeze %dma_wait3A_37 : memref<1x128xi32, #tpu.memory_space<vmem>> -> memref<128xi32, #tpu.memory_space<vmem>>
    %dma_wait3A_39 = arith.constant 0 : i32
    %dma_wait3A_40 = arith.constant 0 : i32
    %dma_wait3A_41 = tpu.memref_slice %arg2[%dma_wait3A_39, %dma_wait3A_40] : memref<50000x32xbf16, #tpu.memory_space<hbm>> -> memref<50000x32xbf16, #tpu.memory_space<hbm>>
    tpu.wait_indirect_dma semaphore(%arg10 : memref<!tpu.dma_semaphore, #tpu.memory_space<semaphore_mem>>) src(%dma_wait3A_41 : memref<50000x32xbf16, #tpu.memory_space<hbm>>) dst(%arg6 : memref<128x32xbf16, #tpu.memory_space<vmem>>)
    %dma_wait3A_42 = arith.constant 1 : i32
    %dma_wait3A_43 = arith.constant 0 : i32
    %dma_wait3A_44 = tpu.memref_slice %arg5[%dma_wait3A_42, %dma_wait3A_43] : memref<392x128xi32, #tpu.memory_space<vmem>> -> memref<1x128xi32, #tpu.memory_space<vmem>>
    %dma_wait3A_45 = tpu.memref_squeeze %dma_wait3A_44 : memref<1x128xi32, #tpu.memory_space<vmem>> -> memref<128xi32, #tpu.memory_space<vmem>>
    %dma_wait3A_46 = arith.constant 0 : i32
    %dma_wait3A_47 = arith.constant 0 : i32
    %dma_wait3A_48 = tpu.memref_slice %arg2[%dma_wait3A_46, %dma_wait3A_47] : memref<50000x32xbf16, #tpu.memory_space<hbm>> -> memref<50000x32xbf16, #tpu.memory_space<hbm>>
    tpu.wait_indirect_dma semaphore(%arg11 : memref<!tpu.dma_semaphore, #tpu.memory_space<semaphore_mem>>) src(%dma_wait3A_48 : memref<50000x32xbf16, #tpu.memory_space<hbm>>) dst(%arg7 : memref<128x32xbf16, #tpu.memory_space<vmem>>)
    %dma_wait3A_49 = arith.constant 2 : i32
    %dma_wait3A_50 = arith.constant 0 : i32
    %dma_wait3A_51 = tpu.memref_slice %arg5[%dma_wait3A_49, %dma_wait3A_50] : memref<392x128xi32, #tpu.memory_space<vmem>> -> memref<1x128xi32, #tpu.memory_space<vmem>>
    %dma_wait3A_52 = tpu.memref_squeeze %dma_wait3A_51 : memref<1x128xi32, #tpu.memory_space<vmem>> -> memref<128xi32, #tpu.memory_space<vmem>>
    %dma_wait3A_53 = arith.constant 0 : i32
    %dma_wait3A_54 = arith.constant 0 : i32
    %dma_wait3A_55 = tpu.memref_slice %arg2[%dma_wait3A_53, %dma_wait3A_54] : memref<50000x32xbf16, #tpu.memory_space<hbm>> -> memref<50000x32xbf16, #tpu.memory_space<hbm>>
    tpu.wait_indirect_dma semaphore(%arg12 : memref<!tpu.dma_semaphore, #tpu.memory_space<semaphore_mem>>) src(%dma_wait3A_55 : memref<50000x32xbf16, #tpu.memory_space<hbm>>) dst(%arg8 : memref<128x32xbf16, #tpu.memory_space<vmem>>)
    %dma_wait3A_56 = arith.constant 3 : i32
    %dma_wait3A_57 = arith.constant 0 : i32
    %dma_wait3A_58 = tpu.memref_slice %arg5[%dma_wait3A_56, %dma_wait3A_57] : memref<392x128xi32, #tpu.memory_space<vmem>> -> memref<1x128xi32, #tpu.memory_space<vmem>>
    %dma_wait3A_59 = tpu.memref_squeeze %dma_wait3A_58 : memref<1x128xi32, #tpu.memory_space<vmem>> -> memref<128xi32, #tpu.memory_space<vmem>>
    %dma_wait3A_60 = arith.constant 0 : i32
    %dma_wait3A_61 = arith.constant 0 : i32
    %dma_wait3A_62 = tpu.memref_slice %arg2[%dma_wait3A_60, %dma_wait3A_61] : memref<50000x32xbf16, #tpu.memory_space<hbm>> -> memref<50000x32xbf16, #tpu.memory_space<hbm>>
    tpu.wait_indirect_dma semaphore(%arg13 : memref<!tpu.dma_semaphore, #tpu.memory_space<semaphore_mem>>) src(%dma_wait3A_62 : memref<50000x32xbf16, #tpu.memory_space<hbm>>) dst(%arg9 : memref<128x32xbf16, #tpu.memory_space<vmem>>)
    return
  }
}

#map = affine_map<(d0, d1) -> (0, 0)>
#map1 = affine_map<(d0, d1) -> (0, 0, 0, 0)>
#map2 = affine_map<(d0, d1) -> (0, 0, 0)>
module attributes {stable_mosaic.version = 14 : i64} {
  func.func @_scatter_body(%arg0: i32, %arg1: i32, %arg2: memref<802816x128xf32, #tpu.memory_space<hbm>>, %arg3: memref<2x16x392x128xi32, #tpu.memory_space<hbm>>, %arg4: memref<128x32xf32, #tpu.memory_space<hbm>>, %arg5: memref<2x51200x32xf32, #tpu.memory_space<hbm>>, %arg6: memref<56x128xi32, #tpu.memory_space<vmem>>, %arg7: memref<128x32xf32, #tpu.memory_space<vmem>>, %arg8: memref<128x32xf32, #tpu.memory_space<vmem>>, %arg9: memref<128x32xf32, #tpu.memory_space<vmem>>, %arg10: memref<128x32xf32, #tpu.memory_space<vmem>>, %arg11: memref<51200x32xf32, #tpu.memory_space<vmem_shared>>, %arg12: memref<!tpu.dma_semaphore, #tpu.memory_space<semaphore_mem>>, %arg13: memref<!tpu.dma_semaphore, #tpu.memory_space<semaphore_mem>>, %arg14: memref<!tpu.dma_semaphore, #tpu.memory_space<semaphore_mem>>, %arg15: memref<!tpu.dma_semaphore, #tpu.memory_space<semaphore_mem>>) attributes {dimension_semantics = [#tpu.dimension_semantics<core_parallel>, #tpu.dimension_semantics<subcore_parallel>], iteration_bounds = array<i64: 2, 16>, scalar_prefetch = 0 : i64, scratch_operands = 10 : i64, tpu.core_type = #tpu.core_type<sc_vector_subcore>, window_params = [{transform_indices = #map}, {transform_indices = #map1}, {transform_indices = #map}, {transform_indices = #map2}]} {
    %mul3A = arith.constant 64 : i32
    %mul3A_0 = arith.muli %arg0, %mul3A : i32
    "tpu.region"() ({
      %run_scoped3A = tpu.sem_alloc : memref<!tpu.dma_semaphore, #tpu.memory_space<semaphore_mem>>
      tpu.enqueue_dma source(%arg4 : memref<128x32xf32, #tpu.memory_space<hbm>>) target(%arg7 : memref<128x32xf32, #tpu.memory_space<vmem>>) target_semaphore(%run_scoped3A : memref<!tpu.dma_semaphore, #tpu.memory_space<semaphore_mem>>)
      tpu.wait_dma2 semaphore(%run_scoped3A : memref<!tpu.dma_semaphore, #tpu.memory_space<semaphore_mem>>) src(%arg4 : memref<128x32xf32, #tpu.memory_space<hbm>>) dst(%arg7 : memref<128x32xf32, #tpu.memory_space<vmem>>)
      tpu.yield
    }) : () -> ()
    %scan3A = arith.constant 0 : i32
    %scan3A_1 = arith.constant 0 : i32
    %scan3A_2 = arith.constant 25 : i32
    %scan3A_3 = arith.addi %scan3A_1, %scan3A_2 : i32
    %scan3A_4 = arith.constant 1 : i32
    %scan3A_5 = scf.for %scan3A_24 = %scan3A_1 to %scan3A_3 step %scan3A_4 iter_args(%scan3A_25 = %scan3A) -> (i32)  : i32 {
      %mul3A_26 = arith.constant 3200 : i32
      %mul3A_27 = arith.muli %arg1, %mul3A_26 : i32
      %mul3A_28 = arith.constant 128 : i32
      %mul3A_29 = arith.muli %scan3A_24, %mul3A_28 : i32
      %add3A = arith.addi %mul3A_27, %mul3A_29 : i32
      "tpu.region"() ({
        %run_scoped3A = tpu.sem_alloc : memref<!tpu.dma_semaphore, #tpu.memory_space<semaphore_mem>>
        %dma_start3A = arith.constant 0 : i32
        %dma_start3A_31 = tpu.memref_slice %arg11[%add3A, %dma_start3A] : memref<51200x32xf32, #tpu.memory_space<vmem_shared>> -> memref<128x32xf32, #tpu.memory_space<vmem_shared>>
        %dma_start3A_32 = arith.constant 0 : i32
        %dma_start3A_33 = tpu.memref_slice %arg11[%add3A, %dma_start3A_32] : memref<51200x32xf32, #tpu.memory_space<vmem_shared>> -> memref<128x32xf32, #tpu.memory_space<vmem_shared>>
        tpu.enqueue_dma source(%arg7 : memref<128x32xf32, #tpu.memory_space<vmem>>) target(%dma_start3A_33 : memref<128x32xf32, #tpu.memory_space<vmem_shared>>) target_semaphore(%run_scoped3A : memref<!tpu.dma_semaphore, #tpu.memory_space<semaphore_mem>>)
        %dma_wait3A = arith.constant 0 : i32
        %dma_wait3A_34 = tpu.memref_slice %arg11[%add3A, %dma_wait3A] : memref<51200x32xf32, #tpu.memory_space<vmem_shared>> -> memref<128x32xf32, #tpu.memory_space<vmem_shared>>
        %dma_wait3A_35 = arith.constant 0 : i32
        %dma_wait3A_36 = tpu.memref_slice %arg11[%add3A, %dma_wait3A_35] : memref<51200x32xf32, #tpu.memory_space<vmem_shared>> -> memref<128x32xf32, #tpu.memory_space<vmem_shared>>
        tpu.wait_dma2 semaphore(%run_scoped3A : memref<!tpu.dma_semaphore, #tpu.memory_space<semaphore_mem>>) src(%arg7 : memref<128x32xf32, #tpu.memory_space<vmem>>) dst(%dma_wait3A_36 : memref<128x32xf32, #tpu.memory_space<vmem_shared>>)
        tpu.yield
      }) : () -> ()
      %scan3A_30 = arith.constant 0 : i32
      scf.yield %scan3A_30 : i32
    }
    %scan3A_6 = arith.constant 25 : i32
    %barrier3A = arith.constant 0 : index
    tpu.barrier barrier_id(%barrier3A)
    %mul3A_7 = arith.constant 50176 : i32
    %mul3A_8 = arith.muli %arg1, %mul3A_7 : i32
    %scan3A_9 = arith.constant 0 : i32
    %scan3A_10 = arith.constant 0 : i32
    %scan3A_11 = arith.constant 7 : i32
    %scan3A_12 = arith.addi %scan3A_10, %scan3A_11 : i32
    %scan3A_13 = arith.constant 1 : i32
    %scan3A_14 = scf.for %scan3A_24 = %scan3A_10 to %scan3A_12 step %scan3A_13 iter_args(%scan3A_25 = %scan3A_9) -> (i32)  : i32 {
      %mul3A_26 = arith.constant 56 : i32
      %mul3A_27 = arith.muli %scan3A_24, %mul3A_26 : i32
      "tpu.region"() ({
        %run_scoped3A = tpu.sem_alloc : memref<!tpu.dma_semaphore, #tpu.memory_space<semaphore_mem>>
        %dma_start3A_62 = arith.constant 0 : i32
        %dma_start3A_63 = tpu.memref_slice %arg3[%arg0, %arg1, %mul3A_27, %dma_start3A_62] : memref<2x16x392x128xi32, #tpu.memory_space<hbm>> -> memref<1x1x56x128xi32, #tpu.memory_space<hbm>>
        %dma_start3A_64 = tpu.memref_squeeze %dma_start3A_63 : memref<1x1x56x128xi32, #tpu.memory_space<hbm>> -> memref<56x128xi32, #tpu.memory_space<hbm>>
        %dma_start3A_65 = arith.constant 0 : i32
        %dma_start3A_66 = tpu.memref_slice %arg3[%arg0, %arg1, %mul3A_27, %dma_start3A_65] : memref<2x16x392x128xi32, #tpu.memory_space<hbm>> -> memref<1x1x56x128xi32, #tpu.memory_space<hbm>>
        %dma_start3A_67 = tpu.memref_squeeze %dma_start3A_66 : memref<1x1x56x128xi32, #tpu.memory_space<hbm>> -> memref<56x128xi32, #tpu.memory_space<hbm>>
        tpu.enqueue_dma source(%dma_start3A_67 : memref<56x128xi32, #tpu.memory_space<hbm>>) target(%arg6 : memref<56x128xi32, #tpu.memory_space<vmem>>) target_semaphore(%run_scoped3A : memref<!tpu.dma_semaphore, #tpu.memory_space<semaphore_mem>>)
        %dma_wait3A_68 = arith.constant 0 : i32
        %dma_wait3A_69 = tpu.memref_slice %arg3[%arg0, %arg1, %mul3A_27, %dma_wait3A_68] : memref<2x16x392x128xi32, #tpu.memory_space<hbm>> -> memref<1x1x56x128xi32, #tpu.memory_space<hbm>>
        %dma_wait3A_70 = tpu.memref_squeeze %dma_wait3A_69 : memref<1x1x56x128xi32, #tpu.memory_space<hbm>> -> memref<56x128xi32, #tpu.memory_space<hbm>>
        %dma_wait3A_71 = arith.constant 0 : i32
        %dma_wait3A_72 = tpu.memref_slice %arg3[%arg0, %arg1, %mul3A_27, %dma_wait3A_71] : memref<2x16x392x128xi32, #tpu.memory_space<hbm>> -> memref<1x1x56x128xi32, #tpu.memory_space<hbm>>
        %dma_wait3A_73 = tpu.memref_squeeze %dma_wait3A_72 : memref<1x1x56x128xi32, #tpu.memory_space<hbm>> -> memref<56x128xi32, #tpu.memory_space<hbm>>
        tpu.wait_dma2 semaphore(%run_scoped3A : memref<!tpu.dma_semaphore, #tpu.memory_space<semaphore_mem>>) src(%dma_wait3A_73 : memref<56x128xi32, #tpu.memory_space<hbm>>) dst(%arg6 : memref<56x128xi32, #tpu.memory_space<vmem>>)
        tpu.yield
      }) : () -> ()
      %mul3A_28 = arith.constant 56 : i32
      %mul3A_29 = arith.muli %scan3A_24, %mul3A_28 : i32
      %mul3A_30 = arith.constant 128 : i32
      %mul3A_31 = arith.muli %mul3A_29, %mul3A_30 : i32
      %add3A = arith.addi %mul3A_8, %mul3A_31 : i32
      %add3A_32 = arith.constant 0 : i32
      %add3A_33 = arith.addi %add3A, %add3A_32 : i32
      %dma_start3A = tpu.memref_slice %arg2[%add3A_33, %mul3A_0] : memref<802816x128xf32, #tpu.memory_space<hbm>> -> memref<128x32xf32, #tpu.memory_space<hbm>>
      %dma_start3A_34 = tpu.memref_slice %arg2[%add3A_33, %mul3A_0] : memref<802816x128xf32, #tpu.memory_space<hbm>> -> memref<128x32xf32, #tpu.memory_space<hbm>>
      tpu.enqueue_dma source(%dma_start3A_34 : memref<128x32xf32, #tpu.memory_space<hbm>>) target(%arg7 : memref<128x32xf32, #tpu.memory_space<vmem>>) target_semaphore(%arg12 : memref<!tpu.dma_semaphore, #tpu.memory_space<semaphore_mem>>)
      %add3A_35 = arith.constant 128 : i32
      %add3A_36 = arith.addi %add3A, %add3A_35 : i32
      %dma_start3A_37 = tpu.memref_slice %arg2[%add3A_36, %mul3A_0] : memref<802816x128xf32, #tpu.memory_space<hbm>> -> memref<128x32xf32, #tpu.memory_space<hbm>>
      %dma_start3A_38 = tpu.memref_slice %arg2[%add3A_36, %mul3A_0] : memref<802816x128xf32, #tpu.memory_space<hbm>> -> memref<128x32xf32, #tpu.memory_space<hbm>>
      tpu.enqueue_dma source(%dma_start3A_38 : memref<128x32xf32, #tpu.memory_space<hbm>>) target(%arg8 : memref<128x32xf32, #tpu.memory_space<vmem>>) target_semaphore(%arg13 : memref<!tpu.dma_semaphore, #tpu.memory_space<semaphore_mem>>)
      %add3A_39 = arith.constant 256 : i32
      %add3A_40 = arith.addi %add3A, %add3A_39 : i32
      %dma_start3A_41 = tpu.memref_slice %arg2[%add3A_40, %mul3A_0] : memref<802816x128xf32, #tpu.memory_space<hbm>> -> memref<128x32xf32, #tpu.memory_space<hbm>>
      %dma_start3A_42 = tpu.memref_slice %arg2[%add3A_40, %mul3A_0] : memref<802816x128xf32, #tpu.memory_space<hbm>> -> memref<128x32xf32, #tpu.memory_space<hbm>>
      tpu.enqueue_dma source(%dma_start3A_42 : memref<128x32xf32, #tpu.memory_space<hbm>>) target(%arg9 : memref<128x32xf32, #tpu.memory_space<vmem>>) target_semaphore(%arg14 : memref<!tpu.dma_semaphore, #tpu.memory_space<semaphore_mem>>)
      %add3A_43 = arith.constant 384 : i32
      %add3A_44 = arith.addi %add3A, %add3A_43 : i32
      %dma_start3A_45 = tpu.memref_slice %arg2[%add3A_44, %mul3A_0] : memref<802816x128xf32, #tpu.memory_space<hbm>> -> memref<128x32xf32, #tpu.memory_space<hbm>>
      %dma_start3A_46 = tpu.memref_slice %arg2[%add3A_44, %mul3A_0] : memref<802816x128xf32, #tpu.memory_space<hbm>> -> memref<128x32xf32, #tpu.memory_space<hbm>>
      tpu.enqueue_dma source(%dma_start3A_46 : memref<128x32xf32, #tpu.memory_space<hbm>>) target(%arg10 : memref<128x32xf32, #tpu.memory_space<vmem>>) target_semaphore(%arg15 : memref<!tpu.dma_semaphore, #tpu.memory_space<semaphore_mem>>)
      %scan3A_47 = arith.constant 0 : i32
      %scan3A_48 = arith.constant 0 : i32
      %scan3A_49 = arith.constant 14 : i32
      %scan3A_50 = arith.addi %scan3A_48, %scan3A_49 : i32
      %scan3A_51 = arith.constant 1 : i32
      %scan3A_52 = scf.for %scan3A_62 = %scan3A_48 to %scan3A_50 step %scan3A_51 iter_args(%scan3A_63 = %scan3A_47) -> (i32)  : i32 {
        %mul3A_64 = arith.constant 4 : i32
        %mul3A_65 = arith.muli %mul3A_64, %scan3A_62 : i32
        %dma_wait3A_66 = tpu.memref_slice %arg2[%add3A, %mul3A_0] : memref<802816x128xf32, #tpu.memory_space<hbm>> -> memref<128x32xf32, #tpu.memory_space<hbm>>
        %dma_wait3A_67 = tpu.memref_slice %arg2[%add3A, %mul3A_0] : memref<802816x128xf32, #tpu.memory_space<hbm>> -> memref<128x32xf32, #tpu.memory_space<hbm>>
        tpu.wait_dma2 semaphore(%arg12 : memref<!tpu.dma_semaphore, #tpu.memory_space<semaphore_mem>>) src(%dma_wait3A_67 : memref<128x32xf32, #tpu.memory_space<hbm>>) dst(%arg7 : memref<128x32xf32, #tpu.memory_space<vmem>>)
        %add3A_68 = arith.constant 0 : i32
        %add3A_69 = arith.addi %mul3A_65, %add3A_68 : i32
        "tpu.region"() ({
          %run_scoped3A = tpu.sem_alloc : memref<!tpu.dma_semaphore, #tpu.memory_space<semaphore_mem>>
          %dma_start3A_126 = arith.constant 0 : i32
          %dma_start3A_127 = tpu.memref_slice %arg6[%add3A_69, %dma_start3A_126] : memref<56x128xi32, #tpu.memory_space<vmem>> -> memref<1x128xi32, #tpu.memory_space<vmem>>
          %dma_start3A_128 = tpu.memref_squeeze %dma_start3A_127 : memref<1x128xi32, #tpu.memory_space<vmem>> -> memref<128xi32, #tpu.memory_space<vmem>>
          %dma_start3A_129 = arith.constant 0 : i32
          %dma_start3A_130 = arith.constant 0 : i32
          %dma_start3A_131 = tpu.memref_slice %arg11[%dma_start3A_129, %dma_start3A_130] : memref<51200x32xf32, #tpu.memory_space<vmem_shared>> -> memref<51200x32xf32, #tpu.memory_space<vmem_shared>>
          tpu.enqueue_indirect_dma source(%arg7 : memref<128x32xf32, #tpu.memory_space<vmem>>) target(%dma_start3A_131 : memref<51200x32xf32, #tpu.memory_space<vmem_shared>>) offsets(%dma_start3A_128 : memref<128xi32, #tpu.memory_space<vmem>>) semaphore(%run_scoped3A : memref<!tpu.dma_semaphore, #tpu.memory_space<semaphore_mem>>) {add = true}
          %dma_wait3A_132 = arith.constant 0 : i32
          %dma_wait3A_133 = tpu.memref_slice %arg6[%add3A_69, %dma_wait3A_132] : memref<56x128xi32, #tpu.memory_space<vmem>> -> memref<1x128xi32, #tpu.memory_space<vmem>>
          %dma_wait3A_134 = tpu.memref_squeeze %dma_wait3A_133 : memref<1x128xi32, #tpu.memory_space<vmem>> -> memref<128xi32, #tpu.memory_space<vmem>>
          %dma_wait3A_135 = arith.constant 0 : i32
          %dma_wait3A_136 = arith.constant 0 : i32
          %dma_wait3A_137 = tpu.memref_slice %arg11[%dma_wait3A_135, %dma_wait3A_136] : memref<51200x32xf32, #tpu.memory_space<vmem_shared>> -> memref<51200x32xf32, #tpu.memory_space<vmem_shared>>
          tpu.wait_indirect_dma semaphore(%run_scoped3A : memref<!tpu.dma_semaphore, #tpu.memory_space<semaphore_mem>>) src(%arg7 : memref<128x32xf32, #tpu.memory_space<vmem>>) dst(%dma_wait3A_137 : memref<51200x32xf32, #tpu.memory_space<vmem_shared>>)
          tpu.yield
        }) : () -> ()
        %add3A_70 = arith.constant 0 : i32
        %add3A_71 = arith.addi %mul3A_65, %add3A_70 : i32
        %add3A_72 = arith.constant 4 : i32
        %add3A_73 = arith.addi %add3A_71, %add3A_72 : i32
        %rem3A = arith.constant 56 : i32
        %rem3A_74 = arith.remsi %add3A_73, %rem3A : i32
        %mul3A_75 = arith.constant 128 : i32
        %mul3A_76 = arith.muli %rem3A_74, %mul3A_75 : i32
        %add3A_77 = arith.addi %add3A, %mul3A_76 : i32
        %dma_start3A_78 = tpu.memref_slice %arg2[%add3A_77, %mul3A_0] : memref<802816x128xf32, #tpu.memory_space<hbm>> -> memref<128x32xf32, #tpu.memory_space<hbm>>
        %dma_start3A_79 = tpu.memref_slice %arg2[%add3A_77, %mul3A_0] : memref<802816x128xf32, #tpu.memory_space<hbm>> -> memref<128x32xf32, #tpu.memory_space<hbm>>
        tpu.enqueue_dma source(%dma_start3A_79 : memref<128x32xf32, #tpu.memory_space<hbm>>) target(%arg7 : memref<128x32xf32, #tpu.memory_space<vmem>>) target_semaphore(%arg12 : memref<!tpu.dma_semaphore, #tpu.memory_space<semaphore_mem>>)
        %dma_wait3A_80 = tpu.memref_slice %arg2[%add3A, %mul3A_0] : memref<802816x128xf32, #tpu.memory_space<hbm>> -> memref<128x32xf32, #tpu.memory_space<hbm>>
        %dma_wait3A_81 = tpu.memref_slice %arg2[%add3A, %mul3A_0] : memref<802816x128xf32, #tpu.memory_space<hbm>> -> memref<128x32xf32, #tpu.memory_space<hbm>>
        tpu.wait_dma2 semaphore(%arg13 : memref<!tpu.dma_semaphore, #tpu.memory_space<semaphore_mem>>) src(%dma_wait3A_81 : memref<128x32xf32, #tpu.memory_space<hbm>>) dst(%arg8 : memref<128x32xf32, #tpu.memory_space<vmem>>)
        %add3A_82 = arith.constant 1 : i32
        %add3A_83 = arith.addi %mul3A_65, %add3A_82 : i32
        "tpu.region"() ({
          %run_scoped3A = tpu.sem_alloc : memref<!tpu.dma_semaphore, #tpu.memory_space<semaphore_mem>>
          %dma_start3A_126 = arith.constant 0 : i32
          %dma_start3A_127 = tpu.memref_slice %arg6[%add3A_83, %dma_start3A_126] : memref<56x128xi32, #tpu.memory_space<vmem>> -> memref<1x128xi32, #tpu.memory_space<vmem>>
          %dma_start3A_128 = tpu.memref_squeeze %dma_start3A_127 : memref<1x128xi32, #tpu.memory_space<vmem>> -> memref<128xi32, #tpu.memory_space<vmem>>
          %dma_start3A_129 = arith.constant 0 : i32
          %dma_start3A_130 = arith.constant 0 : i32
          %dma_start3A_131 = tpu.memref_slice %arg11[%dma_start3A_129, %dma_start3A_130] : memref<51200x32xf32, #tpu.memory_space<vmem_shared>> -> memref<51200x32xf32, #tpu.memory_space<vmem_shared>>
          tpu.enqueue_indirect_dma source(%arg8 : memref<128x32xf32, #tpu.memory_space<vmem>>) target(%dma_start3A_131 : memref<51200x32xf32, #tpu.memory_space<vmem_shared>>) offsets(%dma_start3A_128 : memref<128xi32, #tpu.memory_space<vmem>>) semaphore(%run_scoped3A : memref<!tpu.dma_semaphore, #tpu.memory_space<semaphore_mem>>) {add = true}
          %dma_wait3A_132 = arith.constant 0 : i32
          %dma_wait3A_133 = tpu.memref_slice %arg6[%add3A_83, %dma_wait3A_132] : memref<56x128xi32, #tpu.memory_space<vmem>> -> memref<1x128xi32, #tpu.memory_space<vmem>>
          %dma_wait3A_134 = tpu.memref_squeeze %dma_wait3A_133 : memref<1x128xi32, #tpu.memory_space<vmem>> -> memref<128xi32, #tpu.memory_space<vmem>>
          %dma_wait3A_135 = arith.constant 0 : i32
          %dma_wait3A_136 = arith.constant 0 : i32
          %dma_wait3A_137 = tpu.memref_slice %arg11[%dma_wait3A_135, %dma_wait3A_136] : memref<51200x32xf32, #tpu.memory_space<vmem_shared>> -> memref<51200x32xf32, #tpu.memory_space<vmem_shared>>
          tpu.wait_indirect_dma semaphore(%run_scoped3A : memref<!tpu.dma_semaphore, #tpu.memory_space<semaphore_mem>>) src(%arg8 : memref<128x32xf32, #tpu.memory_space<vmem>>) dst(%dma_wait3A_137 : memref<51200x32xf32, #tpu.memory_space<vmem_shared>>)
          tpu.yield
        }) : () -> ()
        %add3A_84 = arith.constant 1 : i32
        %add3A_85 = arith.addi %mul3A_65, %add3A_84 : i32
        %add3A_86 = arith.constant 4 : i32
        %add3A_87 = arith.addi %add3A_85, %add3A_86 : i32
        %rem3A_88 = arith.constant 56 : i32
        %rem3A_89 = arith.remsi %add3A_87, %rem3A_88 : i32
        %mul3A_90 = arith.constant 128 : i32
        %mul3A_91 = arith.muli %rem3A_89, %mul3A_90 : i32
        %add3A_92 = arith.addi %add3A, %mul3A_91 : i32
        %dma_start3A_93 = tpu.memref_slice %arg2[%add3A_92, %mul3A_0] : memref<802816x128xf32, #tpu.memory_space<hbm>> -> memref<128x32xf32, #tpu.memory_space<hbm>>
        %dma_start3A_94 = tpu.memref_slice %arg2[%add3A_92, %mul3A_0] : memref<802816x128xf32, #tpu.memory_space<hbm>> -> memref<128x32xf32, #tpu.memory_space<hbm>>
        tpu.enqueue_dma source(%dma_start3A_94 : memref<128x32xf32, #tpu.memory_space<hbm>>) target(%arg8 : memref<128x32xf32, #tpu.memory_space<vmem>>) target_semaphore(%arg13 : memref<!tpu.dma_semaphore, #tpu.memory_space<semaphore_mem>>)
        %dma_wait3A_95 = tpu.memref_slice %arg2[%add3A, %mul3A_0] : memref<802816x128xf32, #tpu.memory_space<hbm>> -> memref<128x32xf32, #tpu.memory_space<hbm>>
        %dma_wait3A_96 = tpu.memref_slice %arg2[%add3A, %mul3A_0] : memref<802816x128xf32, #tpu.memory_space<hbm>> -> memref<128x32xf32, #tpu.memory_space<hbm>>
        tpu.wait_dma2 semaphore(%arg14 : memref<!tpu.dma_semaphore, #tpu.memory_space<semaphore_mem>>) src(%dma_wait3A_96 : memref<128x32xf32, #tpu.memory_space<hbm>>) dst(%arg9 : memref<128x32xf32, #tpu.memory_space<vmem>>)
        %add3A_97 = arith.constant 2 : i32
        %add3A_98 = arith.addi %mul3A_65, %add3A_97 : i32
        "tpu.region"() ({
          %run_scoped3A = tpu.sem_alloc : memref<!tpu.dma_semaphore, #tpu.memory_space<semaphore_mem>>
          %dma_start3A_126 = arith.constant 0 : i32
          %dma_start3A_127 = tpu.memref_slice %arg6[%add3A_98, %dma_start3A_126] : memref<56x128xi32, #tpu.memory_space<vmem>> -> memref<1x128xi32, #tpu.memory_space<vmem>>
          %dma_start3A_128 = tpu.memref_squeeze %dma_start3A_127 : memref<1x128xi32, #tpu.memory_space<vmem>> -> memref<128xi32, #tpu.memory_space<vmem>>
          %dma_start3A_129 = arith.constant 0 : i32
          %dma_start3A_130 = arith.constant 0 : i32
          %dma_start3A_131 = tpu.memref_slice %arg11[%dma_start3A_129, %dma_start3A_130] : memref<51200x32xf32, #tpu.memory_space<vmem_shared>> -> memref<51200x32xf32, #tpu.memory_space<vmem_shared>>
          tpu.enqueue_indirect_dma source(%arg9 : memref<128x32xf32, #tpu.memory_space<vmem>>) target(%dma_start3A_131 : memref<51200x32xf32, #tpu.memory_space<vmem_shared>>) offsets(%dma_start3A_128 : memref<128xi32, #tpu.memory_space<vmem>>) semaphore(%run_scoped3A : memref<!tpu.dma_semaphore, #tpu.memory_space<semaphore_mem>>) {add = true}
          %dma_wait3A_132 = arith.constant 0 : i32
          %dma_wait3A_133 = tpu.memref_slice %arg6[%add3A_98, %dma_wait3A_132] : memref<56x128xi32, #tpu.memory_space<vmem>> -> memref<1x128xi32, #tpu.memory_space<vmem>>
          %dma_wait3A_134 = tpu.memref_squeeze %dma_wait3A_133 : memref<1x128xi32, #tpu.memory_space<vmem>> -> memref<128xi32, #tpu.memory_space<vmem>>
          %dma_wait3A_135 = arith.constant 0 : i32
          %dma_wait3A_136 = arith.constant 0 : i32
          %dma_wait3A_137 = tpu.memref_slice %arg11[%dma_wait3A_135, %dma_wait3A_136] : memref<51200x32xf32, #tpu.memory_space<vmem_shared>> -> memref<51200x32xf32, #tpu.memory_space<vmem_shared>>
          tpu.wait_indirect_dma semaphore(%run_scoped3A : memref<!tpu.dma_semaphore, #tpu.memory_space<semaphore_mem>>) src(%arg9 : memref<128x32xf32, #tpu.memory_space<vmem>>) dst(%dma_wait3A_137 : memref<51200x32xf32, #tpu.memory_space<vmem_shared>>)
          tpu.yield
        }) : () -> ()
        %add3A_99 = arith.constant 2 : i32
        %add3A_100 = arith.addi %mul3A_65, %add3A_99 : i32
        %add3A_101 = arith.constant 4 : i32
        %add3A_102 = arith.addi %add3A_100, %add3A_101 : i32
        %rem3A_103 = arith.constant 56 : i32
        %rem3A_104 = arith.remsi %add3A_102, %rem3A_103 : i32
        %mul3A_105 = arith.constant 128 : i32
        %mul3A_106 = arith.muli %rem3A_104, %mul3A_105 : i32
        %add3A_107 = arith.addi %add3A, %mul3A_106 : i32
        %dma_start3A_108 = tpu.memref_slice %arg2[%add3A_107, %mul3A_0] : memref<802816x128xf32, #tpu.memory_space<hbm>> -> memref<128x32xf32, #tpu.memory_space<hbm>>
        %dma_start3A_109 = tpu.memref_slice %arg2[%add3A_107, %mul3A_0] : memref<802816x128xf32, #tpu.memory_space<hbm>> -> memref<128x32xf32, #tpu.memory_space<hbm>>
        tpu.enqueue_dma source(%dma_start3A_109 : memref<128x32xf32, #tpu.memory_space<hbm>>) target(%arg9 : memref<128x32xf32, #tpu.memory_space<vmem>>) target_semaphore(%arg14 : memref<!tpu.dma_semaphore, #tpu.memory_space<semaphore_mem>>)
        %dma_wait3A_110 = tpu.memref_slice %arg2[%add3A, %mul3A_0] : memref<802816x128xf32, #tpu.memory_space<hbm>> -> memref<128x32xf32, #tpu.memory_space<hbm>>
        %dma_wait3A_111 = tpu.memref_slice %arg2[%add3A, %mul3A_0] : memref<802816x128xf32, #tpu.memory_space<hbm>> -> memref<128x32xf32, #tpu.memory_space<hbm>>
        tpu.wait_dma2 semaphore(%arg15 : memref<!tpu.dma_semaphore, #tpu.memory_space<semaphore_mem>>) src(%dma_wait3A_111 : memref<128x32xf32, #tpu.memory_space<hbm>>) dst(%arg10 : memref<128x32xf32, #tpu.memory_space<vmem>>)
        %add3A_112 = arith.constant 3 : i32
        %add3A_113 = arith.addi %mul3A_65, %add3A_112 : i32
        "tpu.region"() ({
          %run_scoped3A = tpu.sem_alloc : memref<!tpu.dma_semaphore, #tpu.memory_space<semaphore_mem>>
          %dma_start3A_126 = arith.constant 0 : i32
          %dma_start3A_127 = tpu.memref_slice %arg6[%add3A_113, %dma_start3A_126] : memref<56x128xi32, #tpu.memory_space<vmem>> -> memref<1x128xi32, #tpu.memory_space<vmem>>
          %dma_start3A_128 = tpu.memref_squeeze %dma_start3A_127 : memref<1x128xi32, #tpu.memory_space<vmem>> -> memref<128xi32, #tpu.memory_space<vmem>>
          %dma_start3A_129 = arith.constant 0 : i32
          %dma_start3A_130 = arith.constant 0 : i32
          %dma_start3A_131 = tpu.memref_slice %arg11[%dma_start3A_129, %dma_start3A_130] : memref<51200x32xf32, #tpu.memory_space<vmem_shared>> -> memref<51200x32xf32, #tpu.memory_space<vmem_shared>>
          tpu.enqueue_indirect_dma source(%arg10 : memref<128x32xf32, #tpu.memory_space<vmem>>) target(%dma_start3A_131 : memref<51200x32xf32, #tpu.memory_space<vmem_shared>>) offsets(%dma_start3A_128 : memref<128xi32, #tpu.memory_space<vmem>>) semaphore(%run_scoped3A : memref<!tpu.dma_semaphore, #tpu.memory_space<semaphore_mem>>) {add = true}
          %dma_wait3A_132 = arith.constant 0 : i32
          %dma_wait3A_133 = tpu.memref_slice %arg6[%add3A_113, %dma_wait3A_132] : memref<56x128xi32, #tpu.memory_space<vmem>> -> memref<1x128xi32, #tpu.memory_space<vmem>>
          %dma_wait3A_134 = tpu.memref_squeeze %dma_wait3A_133 : memref<1x128xi32, #tpu.memory_space<vmem>> -> memref<128xi32, #tpu.memory_space<vmem>>
          %dma_wait3A_135 = arith.constant 0 : i32
          %dma_wait3A_136 = arith.constant 0 : i32
          %dma_wait3A_137 = tpu.memref_slice %arg11[%dma_wait3A_135, %dma_wait3A_136] : memref<51200x32xf32, #tpu.memory_space<vmem_shared>> -> memref<51200x32xf32, #tpu.memory_space<vmem_shared>>
          tpu.wait_indirect_dma semaphore(%run_scoped3A : memref<!tpu.dma_semaphore, #tpu.memory_space<semaphore_mem>>) src(%arg10 : memref<128x32xf32, #tpu.memory_space<vmem>>) dst(%dma_wait3A_137 : memref<51200x32xf32, #tpu.memory_space<vmem_shared>>)
          tpu.yield
        }) : () -> ()
        %add3A_114 = arith.constant 3 : i32
        %add3A_115 = arith.addi %mul3A_65, %add3A_114 : i32
        %add3A_116 = arith.constant 4 : i32
        %add3A_117 = arith.addi %add3A_115, %add3A_116 : i32
        %rem3A_118 = arith.constant 56 : i32
        %rem3A_119 = arith.remsi %add3A_117, %rem3A_118 : i32
        %mul3A_120 = arith.constant 128 : i32
        %mul3A_121 = arith.muli %rem3A_119, %mul3A_120 : i32
        %add3A_122 = arith.addi %add3A, %mul3A_121 : i32
        %dma_start3A_123 = tpu.memref_slice %arg2[%add3A_122, %mul3A_0] : memref<802816x128xf32, #tpu.memory_space<hbm>> -> memref<128x32xf32, #tpu.memory_space<hbm>>
        %dma_start3A_124 = tpu.memref_slice %arg2[%add3A_122, %mul3A_0] : memref<802816x128xf32, #tpu.memory_space<hbm>> -> memref<128x32xf32, #tpu.memory_space<hbm>>
        tpu.enqueue_dma source(%dma_start3A_124 : memref<128x32xf32, #tpu.memory_space<hbm>>) target(%arg10 : memref<128x32xf32, #tpu.memory_space<vmem>>) target_semaphore(%arg15 : memref<!tpu.dma_semaphore, #tpu.memory_space<semaphore_mem>>)
        %scan3A_125 = arith.constant 0 : i32
        scf.yield %scan3A_125 : i32
      }
      %scan3A_53 = arith.constant 14 : i32
      %dma_wait3A = tpu.memref_slice %arg2[%add3A, %mul3A_0] : memref<802816x128xf32, #tpu.memory_space<hbm>> -> memref<128x32xf32, #tpu.memory_space<hbm>>
      %dma_wait3A_54 = tpu.memref_slice %arg2[%add3A, %mul3A_0] : memref<802816x128xf32, #tpu.memory_space<hbm>> -> memref<128x32xf32, #tpu.memory_space<hbm>>
      tpu.wait_dma2 semaphore(%arg12 : memref<!tpu.dma_semaphore, #tpu.memory_space<semaphore_mem>>) src(%dma_wait3A_54 : memref<128x32xf32, #tpu.memory_space<hbm>>) dst(%arg7 : memref<128x32xf32, #tpu.memory_space<vmem>>)
      %dma_wait3A_55 = tpu.memref_slice %arg2[%add3A, %mul3A_0] : memref<802816x128xf32, #tpu.memory_space<hbm>> -> memref<128x32xf32, #tpu.memory_space<hbm>>
      %dma_wait3A_56 = tpu.memref_slice %arg2[%add3A, %mul3A_0] : memref<802816x128xf32, #tpu.memory_space<hbm>> -> memref<128x32xf32, #tpu.memory_space<hbm>>
      tpu.wait_dma2 semaphore(%arg13 : memref<!tpu.dma_semaphore, #tpu.memory_space<semaphore_mem>>) src(%dma_wait3A_56 : memref<128x32xf32, #tpu.memory_space<hbm>>) dst(%arg8 : memref<128x32xf32, #tpu.memory_space<vmem>>)
      %dma_wait3A_57 = tpu.memref_slice %arg2[%add3A, %mul3A_0] : memref<802816x128xf32, #tpu.memory_space<hbm>> -> memref<128x32xf32, #tpu.memory_space<hbm>>
      %dma_wait3A_58 = tpu.memref_slice %arg2[%add3A, %mul3A_0] : memref<802816x128xf32, #tpu.memory_space<hbm>> -> memref<128x32xf32, #tpu.memory_space<hbm>>
      tpu.wait_dma2 semaphore(%arg14 : memref<!tpu.dma_semaphore, #tpu.memory_space<semaphore_mem>>) src(%dma_wait3A_58 : memref<128x32xf32, #tpu.memory_space<hbm>>) dst(%arg9 : memref<128x32xf32, #tpu.memory_space<vmem>>)
      %dma_wait3A_59 = tpu.memref_slice %arg2[%add3A, %mul3A_0] : memref<802816x128xf32, #tpu.memory_space<hbm>> -> memref<128x32xf32, #tpu.memory_space<hbm>>
      %dma_wait3A_60 = tpu.memref_slice %arg2[%add3A, %mul3A_0] : memref<802816x128xf32, #tpu.memory_space<hbm>> -> memref<128x32xf32, #tpu.memory_space<hbm>>
      tpu.wait_dma2 semaphore(%arg15 : memref<!tpu.dma_semaphore, #tpu.memory_space<semaphore_mem>>) src(%dma_wait3A_60 : memref<128x32xf32, #tpu.memory_space<hbm>>) dst(%arg10 : memref<128x32xf32, #tpu.memory_space<vmem>>)
      %scan3A_61 = arith.constant 0 : i32
      scf.yield %scan3A_61 : i32
    }
    %scan3A_15 = arith.constant 7 : i32
    %barrier3A_16 = arith.constant 0 : index
    tpu.barrier barrier_id(%barrier3A_16)
    %scan3A_17 = arith.constant 0 : i32
    %scan3A_18 = arith.constant 0 : i32
    %scan3A_19 = arith.constant 25 : i32
    %scan3A_20 = arith.addi %scan3A_18, %scan3A_19 : i32
    %scan3A_21 = arith.constant 1 : i32
    %scan3A_22 = scf.for %scan3A_24 = %scan3A_18 to %scan3A_20 step %scan3A_21 iter_args(%scan3A_25 = %scan3A_17) -> (i32)  : i32 {
      %mul3A_26 = arith.constant 3200 : i32
      %mul3A_27 = arith.muli %arg1, %mul3A_26 : i32
      %mul3A_28 = arith.constant 128 : i32
      %mul3A_29 = arith.muli %scan3A_24, %mul3A_28 : i32
      %add3A = arith.addi %mul3A_27, %mul3A_29 : i32
      "tpu.region"() ({
        %run_scoped3A = tpu.sem_alloc : memref<!tpu.dma_semaphore, #tpu.memory_space<semaphore_mem>>
        %dma_start3A = arith.constant 0 : i32
        %dma_start3A_31 = tpu.memref_slice %arg11[%add3A, %dma_start3A] : memref<51200x32xf32, #tpu.memory_space<vmem_shared>> -> memref<128x32xf32, #tpu.memory_space<vmem_shared>>
        %dma_start3A_32 = arith.constant 0 : i32
        %dma_start3A_33 = tpu.memref_slice %arg11[%add3A, %dma_start3A_32] : memref<51200x32xf32, #tpu.memory_space<vmem_shared>> -> memref<128x32xf32, #tpu.memory_space<vmem_shared>>
        tpu.enqueue_dma source(%dma_start3A_33 : memref<128x32xf32, #tpu.memory_space<vmem_shared>>) target(%arg7 : memref<128x32xf32, #tpu.memory_space<vmem>>) target_semaphore(%run_scoped3A : memref<!tpu.dma_semaphore, #tpu.memory_space<semaphore_mem>>)
        %dma_wait3A = arith.constant 0 : i32
        %dma_wait3A_34 = tpu.memref_slice %arg11[%add3A, %dma_wait3A] : memref<51200x32xf32, #tpu.memory_space<vmem_shared>> -> memref<128x32xf32, #tpu.memory_space<vmem_shared>>
        %dma_wait3A_35 = arith.constant 0 : i32
        %dma_wait3A_36 = tpu.memref_slice %arg11[%add3A, %dma_wait3A_35] : memref<51200x32xf32, #tpu.memory_space<vmem_shared>> -> memref<128x32xf32, #tpu.memory_space<vmem_shared>>
        tpu.wait_dma2 semaphore(%run_scoped3A : memref<!tpu.dma_semaphore, #tpu.memory_space<semaphore_mem>>) src(%dma_wait3A_36 : memref<128x32xf32, #tpu.memory_space<vmem_shared>>) dst(%arg7 : memref<128x32xf32, #tpu.memory_space<vmem>>)
        tpu.yield
      }) : () -> ()
      "tpu.region"() ({
        %run_scoped3A = tpu.sem_alloc : memref<!tpu.dma_semaphore, #tpu.memory_space<semaphore_mem>>
        %dma_start3A = arith.constant 0 : i32
        %dma_start3A_31 = tpu.memref_slice %arg5[%arg0, %add3A, %dma_start3A] : memref<2x51200x32xf32, #tpu.memory_space<hbm>> -> memref<1x128x32xf32, #tpu.memory_space<hbm>>
        %dma_start3A_32 = tpu.memref_squeeze %dma_start3A_31 : memref<1x128x32xf32, #tpu.memory_space<hbm>> -> memref<128x32xf32, #tpu.memory_space<hbm>>
        %dma_start3A_33 = arith.constant 0 : i32
        %dma_start3A_34 = tpu.memref_slice %arg5[%arg0, %add3A, %dma_start3A_33] : memref<2x51200x32xf32, #tpu.memory_space<hbm>> -> memref<1x128x32xf32, #tpu.memory_space<hbm>>
        %dma_start3A_35 = tpu.memref_squeeze %dma_start3A_34 : memref<1x128x32xf32, #tpu.memory_space<hbm>> -> memref<128x32xf32, #tpu.memory_space<hbm>>
        tpu.enqueue_dma source(%arg7 : memref<128x32xf32, #tpu.memory_space<vmem>>) target(%dma_start3A_35 : memref<128x32xf32, #tpu.memory_space<hbm>>) target_semaphore(%run_scoped3A : memref<!tpu.dma_semaphore, #tpu.memory_space<semaphore_mem>>)
        %dma_wait3A = arith.constant 0 : i32
        %dma_wait3A_36 = tpu.memref_slice %arg5[%arg0, %add3A, %dma_wait3A] : memref<2x51200x32xf32, #tpu.memory_space<hbm>> -> memref<1x128x32xf32, #tpu.memory_space<hbm>>
        %dma_wait3A_37 = tpu.memref_squeeze %dma_wait3A_36 : memref<1x128x32xf32, #tpu.memory_space<hbm>> -> memref<128x32xf32, #tpu.memory_space<hbm>>
        %dma_wait3A_38 = arith.constant 0 : i32
        %dma_wait3A_39 = tpu.memref_slice %arg5[%arg0, %add3A, %dma_wait3A_38] : memref<2x51200x32xf32, #tpu.memory_space<hbm>> -> memref<1x128x32xf32, #tpu.memory_space<hbm>>
        %dma_wait3A_40 = tpu.memref_squeeze %dma_wait3A_39 : memref<1x128x32xf32, #tpu.memory_space<hbm>> -> memref<128x32xf32, #tpu.memory_space<hbm>>
        tpu.wait_dma2 semaphore(%run_scoped3A : memref<!tpu.dma_semaphore, #tpu.memory_space<semaphore_mem>>) src(%arg7 : memref<128x32xf32, #tpu.memory_space<vmem>>) dst(%dma_wait3A_40 : memref<128x32xf32, #tpu.memory_space<hbm>>)
        tpu.yield
      }) : () -> ()
      %scan3A_30 = arith.constant 0 : i32
      scf.yield %scan3A_30 : i32
    }
    %scan3A_23 = arith.constant 25 : i32
    return
  }
}

#map = affine_map<(d0, d1) -> (0, 0)>
#map1 = affine_map<(d0, d1) -> (0, 0, 0)>
module attributes {stable_mosaic.version = 14 : i64} {
  func.func @_gather_body(%arg0: i32, %arg1: i32, %arg2: memref<50000x32xbf16, #tpu.memory_space<hbm>>, %arg3: memref<32x392x128xi32, #tpu.memory_space<hbm>>, %arg4: memref<1605632x32xbf16, #tpu.memory_space<hbm>>, %arg5: memref<392x128xi32, #tpu.memory_space<vmem>>, %arg6: memref<128x32xbf16, #tpu.memory_space<vmem>>, %arg7: memref<128x32xbf16, #tpu.memory_space<vmem>>, %arg8: memref<128x32xbf16, #tpu.memory_space<vmem>>, %arg9: memref<128x32xbf16, #tpu.memory_space<vmem>>, %arg10: memref<!tpu.dma_semaphore, #tpu.memory_space<semaphore_mem>>, %arg11: memref<!tpu.dma_semaphore, #tpu.memory_space<semaphore_mem>>, %arg12: memref<!tpu.dma_semaphore, #tpu.memory_space<semaphore_mem>>, %arg13: memref<!tpu.dma_semaphore, #tpu.memory_space<semaphore_mem>>) attributes {dimension_semantics = [#tpu.dimension_semantics<core_parallel>, #tpu.dimension_semantics<subcore_parallel>], iteration_bounds = array<i64: 2, 16>, scalar_prefetch = 0 : i64, scratch_operands = 9 : i64, tpu.core_type = #tpu.core_type<sc_vector_subcore>, window_params = [{transform_indices = #map}, {transform_indices = #map1}, {transform_indices = #map}]} {
    %mul3A = arith.constant 16 : i32
    %mul3A_0 = arith.muli %arg0, %mul3A : i32
    %add3A = arith.addi %mul3A_0, %arg1 : i32
    "tpu.region"() ({
      %run_scoped3A = tpu.sem_alloc : memref<!tpu.dma_semaphore, #tpu.memory_space<semaphore_mem>>
      %dma_start3A_63 = arith.constant 0 : i32
      %dma_start3A_64 = arith.constant 0 : i32
      %dma_start3A_65 = tpu.memref_slice %arg3[%add3A, %dma_start3A_63, %dma_start3A_64] : memref<32x392x128xi32, #tpu.memory_space<hbm>> -> memref<1x392x128xi32, #tpu.memory_space<hbm>>
      %dma_start3A_66 = tpu.memref_squeeze %dma_start3A_65 : memref<1x392x128xi32, #tpu.memory_space<hbm>> -> memref<392x128xi32, #tpu.memory_space<hbm>>
      %dma_start3A_67 = arith.constant 0 : i32
      %dma_start3A_68 = arith.constant 0 : i32
      %dma_start3A_69 = tpu.memref_slice %arg3[%add3A, %dma_start3A_67, %dma_start3A_68] : memref<32x392x128xi32, #tpu.memory_space<hbm>> -> memref<1x392x128xi32, #tpu.memory_space<hbm>>
      %dma_start3A_70 = tpu.memref_squeeze %dma_start3A_69 : memref<1x392x128xi32, #tpu.memory_space<hbm>> -> memref<392x128xi32, #tpu.memory_space<hbm>>
      tpu.enqueue_dma source(%dma_start3A_70 : memref<392x128xi32, #tpu.memory_space<hbm>>) target(%arg5 : memref<392x128xi32, #tpu.memory_space<vmem>>) target_semaphore(%run_scoped3A : memref<!tpu.dma_semaphore, #tpu.memory_space<semaphore_mem>>)
      %dma_wait3A_71 = arith.constant 0 : i32
      %dma_wait3A_72 = arith.constant 0 : i32
      %dma_wait3A_73 = tpu.memref_slice %arg3[%add3A, %dma_wait3A_71, %dma_wait3A_72] : memref<32x392x128xi32, #tpu.memory_space<hbm>> -> memref<1x392x128xi32, #tpu.memory_space<hbm>>
      %dma_wait3A_74 = tpu.memref_squeeze %dma_wait3A_73 : memref<1x392x128xi32, #tpu.memory_space<hbm>> -> memref<392x128xi32, #tpu.memory_space<hbm>>
      %dma_wait3A_75 = arith.constant 0 : i32
      %dma_wait3A_76 = arith.constant 0 : i32
      %dma_wait3A_77 = tpu.memref_slice %arg3[%add3A, %dma_wait3A_75, %dma_wait3A_76] : memref<32x392x128xi32, #tpu.memory_space<hbm>> -> memref<1x392x128xi32, #tpu.memory_space<hbm>>
      %dma_wait3A_78 = tpu.memref_squeeze %dma_wait3A_77 : memref<1x392x128xi32, #tpu.memory_space<hbm>> -> memref<392x128xi32, #tpu.memory_space<hbm>>
      tpu.wait_dma2 semaphore(%run_scoped3A : memref<!tpu.dma_semaphore, #tpu.memory_space<semaphore_mem>>) src(%dma_wait3A_78 : memref<392x128xi32, #tpu.memory_space<hbm>>) dst(%arg5 : memref<392x128xi32, #tpu.memory_space<vmem>>)
      tpu.yield
    }) : () -> ()
    %mul3A_1 = arith.constant 50176 : i32
    %mul3A_2 = arith.muli %add3A, %mul3A_1 : i32
    %dma_start3A = arith.constant 0 : i32
    %dma_start3A_3 = arith.constant 0 : i32
    %dma_start3A_4 = tpu.memref_slice %arg5[%dma_start3A, %dma_start3A_3] : memref<392x128xi32, #tpu.memory_space<vmem>> -> memref<1x128xi32, #tpu.memory_space<vmem>>
    %dma_start3A_5 = tpu.memref_squeeze %dma_start3A_4 : memref<1x128xi32, #tpu.memory_space<vmem>> -> memref<128xi32, #tpu.memory_space<vmem>>
    %dma_start3A_6 = arith.constant 0 : i32
    %dma_start3A_7 = arith.constant 0 : i32
    %dma_start3A_8 = tpu.memref_slice %arg2[%dma_start3A_6, %dma_start3A_7] : memref<50000x32xbf16, #tpu.memory_space<hbm>> -> memref<50000x32xbf16, #tpu.memory_space<hbm>>
    tpu.enqueue_indirect_dma source(%dma_start3A_8 : memref<50000x32xbf16, #tpu.memory_space<hbm>>) target(%arg6 : memref<128x32xbf16, #tpu.memory_space<vmem>>) offsets(%dma_start3A_5 : memref<128xi32, #tpu.memory_space<vmem>>) semaphore(%arg10 : memref<!tpu.dma_semaphore, #tpu.memory_space<semaphore_mem>>)
    %dma_start3A_9 = arith.constant 1 : i32
    %dma_start3A_10 = arith.constant 0 : i32
    %dma_start3A_11 = tpu.memref_slice %arg5[%dma_start3A_9, %dma_start3A_10] : memref<392x128xi32, #tpu.memory_space<vmem>> -> memref<1x128xi32, #tpu.memory_space<vmem>>
    %dma_start3A_12 = tpu.memref_squeeze %dma_start3A_11 : memref<1x128xi32, #tpu.memory_space<vmem>> -> memref<128xi32, #tpu.memory_space<vmem>>
    %dma_start3A_13 = arith.constant 0 : i32
    %dma_start3A_14 = arith.constant 0 : i32
    %dma_start3A_15 = tpu.memref_slice %arg2[%dma_start3A_13, %dma_start3A_14] : memref<50000x32xbf16, #tpu.memory_space<hbm>> -> memref<50000x32xbf16, #tpu.memory_space<hbm>>
    tpu.enqueue_indirect_dma source(%dma_start3A_15 : memref<50000x32xbf16, #tpu.memory_space<hbm>>) target(%arg7 : memref<128x32xbf16, #tpu.memory_space<vmem>>) offsets(%dma_start3A_12 : memref<128xi32, #tpu.memory_space<vmem>>) semaphore(%arg11 : memref<!tpu.dma_semaphore, #tpu.memory_space<semaphore_mem>>)
    %dma_start3A_16 = arith.constant 2 : i32
    %dma_start3A_17 = arith.constant 0 : i32
    %dma_start3A_18 = tpu.memref_slice %arg5[%dma_start3A_16, %dma_start3A_17] : memref<392x128xi32, #tpu.memory_space<vmem>> -> memref<1x128xi32, #tpu.memory_space<vmem>>
    %dma_start3A_19 = tpu.memref_squeeze %dma_start3A_18 : memref<1x128xi32, #tpu.memory_space<vmem>> -> memref<128xi32, #tpu.memory_space<vmem>>
    %dma_start3A_20 = arith.constant 0 : i32
    %dma_start3A_21 = arith.constant 0 : i32
    %dma_start3A_22 = tpu.memref_slice %arg2[%dma_start3A_20, %dma_start3A_21] : memref<50000x32xbf16, #tpu.memory_space<hbm>> -> memref<50000x32xbf16, #tpu.memory_space<hbm>>
    tpu.enqueue_indirect_dma source(%dma_start3A_22 : memref<50000x32xbf16, #tpu.memory_space<hbm>>) target(%arg8 : memref<128x32xbf16, #tpu.memory_space<vmem>>) offsets(%dma_start3A_19 : memref<128xi32, #tpu.memory_space<vmem>>) semaphore(%arg12 : memref<!tpu.dma_semaphore, #tpu.memory_space<semaphore_mem>>)
    %dma_start3A_23 = arith.constant 3 : i32
    %dma_start3A_24 = arith.constant 0 : i32
    %dma_start3A_25 = tpu.memref_slice %arg5[%dma_start3A_23, %dma_start3A_24] : memref<392x128xi32, #tpu.memory_space<vmem>> -> memref<1x128xi32, #tpu.memory_space<vmem>>
    %dma_start3A_26 = tpu.memref_squeeze %dma_start3A_25 : memref<1x128xi32, #tpu.memory_space<vmem>> -> memref<128xi32, #tpu.memory_space<vmem>>
    %dma_start3A_27 = arith.constant 0 : i32
    %dma_start3A_28 = arith.constant 0 : i32
    %dma_start3A_29 = tpu.memref_slice %arg2[%dma_start3A_27, %dma_start3A_28] : memref<50000x32xbf16, #tpu.memory_space<hbm>> -> memref<50000x32xbf16, #tpu.memory_space<hbm>>
    tpu.enqueue_indirect_dma source(%dma_start3A_29 : memref<50000x32xbf16, #tpu.memory_space<hbm>>) target(%arg9 : memref<128x32xbf16, #tpu.memory_space<vmem>>) offsets(%dma_start3A_26 : memref<128xi32, #tpu.memory_space<vmem>>) semaphore(%arg13 : memref<!tpu.dma_semaphore, #tpu.memory_space<semaphore_mem>>)
    %scan3A = arith.constant 0 : i32
    %scan3A_30 = arith.constant 0 : i32
    %scan3A_31 = arith.constant 98 : i32
    %scan3A_32 = arith.addi %scan3A_30, %scan3A_31 : i32
    %scan3A_33 = arith.constant 1 : i32
    %scan3A_34 = scf.for %scan3A_63 = %scan3A_30 to %scan3A_32 step %scan3A_33 iter_args(%scan3A_64 = %scan3A) -> (i32)  : i32 {
      %mul3A_65 = arith.constant 4 : i32
      %mul3A_66 = arith.muli %mul3A_65, %scan3A_63 : i32
      %add3A_67 = arith.constant 0 : i32
      %add3A_68 = arith.addi %mul3A_66, %add3A_67 : i32
      %dma_wait3A_69 = arith.constant 0 : i32
      %dma_wait3A_70 = tpu.memref_slice %arg5[%add3A_68, %dma_wait3A_69] : memref<392x128xi32, #tpu.memory_space<vmem>> -> memref<1x128xi32, #tpu.memory_space<vmem>>
      %dma_wait3A_71 = tpu.memref_squeeze %dma_wait3A_70 : memref<1x128xi32, #tpu.memory_space<vmem>> -> memref<128xi32, #tpu.memory_space<vmem>>
      %dma_wait3A_72 = arith.constant 0 : i32
      %dma_wait3A_73 = arith.constant 0 : i32
      %dma_wait3A_74 = tpu.memref_slice %arg2[%dma_wait3A_72, %dma_wait3A_73] : memref<50000x32xbf16, #tpu.memory_space<hbm>> -> memref<50000x32xbf16, #tpu.memory_space<hbm>>
      tpu.wait_indirect_dma semaphore(%arg10 : memref<!tpu.dma_semaphore, #tpu.memory_space<semaphore_mem>>) src(%dma_wait3A_74 : memref<50000x32xbf16, #tpu.memory_space<hbm>>) dst(%arg6 : memref<128x32xbf16, #tpu.memory_space<vmem>>)
      %add3A_75 = arith.constant 0 : i32
      %add3A_76 = arith.addi %mul3A_66, %add3A_75 : i32
      %mul3A_77 = arith.constant 128 : i32
      %mul3A_78 = arith.muli %add3A_76, %mul3A_77 : i32
      %add3A_79 = arith.addi %mul3A_2, %mul3A_78 : i32
      "tpu.region"() ({
        %run_scoped3A = tpu.sem_alloc : memref<!tpu.dma_semaphore, #tpu.memory_space<semaphore_mem>>
        %dma_start3A_167 = arith.constant 0 : i32
        %dma_start3A_168 = tpu.memref_slice %arg4[%add3A_79, %dma_start3A_167] : memref<1605632x32xbf16, #tpu.memory_space<hbm>> -> memref<128x32xbf16, #tpu.memory_space<hbm>>
        %dma_start3A_169 = arith.constant 0 : i32
        %dma_start3A_170 = tpu.memref_slice %arg4[%add3A_79, %dma_start3A_169] : memref<1605632x32xbf16, #tpu.memory_space<hbm>> -> memref<128x32xbf16, #tpu.memory_space<hbm>>
        tpu.enqueue_dma source(%arg6 : memref<128x32xbf16, #tpu.memory_space<vmem>>) target(%dma_start3A_170 : memref<128x32xbf16, #tpu.memory_space<hbm>>) target_semaphore(%run_scoped3A : memref<!tpu.dma_semaphore, #tpu.memory_space<semaphore_mem>>)
        %dma_wait3A_171 = arith.constant 0 : i32
        %dma_wait3A_172 = tpu.memref_slice %arg4[%add3A_79, %dma_wait3A_171] : memref<1605632x32xbf16, #tpu.memory_space<hbm>> -> memref<128x32xbf16, #tpu.memory_space<hbm>>
        %dma_wait3A_173 = arith.constant 0 : i32
        %dma_wait3A_174 = tpu.memref_slice %arg4[%add3A_79, %dma_wait3A_173] : memref<1605632x32xbf16, #tpu.memory_space<hbm>> -> memref<128x32xbf16, #tpu.memory_space<hbm>>
        tpu.wait_dma2 semaphore(%run_scoped3A : memref<!tpu.dma_semaphore, #tpu.memory_space<semaphore_mem>>) src(%arg6 : memref<128x32xbf16, #tpu.memory_space<vmem>>) dst(%dma_wait3A_174 : memref<128x32xbf16, #tpu.memory_space<hbm>>)
        tpu.yield
      }) : () -> ()
      %add3A_80 = arith.constant 0 : i32
      %add3A_81 = arith.addi %mul3A_66, %add3A_80 : i32
      %add3A_82 = arith.constant 4 : i32
      %add3A_83 = arith.addi %add3A_81, %add3A_82 : i32
      %rem3A = arith.constant 392 : i32
      %rem3A_84 = arith.remsi %add3A_83, %rem3A : i32
      %dma_start3A_85 = arith.constant 0 : i32
      %dma_start3A_86 = tpu.memref_slice %arg5[%rem3A_84, %dma_start3A_85] : memref<392x128xi32, #tpu.memory_space<vmem>> -> memref<1x128xi32, #tpu.memory_space<vmem>>
      %dma_start3A_87 = tpu.memref_squeeze %dma_start3A_86 : memref<1x128xi32, #tpu.memory_space<vmem>> -> memref<128xi32, #tpu.memory_space<vmem>>
      %dma_start3A_88 = arith.constant 0 : i32
      %dma_start3A_89 = arith.constant 0 : i32
      %dma_start3A_90 = tpu.memref_slice %arg2[%dma_start3A_88, %dma_start3A_89] : memref<50000x32xbf16, #tpu.memory_space<hbm>> -> memref<50000x32xbf16, #tpu.memory_space<hbm>>
      tpu.enqueue_indirect_dma source(%dma_start3A_90 : memref<50000x32xbf16, #tpu.memory_space<hbm>>) target(%arg6 : memref<128x32xbf16, #tpu.memory_space<vmem>>) offsets(%dma_start3A_87 : memref<128xi32, #tpu.memory_space<vmem>>) semaphore(%arg10 : memref<!tpu.dma_semaphore, #tpu.memory_space<semaphore_mem>>)
      %add3A_91 = arith.constant 1 : i32
      %add3A_92 = arith.addi %mul3A_66, %add3A_91 : i32
      %dma_wait3A_93 = arith.constant 0 : i32
      %dma_wait3A_94 = tpu.memref_slice %arg5[%add3A_92, %dma_wait3A_93] : memref<392x128xi32, #tpu.memory_space<vmem>> -> memref<1x128xi32, #tpu.memory_space<vmem>>
      %dma_wait3A_95 = tpu.memref_squeeze %dma_wait3A_94 : memref<1x128xi32, #tpu.memory_space<vmem>> -> memref<128xi32, #tpu.memory_space<vmem>>
      %dma_wait3A_96 = arith.constant 0 : i32
      %dma_wait3A_97 = arith.constant 0 : i32
      %dma_wait3A_98 = tpu.memref_slice %arg2[%dma_wait3A_96, %dma_wait3A_97] : memref<50000x32xbf16, #tpu.memory_space<hbm>> -> memref<50000x32xbf16, #tpu.memory_space<hbm>>
      tpu.wait_indirect_dma semaphore(%arg11 : memref<!tpu.dma_semaphore, #tpu.memory_space<semaphore_mem>>) src(%dma_wait3A_98 : memref<50000x32xbf16, #tpu.memory_space<hbm>>) dst(%arg7 : memref<128x32xbf16, #tpu.memory_space<vmem>>)
      %add3A_99 = arith.constant 1 : i32
      %add3A_100 = arith.addi %mul3A_66, %add3A_99 : i32
      %mul3A_101 = arith.constant 128 : i32
      %mul3A_102 = arith.muli %add3A_100, %mul3A_101 : i32
      %add3A_103 = arith.addi %mul3A_2, %mul3A_102 : i32
      "tpu.region"() ({
        %run_scoped3A = tpu.sem_alloc : memref<!tpu.dma_semaphore, #tpu.memory_space<semaphore_mem>>
        %dma_start3A_167 = arith.constant 0 : i32
        %dma_start3A_168 = tpu.memref_slice %arg4[%add3A_103, %dma_start3A_167] : memref<1605632x32xbf16, #tpu.memory_space<hbm>> -> memref<128x32xbf16, #tpu.memory_space<hbm>>
        %dma_start3A_169 = arith.constant 0 : i32
        %dma_start3A_170 = tpu.memref_slice %arg4[%add3A_103, %dma_start3A_169] : memref<1605632x32xbf16, #tpu.memory_space<hbm>> -> memref<128x32xbf16, #tpu.memory_space<hbm>>
        tpu.enqueue_dma source(%arg7 : memref<128x32xbf16, #tpu.memory_space<vmem>>) target(%dma_start3A_170 : memref<128x32xbf16, #tpu.memory_space<hbm>>) target_semaphore(%run_scoped3A : memref<!tpu.dma_semaphore, #tpu.memory_space<semaphore_mem>>)
        %dma_wait3A_171 = arith.constant 0 : i32
        %dma_wait3A_172 = tpu.memref_slice %arg4[%add3A_103, %dma_wait3A_171] : memref<1605632x32xbf16, #tpu.memory_space<hbm>> -> memref<128x32xbf16, #tpu.memory_space<hbm>>
        %dma_wait3A_173 = arith.constant 0 : i32
        %dma_wait3A_174 = tpu.memref_slice %arg4[%add3A_103, %dma_wait3A_173] : memref<1605632x32xbf16, #tpu.memory_space<hbm>> -> memref<128x32xbf16, #tpu.memory_space<hbm>>
        tpu.wait_dma2 semaphore(%run_scoped3A : memref<!tpu.dma_semaphore, #tpu.memory_space<semaphore_mem>>) src(%arg7 : memref<128x32xbf16, #tpu.memory_space<vmem>>) dst(%dma_wait3A_174 : memref<128x32xbf16, #tpu.memory_space<hbm>>)
        tpu.yield
      }) : () -> ()
      %add3A_104 = arith.constant 1 : i32
      %add3A_105 = arith.addi %mul3A_66, %add3A_104 : i32
      %add3A_106 = arith.constant 4 : i32
      %add3A_107 = arith.addi %add3A_105, %add3A_106 : i32
      %rem3A_108 = arith.constant 392 : i32
      %rem3A_109 = arith.remsi %add3A_107, %rem3A_108 : i32
      %dma_start3A_110 = arith.constant 0 : i32
      %dma_start3A_111 = tpu.memref_slice %arg5[%rem3A_109, %dma_start3A_110] : memref<392x128xi32, #tpu.memory_space<vmem>> -> memref<1x128xi32, #tpu.memory_space<vmem>>
      %dma_start3A_112 = tpu.memref_squeeze %dma_start3A_111 : memref<1x128xi32, #tpu.memory_space<vmem>> -> memref<128xi32, #tpu.memory_space<vmem>>
      %dma_start3A_113 = arith.constant 0 : i32
      %dma_start3A_114 = arith.constant 0 : i32
      %dma_start3A_115 = tpu.memref_slice %arg2[%dma_start3A_113, %dma_start3A_114] : memref<50000x32xbf16, #tpu.memory_space<hbm>> -> memref<50000x32xbf16, #tpu.memory_space<hbm>>
      tpu.enqueue_indirect_dma source(%dma_start3A_115 : memref<50000x32xbf16, #tpu.memory_space<hbm>>) target(%arg7 : memref<128x32xbf16, #tpu.memory_space<vmem>>) offsets(%dma_start3A_112 : memref<128xi32, #tpu.memory_space<vmem>>) semaphore(%arg11 : memref<!tpu.dma_semaphore, #tpu.memory_space<semaphore_mem>>)
      %add3A_116 = arith.constant 2 : i32
      %add3A_117 = arith.addi %mul3A_66, %add3A_116 : i32
      %dma_wait3A_118 = arith.constant 0 : i32
      %dma_wait3A_119 = tpu.memref_slice %arg5[%add3A_117, %dma_wait3A_118] : memref<392x128xi32, #tpu.memory_space<vmem>> -> memref<1x128xi32, #tpu.memory_space<vmem>>
      %dma_wait3A_120 = tpu.memref_squeeze %dma_wait3A_119 : memref<1x128xi32, #tpu.memory_space<vmem>> -> memref<128xi32, #tpu.memory_space<vmem>>
      %dma_wait3A_121 = arith.constant 0 : i32
      %dma_wait3A_122 = arith.constant 0 : i32
      %dma_wait3A_123 = tpu.memref_slice %arg2[%dma_wait3A_121, %dma_wait3A_122] : memref<50000x32xbf16, #tpu.memory_space<hbm>> -> memref<50000x32xbf16, #tpu.memory_space<hbm>>
      tpu.wait_indirect_dma semaphore(%arg12 : memref<!tpu.dma_semaphore, #tpu.memory_space<semaphore_mem>>) src(%dma_wait3A_123 : memref<50000x32xbf16, #tpu.memory_space<hbm>>) dst(%arg8 : memref<128x32xbf16, #tpu.memory_space<vmem>>)
      %add3A_124 = arith.constant 2 : i32
      %add3A_125 = arith.addi %mul3A_66, %add3A_124 : i32
      %mul3A_126 = arith.constant 128 : i32
      %mul3A_127 = arith.muli %add3A_125, %mul3A_126 : i32
      %add3A_128 = arith.addi %mul3A_2, %mul3A_127 : i32
      "tpu.region"() ({
        %run_scoped3A = tpu.sem_alloc : memref<!tpu.dma_semaphore, #tpu.memory_space<semaphore_mem>>
        %dma_start3A_167 = arith.constant 0 : i32
        %dma_start3A_168 = tpu.memref_slice %arg4[%add3A_128, %dma_start3A_167] : memref<1605632x32xbf16, #tpu.memory_space<hbm>> -> memref<128x32xbf16, #tpu.memory_space<hbm>>
        %dma_start3A_169 = arith.constant 0 : i32
        %dma_start3A_170 = tpu.memref_slice %arg4[%add3A_128, %dma_start3A_169] : memref<1605632x32xbf16, #tpu.memory_space<hbm>> -> memref<128x32xbf16, #tpu.memory_space<hbm>>
        tpu.enqueue_dma source(%arg8 : memref<128x32xbf16, #tpu.memory_space<vmem>>) target(%dma_start3A_170 : memref<128x32xbf16, #tpu.memory_space<hbm>>) target_semaphore(%run_scoped3A : memref<!tpu.dma_semaphore, #tpu.memory_space<semaphore_mem>>)
        %dma_wait3A_171 = arith.constant 0 : i32
        %dma_wait3A_172 = tpu.memref_slice %arg4[%add3A_128, %dma_wait3A_171] : memref<1605632x32xbf16, #tpu.memory_space<hbm>> -> memref<128x32xbf16, #tpu.memory_space<hbm>>
        %dma_wait3A_173 = arith.constant 0 : i32
        %dma_wait3A_174 = tpu.memref_slice %arg4[%add3A_128, %dma_wait3A_173] : memref<1605632x32xbf16, #tpu.memory_space<hbm>> -> memref<128x32xbf16, #tpu.memory_space<hbm>>
        tpu.wait_dma2 semaphore(%run_scoped3A : memref<!tpu.dma_semaphore, #tpu.memory_space<semaphore_mem>>) src(%arg8 : memref<128x32xbf16, #tpu.memory_space<vmem>>) dst(%dma_wait3A_174 : memref<128x32xbf16, #tpu.memory_space<hbm>>)
        tpu.yield
      }) : () -> ()
      %add3A_129 = arith.constant 2 : i32
      %add3A_130 = arith.addi %mul3A_66, %add3A_129 : i32
      %add3A_131 = arith.constant 4 : i32
      %add3A_132 = arith.addi %add3A_130, %add3A_131 : i32
      %rem3A_133 = arith.constant 392 : i32
      %rem3A_134 = arith.remsi %add3A_132, %rem3A_133 : i32
      %dma_start3A_135 = arith.constant 0 : i32
      %dma_start3A_136 = tpu.memref_slice %arg5[%rem3A_134, %dma_start3A_135] : memref<392x128xi32, #tpu.memory_space<vmem>> -> memref<1x128xi32, #tpu.memory_space<vmem>>
      %dma_start3A_137 = tpu.memref_squeeze %dma_start3A_136 : memref<1x128xi32, #tpu.memory_space<vmem>> -> memref<128xi32, #tpu.memory_space<vmem>>
      %dma_start3A_138 = arith.constant 0 : i32
      %dma_start3A_139 = arith.constant 0 : i32
      %dma_start3A_140 = tpu.memref_slice %arg2[%dma_start3A_138, %dma_start3A_139] : memref<50000x32xbf16, #tpu.memory_space<hbm>> -> memref<50000x32xbf16, #tpu.memory_space<hbm>>
      tpu.enqueue_indirect_dma source(%dma_start3A_140 : memref<50000x32xbf16, #tpu.memory_space<hbm>>) target(%arg8 : memref<128x32xbf16, #tpu.memory_space<vmem>>) offsets(%dma_start3A_137 : memref<128xi32, #tpu.memory_space<vmem>>) semaphore(%arg12 : memref<!tpu.dma_semaphore, #tpu.memory_space<semaphore_mem>>)
      %add3A_141 = arith.constant 3 : i32
      %add3A_142 = arith.addi %mul3A_66, %add3A_141 : i32
      %dma_wait3A_143 = arith.constant 0 : i32
      %dma_wait3A_144 = tpu.memref_slice %arg5[%add3A_142, %dma_wait3A_143] : memref<392x128xi32, #tpu.memory_space<vmem>> -> memref<1x128xi32, #tpu.memory_space<vmem>>
      %dma_wait3A_145 = tpu.memref_squeeze %dma_wait3A_144 : memref<1x128xi32, #tpu.memory_space<vmem>> -> memref<128xi32, #tpu.memory_space<vmem>>
      %dma_wait3A_146 = arith.constant 0 : i32
      %dma_wait3A_147 = arith.constant 0 : i32
      %dma_wait3A_148 = tpu.memref_slice %arg2[%dma_wait3A_146, %dma_wait3A_147] : memref<50000x32xbf16, #tpu.memory_space<hbm>> -> memref<50000x32xbf16, #tpu.memory_space<hbm>>
      tpu.wait_indirect_dma semaphore(%arg13 : memref<!tpu.dma_semaphore, #tpu.memory_space<semaphore_mem>>) src(%dma_wait3A_148 : memref<50000x32xbf16, #tpu.memory_space<hbm>>) dst(%arg9 : memref<128x32xbf16, #tpu.memory_space<vmem>>)
      %add3A_149 = arith.constant 3 : i32
      %add3A_150 = arith.addi %mul3A_66, %add3A_149 : i32
      %mul3A_151 = arith.constant 128 : i32
      %mul3A_152 = arith.muli %add3A_150, %mul3A_151 : i32
      %add3A_153 = arith.addi %mul3A_2, %mul3A_152 : i32
      "tpu.region"() ({
        %run_scoped3A = tpu.sem_alloc : memref<!tpu.dma_semaphore, #tpu.memory_space<semaphore_mem>>
        %dma_start3A_167 = arith.constant 0 : i32
        %dma_start3A_168 = tpu.memref_slice %arg4[%add3A_153, %dma_start3A_167] : memref<1605632x32xbf16, #tpu.memory_space<hbm>> -> memref<128x32xbf16, #tpu.memory_space<hbm>>
        %dma_start3A_169 = arith.constant 0 : i32
        %dma_start3A_170 = tpu.memref_slice %arg4[%add3A_153, %dma_start3A_169] : memref<1605632x32xbf16, #tpu.memory_space<hbm>> -> memref<128x32xbf16, #tpu.memory_space<hbm>>
        tpu.enqueue_dma source(%arg9 : memref<128x32xbf16, #tpu.memory_space<vmem>>) target(%dma_start3A_170 : memref<128x32xbf16, #tpu.memory_space<hbm>>) target_semaphore(%run_scoped3A : memref<!tpu.dma_semaphore, #tpu.memory_space<semaphore_mem>>)
        %dma_wait3A_171 = arith.constant 0 : i32
        %dma_wait3A_172 = tpu.memref_slice %arg4[%add3A_153, %dma_wait3A_171] : memref<1605632x32xbf16, #tpu.memory_space<hbm>> -> memref<128x32xbf16, #tpu.memory_space<hbm>>
        %dma_wait3A_173 = arith.constant 0 : i32
        %dma_wait3A_174 = tpu.memref_slice %arg4[%add3A_153, %dma_wait3A_173] : memref<1605632x32xbf16, #tpu.memory_space<hbm>> -> memref<128x32xbf16, #tpu.memory_space<hbm>>
        tpu.wait_dma2 semaphore(%run_scoped3A : memref<!tpu.dma_semaphore, #tpu.memory_space<semaphore_mem>>) src(%arg9 : memref<128x32xbf16, #tpu.memory_space<vmem>>) dst(%dma_wait3A_174 : memref<128x32xbf16, #tpu.memory_space<hbm>>)
        tpu.yield
      }) : () -> ()
      %add3A_154 = arith.constant 3 : i32
      %add3A_155 = arith.addi %mul3A_66, %add3A_154 : i32
      %add3A_156 = arith.constant 4 : i32
      %add3A_157 = arith.addi %add3A_155, %add3A_156 : i32
      %rem3A_158 = arith.constant 392 : i32
      %rem3A_159 = arith.remsi %add3A_157, %rem3A_158 : i32
      %dma_start3A_160 = arith.constant 0 : i32
      %dma_start3A_161 = tpu.memref_slice %arg5[%rem3A_159, %dma_start3A_160] : memref<392x128xi32, #tpu.memory_space<vmem>> -> memref<1x128xi32, #tpu.memory_space<vmem>>
      %dma_start3A_162 = tpu.memref_squeeze %dma_start3A_161 : memref<1x128xi32, #tpu.memory_space<vmem>> -> memref<128xi32, #tpu.memory_space<vmem>>
      %dma_start3A_163 = arith.constant 0 : i32
      %dma_start3A_164 = arith.constant 0 : i32
      %dma_start3A_165 = tpu.memref_slice %arg2[%dma_start3A_163, %dma_start3A_164] : memref<50000x32xbf16, #tpu.memory_space<hbm>> -> memref<50000x32xbf16, #tpu.memory_space<hbm>>
      tpu.enqueue_indirect_dma source(%dma_start3A_165 : memref<50000x32xbf16, #tpu.memory_space<hbm>>) target(%arg9 : memref<128x32xbf16, #tpu.memory_space<vmem>>) offsets(%dma_start3A_162 : memref<128xi32, #tpu.memory_space<vmem>>) semaphore(%arg13 : memref<!tpu.dma_semaphore, #tpu.memory_space<semaphore_mem>>)
      %scan3A_166 = arith.constant 0 : i32
      scf.yield %scan3A_166 : i32
    }
    %scan3A_35 = arith.constant 98 : i32
    %dma_wait3A = arith.constant 0 : i32
    %dma_wait3A_36 = arith.constant 0 : i32
    %dma_wait3A_37 = tpu.memref_slice %arg5[%dma_wait3A, %dma_wait3A_36] : memref<392x128xi32, #tpu.memory_space<vmem>> -> memref<1x128xi32, #tpu.memory_space<vmem>>
    %dma_wait3A_38 = tpu.memref_squeeze %dma_wait3A_37 : memref<1x128xi32, #tpu.memory_space<vmem>> -> memref<128xi32, #tpu.memory_space<vmem>>
    %dma_wait3A_39 = arith.constant 0 : i32
    %dma_wait3A_40 = arith.constant 0 : i32
    %dma_wait3A_41 = tpu.memref_slice %arg2[%dma_wait3A_39, %dma_wait3A_40] : memref<50000x32xbf16, #tpu.memory_space<hbm>> -> memref<50000x32xbf16, #tpu.memory_space<hbm>>
    tpu.wait_indirect_dma semaphore(%arg10 : memref<!tpu.dma_semaphore, #tpu.memory_space<semaphore_mem>>) src(%dma_wait3A_41 : memref<50000x32xbf16, #tpu.memory_space<hbm>>) dst(%arg6 : memref<128x32xbf16, #tpu.memory_space<vmem>>)
    %dma_wait3A_42 = arith.constant 1 : i32
    %dma_wait3A_43 = arith.constant 0 : i32
    %dma_wait3A_44 = tpu.memref_slice %arg5[%dma_wait3A_42, %dma_wait3A_43] : memref<392x128xi32, #tpu.memory_space<vmem>> -> memref<1x128xi32, #tpu.memory_space<vmem>>
    %dma_wait3A_45 = tpu.memref_squeeze %dma_wait3A_44 : memref<1x128xi32, #tpu.memory_space<vmem>> -> memref<128xi32, #tpu.memory_space<vmem>>
    %dma_wait3A_46 = arith.constant 0 : i32
    %dma_wait3A_47 = arith.constant 0 : i32
    %dma_wait3A_48 = tpu.memref_slice %arg2[%dma_wait3A_46, %dma_wait3A_47] : memref<50000x32xbf16, #tpu.memory_space<hbm>> -> memref<50000x32xbf16, #tpu.memory_space<hbm>>
    tpu.wait_indirect_dma semaphore(%arg11 : memref<!tpu.dma_semaphore, #tpu.memory_space<semaphore_mem>>) src(%dma_wait3A_48 : memref<50000x32xbf16, #tpu.memory_space<hbm>>) dst(%arg7 : memref<128x32xbf16, #tpu.memory_space<vmem>>)
    %dma_wait3A_49 = arith.constant 2 : i32
    %dma_wait3A_50 = arith.constant 0 : i32
    %dma_wait3A_51 = tpu.memref_slice %arg5[%dma_wait3A_49, %dma_wait3A_50] : memref<392x128xi32, #tpu.memory_space<vmem>> -> memref<1x128xi32, #tpu.memory_space<vmem>>
    %dma_wait3A_52 = tpu.memref_squeeze %dma_wait3A_51 : memref<1x128xi32, #tpu.memory_space<vmem>> -> memref<128xi32, #tpu.memory_space<vmem>>
    %dma_wait3A_53 = arith.constant 0 : i32
    %dma_wait3A_54 = arith.constant 0 : i32
    %dma_wait3A_55 = tpu.memref_slice %arg2[%dma_wait3A_53, %dma_wait3A_54] : memref<50000x32xbf16, #tpu.memory_space<hbm>> -> memref<50000x32xbf16, #tpu.memory_space<hbm>>
    tpu.wait_indirect_dma semaphore(%arg12 : memref<!tpu.dma_semaphore, #tpu.memory_space<semaphore_mem>>) src(%dma_wait3A_55 : memref<50000x32xbf16, #tpu.memory_space<hbm>>) dst(%arg8 : memref<128x32xbf16, #tpu.memory_space<vmem>>)
    %dma_wait3A_56 = arith.constant 3 : i32
    %dma_wait3A_57 = arith.constant 0 : i32
    %dma_wait3A_58 = tpu.memref_slice %arg5[%dma_wait3A_56, %dma_wait3A_57] : memref<392x128xi32, #tpu.memory_space<vmem>> -> memref<1x128xi32, #tpu.memory_space<vmem>>
    %dma_wait3A_59 = tpu.memref_squeeze %dma_wait3A_58 : memref<1x128xi32, #tpu.memory_space<vmem>> -> memref<128xi32, #tpu.memory_space<vmem>>
    %dma_wait3A_60 = arith.constant 0 : i32
    %dma_wait3A_61 = arith.constant 0 : i32
    %dma_wait3A_62 = tpu.memref_slice %arg2[%dma_wait3A_60, %dma_wait3A_61] : memref<50000x32xbf16, #tpu.memory_space<hbm>> -> memref<50000x32xbf16, #tpu.memory_space<hbm>>
    tpu.wait_indirect_dma semaphore(%arg13 : memref<!tpu.dma_semaphore, #tpu.memory_space<semaphore_mem>>) src(%dma_wait3A_62 : memref<50000x32xbf16, #tpu.memory_space<hbm>>) dst(%arg9 : memref<128x32xbf16, #tpu.memory_space<vmem>>)
    return
  }
}

#map = affine_map<(d0, d1) -> (0, 0, 0, 0)>
#map1 = affine_map<(d0, d1) -> (0, 0)>
#map2 = affine_map<(d0, d1) -> (0, 0, 0)>
module attributes {stable_mosaic.version = 14 : i64} {
  func.func @_count_body(%arg0: i32, %arg1: i32, %arg2: memref<2x16x392x128xi32, #tpu.memory_space<hbm>>, %arg3: memref<128x16xf32, #tpu.memory_space<hbm>>, %arg4: memref<128x16xf32, #tpu.memory_space<hbm>>, %arg5: memref<2x51200x16xf32, #tpu.memory_space<hbm>>, %arg6: memref<392x128xi32, #tpu.memory_space<vmem>>, %arg7: memref<128x16xf32, #tpu.memory_space<vmem>>, %arg8: memref<128x16xf32, #tpu.memory_space<vmem>>, %arg9: memref<51200x16xf32, #tpu.memory_space<vmem_shared>>, %arg10: memref<!tpu.dma_semaphore, #tpu.memory_space<semaphore_mem>>) attributes {dimension_semantics = [#tpu.dimension_semantics<core_parallel>, #tpu.dimension_semantics<subcore_parallel>], iteration_bounds = array<i64: 2, 16>, scalar_prefetch = 0 : i64, scratch_operands = 5 : i64, tpu.core_type = #tpu.core_type<sc_vector_subcore>, window_params = [{transform_indices = #map}, {transform_indices = #map1}, {transform_indices = #map1}, {transform_indices = #map2}]} {
    "tpu.region"() ({
      %run_scoped3A = tpu.sem_alloc : memref<!tpu.dma_semaphore, #tpu.memory_space<semaphore_mem>>
      tpu.enqueue_dma source(%arg4 : memref<128x16xf32, #tpu.memory_space<hbm>>) target(%arg8 : memref<128x16xf32, #tpu.memory_space<vmem>>) target_semaphore(%run_scoped3A : memref<!tpu.dma_semaphore, #tpu.memory_space<semaphore_mem>>)
      tpu.wait_dma2 semaphore(%run_scoped3A : memref<!tpu.dma_semaphore, #tpu.memory_space<semaphore_mem>>) src(%arg4 : memref<128x16xf32, #tpu.memory_space<hbm>>) dst(%arg8 : memref<128x16xf32, #tpu.memory_space<vmem>>)
      tpu.yield
    }) : () -> ()
    %scan3A = arith.constant 0 : i32
    %scan3A_0 = arith.constant 0 : i32
    %scan3A_1 = arith.constant 25 : i32
    %scan3A_2 = arith.addi %scan3A_0, %scan3A_1 : i32
    %scan3A_3 = arith.constant 1 : i32
    %scan3A_4 = scf.for %scan3A_21 = %scan3A_0 to %scan3A_2 step %scan3A_3 iter_args(%scan3A_22 = %scan3A) -> (i32)  : i32 {
      %mul3A = arith.constant 3200 : i32
      %mul3A_23 = arith.muli %arg1, %mul3A : i32
      %mul3A_24 = arith.constant 128 : i32
      %mul3A_25 = arith.muli %scan3A_21, %mul3A_24 : i32
      %add3A = arith.addi %mul3A_23, %mul3A_25 : i32
      "tpu.region"() ({
        %run_scoped3A = tpu.sem_alloc : memref<!tpu.dma_semaphore, #tpu.memory_space<semaphore_mem>>
        %dma_start3A = arith.constant 0 : i32
        %dma_start3A_27 = tpu.memref_slice %arg9[%add3A, %dma_start3A] : memref<51200x16xf32, #tpu.memory_space<vmem_shared>> -> memref<128x16xf32, #tpu.memory_space<vmem_shared>>
        %dma_start3A_28 = arith.constant 0 : i32
        %dma_start3A_29 = tpu.memref_slice %arg9[%add3A, %dma_start3A_28] : memref<51200x16xf32, #tpu.memory_space<vmem_shared>> -> memref<128x16xf32, #tpu.memory_space<vmem_shared>>
        tpu.enqueue_dma source(%arg8 : memref<128x16xf32, #tpu.memory_space<vmem>>) target(%dma_start3A_29 : memref<128x16xf32, #tpu.memory_space<vmem_shared>>) target_semaphore(%run_scoped3A : memref<!tpu.dma_semaphore, #tpu.memory_space<semaphore_mem>>)
        %dma_wait3A = arith.constant 0 : i32
        %dma_wait3A_30 = tpu.memref_slice %arg9[%add3A, %dma_wait3A] : memref<51200x16xf32, #tpu.memory_space<vmem_shared>> -> memref<128x16xf32, #tpu.memory_space<vmem_shared>>
        %dma_wait3A_31 = arith.constant 0 : i32
        %dma_wait3A_32 = tpu.memref_slice %arg9[%add3A, %dma_wait3A_31] : memref<51200x16xf32, #tpu.memory_space<vmem_shared>> -> memref<128x16xf32, #tpu.memory_space<vmem_shared>>
        tpu.wait_dma2 semaphore(%run_scoped3A : memref<!tpu.dma_semaphore, #tpu.memory_space<semaphore_mem>>) src(%arg8 : memref<128x16xf32, #tpu.memory_space<vmem>>) dst(%dma_wait3A_32 : memref<128x16xf32, #tpu.memory_space<vmem_shared>>)
        tpu.yield
      }) : () -> ()
      %scan3A_26 = arith.constant 0 : i32
      scf.yield %scan3A_26 : i32
    }
    %scan3A_5 = arith.constant 25 : i32
    "tpu.region"() ({
      %run_scoped3A = tpu.sem_alloc : memref<!tpu.dma_semaphore, #tpu.memory_space<semaphore_mem>>
      tpu.enqueue_dma source(%arg3 : memref<128x16xf32, #tpu.memory_space<hbm>>) target(%arg7 : memref<128x16xf32, #tpu.memory_space<vmem>>) target_semaphore(%run_scoped3A : memref<!tpu.dma_semaphore, #tpu.memory_space<semaphore_mem>>)
      tpu.wait_dma2 semaphore(%run_scoped3A : memref<!tpu.dma_semaphore, #tpu.memory_space<semaphore_mem>>) src(%arg3 : memref<128x16xf32, #tpu.memory_space<hbm>>) dst(%arg7 : memref<128x16xf32, #tpu.memory_space<vmem>>)
      tpu.yield
    }) : () -> ()
    "tpu.region"() ({
      %run_scoped3A = tpu.sem_alloc : memref<!tpu.dma_semaphore, #tpu.memory_space<semaphore_mem>>
      %dma_start3A = arith.constant 0 : i32
      %dma_start3A_21 = arith.constant 0 : i32
      %dma_start3A_22 = tpu.memref_slice %arg2[%arg0, %arg1, %dma_start3A, %dma_start3A_21] : memref<2x16x392x128xi32, #tpu.memory_space<hbm>> -> memref<1x1x392x128xi32, #tpu.memory_space<hbm>>
      %dma_start3A_23 = tpu.memref_squeeze %dma_start3A_22 : memref<1x1x392x128xi32, #tpu.memory_space<hbm>> -> memref<392x128xi32, #tpu.memory_space<hbm>>
      %dma_start3A_24 = arith.constant 0 : i32
      %dma_start3A_25 = arith.constant 0 : i32
      %dma_start3A_26 = tpu.memref_slice %arg2[%arg0, %arg1, %dma_start3A_24, %dma_start3A_25] : memref<2x16x392x128xi32, #tpu.memory_space<hbm>> -> memref<1x1x392x128xi32, #tpu.memory_space<hbm>>
      %dma_start3A_27 = tpu.memref_squeeze %dma_start3A_26 : memref<1x1x392x128xi32, #tpu.memory_space<hbm>> -> memref<392x128xi32, #tpu.memory_space<hbm>>
      tpu.enqueue_dma source(%dma_start3A_27 : memref<392x128xi32, #tpu.memory_space<hbm>>) target(%arg6 : memref<392x128xi32, #tpu.memory_space<vmem>>) target_semaphore(%run_scoped3A : memref<!tpu.dma_semaphore, #tpu.memory_space<semaphore_mem>>)
      %dma_wait3A = arith.constant 0 : i32
      %dma_wait3A_28 = arith.constant 0 : i32
      %dma_wait3A_29 = tpu.memref_slice %arg2[%arg0, %arg1, %dma_wait3A, %dma_wait3A_28] : memref<2x16x392x128xi32, #tpu.memory_space<hbm>> -> memref<1x1x392x128xi32, #tpu.memory_space<hbm>>
      %dma_wait3A_30 = tpu.memref_squeeze %dma_wait3A_29 : memref<1x1x392x128xi32, #tpu.memory_space<hbm>> -> memref<392x128xi32, #tpu.memory_space<hbm>>
      %dma_wait3A_31 = arith.constant 0 : i32
      %dma_wait3A_32 = arith.constant 0 : i32
      %dma_wait3A_33 = tpu.memref_slice %arg2[%arg0, %arg1, %dma_wait3A_31, %dma_wait3A_32] : memref<2x16x392x128xi32, #tpu.memory_space<hbm>> -> memref<1x1x392x128xi32, #tpu.memory_space<hbm>>
      %dma_wait3A_34 = tpu.memref_squeeze %dma_wait3A_33 : memref<1x1x392x128xi32, #tpu.memory_space<hbm>> -> memref<392x128xi32, #tpu.memory_space<hbm>>
      tpu.wait_dma2 semaphore(%run_scoped3A : memref<!tpu.dma_semaphore, #tpu.memory_space<semaphore_mem>>) src(%dma_wait3A_34 : memref<392x128xi32, #tpu.memory_space<hbm>>) dst(%arg6 : memref<392x128xi32, #tpu.memory_space<vmem>>)
      tpu.yield
    }) : () -> ()
    %barrier3A = arith.constant 0 : index
    tpu.barrier barrier_id(%barrier3A)
    %scan3A_6 = arith.constant 0 : i32
    %scan3A_7 = arith.constant 0 : i32
    %scan3A_8 = arith.constant 49 : i32
    %scan3A_9 = arith.addi %scan3A_7, %scan3A_8 : i32
    %scan3A_10 = arith.constant 1 : i32
    %scan3A_11 = scf.for %scan3A_21 = %scan3A_7 to %scan3A_9 step %scan3A_10 iter_args(%scan3A_22 = %scan3A_6) -> (i32)  : i32 {
      %mul3A = arith.constant 8 : i32
      %mul3A_23 = arith.muli %mul3A, %scan3A_21 : i32
      %add3A = arith.constant 0 : i32
      %add3A_24 = arith.addi %mul3A_23, %add3A : i32
      %dma_start3A = arith.constant 0 : i32
      %dma_start3A_25 = tpu.memref_slice %arg6[%add3A_24, %dma_start3A] : memref<392x128xi32, #tpu.memory_space<vmem>> -> memref<1x128xi32, #tpu.memory_space<vmem>>
      %dma_start3A_26 = tpu.memref_squeeze %dma_start3A_25 : memref<1x128xi32, #tpu.memory_space<vmem>> -> memref<128xi32, #tpu.memory_space<vmem>>
      %dma_start3A_27 = arith.constant 0 : i32
      %dma_start3A_28 = arith.constant 0 : i32
      %dma_start3A_29 = tpu.memref_slice %arg9[%dma_start3A_27, %dma_start3A_28] : memref<51200x16xf32, #tpu.memory_space<vmem_shared>> -> memref<51200x16xf32, #tpu.memory_space<vmem_shared>>
      tpu.enqueue_indirect_dma source(%arg7 : memref<128x16xf32, #tpu.memory_space<vmem>>) target(%dma_start3A_29 : memref<51200x16xf32, #tpu.memory_space<vmem_shared>>) offsets(%dma_start3A_26 : memref<128xi32, #tpu.memory_space<vmem>>) semaphore(%arg10 : memref<!tpu.dma_semaphore, #tpu.memory_space<semaphore_mem>>) {add = true}
      %mul3A_30 = arith.constant 8 : i32
      %mul3A_31 = arith.muli %mul3A_30, %scan3A_21 : i32
      %add3A_32 = arith.constant 1 : i32
      %add3A_33 = arith.addi %mul3A_31, %add3A_32 : i32
      %dma_start3A_34 = arith.constant 0 : i32
      %dma_start3A_35 = tpu.memref_slice %arg6[%add3A_33, %dma_start3A_34] : memref<392x128xi32, #tpu.memory_space<vmem>> -> memref<1x128xi32, #tpu.memory_space<vmem>>
      %dma_start3A_36 = tpu.memref_squeeze %dma_start3A_35 : memref<1x128xi32, #tpu.memory_space<vmem>> -> memref<128xi32, #tpu.memory_space<vmem>>
      %dma_start3A_37 = arith.constant 0 : i32
      %dma_start3A_38 = arith.constant 0 : i32
      %dma_start3A_39 = tpu.memref_slice %arg9[%dma_start3A_37, %dma_start3A_38] : memref<51200x16xf32, #tpu.memory_space<vmem_shared>> -> memref<51200x16xf32, #tpu.memory_space<vmem_shared>>
      tpu.enqueue_indirect_dma source(%arg7 : memref<128x16xf32, #tpu.memory_space<vmem>>) target(%dma_start3A_39 : memref<51200x16xf32, #tpu.memory_space<vmem_shared>>) offsets(%dma_start3A_36 : memref<128xi32, #tpu.memory_space<vmem>>) semaphore(%arg10 : memref<!tpu.dma_semaphore, #tpu.memory_space<semaphore_mem>>) {add = true}
      %mul3A_40 = arith.constant 8 : i32
      %mul3A_41 = arith.muli %mul3A_40, %scan3A_21 : i32
      %add3A_42 = arith.constant 2 : i32
      %add3A_43 = arith.addi %mul3A_41, %add3A_42 : i32
      %dma_start3A_44 = arith.constant 0 : i32
      %dma_start3A_45 = tpu.memref_slice %arg6[%add3A_43, %dma_start3A_44] : memref<392x128xi32, #tpu.memory_space<vmem>> -> memref<1x128xi32, #tpu.memory_space<vmem>>
      %dma_start3A_46 = tpu.memref_squeeze %dma_start3A_45 : memref<1x128xi32, #tpu.memory_space<vmem>> -> memref<128xi32, #tpu.memory_space<vmem>>
      %dma_start3A_47 = arith.constant 0 : i32
      %dma_start3A_48 = arith.constant 0 : i32
      %dma_start3A_49 = tpu.memref_slice %arg9[%dma_start3A_47, %dma_start3A_48] : memref<51200x16xf32, #tpu.memory_space<vmem_shared>> -> memref<51200x16xf32, #tpu.memory_space<vmem_shared>>
      tpu.enqueue_indirect_dma source(%arg7 : memref<128x16xf32, #tpu.memory_space<vmem>>) target(%dma_start3A_49 : memref<51200x16xf32, #tpu.memory_space<vmem_shared>>) offsets(%dma_start3A_46 : memref<128xi32, #tpu.memory_space<vmem>>) semaphore(%arg10 : memref<!tpu.dma_semaphore, #tpu.memory_space<semaphore_mem>>) {add = true}
      %mul3A_50 = arith.constant 8 : i32
      %mul3A_51 = arith.muli %mul3A_50, %scan3A_21 : i32
      %add3A_52 = arith.constant 3 : i32
      %add3A_53 = arith.addi %mul3A_51, %add3A_52 : i32
      %dma_start3A_54 = arith.constant 0 : i32
      %dma_start3A_55 = tpu.memref_slice %arg6[%add3A_53, %dma_start3A_54] : memref<392x128xi32, #tpu.memory_space<vmem>> -> memref<1x128xi32, #tpu.memory_space<vmem>>
      %dma_start3A_56 = tpu.memref_squeeze %dma_start3A_55 : memref<1x128xi32, #tpu.memory_space<vmem>> -> memref<128xi32, #tpu.memory_space<vmem>>
      %dma_start3A_57 = arith.constant 0 : i32
      %dma_start3A_58 = arith.constant 0 : i32
      %dma_start3A_59 = tpu.memref_slice %arg9[%dma_start3A_57, %dma_start3A_58] : memref<51200x16xf32, #tpu.memory_space<vmem_shared>> -> memref<51200x16xf32, #tpu.memory_space<vmem_shared>>
      tpu.enqueue_indirect_dma source(%arg7 : memref<128x16xf32, #tpu.memory_space<vmem>>) target(%dma_start3A_59 : memref<51200x16xf32, #tpu.memory_space<vmem_shared>>) offsets(%dma_start3A_56 : memref<128xi32, #tpu.memory_space<vmem>>) semaphore(%arg10 : memref<!tpu.dma_semaphore, #tpu.memory_space<semaphore_mem>>) {add = true}
      %mul3A_60 = arith.constant 8 : i32
      %mul3A_61 = arith.muli %mul3A_60, %scan3A_21 : i32
      %add3A_62 = arith.constant 4 : i32
      %add3A_63 = arith.addi %mul3A_61, %add3A_62 : i32
      %dma_start3A_64 = arith.constant 0 : i32
      %dma_start3A_65 = tpu.memref_slice %arg6[%add3A_63, %dma_start3A_64] : memref<392x128xi32, #tpu.memory_space<vmem>> -> memref<1x128xi32, #tpu.memory_space<vmem>>
      %dma_start3A_66 = tpu.memref_squeeze %dma_start3A_65 : memref<1x128xi32, #tpu.memory_space<vmem>> -> memref<128xi32, #tpu.memory_space<vmem>>
      %dma_start3A_67 = arith.constant 0 : i32
      %dma_start3A_68 = arith.constant 0 : i32
      %dma_start3A_69 = tpu.memref_slice %arg9[%dma_start3A_67, %dma_start3A_68] : memref<51200x16xf32, #tpu.memory_space<vmem_shared>> -> memref<51200x16xf32, #tpu.memory_space<vmem_shared>>
      tpu.enqueue_indirect_dma source(%arg7 : memref<128x16xf32, #tpu.memory_space<vmem>>) target(%dma_start3A_69 : memref<51200x16xf32, #tpu.memory_space<vmem_shared>>) offsets(%dma_start3A_66 : memref<128xi32, #tpu.memory_space<vmem>>) semaphore(%arg10 : memref<!tpu.dma_semaphore, #tpu.memory_space<semaphore_mem>>) {add = true}
      %mul3A_70 = arith.constant 8 : i32
      %mul3A_71 = arith.muli %mul3A_70, %scan3A_21 : i32
      %add3A_72 = arith.constant 5 : i32
      %add3A_73 = arith.addi %mul3A_71, %add3A_72 : i32
      %dma_start3A_74 = arith.constant 0 : i32
      %dma_start3A_75 = tpu.memref_slice %arg6[%add3A_73, %dma_start3A_74] : memref<392x128xi32, #tpu.memory_space<vmem>> -> memref<1x128xi32, #tpu.memory_space<vmem>>
      %dma_start3A_76 = tpu.memref_squeeze %dma_start3A_75 : memref<1x128xi32, #tpu.memory_space<vmem>> -> memref<128xi32, #tpu.memory_space<vmem>>
      %dma_start3A_77 = arith.constant 0 : i32
      %dma_start3A_78 = arith.constant 0 : i32
      %dma_start3A_79 = tpu.memref_slice %arg9[%dma_start3A_77, %dma_start3A_78] : memref<51200x16xf32, #tpu.memory_space<vmem_shared>> -> memref<51200x16xf32, #tpu.memory_space<vmem_shared>>
      tpu.enqueue_indirect_dma source(%arg7 : memref<128x16xf32, #tpu.memory_space<vmem>>) target(%dma_start3A_79 : memref<51200x16xf32, #tpu.memory_space<vmem_shared>>) offsets(%dma_start3A_76 : memref<128xi32, #tpu.memory_space<vmem>>) semaphore(%arg10 : memref<!tpu.dma_semaphore, #tpu.memory_space<semaphore_mem>>) {add = true}
      %mul3A_80 = arith.constant 8 : i32
      %mul3A_81 = arith.muli %mul3A_80, %scan3A_21 : i32
      %add3A_82 = arith.constant 6 : i32
      %add3A_83 = arith.addi %mul3A_81, %add3A_82 : i32
      %dma_start3A_84 = arith.constant 0 : i32
      %dma_start3A_85 = tpu.memref_slice %arg6[%add3A_83, %dma_start3A_84] : memref<392x128xi32, #tpu.memory_space<vmem>> -> memref<1x128xi32, #tpu.memory_space<vmem>>
      %dma_start3A_86 = tpu.memref_squeeze %dma_start3A_85 : memref<1x128xi32, #tpu.memory_space<vmem>> -> memref<128xi32, #tpu.memory_space<vmem>>
      %dma_start3A_87 = arith.constant 0 : i32
      %dma_start3A_88 = arith.constant 0 : i32
      %dma_start3A_89 = tpu.memref_slice %arg9[%dma_start3A_87, %dma_start3A_88] : memref<51200x16xf32, #tpu.memory_space<vmem_shared>> -> memref<51200x16xf32, #tpu.memory_space<vmem_shared>>
      tpu.enqueue_indirect_dma source(%arg7 : memref<128x16xf32, #tpu.memory_space<vmem>>) target(%dma_start3A_89 : memref<51200x16xf32, #tpu.memory_space<vmem_shared>>) offsets(%dma_start3A_86 : memref<128xi32, #tpu.memory_space<vmem>>) semaphore(%arg10 : memref<!tpu.dma_semaphore, #tpu.memory_space<semaphore_mem>>) {add = true}
      %mul3A_90 = arith.constant 8 : i32
      %mul3A_91 = arith.muli %mul3A_90, %scan3A_21 : i32
      %add3A_92 = arith.constant 7 : i32
      %add3A_93 = arith.addi %mul3A_91, %add3A_92 : i32
      %dma_start3A_94 = arith.constant 0 : i32
      %dma_start3A_95 = tpu.memref_slice %arg6[%add3A_93, %dma_start3A_94] : memref<392x128xi32, #tpu.memory_space<vmem>> -> memref<1x128xi32, #tpu.memory_space<vmem>>
      %dma_start3A_96 = tpu.memref_squeeze %dma_start3A_95 : memref<1x128xi32, #tpu.memory_space<vmem>> -> memref<128xi32, #tpu.memory_space<vmem>>
      %dma_start3A_97 = arith.constant 0 : i32
      %dma_start3A_98 = arith.constant 0 : i32
      %dma_start3A_99 = tpu.memref_slice %arg9[%dma_start3A_97, %dma_start3A_98] : memref<51200x16xf32, #tpu.memory_space<vmem_shared>> -> memref<51200x16xf32, #tpu.memory_space<vmem_shared>>
      tpu.enqueue_indirect_dma source(%arg7 : memref<128x16xf32, #tpu.memory_space<vmem>>) target(%dma_start3A_99 : memref<51200x16xf32, #tpu.memory_space<vmem_shared>>) offsets(%dma_start3A_96 : memref<128xi32, #tpu.memory_space<vmem>>) semaphore(%arg10 : memref<!tpu.dma_semaphore, #tpu.memory_space<semaphore_mem>>) {add = true}
      %mul3A_100 = arith.constant 8 : i32
      %mul3A_101 = arith.muli %mul3A_100, %scan3A_21 : i32
      %add3A_102 = arith.constant 0 : i32
      %add3A_103 = arith.addi %mul3A_101, %add3A_102 : i32
      %dma_wait3A = arith.constant 0 : i32
      %dma_wait3A_104 = tpu.memref_slice %arg6[%add3A_103, %dma_wait3A] : memref<392x128xi32, #tpu.memory_space<vmem>> -> memref<1x128xi32, #tpu.memory_space<vmem>>
      %dma_wait3A_105 = tpu.memref_squeeze %dma_wait3A_104 : memref<1x128xi32, #tpu.memory_space<vmem>> -> memref<128xi32, #tpu.memory_space<vmem>>
      %dma_wait3A_106 = arith.constant 0 : i32
      %dma_wait3A_107 = arith.constant 0 : i32
      %dma_wait3A_108 = tpu.memref_slice %arg9[%dma_wait3A_106, %dma_wait3A_107] : memref<51200x16xf32, #tpu.memory_space<vmem_shared>> -> memref<51200x16xf32, #tpu.memory_space<vmem_shared>>
      tpu.wait_indirect_dma semaphore(%arg10 : memref<!tpu.dma_semaphore, #tpu.memory_space<semaphore_mem>>) src(%arg7 : memref<128x16xf32, #tpu.memory_space<vmem>>) dst(%dma_wait3A_108 : memref<51200x16xf32, #tpu.memory_space<vmem_shared>>)
      %mul3A_109 = arith.constant 8 : i32
      %mul3A_110 = arith.muli %mul3A_109, %scan3A_21 : i32
      %add3A_111 = arith.constant 1 : i32
      %add3A_112 = arith.addi %mul3A_110, %add3A_111 : i32
      %dma_wait3A_113 = arith.constant 0 : i32
      %dma_wait3A_114 = tpu.memref_slice %arg6[%add3A_112, %dma_wait3A_113] : memref<392x128xi32, #tpu.memory_space<vmem>> -> memref<1x128xi32, #tpu.memory_space<vmem>>
      %dma_wait3A_115 = tpu.memref_squeeze %dma_wait3A_114 : memref<1x128xi32, #tpu.memory_space<vmem>> -> memref<128xi32, #tpu.memory_space<vmem>>
      %dma_wait3A_116 = arith.constant 0 : i32
      %dma_wait3A_117 = arith.constant 0 : i32
      %dma_wait3A_118 = tpu.memref_slice %arg9[%dma_wait3A_116, %dma_wait3A_117] : memref<51200x16xf32, #tpu.memory_space<vmem_shared>> -> memref<51200x16xf32, #tpu.memory_space<vmem_shared>>
      tpu.wait_indirect_dma semaphore(%arg10 : memref<!tpu.dma_semaphore, #tpu.memory_space<semaphore_mem>>) src(%arg7 : memref<128x16xf32, #tpu.memory_space<vmem>>) dst(%dma_wait3A_118 : memref<51200x16xf32, #tpu.memory_space<vmem_shared>>)
      %mul3A_119 = arith.constant 8 : i32
      %mul3A_120 = arith.muli %mul3A_119, %scan3A_21 : i32
      %add3A_121 = arith.constant 2 : i32
      %add3A_122 = arith.addi %mul3A_120, %add3A_121 : i32
      %dma_wait3A_123 = arith.constant 0 : i32
      %dma_wait3A_124 = tpu.memref_slice %arg6[%add3A_122, %dma_wait3A_123] : memref<392x128xi32, #tpu.memory_space<vmem>> -> memref<1x128xi32, #tpu.memory_space<vmem>>
      %dma_wait3A_125 = tpu.memref_squeeze %dma_wait3A_124 : memref<1x128xi32, #tpu.memory_space<vmem>> -> memref<128xi32, #tpu.memory_space<vmem>>
      %dma_wait3A_126 = arith.constant 0 : i32
      %dma_wait3A_127 = arith.constant 0 : i32
      %dma_wait3A_128 = tpu.memref_slice %arg9[%dma_wait3A_126, %dma_wait3A_127] : memref<51200x16xf32, #tpu.memory_space<vmem_shared>> -> memref<51200x16xf32, #tpu.memory_space<vmem_shared>>
      tpu.wait_indirect_dma semaphore(%arg10 : memref<!tpu.dma_semaphore, #tpu.memory_space<semaphore_mem>>) src(%arg7 : memref<128x16xf32, #tpu.memory_space<vmem>>) dst(%dma_wait3A_128 : memref<51200x16xf32, #tpu.memory_space<vmem_shared>>)
      %mul3A_129 = arith.constant 8 : i32
      %mul3A_130 = arith.muli %mul3A_129, %scan3A_21 : i32
      %add3A_131 = arith.constant 3 : i32
      %add3A_132 = arith.addi %mul3A_130, %add3A_131 : i32
      %dma_wait3A_133 = arith.constant 0 : i32
      %dma_wait3A_134 = tpu.memref_slice %arg6[%add3A_132, %dma_wait3A_133] : memref<392x128xi32, #tpu.memory_space<vmem>> -> memref<1x128xi32, #tpu.memory_space<vmem>>
      %dma_wait3A_135 = tpu.memref_squeeze %dma_wait3A_134 : memref<1x128xi32, #tpu.memory_space<vmem>> -> memref<128xi32, #tpu.memory_space<vmem>>
      %dma_wait3A_136 = arith.constant 0 : i32
      %dma_wait3A_137 = arith.constant 0 : i32
      %dma_wait3A_138 = tpu.memref_slice %arg9[%dma_wait3A_136, %dma_wait3A_137] : memref<51200x16xf32, #tpu.memory_space<vmem_shared>> -> memref<51200x16xf32, #tpu.memory_space<vmem_shared>>
      tpu.wait_indirect_dma semaphore(%arg10 : memref<!tpu.dma_semaphore, #tpu.memory_space<semaphore_mem>>) src(%arg7 : memref<128x16xf32, #tpu.memory_space<vmem>>) dst(%dma_wait3A_138 : memref<51200x16xf32, #tpu.memory_space<vmem_shared>>)
      %mul3A_139 = arith.constant 8 : i32
      %mul3A_140 = arith.muli %mul3A_139, %scan3A_21 : i32
      %add3A_141 = arith.constant 4 : i32
      %add3A_142 = arith.addi %mul3A_140, %add3A_141 : i32
      %dma_wait3A_143 = arith.constant 0 : i32
      %dma_wait3A_144 = tpu.memref_slice %arg6[%add3A_142, %dma_wait3A_143] : memref<392x128xi32, #tpu.memory_space<vmem>> -> memref<1x128xi32, #tpu.memory_space<vmem>>
      %dma_wait3A_145 = tpu.memref_squeeze %dma_wait3A_144 : memref<1x128xi32, #tpu.memory_space<vmem>> -> memref<128xi32, #tpu.memory_space<vmem>>
      %dma_wait3A_146 = arith.constant 0 : i32
      %dma_wait3A_147 = arith.constant 0 : i32
      %dma_wait3A_148 = tpu.memref_slice %arg9[%dma_wait3A_146, %dma_wait3A_147] : memref<51200x16xf32, #tpu.memory_space<vmem_shared>> -> memref<51200x16xf32, #tpu.memory_space<vmem_shared>>
      tpu.wait_indirect_dma semaphore(%arg10 : memref<!tpu.dma_semaphore, #tpu.memory_space<semaphore_mem>>) src(%arg7 : memref<128x16xf32, #tpu.memory_space<vmem>>) dst(%dma_wait3A_148 : memref<51200x16xf32, #tpu.memory_space<vmem_shared>>)
      %mul3A_149 = arith.constant 8 : i32
      %mul3A_150 = arith.muli %mul3A_149, %scan3A_21 : i32
      %add3A_151 = arith.constant 5 : i32
      %add3A_152 = arith.addi %mul3A_150, %add3A_151 : i32
      %dma_wait3A_153 = arith.constant 0 : i32
      %dma_wait3A_154 = tpu.memref_slice %arg6[%add3A_152, %dma_wait3A_153] : memref<392x128xi32, #tpu.memory_space<vmem>> -> memref<1x128xi32, #tpu.memory_space<vmem>>
      %dma_wait3A_155 = tpu.memref_squeeze %dma_wait3A_154 : memref<1x128xi32, #tpu.memory_space<vmem>> -> memref<128xi32, #tpu.memory_space<vmem>>
      %dma_wait3A_156 = arith.constant 0 : i32
      %dma_wait3A_157 = arith.constant 0 : i32
      %dma_wait3A_158 = tpu.memref_slice %arg9[%dma_wait3A_156, %dma_wait3A_157] : memref<51200x16xf32, #tpu.memory_space<vmem_shared>> -> memref<51200x16xf32, #tpu.memory_space<vmem_shared>>
      tpu.wait_indirect_dma semaphore(%arg10 : memref<!tpu.dma_semaphore, #tpu.memory_space<semaphore_mem>>) src(%arg7 : memref<128x16xf32, #tpu.memory_space<vmem>>) dst(%dma_wait3A_158 : memref<51200x16xf32, #tpu.memory_space<vmem_shared>>)
      %mul3A_159 = arith.constant 8 : i32
      %mul3A_160 = arith.muli %mul3A_159, %scan3A_21 : i32
      %add3A_161 = arith.constant 6 : i32
      %add3A_162 = arith.addi %mul3A_160, %add3A_161 : i32
      %dma_wait3A_163 = arith.constant 0 : i32
      %dma_wait3A_164 = tpu.memref_slice %arg6[%add3A_162, %dma_wait3A_163] : memref<392x128xi32, #tpu.memory_space<vmem>> -> memref<1x128xi32, #tpu.memory_space<vmem>>
      %dma_wait3A_165 = tpu.memref_squeeze %dma_wait3A_164 : memref<1x128xi32, #tpu.memory_space<vmem>> -> memref<128xi32, #tpu.memory_space<vmem>>
      %dma_wait3A_166 = arith.constant 0 : i32
      %dma_wait3A_167 = arith.constant 0 : i32
      %dma_wait3A_168 = tpu.memref_slice %arg9[%dma_wait3A_166, %dma_wait3A_167] : memref<51200x16xf32, #tpu.memory_space<vmem_shared>> -> memref<51200x16xf32, #tpu.memory_space<vmem_shared>>
      tpu.wait_indirect_dma semaphore(%arg10 : memref<!tpu.dma_semaphore, #tpu.memory_space<semaphore_mem>>) src(%arg7 : memref<128x16xf32, #tpu.memory_space<vmem>>) dst(%dma_wait3A_168 : memref<51200x16xf32, #tpu.memory_space<vmem_shared>>)
      %mul3A_169 = arith.constant 8 : i32
      %mul3A_170 = arith.muli %mul3A_169, %scan3A_21 : i32
      %add3A_171 = arith.constant 7 : i32
      %add3A_172 = arith.addi %mul3A_170, %add3A_171 : i32
      %dma_wait3A_173 = arith.constant 0 : i32
      %dma_wait3A_174 = tpu.memref_slice %arg6[%add3A_172, %dma_wait3A_173] : memref<392x128xi32, #tpu.memory_space<vmem>> -> memref<1x128xi32, #tpu.memory_space<vmem>>
      %dma_wait3A_175 = tpu.memref_squeeze %dma_wait3A_174 : memref<1x128xi32, #tpu.memory_space<vmem>> -> memref<128xi32, #tpu.memory_space<vmem>>
      %dma_wait3A_176 = arith.constant 0 : i32
      %dma_wait3A_177 = arith.constant 0 : i32
      %dma_wait3A_178 = tpu.memref_slice %arg9[%dma_wait3A_176, %dma_wait3A_177] : memref<51200x16xf32, #tpu.memory_space<vmem_shared>> -> memref<51200x16xf32, #tpu.memory_space<vmem_shared>>
      tpu.wait_indirect_dma semaphore(%arg10 : memref<!tpu.dma_semaphore, #tpu.memory_space<semaphore_mem>>) src(%arg7 : memref<128x16xf32, #tpu.memory_space<vmem>>) dst(%dma_wait3A_178 : memref<51200x16xf32, #tpu.memory_space<vmem_shared>>)
      %scan3A_179 = arith.constant 0 : i32
      scf.yield %scan3A_179 : i32
    }
    %scan3A_12 = arith.constant 49 : i32
    %barrier3A_13 = arith.constant 0 : index
    tpu.barrier barrier_id(%barrier3A_13)
    %scan3A_14 = arith.constant 0 : i32
    %scan3A_15 = arith.constant 0 : i32
    %scan3A_16 = arith.constant 25 : i32
    %scan3A_17 = arith.addi %scan3A_15, %scan3A_16 : i32
    %scan3A_18 = arith.constant 1 : i32
    %scan3A_19 = scf.for %scan3A_21 = %scan3A_15 to %scan3A_17 step %scan3A_18 iter_args(%scan3A_22 = %scan3A_14) -> (i32)  : i32 {
      %mul3A = arith.constant 3200 : i32
      %mul3A_23 = arith.muli %arg1, %mul3A : i32
      %mul3A_24 = arith.constant 128 : i32
      %mul3A_25 = arith.muli %scan3A_21, %mul3A_24 : i32
      %add3A = arith.addi %mul3A_23, %mul3A_25 : i32
      "tpu.region"() ({
        %run_scoped3A = tpu.sem_alloc : memref<!tpu.dma_semaphore, #tpu.memory_space<semaphore_mem>>
        %dma_start3A = arith.constant 0 : i32
        %dma_start3A_27 = tpu.memref_slice %arg9[%add3A, %dma_start3A] : memref<51200x16xf32, #tpu.memory_space<vmem_shared>> -> memref<128x16xf32, #tpu.memory_space<vmem_shared>>
        %dma_start3A_28 = arith.constant 0 : i32
        %dma_start3A_29 = tpu.memref_slice %arg9[%add3A, %dma_start3A_28] : memref<51200x16xf32, #tpu.memory_space<vmem_shared>> -> memref<128x16xf32, #tpu.memory_space<vmem_shared>>
        tpu.enqueue_dma source(%dma_start3A_29 : memref<128x16xf32, #tpu.memory_space<vmem_shared>>) target(%arg8 : memref<128x16xf32, #tpu.memory_space<vmem>>) target_semaphore(%run_scoped3A : memref<!tpu.dma_semaphore, #tpu.memory_space<semaphore_mem>>)
        %dma_wait3A = arith.constant 0 : i32
        %dma_wait3A_30 = tpu.memref_slice %arg9[%add3A, %dma_wait3A] : memref<51200x16xf32, #tpu.memory_space<vmem_shared>> -> memref<128x16xf32, #tpu.memory_space<vmem_shared>>
        %dma_wait3A_31 = arith.constant 0 : i32
        %dma_wait3A_32 = tpu.memref_slice %arg9[%add3A, %dma_wait3A_31] : memref<51200x16xf32, #tpu.memory_space<vmem_shared>> -> memref<128x16xf32, #tpu.memory_space<vmem_shared>>
        tpu.wait_dma2 semaphore(%run_scoped3A : memref<!tpu.dma_semaphore, #tpu.memory_space<semaphore_mem>>) src(%dma_wait3A_32 : memref<128x16xf32, #tpu.memory_space<vmem_shared>>) dst(%arg8 : memref<128x16xf32, #tpu.memory_space<vmem>>)
        tpu.yield
      }) : () -> ()
      "tpu.region"() ({
        %run_scoped3A = tpu.sem_alloc : memref<!tpu.dma_semaphore, #tpu.memory_space<semaphore_mem>>
        %dma_start3A = arith.constant 0 : i32
        %dma_start3A_27 = tpu.memref_slice %arg5[%arg0, %add3A, %dma_start3A] : memref<2x51200x16xf32, #tpu.memory_space<hbm>> -> memref<1x128x16xf32, #tpu.memory_space<hbm>>
        %dma_start3A_28 = tpu.memref_squeeze %dma_start3A_27 : memref<1x128x16xf32, #tpu.memory_space<hbm>> -> memref<128x16xf32, #tpu.memory_space<hbm>>
        %dma_start3A_29 = arith.constant 0 : i32
        %dma_start3A_30 = tpu.memref_slice %arg5[%arg0, %add3A, %dma_start3A_29] : memref<2x51200x16xf32, #tpu.memory_space<hbm>> -> memref<1x128x16xf32, #tpu.memory_space<hbm>>
        %dma_start3A_31 = tpu.memref_squeeze %dma_start3A_30 : memref<1x128x16xf32, #tpu.memory_space<hbm>> -> memref<128x16xf32, #tpu.memory_space<hbm>>
        tpu.enqueue_dma source(%arg8 : memref<128x16xf32, #tpu.memory_space<vmem>>) target(%dma_start3A_31 : memref<128x16xf32, #tpu.memory_space<hbm>>) target_semaphore(%run_scoped3A : memref<!tpu.dma_semaphore, #tpu.memory_space<semaphore_mem>>)
        %dma_wait3A = arith.constant 0 : i32
        %dma_wait3A_32 = tpu.memref_slice %arg5[%arg0, %add3A, %dma_wait3A] : memref<2x51200x16xf32, #tpu.memory_space<hbm>> -> memref<1x128x16xf32, #tpu.memory_space<hbm>>
        %dma_wait3A_33 = tpu.memref_squeeze %dma_wait3A_32 : memref<1x128x16xf32, #tpu.memory_space<hbm>> -> memref<128x16xf32, #tpu.memory_space<hbm>>
        %dma_wait3A_34 = arith.constant 0 : i32
        %dma_wait3A_35 = tpu.memref_slice %arg5[%arg0, %add3A, %dma_wait3A_34] : memref<2x51200x16xf32, #tpu.memory_space<hbm>> -> memref<1x128x16xf32, #tpu.memory_space<hbm>>
        %dma_wait3A_36 = tpu.memref_squeeze %dma_wait3A_35 : memref<1x128x16xf32, #tpu.memory_space<hbm>> -> memref<128x16xf32, #tpu.memory_space<hbm>>
        tpu.wait_dma2 semaphore(%run_scoped3A : memref<!tpu.dma_semaphore, #tpu.memory_space<semaphore_mem>>) src(%arg8 : memref<128x16xf32, #tpu.memory_space<vmem>>) dst(%dma_wait3A_36 : memref<128x16xf32, #tpu.memory_space<hbm>>)
        tpu.yield
      }) : () -> ()
      %scan3A_26 = arith.constant 0 : i32
      scf.yield %scan3A_26 : i32
    }
    %scan3A_20 = arith.constant 25 : i32
    return
  }
}

#map = affine_map<(d0, d1) -> (0, 0)>
#map1 = affine_map<(d0, d1) -> (0, 0, 0, 0)>
#map2 = affine_map<(d0, d1) -> (0, 0, 0)>
module attributes {stable_mosaic.version = 14 : i64} {
  func.func @_scatter_body(%arg0: i32, %arg1: i32, %arg2: memref<802816x128xf32, #tpu.memory_space<hbm>>, %arg3: memref<2x16x392x128xi32, #tpu.memory_space<hbm>>, %arg4: memref<128x32xf32, #tpu.memory_space<hbm>>, %arg5: memref<2x51200x32xf32, #tpu.memory_space<hbm>>, %arg6: memref<56x128xi32, #tpu.memory_space<vmem>>, %arg7: memref<128x32xf32, #tpu.memory_space<vmem>>, %arg8: memref<128x32xf32, #tpu.memory_space<vmem>>, %arg9: memref<128x32xf32, #tpu.memory_space<vmem>>, %arg10: memref<128x32xf32, #tpu.memory_space<vmem>>, %arg11: memref<51200x32xf32, #tpu.memory_space<vmem_shared>>, %arg12: memref<!tpu.dma_semaphore, #tpu.memory_space<semaphore_mem>>, %arg13: memref<!tpu.dma_semaphore, #tpu.memory_space<semaphore_mem>>, %arg14: memref<!tpu.dma_semaphore, #tpu.memory_space<semaphore_mem>>, %arg15: memref<!tpu.dma_semaphore, #tpu.memory_space<semaphore_mem>>) attributes {dimension_semantics = [#tpu.dimension_semantics<core_parallel>, #tpu.dimension_semantics<subcore_parallel>], iteration_bounds = array<i64: 2, 16>, scalar_prefetch = 0 : i64, scratch_operands = 10 : i64, tpu.core_type = #tpu.core_type<sc_vector_subcore>, window_params = [{transform_indices = #map}, {transform_indices = #map1}, {transform_indices = #map}, {transform_indices = #map2}]} {
    %mul3A = arith.constant 64 : i32
    %mul3A_0 = arith.muli %arg0, %mul3A : i32
    "tpu.region"() ({
      %run_scoped3A = tpu.sem_alloc : memref<!tpu.dma_semaphore, #tpu.memory_space<semaphore_mem>>
      tpu.enqueue_dma source(%arg4 : memref<128x32xf32, #tpu.memory_space<hbm>>) target(%arg7 : memref<128x32xf32, #tpu.memory_space<vmem>>) target_semaphore(%run_scoped3A : memref<!tpu.dma_semaphore, #tpu.memory_space<semaphore_mem>>)
      tpu.wait_dma2 semaphore(%run_scoped3A : memref<!tpu.dma_semaphore, #tpu.memory_space<semaphore_mem>>) src(%arg4 : memref<128x32xf32, #tpu.memory_space<hbm>>) dst(%arg7 : memref<128x32xf32, #tpu.memory_space<vmem>>)
      tpu.yield
    }) : () -> ()
    %scan3A = arith.constant 0 : i32
    %scan3A_1 = arith.constant 0 : i32
    %scan3A_2 = arith.constant 25 : i32
    %scan3A_3 = arith.addi %scan3A_1, %scan3A_2 : i32
    %scan3A_4 = arith.constant 1 : i32
    %scan3A_5 = scf.for %scan3A_24 = %scan3A_1 to %scan3A_3 step %scan3A_4 iter_args(%scan3A_25 = %scan3A) -> (i32)  : i32 {
      %mul3A_26 = arith.constant 3200 : i32
      %mul3A_27 = arith.muli %arg1, %mul3A_26 : i32
      %mul3A_28 = arith.constant 128 : i32
      %mul3A_29 = arith.muli %scan3A_24, %mul3A_28 : i32
      %add3A = arith.addi %mul3A_27, %mul3A_29 : i32
      "tpu.region"() ({
        %run_scoped3A = tpu.sem_alloc : memref<!tpu.dma_semaphore, #tpu.memory_space<semaphore_mem>>
        %dma_start3A = arith.constant 0 : i32
        %dma_start3A_31 = tpu.memref_slice %arg11[%add3A, %dma_start3A] : memref<51200x32xf32, #tpu.memory_space<vmem_shared>> -> memref<128x32xf32, #tpu.memory_space<vmem_shared>>
        %dma_start3A_32 = arith.constant 0 : i32
        %dma_start3A_33 = tpu.memref_slice %arg11[%add3A, %dma_start3A_32] : memref<51200x32xf32, #tpu.memory_space<vmem_shared>> -> memref<128x32xf32, #tpu.memory_space<vmem_shared>>
        tpu.enqueue_dma source(%arg7 : memref<128x32xf32, #tpu.memory_space<vmem>>) target(%dma_start3A_33 : memref<128x32xf32, #tpu.memory_space<vmem_shared>>) target_semaphore(%run_scoped3A : memref<!tpu.dma_semaphore, #tpu.memory_space<semaphore_mem>>)
        %dma_wait3A = arith.constant 0 : i32
        %dma_wait3A_34 = tpu.memref_slice %arg11[%add3A, %dma_wait3A] : memref<51200x32xf32, #tpu.memory_space<vmem_shared>> -> memref<128x32xf32, #tpu.memory_space<vmem_shared>>
        %dma_wait3A_35 = arith.constant 0 : i32
        %dma_wait3A_36 = tpu.memref_slice %arg11[%add3A, %dma_wait3A_35] : memref<51200x32xf32, #tpu.memory_space<vmem_shared>> -> memref<128x32xf32, #tpu.memory_space<vmem_shared>>
        tpu.wait_dma2 semaphore(%run_scoped3A : memref<!tpu.dma_semaphore, #tpu.memory_space<semaphore_mem>>) src(%arg7 : memref<128x32xf32, #tpu.memory_space<vmem>>) dst(%dma_wait3A_36 : memref<128x32xf32, #tpu.memory_space<vmem_shared>>)
        tpu.yield
      }) : () -> ()
      %scan3A_30 = arith.constant 0 : i32
      scf.yield %scan3A_30 : i32
    }
    %scan3A_6 = arith.constant 25 : i32
    %barrier3A = arith.constant 0 : index
    tpu.barrier barrier_id(%barrier3A)
    %mul3A_7 = arith.constant 50176 : i32
    %mul3A_8 = arith.muli %arg1, %mul3A_7 : i32
    %scan3A_9 = arith.constant 0 : i32
    %scan3A_10 = arith.constant 0 : i32
    %scan3A_11 = arith.constant 7 : i32
    %scan3A_12 = arith.addi %scan3A_10, %scan3A_11 : i32
    %scan3A_13 = arith.constant 1 : i32
    %scan3A_14 = scf.for %scan3A_24 = %scan3A_10 to %scan3A_12 step %scan3A_13 iter_args(%scan3A_25 = %scan3A_9) -> (i32)  : i32 {
      %mul3A_26 = arith.constant 56 : i32
      %mul3A_27 = arith.muli %scan3A_24, %mul3A_26 : i32
      "tpu.region"() ({
        %run_scoped3A = tpu.sem_alloc : memref<!tpu.dma_semaphore, #tpu.memory_space<semaphore_mem>>
        %dma_start3A_62 = arith.constant 0 : i32
        %dma_start3A_63 = tpu.memref_slice %arg3[%arg0, %arg1, %mul3A_27, %dma_start3A_62] : memref<2x16x392x128xi32, #tpu.memory_space<hbm>> -> memref<1x1x56x128xi32, #tpu.memory_space<hbm>>
        %dma_start3A_64 = tpu.memref_squeeze %dma_start3A_63 : memref<1x1x56x128xi32, #tpu.memory_space<hbm>> -> memref<56x128xi32, #tpu.memory_space<hbm>>
        %dma_start3A_65 = arith.constant 0 : i32
        %dma_start3A_66 = tpu.memref_slice %arg3[%arg0, %arg1, %mul3A_27, %dma_start3A_65] : memref<2x16x392x128xi32, #tpu.memory_space<hbm>> -> memref<1x1x56x128xi32, #tpu.memory_space<hbm>>
        %dma_start3A_67 = tpu.memref_squeeze %dma_start3A_66 : memref<1x1x56x128xi32, #tpu.memory_space<hbm>> -> memref<56x128xi32, #tpu.memory_space<hbm>>
        tpu.enqueue_dma source(%dma_start3A_67 : memref<56x128xi32, #tpu.memory_space<hbm>>) target(%arg6 : memref<56x128xi32, #tpu.memory_space<vmem>>) target_semaphore(%run_scoped3A : memref<!tpu.dma_semaphore, #tpu.memory_space<semaphore_mem>>)
        %dma_wait3A_68 = arith.constant 0 : i32
        %dma_wait3A_69 = tpu.memref_slice %arg3[%arg0, %arg1, %mul3A_27, %dma_wait3A_68] : memref<2x16x392x128xi32, #tpu.memory_space<hbm>> -> memref<1x1x56x128xi32, #tpu.memory_space<hbm>>
        %dma_wait3A_70 = tpu.memref_squeeze %dma_wait3A_69 : memref<1x1x56x128xi32, #tpu.memory_space<hbm>> -> memref<56x128xi32, #tpu.memory_space<hbm>>
        %dma_wait3A_71 = arith.constant 0 : i32
        %dma_wait3A_72 = tpu.memref_slice %arg3[%arg0, %arg1, %mul3A_27, %dma_wait3A_71] : memref<2x16x392x128xi32, #tpu.memory_space<hbm>> -> memref<1x1x56x128xi32, #tpu.memory_space<hbm>>
        %dma_wait3A_73 = tpu.memref_squeeze %dma_wait3A_72 : memref<1x1x56x128xi32, #tpu.memory_space<hbm>> -> memref<56x128xi32, #tpu.memory_space<hbm>>
        tpu.wait_dma2 semaphore(%run_scoped3A : memref<!tpu.dma_semaphore, #tpu.memory_space<semaphore_mem>>) src(%dma_wait3A_73 : memref<56x128xi32, #tpu.memory_space<hbm>>) dst(%arg6 : memref<56x128xi32, #tpu.memory_space<vmem>>)
        tpu.yield
      }) : () -> ()
      %mul3A_28 = arith.constant 56 : i32
      %mul3A_29 = arith.muli %scan3A_24, %mul3A_28 : i32
      %mul3A_30 = arith.constant 128 : i32
      %mul3A_31 = arith.muli %mul3A_29, %mul3A_30 : i32
      %add3A = arith.addi %mul3A_8, %mul3A_31 : i32
      %add3A_32 = arith.constant 0 : i32
      %add3A_33 = arith.addi %add3A, %add3A_32 : i32
      %dma_start3A = tpu.memref_slice %arg2[%add3A_33, %mul3A_0] : memref<802816x128xf32, #tpu.memory_space<hbm>> -> memref<128x32xf32, #tpu.memory_space<hbm>>
      %dma_start3A_34 = tpu.memref_slice %arg2[%add3A_33, %mul3A_0] : memref<802816x128xf32, #tpu.memory_space<hbm>> -> memref<128x32xf32, #tpu.memory_space<hbm>>
      tpu.enqueue_dma source(%dma_start3A_34 : memref<128x32xf32, #tpu.memory_space<hbm>>) target(%arg7 : memref<128x32xf32, #tpu.memory_space<vmem>>) target_semaphore(%arg12 : memref<!tpu.dma_semaphore, #tpu.memory_space<semaphore_mem>>)
      %add3A_35 = arith.constant 128 : i32
      %add3A_36 = arith.addi %add3A, %add3A_35 : i32
      %dma_start3A_37 = tpu.memref_slice %arg2[%add3A_36, %mul3A_0] : memref<802816x128xf32, #tpu.memory_space<hbm>> -> memref<128x32xf32, #tpu.memory_space<hbm>>
      %dma_start3A_38 = tpu.memref_slice %arg2[%add3A_36, %mul3A_0] : memref<802816x128xf32, #tpu.memory_space<hbm>> -> memref<128x32xf32, #tpu.memory_space<hbm>>
      tpu.enqueue_dma source(%dma_start3A_38 : memref<128x32xf32, #tpu.memory_space<hbm>>) target(%arg8 : memref<128x32xf32, #tpu.memory_space<vmem>>) target_semaphore(%arg13 : memref<!tpu.dma_semaphore, #tpu.memory_space<semaphore_mem>>)
      %add3A_39 = arith.constant 256 : i32
      %add3A_40 = arith.addi %add3A, %add3A_39 : i32
      %dma_start3A_41 = tpu.memref_slice %arg2[%add3A_40, %mul3A_0] : memref<802816x128xf32, #tpu.memory_space<hbm>> -> memref<128x32xf32, #tpu.memory_space<hbm>>
      %dma_start3A_42 = tpu.memref_slice %arg2[%add3A_40, %mul3A_0] : memref<802816x128xf32, #tpu.memory_space<hbm>> -> memref<128x32xf32, #tpu.memory_space<hbm>>
      tpu.enqueue_dma source(%dma_start3A_42 : memref<128x32xf32, #tpu.memory_space<hbm>>) target(%arg9 : memref<128x32xf32, #tpu.memory_space<vmem>>) target_semaphore(%arg14 : memref<!tpu.dma_semaphore, #tpu.memory_space<semaphore_mem>>)
      %add3A_43 = arith.constant 384 : i32
      %add3A_44 = arith.addi %add3A, %add3A_43 : i32
      %dma_start3A_45 = tpu.memref_slice %arg2[%add3A_44, %mul3A_0] : memref<802816x128xf32, #tpu.memory_space<hbm>> -> memref<128x32xf32, #tpu.memory_space<hbm>>
      %dma_start3A_46 = tpu.memref_slice %arg2[%add3A_44, %mul3A_0] : memref<802816x128xf32, #tpu.memory_space<hbm>> -> memref<128x32xf32, #tpu.memory_space<hbm>>
      tpu.enqueue_dma source(%dma_start3A_46 : memref<128x32xf32, #tpu.memory_space<hbm>>) target(%arg10 : memref<128x32xf32, #tpu.memory_space<vmem>>) target_semaphore(%arg15 : memref<!tpu.dma_semaphore, #tpu.memory_space<semaphore_mem>>)
      %scan3A_47 = arith.constant 0 : i32
      %scan3A_48 = arith.constant 0 : i32
      %scan3A_49 = arith.constant 14 : i32
      %scan3A_50 = arith.addi %scan3A_48, %scan3A_49 : i32
      %scan3A_51 = arith.constant 1 : i32
      %scan3A_52 = scf.for %scan3A_62 = %scan3A_48 to %scan3A_50 step %scan3A_51 iter_args(%scan3A_63 = %scan3A_47) -> (i32)  : i32 {
        %mul3A_64 = arith.constant 4 : i32
        %mul3A_65 = arith.muli %mul3A_64, %scan3A_62 : i32
        %dma_wait3A_66 = tpu.memref_slice %arg2[%add3A, %mul3A_0] : memref<802816x128xf32, #tpu.memory_space<hbm>> -> memref<128x32xf32, #tpu.memory_space<hbm>>
        %dma_wait3A_67 = tpu.memref_slice %arg2[%add3A, %mul3A_0] : memref<802816x128xf32, #tpu.memory_space<hbm>> -> memref<128x32xf32, #tpu.memory_space<hbm>>
        tpu.wait_dma2 semaphore(%arg12 : memref<!tpu.dma_semaphore, #tpu.memory_space<semaphore_mem>>) src(%dma_wait3A_67 : memref<128x32xf32, #tpu.memory_space<hbm>>) dst(%arg7 : memref<128x32xf32, #tpu.memory_space<vmem>>)
        %add3A_68 = arith.constant 0 : i32
        %add3A_69 = arith.addi %mul3A_65, %add3A_68 : i32
        "tpu.region"() ({
          %run_scoped3A = tpu.sem_alloc : memref<!tpu.dma_semaphore, #tpu.memory_space<semaphore_mem>>
          %dma_start3A_126 = arith.constant 0 : i32
          %dma_start3A_127 = tpu.memref_slice %arg6[%add3A_69, %dma_start3A_126] : memref<56x128xi32, #tpu.memory_space<vmem>> -> memref<1x128xi32, #tpu.memory_space<vmem>>
          %dma_start3A_128 = tpu.memref_squeeze %dma_start3A_127 : memref<1x128xi32, #tpu.memory_space<vmem>> -> memref<128xi32, #tpu.memory_space<vmem>>
          %dma_start3A_129 = arith.constant 0 : i32
          %dma_start3A_130 = arith.constant 0 : i32
          %dma_start3A_131 = tpu.memref_slice %arg11[%dma_start3A_129, %dma_start3A_130] : memref<51200x32xf32, #tpu.memory_space<vmem_shared>> -> memref<51200x32xf32, #tpu.memory_space<vmem_shared>>
          tpu.enqueue_indirect_dma source(%arg7 : memref<128x32xf32, #tpu.memory_space<vmem>>) target(%dma_start3A_131 : memref<51200x32xf32, #tpu.memory_space<vmem_shared>>) offsets(%dma_start3A_128 : memref<128xi32, #tpu.memory_space<vmem>>) semaphore(%run_scoped3A : memref<!tpu.dma_semaphore, #tpu.memory_space<semaphore_mem>>) {add = true}
          %dma_wait3A_132 = arith.constant 0 : i32
          %dma_wait3A_133 = tpu.memref_slice %arg6[%add3A_69, %dma_wait3A_132] : memref<56x128xi32, #tpu.memory_space<vmem>> -> memref<1x128xi32, #tpu.memory_space<vmem>>
          %dma_wait3A_134 = tpu.memref_squeeze %dma_wait3A_133 : memref<1x128xi32, #tpu.memory_space<vmem>> -> memref<128xi32, #tpu.memory_space<vmem>>
          %dma_wait3A_135 = arith.constant 0 : i32
          %dma_wait3A_136 = arith.constant 0 : i32
          %dma_wait3A_137 = tpu.memref_slice %arg11[%dma_wait3A_135, %dma_wait3A_136] : memref<51200x32xf32, #tpu.memory_space<vmem_shared>> -> memref<51200x32xf32, #tpu.memory_space<vmem_shared>>
          tpu.wait_indirect_dma semaphore(%run_scoped3A : memref<!tpu.dma_semaphore, #tpu.memory_space<semaphore_mem>>) src(%arg7 : memref<128x32xf32, #tpu.memory_space<vmem>>) dst(%dma_wait3A_137 : memref<51200x32xf32, #tpu.memory_space<vmem_shared>>)
          tpu.yield
        }) : () -> ()
        %add3A_70 = arith.constant 0 : i32
        %add3A_71 = arith.addi %mul3A_65, %add3A_70 : i32
        %add3A_72 = arith.constant 4 : i32
        %add3A_73 = arith.addi %add3A_71, %add3A_72 : i32
        %rem3A = arith.constant 56 : i32
        %rem3A_74 = arith.remsi %add3A_73, %rem3A : i32
        %mul3A_75 = arith.constant 128 : i32
        %mul3A_76 = arith.muli %rem3A_74, %mul3A_75 : i32
        %add3A_77 = arith.addi %add3A, %mul3A_76 : i32
        %dma_start3A_78 = tpu.memref_slice %arg2[%add3A_77, %mul3A_0] : memref<802816x128xf32, #tpu.memory_space<hbm>> -> memref<128x32xf32, #tpu.memory_space<hbm>>
        %dma_start3A_79 = tpu.memref_slice %arg2[%add3A_77, %mul3A_0] : memref<802816x128xf32, #tpu.memory_space<hbm>> -> memref<128x32xf32, #tpu.memory_space<hbm>>
        tpu.enqueue_dma source(%dma_start3A_79 : memref<128x32xf32, #tpu.memory_space<hbm>>) target(%arg7 : memref<128x32xf32, #tpu.memory_space<vmem>>) target_semaphore(%arg12 : memref<!tpu.dma_semaphore, #tpu.memory_space<semaphore_mem>>)
        %dma_wait3A_80 = tpu.memref_slice %arg2[%add3A, %mul3A_0] : memref<802816x128xf32, #tpu.memory_space<hbm>> -> memref<128x32xf32, #tpu.memory_space<hbm>>
        %dma_wait3A_81 = tpu.memref_slice %arg2[%add3A, %mul3A_0] : memref<802816x128xf32, #tpu.memory_space<hbm>> -> memref<128x32xf32, #tpu.memory_space<hbm>>
        tpu.wait_dma2 semaphore(%arg13 : memref<!tpu.dma_semaphore, #tpu.memory_space<semaphore_mem>>) src(%dma_wait3A_81 : memref<128x32xf32, #tpu.memory_space<hbm>>) dst(%arg8 : memref<128x32xf32, #tpu.memory_space<vmem>>)
        %add3A_82 = arith.constant 1 : i32
        %add3A_83 = arith.addi %mul3A_65, %add3A_82 : i32
        "tpu.region"() ({
          %run_scoped3A = tpu.sem_alloc : memref<!tpu.dma_semaphore, #tpu.memory_space<semaphore_mem>>
          %dma_start3A_126 = arith.constant 0 : i32
          %dma_start3A_127 = tpu.memref_slice %arg6[%add3A_83, %dma_start3A_126] : memref<56x128xi32, #tpu.memory_space<vmem>> -> memref<1x128xi32, #tpu.memory_space<vmem>>
          %dma_start3A_128 = tpu.memref_squeeze %dma_start3A_127 : memref<1x128xi32, #tpu.memory_space<vmem>> -> memref<128xi32, #tpu.memory_space<vmem>>
          %dma_start3A_129 = arith.constant 0 : i32
          %dma_start3A_130 = arith.constant 0 : i32
          %dma_start3A_131 = tpu.memref_slice %arg11[%dma_start3A_129, %dma_start3A_130] : memref<51200x32xf32, #tpu.memory_space<vmem_shared>> -> memref<51200x32xf32, #tpu.memory_space<vmem_shared>>
          tpu.enqueue_indirect_dma source(%arg8 : memref<128x32xf32, #tpu.memory_space<vmem>>) target(%dma_start3A_131 : memref<51200x32xf32, #tpu.memory_space<vmem_shared>>) offsets(%dma_start3A_128 : memref<128xi32, #tpu.memory_space<vmem>>) semaphore(%run_scoped3A : memref<!tpu.dma_semaphore, #tpu.memory_space<semaphore_mem>>) {add = true}
          %dma_wait3A_132 = arith.constant 0 : i32
          %dma_wait3A_133 = tpu.memref_slice %arg6[%add3A_83, %dma_wait3A_132] : memref<56x128xi32, #tpu.memory_space<vmem>> -> memref<1x128xi32, #tpu.memory_space<vmem>>
          %dma_wait3A_134 = tpu.memref_squeeze %dma_wait3A_133 : memref<1x128xi32, #tpu.memory_space<vmem>> -> memref<128xi32, #tpu.memory_space<vmem>>
          %dma_wait3A_135 = arith.constant 0 : i32
          %dma_wait3A_136 = arith.constant 0 : i32
          %dma_wait3A_137 = tpu.memref_slice %arg11[%dma_wait3A_135, %dma_wait3A_136] : memref<51200x32xf32, #tpu.memory_space<vmem_shared>> -> memref<51200x32xf32, #tpu.memory_space<vmem_shared>>
          tpu.wait_indirect_dma semaphore(%run_scoped3A : memref<!tpu.dma_semaphore, #tpu.memory_space<semaphore_mem>>) src(%arg8 : memref<128x32xf32, #tpu.memory_space<vmem>>) dst(%dma_wait3A_137 : memref<51200x32xf32, #tpu.memory_space<vmem_shared>>)
          tpu.yield
        }) : () -> ()
        %add3A_84 = arith.constant 1 : i32
        %add3A_85 = arith.addi %mul3A_65, %add3A_84 : i32
        %add3A_86 = arith.constant 4 : i32
        %add3A_87 = arith.addi %add3A_85, %add3A_86 : i32
        %rem3A_88 = arith.constant 56 : i32
        %rem3A_89 = arith.remsi %add3A_87, %rem3A_88 : i32
        %mul3A_90 = arith.constant 128 : i32
        %mul3A_91 = arith.muli %rem3A_89, %mul3A_90 : i32
        %add3A_92 = arith.addi %add3A, %mul3A_91 : i32
        %dma_start3A_93 = tpu.memref_slice %arg2[%add3A_92, %mul3A_0] : memref<802816x128xf32, #tpu.memory_space<hbm>> -> memref<128x32xf32, #tpu.memory_space<hbm>>
        %dma_start3A_94 = tpu.memref_slice %arg2[%add3A_92, %mul3A_0] : memref<802816x128xf32, #tpu.memory_space<hbm>> -> memref<128x32xf32, #tpu.memory_space<hbm>>
        tpu.enqueue_dma source(%dma_start3A_94 : memref<128x32xf32, #tpu.memory_space<hbm>>) target(%arg8 : memref<128x32xf32, #tpu.memory_space<vmem>>) target_semaphore(%arg13 : memref<!tpu.dma_semaphore, #tpu.memory_space<semaphore_mem>>)
        %dma_wait3A_95 = tpu.memref_slice %arg2[%add3A, %mul3A_0] : memref<802816x128xf32, #tpu.memory_space<hbm>> -> memref<128x32xf32, #tpu.memory_space<hbm>>
        %dma_wait3A_96 = tpu.memref_slice %arg2[%add3A, %mul3A_0] : memref<802816x128xf32, #tpu.memory_space<hbm>> -> memref<128x32xf32, #tpu.memory_space<hbm>>
        tpu.wait_dma2 semaphore(%arg14 : memref<!tpu.dma_semaphore, #tpu.memory_space<semaphore_mem>>) src(%dma_wait3A_96 : memref<128x32xf32, #tpu.memory_space<hbm>>) dst(%arg9 : memref<128x32xf32, #tpu.memory_space<vmem>>)
        %add3A_97 = arith.constant 2 : i32
        %add3A_98 = arith.addi %mul3A_65, %add3A_97 : i32
        "tpu.region"() ({
          %run_scoped3A = tpu.sem_alloc : memref<!tpu.dma_semaphore, #tpu.memory_space<semaphore_mem>>
          %dma_start3A_126 = arith.constant 0 : i32
          %dma_start3A_127 = tpu.memref_slice %arg6[%add3A_98, %dma_start3A_126] : memref<56x128xi32, #tpu.memory_space<vmem>> -> memref<1x128xi32, #tpu.memory_space<vmem>>
          %dma_start3A_128 = tpu.memref_squeeze %dma_start3A_127 : memref<1x128xi32, #tpu.memory_space<vmem>> -> memref<128xi32, #tpu.memory_space<vmem>>
          %dma_start3A_129 = arith.constant 0 : i32
          %dma_start3A_130 = arith.constant 0 : i32
          %dma_start3A_131 = tpu.memref_slice %arg11[%dma_start3A_129, %dma_start3A_130] : memref<51200x32xf32, #tpu.memory_space<vmem_shared>> -> memref<51200x32xf32, #tpu.memory_space<vmem_shared>>
          tpu.enqueue_indirect_dma source(%arg9 : memref<128x32xf32, #tpu.memory_space<vmem>>) target(%dma_start3A_131 : memref<51200x32xf32, #tpu.memory_space<vmem_shared>>) offsets(%dma_start3A_128 : memref<128xi32, #tpu.memory_space<vmem>>) semaphore(%run_scoped3A : memref<!tpu.dma_semaphore, #tpu.memory_space<semaphore_mem>>) {add = true}
          %dma_wait3A_132 = arith.constant 0 : i32
          %dma_wait3A_133 = tpu.memref_slice %arg6[%add3A_98, %dma_wait3A_132] : memref<56x128xi32, #tpu.memory_space<vmem>> -> memref<1x128xi32, #tpu.memory_space<vmem>>
          %dma_wait3A_134 = tpu.memref_squeeze %dma_wait3A_133 : memref<1x128xi32, #tpu.memory_space<vmem>> -> memref<128xi32, #tpu.memory_space<vmem>>
          %dma_wait3A_135 = arith.constant 0 : i32
          %dma_wait3A_136 = arith.constant 0 : i32
          %dma_wait3A_137 = tpu.memref_slice %arg11[%dma_wait3A_135, %dma_wait3A_136] : memref<51200x32xf32, #tpu.memory_space<vmem_shared>> -> memref<51200x32xf32, #tpu.memory_space<vmem_shared>>
          tpu.wait_indirect_dma semaphore(%run_scoped3A : memref<!tpu.dma_semaphore, #tpu.memory_space<semaphore_mem>>) src(%arg9 : memref<128x32xf32, #tpu.memory_space<vmem>>) dst(%dma_wait3A_137 : memref<51200x32xf32, #tpu.memory_space<vmem_shared>>)
          tpu.yield
        }) : () -> ()
        %add3A_99 = arith.constant 2 : i32
        %add3A_100 = arith.addi %mul3A_65, %add3A_99 : i32
        %add3A_101 = arith.constant 4 : i32
        %add3A_102 = arith.addi %add3A_100, %add3A_101 : i32
        %rem3A_103 = arith.constant 56 : i32
        %rem3A_104 = arith.remsi %add3A_102, %rem3A_103 : i32
        %mul3A_105 = arith.constant 128 : i32
        %mul3A_106 = arith.muli %rem3A_104, %mul3A_105 : i32
        %add3A_107 = arith.addi %add3A, %mul3A_106 : i32
        %dma_start3A_108 = tpu.memref_slice %arg2[%add3A_107, %mul3A_0] : memref<802816x128xf32, #tpu.memory_space<hbm>> -> memref<128x32xf32, #tpu.memory_space<hbm>>
        %dma_start3A_109 = tpu.memref_slice %arg2[%add3A_107, %mul3A_0] : memref<802816x128xf32, #tpu.memory_space<hbm>> -> memref<128x32xf32, #tpu.memory_space<hbm>>
        tpu.enqueue_dma source(%dma_start3A_109 : memref<128x32xf32, #tpu.memory_space<hbm>>) target(%arg9 : memref<128x32xf32, #tpu.memory_space<vmem>>) target_semaphore(%arg14 : memref<!tpu.dma_semaphore, #tpu.memory_space<semaphore_mem>>)
        %dma_wait3A_110 = tpu.memref_slice %arg2[%add3A, %mul3A_0] : memref<802816x128xf32, #tpu.memory_space<hbm>> -> memref<128x32xf32, #tpu.memory_space<hbm>>
        %dma_wait3A_111 = tpu.memref_slice %arg2[%add3A, %mul3A_0] : memref<802816x128xf32, #tpu.memory_space<hbm>> -> memref<128x32xf32, #tpu.memory_space<hbm>>
        tpu.wait_dma2 semaphore(%arg15 : memref<!tpu.dma_semaphore, #tpu.memory_space<semaphore_mem>>) src(%dma_wait3A_111 : memref<128x32xf32, #tpu.memory_space<hbm>>) dst(%arg10 : memref<128x32xf32, #tpu.memory_space<vmem>>)
        %add3A_112 = arith.constant 3 : i32
        %add3A_113 = arith.addi %mul3A_65, %add3A_112 : i32
        "tpu.region"() ({
          %run_scoped3A = tpu.sem_alloc : memref<!tpu.dma_semaphore, #tpu.memory_space<semaphore_mem>>
          %dma_start3A_126 = arith.constant 0 : i32
          %dma_start3A_127 = tpu.memref_slice %arg6[%add3A_113, %dma_start3A_126] : memref<56x128xi32, #tpu.memory_space<vmem>> -> memref<1x128xi32, #tpu.memory_space<vmem>>
          %dma_start3A_128 = tpu.memref_squeeze %dma_start3A_127 : memref<1x128xi32, #tpu.memory_space<vmem>> -> memref<128xi32, #tpu.memory_space<vmem>>
          %dma_start3A_129 = arith.constant 0 : i32
          %dma_start3A_130 = arith.constant 0 : i32
          %dma_start3A_131 = tpu.memref_slice %arg11[%dma_start3A_129, %dma_start3A_130] : memref<51200x32xf32, #tpu.memory_space<vmem_shared>> -> memref<51200x32xf32, #tpu.memory_space<vmem_shared>>
          tpu.enqueue_indirect_dma source(%arg10 : memref<128x32xf32, #tpu.memory_space<vmem>>) target(%dma_start3A_131 : memref<51200x32xf32, #tpu.memory_space<vmem_shared>>) offsets(%dma_start3A_128 : memref<128xi32, #tpu.memory_space<vmem>>) semaphore(%run_scoped3A : memref<!tpu.dma_semaphore, #tpu.memory_space<semaphore_mem>>) {add = true}
          %dma_wait3A_132 = arith.constant 0 : i32
          %dma_wait3A_133 = tpu.memref_slice %arg6[%add3A_113, %dma_wait3A_132] : memref<56x128xi32, #tpu.memory_space<vmem>> -> memref<1x128xi32, #tpu.memory_space<vmem>>
          %dma_wait3A_134 = tpu.memref_squeeze %dma_wait3A_133 : memref<1x128xi32, #tpu.memory_space<vmem>> -> memref<128xi32, #tpu.memory_space<vmem>>
          %dma_wait3A_135 = arith.constant 0 : i32
          %dma_wait3A_136 = arith.constant 0 : i32
          %dma_wait3A_137 = tpu.memref_slice %arg11[%dma_wait3A_135, %dma_wait3A_136] : memref<51200x32xf32, #tpu.memory_space<vmem_shared>> -> memref<51200x32xf32, #tpu.memory_space<vmem_shared>>
          tpu.wait_indirect_dma semaphore(%run_scoped3A : memref<!tpu.dma_semaphore, #tpu.memory_space<semaphore_mem>>) src(%arg10 : memref<128x32xf32, #tpu.memory_space<vmem>>) dst(%dma_wait3A_137 : memref<51200x32xf32, #tpu.memory_space<vmem_shared>>)
          tpu.yield
        }) : () -> ()
        %add3A_114 = arith.constant 3 : i32
        %add3A_115 = arith.addi %mul3A_65, %add3A_114 : i32
        %add3A_116 = arith.constant 4 : i32
        %add3A_117 = arith.addi %add3A_115, %add3A_116 : i32
        %rem3A_118 = arith.constant 56 : i32
        %rem3A_119 = arith.remsi %add3A_117, %rem3A_118 : i32
        %mul3A_120 = arith.constant 128 : i32
        %mul3A_121 = arith.muli %rem3A_119, %mul3A_120 : i32
        %add3A_122 = arith.addi %add3A, %mul3A_121 : i32
        %dma_start3A_123 = tpu.memref_slice %arg2[%add3A_122, %mul3A_0] : memref<802816x128xf32, #tpu.memory_space<hbm>> -> memref<128x32xf32, #tpu.memory_space<hbm>>
        %dma_start3A_124 = tpu.memref_slice %arg2[%add3A_122, %mul3A_0] : memref<802816x128xf32, #tpu.memory_space<hbm>> -> memref<128x32xf32, #tpu.memory_space<hbm>>
        tpu.enqueue_dma source(%dma_start3A_124 : memref<128x32xf32, #tpu.memory_space<hbm>>) target(%arg10 : memref<128x32xf32, #tpu.memory_space<vmem>>) target_semaphore(%arg15 : memref<!tpu.dma_semaphore, #tpu.memory_space<semaphore_mem>>)
        %scan3A_125 = arith.constant 0 : i32
        scf.yield %scan3A_125 : i32
      }
      %scan3A_53 = arith.constant 14 : i32
      %dma_wait3A = tpu.memref_slice %arg2[%add3A, %mul3A_0] : memref<802816x128xf32, #tpu.memory_space<hbm>> -> memref<128x32xf32, #tpu.memory_space<hbm>>
      %dma_wait3A_54 = tpu.memref_slice %arg2[%add3A, %mul3A_0] : memref<802816x128xf32, #tpu.memory_space<hbm>> -> memref<128x32xf32, #tpu.memory_space<hbm>>
      tpu.wait_dma2 semaphore(%arg12 : memref<!tpu.dma_semaphore, #tpu.memory_space<semaphore_mem>>) src(%dma_wait3A_54 : memref<128x32xf32, #tpu.memory_space<hbm>>) dst(%arg7 : memref<128x32xf32, #tpu.memory_space<vmem>>)
      %dma_wait3A_55 = tpu.memref_slice %arg2[%add3A, %mul3A_0] : memref<802816x128xf32, #tpu.memory_space<hbm>> -> memref<128x32xf32, #tpu.memory_space<hbm>>
      %dma_wait3A_56 = tpu.memref_slice %arg2[%add3A, %mul3A_0] : memref<802816x128xf32, #tpu.memory_space<hbm>> -> memref<128x32xf32, #tpu.memory_space<hbm>>
      tpu.wait_dma2 semaphore(%arg13 : memref<!tpu.dma_semaphore, #tpu.memory_space<semaphore_mem>>) src(%dma_wait3A_56 : memref<128x32xf32, #tpu.memory_space<hbm>>) dst(%arg8 : memref<128x32xf32, #tpu.memory_space<vmem>>)
      %dma_wait3A_57 = tpu.memref_slice %arg2[%add3A, %mul3A_0] : memref<802816x128xf32, #tpu.memory_space<hbm>> -> memref<128x32xf32, #tpu.memory_space<hbm>>
      %dma_wait3A_58 = tpu.memref_slice %arg2[%add3A, %mul3A_0] : memref<802816x128xf32, #tpu.memory_space<hbm>> -> memref<128x32xf32, #tpu.memory_space<hbm>>
      tpu.wait_dma2 semaphore(%arg14 : memref<!tpu.dma_semaphore, #tpu.memory_space<semaphore_mem>>) src(%dma_wait3A_58 : memref<128x32xf32, #tpu.memory_space<hbm>>) dst(%arg9 : memref<128x32xf32, #tpu.memory_space<vmem>>)
      %dma_wait3A_59 = tpu.memref_slice %arg2[%add3A, %mul3A_0] : memref<802816x128xf32, #tpu.memory_space<hbm>> -> memref<128x32xf32, #tpu.memory_space<hbm>>
      %dma_wait3A_60 = tpu.memref_slice %arg2[%add3A, %mul3A_0] : memref<802816x128xf32, #tpu.memory_space<hbm>> -> memref<128x32xf32, #tpu.memory_space<hbm>>
      tpu.wait_dma2 semaphore(%arg15 : memref<!tpu.dma_semaphore, #tpu.memory_space<semaphore_mem>>) src(%dma_wait3A_60 : memref<128x32xf32, #tpu.memory_space<hbm>>) dst(%arg10 : memref<128x32xf32, #tpu.memory_space<vmem>>)
      %scan3A_61 = arith.constant 0 : i32
      scf.yield %scan3A_61 : i32
    }
    %scan3A_15 = arith.constant 7 : i32
    %barrier3A_16 = arith.constant 0 : index
    tpu.barrier barrier_id(%barrier3A_16)
    %scan3A_17 = arith.constant 0 : i32
    %scan3A_18 = arith.constant 0 : i32
    %scan3A_19 = arith.constant 25 : i32
    %scan3A_20 = arith.addi %scan3A_18, %scan3A_19 : i32
    %scan3A_21 = arith.constant 1 : i32
    %scan3A_22 = scf.for %scan3A_24 = %scan3A_18 to %scan3A_20 step %scan3A_21 iter_args(%scan3A_25 = %scan3A_17) -> (i32)  : i32 {
      %mul3A_26 = arith.constant 3200 : i32
      %mul3A_27 = arith.muli %arg1, %mul3A_26 : i32
      %mul3A_28 = arith.constant 128 : i32
      %mul3A_29 = arith.muli %scan3A_24, %mul3A_28 : i32
      %add3A = arith.addi %mul3A_27, %mul3A_29 : i32
      "tpu.region"() ({
        %run_scoped3A = tpu.sem_alloc : memref<!tpu.dma_semaphore, #tpu.memory_space<semaphore_mem>>
        %dma_start3A = arith.constant 0 : i32
        %dma_start3A_31 = tpu.memref_slice %arg11[%add3A, %dma_start3A] : memref<51200x32xf32, #tpu.memory_space<vmem_shared>> -> memref<128x32xf32, #tpu.memory_space<vmem_shared>>
        %dma_start3A_32 = arith.constant 0 : i32
        %dma_start3A_33 = tpu.memref_slice %arg11[%add3A, %dma_start3A_32] : memref<51200x32xf32, #tpu.memory_space<vmem_shared>> -> memref<128x32xf32, #tpu.memory_space<vmem_shared>>
        tpu.enqueue_dma source(%dma_start3A_33 : memref<128x32xf32, #tpu.memory_space<vmem_shared>>) target(%arg7 : memref<128x32xf32, #tpu.memory_space<vmem>>) target_semaphore(%run_scoped3A : memref<!tpu.dma_semaphore, #tpu.memory_space<semaphore_mem>>)
        %dma_wait3A = arith.constant 0 : i32
        %dma_wait3A_34 = tpu.memref_slice %arg11[%add3A, %dma_wait3A] : memref<51200x32xf32, #tpu.memory_space<vmem_shared>> -> memref<128x32xf32, #tpu.memory_space<vmem_shared>>
        %dma_wait3A_35 = arith.constant 0 : i32
        %dma_wait3A_36 = tpu.memref_slice %arg11[%add3A, %dma_wait3A_35] : memref<51200x32xf32, #tpu.memory_space<vmem_shared>> -> memref<128x32xf32, #tpu.memory_space<vmem_shared>>
        tpu.wait_dma2 semaphore(%run_scoped3A : memref<!tpu.dma_semaphore, #tpu.memory_space<semaphore_mem>>) src(%dma_wait3A_36 : memref<128x32xf32, #tpu.memory_space<vmem_shared>>) dst(%arg7 : memref<128x32xf32, #tpu.memory_space<vmem>>)
        tpu.yield
      }) : () -> ()
      "tpu.region"() ({
        %run_scoped3A = tpu.sem_alloc : memref<!tpu.dma_semaphore, #tpu.memory_space<semaphore_mem>>
        %dma_start3A = arith.constant 0 : i32
        %dma_start3A_31 = tpu.memref_slice %arg5[%arg0, %add3A, %dma_start3A] : memref<2x51200x32xf32, #tpu.memory_space<hbm>> -> memref<1x128x32xf32, #tpu.memory_space<hbm>>
        %dma_start3A_32 = tpu.memref_squeeze %dma_start3A_31 : memref<1x128x32xf32, #tpu.memory_space<hbm>> -> memref<128x32xf32, #tpu.memory_space<hbm>>
        %dma_start3A_33 = arith.constant 0 : i32
        %dma_start3A_34 = tpu.memref_slice %arg5[%arg0, %add3A, %dma_start3A_33] : memref<2x51200x32xf32, #tpu.memory_space<hbm>> -> memref<1x128x32xf32, #tpu.memory_space<hbm>>
        %dma_start3A_35 = tpu.memref_squeeze %dma_start3A_34 : memref<1x128x32xf32, #tpu.memory_space<hbm>> -> memref<128x32xf32, #tpu.memory_space<hbm>>
        tpu.enqueue_dma source(%arg7 : memref<128x32xf32, #tpu.memory_space<vmem>>) target(%dma_start3A_35 : memref<128x32xf32, #tpu.memory_space<hbm>>) target_semaphore(%run_scoped3A : memref<!tpu.dma_semaphore, #tpu.memory_space<semaphore_mem>>)
        %dma_wait3A = arith.constant 0 : i32
        %dma_wait3A_36 = tpu.memref_slice %arg5[%arg0, %add3A, %dma_wait3A] : memref<2x51200x32xf32, #tpu.memory_space<hbm>> -> memref<1x128x32xf32, #tpu.memory_space<hbm>>
        %dma_wait3A_37 = tpu.memref_squeeze %dma_wait3A_36 : memref<1x128x32xf32, #tpu.memory_space<hbm>> -> memref<128x32xf32, #tpu.memory_space<hbm>>
        %dma_wait3A_38 = arith.constant 0 : i32
        %dma_wait3A_39 = tpu.memref_slice %arg5[%arg0, %add3A, %dma_wait3A_38] : memref<2x51200x32xf32, #tpu.memory_space<hbm>> -> memref<1x128x32xf32, #tpu.memory_space<hbm>>
        %dma_wait3A_40 = tpu.memref_squeeze %dma_wait3A_39 : memref<1x128x32xf32, #tpu.memory_space<hbm>> -> memref<128x32xf32, #tpu.memory_space<hbm>>
        tpu.wait_dma2 semaphore(%run_scoped3A : memref<!tpu.dma_semaphore, #tpu.memory_space<semaphore_mem>>) src(%arg7 : memref<128x32xf32, #tpu.memory_space<vmem>>) dst(%dma_wait3A_40 : memref<128x32xf32, #tpu.memory_space<hbm>>)
        tpu.yield
      }) : () -> ()
      %scan3A_30 = arith.constant 0 : i32
      scf.yield %scan3A_30 : i32
    }
    %scan3A_23 = arith.constant 25 : i32
    return
  }
}

module attributes {stable_mosaic.version = 14 : i64} {
  func.func @_pro_body(%arg0: i32, %arg1: i32, %arg2: memref<2000x1xi32, #tpu.memory_space<vmem>>, %arg3: memref<2000x4xf32, #tpu.memory_space<vmem>>, %arg4: memref<32x32xf32, #tpu.memory_space<vmem>>, %arg5: memref<36x32xf32, #tpu.memory_space<vmem>>, %arg6: memref<2000x32xf32, #tpu.memory_space<vmem>>, %arg7: memref<8x128xf32, #tpu.memory_space<vmem>>) attributes {dimension_semantics = [#tpu.dimension_semantics<arbitrary>, #tpu.dimension_semantics<arbitrary>], iteration_bounds = array<i64: 3, 25>, scalar_prefetch = 0 : i64, scratch_operands = 1 : i64, tpu.core_type = #tpu.core_type<tc>, window_params = [{transform_indices = @transform_0, window_bounds = array<i64: 2000, 1>}, {transform_indices = @transform_1, window_bounds = array<i64: 2000, 4>}, {pipeline_mode = #tpu.pipeline_mode<synchronous>, transform_indices = @transform_2, window_bounds = array<i64: 32, 32>}, {pipeline_mode = #tpu.pipeline_mode<synchronous>, transform_indices = @transform_3, window_bounds = array<i64: 36, 32>}, {transform_indices = @transform_4, window_bounds = array<i64: 2000, 32>}]} {
    %eq3A = arith.constant 0 : i32
    %eq3A_0 = arith.cmpi eq, %arg0, %eq3A : i32
    %convert_element_type3A = arith.extui %eq3A_0 : i1 to i32
    %cond3A = arith.constant 0 : i32
    %cond3A_1 = arith.cmpi ne, %convert_element_type3A, %cond3A : i32
    scf.if %cond3A_1 {
      %eq3A_12 = arith.constant 0 : i32
      %eq3A_13 = arith.cmpi eq, %arg1, %eq3A_12 : i32
      %convert_element_type3A_14 = arith.extui %eq3A_13 : i1 to i32
      %cond3A_15 = arith.constant 0 : i32
      %cond3A_16 = arith.cmpi ne, %convert_element_type3A_14, %cond3A_15 : i32
      scf.if %cond3A_16 {
        %broadcast_in_dim3A_35 = arith.constant 0.000000e+00 : f32
        %broadcast_in_dim3A_36 = vector.broadcast %broadcast_in_dim3A_35 : f32 to vector<2x128xf32>
        %swap3A_37 = arith.constant 0 : index
        %swap3A_38 = arith.constant 0 : index
        %swap3A_39 = vector.load %arg7[%swap3A_37, %swap3A_38] : memref<8x128xf32, #tpu.memory_space<vmem>>, vector<2x128xf32>
        tpu.vector_store %arg7[%swap3A_37, %swap3A_38], %broadcast_in_dim3A_36 {strides = array<i32>} : memref<8x128xf32, #tpu.memory_space<vmem>>, vector<2x128xf32>,
      } else {
      }
      %get3A = arith.constant 0 : index
      %get3A_17 = arith.constant 0 : index
      %get3A_18 = vector.load %arg3[%get3A, %get3A_17] : memref<2000x4xf32, #tpu.memory_space<vmem>>, vector<2000x4xf32>
      %get3A_19 = arith.constant 0 : index
      %get3A_20 = arith.constant 0 : index
      %get3A_21 = vector.load %arg7[%get3A_19, %get3A_20] : memref<8x128xf32, #tpu.memory_space<vmem>>, vector<1x4xf32>
      %reduce_sum3A = arith.constant dense<0.000000e+00> : vector<4xf32>
      %reduce_sum3A_22 = vector.multi_reduction <add>, %get3A_18, %reduce_sum3A [0] : vector<2000x4xf32> to vector<4xf32>
      %broadcast_in_dim3A = vector.shape_cast %reduce_sum3A_22 : vector<4xf32> to vector<1x4xf32>
      %add3A = arith.addf %get3A_21, %broadcast_in_dim3A : vector<1x4xf32>
      %swap3A = arith.constant 0 : index
      %swap3A_23 = arith.constant 0 : index
      %swap3A_24 = vector.load %arg7[%swap3A, %swap3A_23] : memref<8x128xf32, #tpu.memory_space<vmem>>, vector<1x4xf32>
      tpu.vector_store %arg7[%swap3A, %swap3A_23], %add3A {strides = array<i32>} : memref<8x128xf32, #tpu.memory_space<vmem>>, vector<1x4xf32>,
      %get3A_25 = arith.constant 1 : index
      %get3A_26 = arith.constant 0 : index
      %get3A_27 = vector.load %arg7[%get3A_25, %get3A_26] : memref<8x128xf32, #tpu.memory_space<vmem>>, vector<1x4xf32>
      %mul3A = arith.mulf %get3A_18, %get3A_18 : vector<2000x4xf32>
      %reduce_sum3A_28 = arith.constant dense<0.000000e+00> : vector<4xf32>
      %reduce_sum3A_29 = vector.multi_reduction <add>, %mul3A, %reduce_sum3A_28 [0] : vector<2000x4xf32> to vector<4xf32>
      %broadcast_in_dim3A_30 = vector.shape_cast %reduce_sum3A_29 : vector<4xf32> to vector<1x4xf32>
      %add3A_31 = arith.addf %get3A_27, %broadcast_in_dim3A_30 : vector<1x4xf32>
      %swap3A_32 = arith.constant 1 : index
      %swap3A_33 = arith.constant 0 : index
      %swap3A_34 = vector.load %arg7[%swap3A_32, %swap3A_33] : memref<8x128xf32, #tpu.memory_space<vmem>>, vector<1x4xf32>
      tpu.vector_store %arg7[%swap3A_32, %swap3A_33], %add3A_31 {strides = array<i32>} : memref<8x128xf32, #tpu.memory_space<vmem>>, vector<1x4xf32>,
    } else {
    }
    %eq3A_2 = arith.constant 1 : i32
    %eq3A_3 = arith.cmpi eq, %arg0, %eq3A_2 : i32
    %convert_element_type3A_4 = arith.extui %eq3A_3 : i1 to i32
    %cond3A_5 = arith.constant 0 : i32
    %cond3A_6 = arith.cmpi ne, %convert_element_type3A_4, %cond3A_5 : i32
    scf.if %cond3A_6 {
      %eq3A_12 = arith.constant 0 : i32
      %eq3A_13 = arith.cmpi eq, %arg1, %eq3A_12 : i32
      %convert_element_type3A_14 = arith.extui %eq3A_13 : i1 to i32
      %cond3A_15 = arith.constant 0 : i32
      %cond3A_16 = arith.cmpi ne, %convert_element_type3A_14, %cond3A_15 : i32
      scf.if %cond3A_16 {
        %get3A_62 = arith.constant 0 : index
        %get3A_63 = arith.constant 0 : index
        %get3A_64 = vector.load %arg7[%get3A_62, %get3A_63] : memref<8x128xf32, #tpu.memory_space<vmem>>, vector<1x4xf32>
        %div3A_65 = arith.constant 5.000000e+04 : f32
        %div3A_66 = vector.broadcast %div3A_65 : f32 to vector<1x4xf32>
        %div3A_67 = arith.divf %get3A_64, %div3A_66 : vector<1x4xf32>
        %get3A_68 = arith.constant 1 : index
        %get3A_69 = arith.constant 0 : index
        %get3A_70 = vector.load %arg7[%get3A_68, %get3A_69] : memref<8x128xf32, #tpu.memory_space<vmem>>, vector<1x4xf32>
        %mul3A_71 = arith.constant 5.000000e+04 : f32
        %mul3A_72 = vector.broadcast %mul3A_71 : f32 to vector<1x4xf32>
        %mul3A_73 = arith.mulf %mul3A_72, %div3A_67 : vector<1x4xf32>
        %mul3A_74 = arith.mulf %mul3A_73, %div3A_67 : vector<1x4xf32>
        %sub3A_75 = arith.subf %get3A_70, %mul3A_74 : vector<1x4xf32>
        %div3A_76 = arith.constant 4.999900e+04 : f32
        %div3A_77 = vector.broadcast %div3A_76 : f32 to vector<1x4xf32>
        %div3A_78 = arith.divf %sub3A_75, %div3A_77 : vector<1x4xf32>
        %swap3A_79 = arith.constant 7 : index
        %swap3A_80 = arith.constant 0 : index
        %swap3A_81 = vector.load %arg7[%swap3A_79, %swap3A_80] : memref<8x128xf32, #tpu.memory_space<vmem>>, vector<1x4xf32>
        tpu.vector_store %arg7[%swap3A_79, %swap3A_80], %div3A_67 {strides = array<i32>} : memref<8x128xf32, #tpu.memory_space<vmem>>, vector<1x4xf32>,
        %sqrt3A = math.sqrt %div3A_78 : vector<1x4xf32>
        %swap3A_82 = arith.constant 2 : index
        %swap3A_83 = arith.constant 0 : index
        %swap3A_84 = vector.load %arg7[%swap3A_82, %swap3A_83] : memref<8x128xf32, #tpu.memory_space<vmem>>, vector<1x4xf32>
        tpu.vector_store %arg7[%swap3A_82, %swap3A_83], %sqrt3A {strides = array<i32>} : memref<8x128xf32, #tpu.memory_space<vmem>>, vector<1x4xf32>,
        %broadcast_in_dim3A_85 = arith.constant 0.000000e+00 : f32
        %broadcast_in_dim3A_86 = vector.broadcast %broadcast_in_dim3A_85 : f32 to vector<2x128xf32>
        %swap3A_87 = arith.constant 3 : index
        %swap3A_88 = arith.constant 0 : index
        %swap3A_89 = vector.load %arg7[%swap3A_87, %swap3A_88] : memref<8x128xf32, #tpu.memory_space<vmem>>, vector<2x128xf32>
        tpu.vector_store %arg7[%swap3A_87, %swap3A_88], %broadcast_in_dim3A_86 {strides = array<i32>} : memref<8x128xf32, #tpu.memory_space<vmem>>, vector<2x128xf32>,
      } else {
      }
      %iota3A = tpu.iota {dimensions = array<i32: 1>} : vector<2000x32xi32>
      %get3A = arith.constant 0 : index
      %get3A_17 = arith.constant 0 : index
      %get3A_18 = vector.load %arg2[%get3A, %get3A_17] : memref<2000x1xi32, #tpu.memory_space<vmem>>, vector<2000x1xi32>
      %eq3A_19 = vector.broadcast %get3A_18 : vector<2000x1xi32> to vector<2000x32xi32>
      %eq3A_20 = arith.cmpi eq, %iota3A, %eq3A_19 : vector<2000x32xi32>
      %convert_element_type3A_21 = arith.extui %eq3A_20 : vector<2000x32xi1> to vector<2000x32xi32>
      %convert_element_type3A_22 = arith.sitofp %convert_element_type3A_21 : vector<2000x32xi32> to vector<2000x32xf32>
      %get3A_23 = arith.constant 0 : index
      %get3A_24 = arith.constant 0 : index
      %get3A_25 = vector.load %arg4[%get3A_23, %get3A_24] : memref<32x32xf32, #tpu.memory_space<vmem>>, vector<32x32xf32>
      %dot_general3A = arith.constant dense<0.000000e+00> : vector<2000x32xf32>
      %dot_general3A_26 = tpu.matmul %convert_element_type3A_22, %get3A_25, %dot_general3A {dimension_numbers = #tpu.dot_dimension_numbers<[1], [0], [0], [1], [0, 0, 1, 1], [], []>, precision = #tpu.contract_precision<fp32>, transpose_lhs_hint = false} : vector<2000x32xf32>, vector<32x32xf32>, vector<2000x32xf32> -> vector<2000x32xf32>
      %get3A_27 = arith.constant 0 : index
      %get3A_28 = arith.constant 0 : index
      %get3A_29 = vector.load %arg3[%get3A_27, %get3A_28] : memref<2000x4xf32, #tpu.memory_space<vmem>>, vector<2000x4xf32>
      %get3A_30 = arith.constant 7 : index
      %get3A_31 = arith.constant 0 : index
      %get3A_32 = vector.load %arg7[%get3A_30, %get3A_31] : memref<8x128xf32, #tpu.memory_space<vmem>>, vector<1x4xf32>
      %sub3A = vector.broadcast %get3A_32 : vector<1x4xf32> to vector<2000x4xf32>
      %sub3A_33 = arith.subf %get3A_29, %sub3A : vector<2000x4xf32>
      %get3A_34 = arith.constant 2 : index
      %get3A_35 = arith.constant 0 : index
      %get3A_36 = vector.load %arg7[%get3A_34, %get3A_35] : memref<8x128xf32, #tpu.memory_space<vmem>>, vector<1x4xf32>
      %add3A = arith.constant 1.000000e-07 : f32
      %add3A_37 = vector.broadcast %add3A : f32 to vector<1x4xf32>
      %add3A_38 = arith.addf %get3A_36, %add3A_37 : vector<1x4xf32>
      %div3A = vector.broadcast %add3A_38 : vector<1x4xf32> to vector<2000x4xf32>
      %div3A_39 = arith.divf %sub3A_33, %div3A : vector<2000x4xf32>
      %concatenate3A = tpu.concatenate %dot_general3A_26, %div3A_39 in 1 : vector<2000x32xf32>, vector<2000x4xf32> -> vector<2000x36xf32>
      %get3A_40 = arith.constant 0 : index
      %get3A_41 = arith.constant 0 : index
      %get3A_42 = vector.load %arg5[%get3A_40, %get3A_41] : memref<36x32xf32, #tpu.memory_space<vmem>>, vector<36x32xf32>
      %dot_general3A_43 = arith.constant dense<0.000000e+00> : vector<2000x32xf32>
      %dot_general3A_44 = tpu.matmul %concatenate3A, %get3A_42, %dot_general3A_43 {dimension_numbers = #tpu.dot_dimension_numbers<[1], [0], [0], [1], [0, 0, 1, 1], [], []>, transpose_lhs_hint = false} : vector<2000x36xf32>, vector<36x32xf32>, vector<2000x32xf32> -> vector<2000x32xf32>
      %get3A_45 = arith.constant 3 : index
      %get3A_46 = arith.constant 0 : index
      %get3A_47 = vector.load %arg7[%get3A_45, %get3A_46] : memref<8x128xf32, #tpu.memory_space<vmem>>, vector<1x32xf32>
      %reduce_sum3A = arith.constant dense<0.000000e+00> : vector<32xf32>
      %reduce_sum3A_48 = vector.multi_reduction <add>, %dot_general3A_44, %reduce_sum3A [0] : vector<2000x32xf32> to vector<32xf32>
      %broadcast_in_dim3A = vector.shape_cast %reduce_sum3A_48 : vector<32xf32> to vector<1x32xf32>
      %add3A_49 = arith.addf %get3A_47, %broadcast_in_dim3A : vector<1x32xf32>
      %swap3A = arith.constant 3 : index
      %swap3A_50 = arith.constant 0 : index
      %swap3A_51 = vector.load %arg7[%swap3A, %swap3A_50] : memref<8x128xf32, #tpu.memory_space<vmem>>, vector<1x32xf32>
      tpu.vector_store %arg7[%swap3A, %swap3A_50], %add3A_49 {strides = array<i32>} : memref<8x128xf32, #tpu.memory_space<vmem>>, vector<1x32xf32>,
      %get3A_52 = arith.constant 4 : index
      %get3A_53 = arith.constant 0 : index
      %get3A_54 = vector.load %arg7[%get3A_52, %get3A_53] : memref<8x128xf32, #tpu.memory_space<vmem>>, vector<1x32xf32>
      %mul3A = arith.mulf %dot_general3A_44, %dot_general3A_44 : vector<2000x32xf32>
      %reduce_sum3A_55 = arith.constant dense<0.000000e+00> : vector<32xf32>
      %reduce_sum3A_56 = vector.multi_reduction <add>, %mul3A, %reduce_sum3A_55 [0] : vector<2000x32xf32> to vector<32xf32>
      %broadcast_in_dim3A_57 = vector.shape_cast %reduce_sum3A_56 : vector<32xf32> to vector<1x32xf32>
      %add3A_58 = arith.addf %get3A_54, %broadcast_in_dim3A_57 : vector<1x32xf32>
      %swap3A_59 = arith.constant 4 : index
      %swap3A_60 = arith.constant 0 : index
      %swap3A_61 = vector.load %arg7[%swap3A_59, %swap3A_60] : memref<8x128xf32, #tpu.memory_space<vmem>>, vector<1x32xf32>
      tpu.vector_store %arg7[%swap3A_59, %swap3A_60], %add3A_58 {strides = array<i32>} : memref<8x128xf32, #tpu.memory_space<vmem>>, vector<1x32xf32>,
    } else {
    }
    %eq3A_7 = arith.constant 2 : i32
    %eq3A_8 = arith.cmpi eq, %arg0, %eq3A_7 : i32
    %convert_element_type3A_9 = arith.extui %eq3A_8 : i1 to i32
    %cond3A_10 = arith.constant 0 : i32
    %cond3A_11 = arith.cmpi ne, %convert_element_type3A_9, %cond3A_10 : i32
    scf.if %cond3A_11 {
      %eq3A_12 = arith.constant 0 : i32
      %eq3A_13 = arith.cmpi eq, %arg1, %eq3A_12 : i32
      %convert_element_type3A_14 = arith.extui %eq3A_13 : i1 to i32
      %cond3A_15 = arith.constant 0 : i32
      %cond3A_16 = arith.cmpi ne, %convert_element_type3A_14, %cond3A_15 : i32
      scf.if %cond3A_16 {
        %get3A_59 = arith.constant 3 : index
        %get3A_60 = arith.constant 0 : index
        %get3A_61 = vector.load %arg7[%get3A_59, %get3A_60] : memref<8x128xf32, #tpu.memory_space<vmem>>, vector<1x32xf32>
        %div3A_62 = arith.constant 5.000000e+04 : f32
        %div3A_63 = vector.broadcast %div3A_62 : f32 to vector<1x32xf32>
        %div3A_64 = arith.divf %get3A_61, %div3A_63 : vector<1x32xf32>
        %get3A_65 = arith.constant 4 : index
        %get3A_66 = arith.constant 0 : index
        %get3A_67 = vector.load %arg7[%get3A_65, %get3A_66] : memref<8x128xf32, #tpu.memory_space<vmem>>, vector<1x32xf32>
        %div3A_68 = arith.constant 5.000000e+04 : f32
        %div3A_69 = vector.broadcast %div3A_68 : f32 to vector<1x32xf32>
        %div3A_70 = arith.divf %get3A_67, %div3A_69 : vector<1x32xf32>
        %mul3A = arith.mulf %div3A_64, %div3A_64 : vector<1x32xf32>
        %sub3A_71 = arith.subf %div3A_70, %mul3A : vector<1x32xf32>
        %swap3A_72 = arith.constant 5 : index
        %swap3A_73 = arith.constant 0 : index
        %swap3A_74 = vector.load %arg7[%swap3A_72, %swap3A_73] : memref<8x128xf32, #tpu.memory_space<vmem>>, vector<1x32xf32>
        tpu.vector_store %arg7[%swap3A_72, %swap3A_73], %div3A_64 {strides = array<i32>} : memref<8x128xf32, #tpu.memory_space<vmem>>, vector<1x32xf32>,
        %add3A_75 = arith.constant 9.99999974E-6 : f32
        %add3A_76 = vector.broadcast %add3A_75 : f32 to vector<1x32xf32>
        %add3A_77 = arith.addf %sub3A_71, %add3A_76 : vector<1x32xf32>
        %sqrt3A = math.sqrt %add3A_77 : vector<1x32xf32>
        %swap3A_78 = arith.constant 6 : index
        %swap3A_79 = arith.constant 0 : index
        %swap3A_80 = vector.load %arg7[%swap3A_78, %swap3A_79] : memref<8x128xf32, #tpu.memory_space<vmem>>, vector<1x32xf32>
        tpu.vector_store %arg7[%swap3A_78, %swap3A_79], %sqrt3A {strides = array<i32>} : memref<8x128xf32, #tpu.memory_space<vmem>>, vector<1x32xf32>,
      } else {
      }
      %iota3A = tpu.iota {dimensions = array<i32: 1>} : vector<2000x32xi32>
      %get3A = arith.constant 0 : index
      %get3A_17 = arith.constant 0 : index
      %get3A_18 = vector.load %arg2[%get3A, %get3A_17] : memref<2000x1xi32, #tpu.memory_space<vmem>>, vector<2000x1xi32>
      %eq3A_19 = vector.broadcast %get3A_18 : vector<2000x1xi32> to vector<2000x32xi32>
      %eq3A_20 = arith.cmpi eq, %iota3A, %eq3A_19 : vector<2000x32xi32>
      %convert_element_type3A_21 = arith.extui %eq3A_20 : vector<2000x32xi1> to vector<2000x32xi32>
      %convert_element_type3A_22 = arith.sitofp %convert_element_type3A_21 : vector<2000x32xi32> to vector<2000x32xf32>
      %get3A_23 = arith.constant 0 : index
      %get3A_24 = arith.constant 0 : index
      %get3A_25 = vector.load %arg4[%get3A_23, %get3A_24] : memref<32x32xf32, #tpu.memory_space<vmem>>, vector<32x32xf32>
      %dot_general3A = arith.constant dense<0.000000e+00> : vector<2000x32xf32>
      %dot_general3A_26 = tpu.matmul %convert_element_type3A_22, %get3A_25, %dot_general3A {dimension_numbers = #tpu.dot_dimension_numbers<[1], [0], [0], [1], [0, 0, 1, 1], [], []>, precision = #tpu.contract_precision<fp32>, transpose_lhs_hint = false} : vector<2000x32xf32>, vector<32x32xf32>, vector<2000x32xf32> -> vector<2000x32xf32>
      %get3A_27 = arith.constant 0 : index
      %get3A_28 = arith.constant 0 : index
      %get3A_29 = vector.load %arg3[%get3A_27, %get3A_28] : memref<2000x4xf32, #tpu.memory_space<vmem>>, vector<2000x4xf32>
      %get3A_30 = arith.constant 7 : index
      %get3A_31 = arith.constant 0 : index
      %get3A_32 = vector.load %arg7[%get3A_30, %get3A_31] : memref<8x128xf32, #tpu.memory_space<vmem>>, vector<1x4xf32>
      %sub3A = vector.broadcast %get3A_32 : vector<1x4xf32> to vector<2000x4xf32>
      %sub3A_33 = arith.subf %get3A_29, %sub3A : vector<2000x4xf32>
      %get3A_34 = arith.constant 2 : index
      %get3A_35 = arith.constant 0 : index
      %get3A_36 = vector.load %arg7[%get3A_34, %get3A_35] : memref<8x128xf32, #tpu.memory_space<vmem>>, vector<1x4xf32>
      %add3A = arith.constant 1.000000e-07 : f32
      %add3A_37 = vector.broadcast %add3A : f32 to vector<1x4xf32>
      %add3A_38 = arith.addf %get3A_36, %add3A_37 : vector<1x4xf32>
      %div3A = vector.broadcast %add3A_38 : vector<1x4xf32> to vector<2000x4xf32>
      %div3A_39 = arith.divf %sub3A_33, %div3A : vector<2000x4xf32>
      %concatenate3A = tpu.concatenate %dot_general3A_26, %div3A_39 in 1 : vector<2000x32xf32>, vector<2000x4xf32> -> vector<2000x36xf32>
      %get3A_40 = arith.constant 0 : index
      %get3A_41 = arith.constant 0 : index
      %get3A_42 = vector.load %arg5[%get3A_40, %get3A_41] : memref<36x32xf32, #tpu.memory_space<vmem>>, vector<36x32xf32>
      %dot_general3A_43 = arith.constant dense<0.000000e+00> : vector<2000x32xf32>
      %dot_general3A_44 = tpu.matmul %concatenate3A, %get3A_42, %dot_general3A_43 {dimension_numbers = #tpu.dot_dimension_numbers<[1], [0], [0], [1], [0, 0, 1, 1], [], []>, transpose_lhs_hint = false} : vector<2000x36xf32>, vector<36x32xf32>, vector<2000x32xf32> -> vector<2000x32xf32>
      %get3A_45 = arith.constant 5 : index
      %get3A_46 = arith.constant 0 : index
      %get3A_47 = vector.load %arg7[%get3A_45, %get3A_46] : memref<8x128xf32, #tpu.memory_space<vmem>>, vector<1x32xf32>
      %sub3A_48 = vector.broadcast %get3A_47 : vector<1x32xf32> to vector<2000x32xf32>
      %sub3A_49 = arith.subf %dot_general3A_44, %sub3A_48 : vector<2000x32xf32>
      %get3A_50 = arith.constant 6 : index
      %get3A_51 = arith.constant 0 : index
      %get3A_52 = vector.load %arg7[%get3A_50, %get3A_51] : memref<8x128xf32, #tpu.memory_space<vmem>>, vector<1x32xf32>
      %div3A_53 = vector.broadcast %get3A_52 : vector<1x32xf32> to vector<2000x32xf32>
      %div3A_54 = arith.divf %sub3A_49, %div3A_53 : vector<2000x32xf32>
      %max3A = arith.constant 0.000000e+00 : f32
      %max3A_55 = vector.broadcast %max3A : f32 to vector<2000x32xf32>
      %max3A_56 = arith.maximumf %div3A_54, %max3A_55 : vector<2000x32xf32>
      %swap3A = arith.constant 0 : index
      %swap3A_57 = arith.constant 0 : index
      %swap3A_58 = vector.load %arg6[%swap3A, %swap3A_57] : memref<2000x32xf32, #tpu.memory_space<vmem>>, vector<2000x32xf32>
      tpu.vector_store %arg6[%swap3A, %swap3A_57], %max3A_56 {strides = array<i32>} : memref<2000x32xf32, #tpu.memory_space<vmem>>, vector<2000x32xf32>,
    } else {
    }
    return
  }
  func.func @transform_0(%arg0: i32, %arg1: i32) -> (i32, i32) {
    %c0_i32 = arith.constant 0 : i32
    %c0_i32_0 = arith.constant 0 : i32
    return %arg1, %c0_i32 : i32, i32
  }
  func.func @transform_1(%arg0: i32, %arg1: i32) -> (i32, i32) {
    %c0_i32 = arith.constant 0 : i32
    %c0_i32_0 = arith.constant 0 : i32
    return %arg1, %c0_i32 : i32, i32
  }
  func.func @transform_2(%arg0: i32, %arg1: i32) -> (i32, i32) {
    %c0_i32 = arith.constant 0 : i32
    %c0_i32_0 = arith.constant 0 : i32
    %c0_i32_1 = arith.constant 0 : i32
    return %c0_i32, %c0_i32_0 : i32, i32
  }
  func.func @transform_3(%arg0: i32, %arg1: i32) -> (i32, i32) {
    %c0_i32 = arith.constant 0 : i32
    %c0_i32_0 = arith.constant 0 : i32
    %c0_i32_1 = arith.constant 0 : i32
    return %c0_i32, %c0_i32_0 : i32, i32
  }
  func.func @transform_4(%arg0: i32, %arg1: i32) -> (i32, i32) {
    %c0_i32 = arith.constant 0 : i32
    %c0_i32_0 = arith.constant 0 : i32
    return %arg1, %c0_i32 : i32, i32
  }
}

module attributes {stable_mosaic.version = 14 : i64} {
  func.func @_triple0_body(%arg0: i32, %arg1: memref<4096x32xbf16, #tpu.memory_space<vmem>>, %arg2: memref<4096x32xbf16, #tpu.memory_space<vmem>>, %arg3: memref<4096x1xi32, #tpu.memory_space<vmem>>, %arg4: memref<16x32xf32, #tpu.memory_space<vmem>>, %arg5: memref<96x32xf32, #tpu.memory_space<vmem>>, %arg6: memref<1x32xf32, #tpu.memory_space<vmem>>, %arg7: memref<32x96xf32, #tpu.memory_space<vmem>>, %arg8: memref<1x96xf32, #tpu.memory_space<vmem>>, %arg9: memref<4096x128xf32, #tpu.memory_space<vmem>>) attributes {dimension_semantics = [#tpu.dimension_semantics<arbitrary>], iteration_bounds = array<i64: 196>, scalar_prefetch = 0 : i64, scratch_operands = 0 : i64, tpu.core_type = #tpu.core_type<tc>, window_params = [{transform_indices = @transform_0, window_bounds = array<i64: 4096, 32>}, {transform_indices = @transform_1, window_bounds = array<i64: 4096, 32>}, {transform_indices = @transform_2, window_bounds = array<i64: 4096, 1>}, {pipeline_mode = #tpu.pipeline_mode<synchronous>, transform_indices = @transform_3, window_bounds = array<i64: 16, 32>}, {pipeline_mode = #tpu.pipeline_mode<synchronous>, transform_indices = @transform_4, window_bounds = array<i64: 96, 32>}, {pipeline_mode = #tpu.pipeline_mode<synchronous>, transform_indices = @transform_5, window_bounds = array<i64: 1, 32>}, {pipeline_mode = #tpu.pipeline_mode<synchronous>, transform_indices = @transform_6, window_bounds = array<i64: 32, 96>}, {pipeline_mode = #tpu.pipeline_mode<synchronous>, transform_indices = @transform_7, window_bounds = array<i64: 1, 96>}, {transform_indices = @transform_8, window_bounds = array<i64: 4096, 128>}]} {
    %iota3A = tpu.iota {dimensions = array<i32: 1>} : vector<4096x16xi32>
    %get3A = arith.constant 0 : index
    %get3A_0 = arith.constant 0 : index
    %get3A_1 = vector.load %arg3[%get3A, %get3A_0] : memref<4096x1xi32, #tpu.memory_space<vmem>>, vector<4096x1xi32>
    %eq3A = vector.broadcast %get3A_1 : vector<4096x1xi32> to vector<4096x16xi32>
    %eq3A_2 = arith.cmpi eq, %iota3A, %eq3A : vector<4096x16xi32>
    %convert_element_type3A = arith.extui %eq3A_2 : vector<4096x16xi1> to vector<4096x16xi32>
    %convert_element_type3A_3 = arith.sitofp %convert_element_type3A : vector<4096x16xi32> to vector<4096x16xf32>
    %get3A_4 = arith.constant 0 : index
    %get3A_5 = arith.constant 0 : index
    %get3A_6 = vector.load %arg4[%get3A_4, %get3A_5] : memref<16x32xf32, #tpu.memory_space<vmem>>, vector<16x32xf32>
    %dot_general3A = arith.constant dense<0.000000e+00> : vector<4096x32xf32>
    %dot_general3A_7 = tpu.matmul %convert_element_type3A_3, %get3A_6, %dot_general3A {dimension_numbers = #tpu.dot_dimension_numbers<[1], [0], [0], [1], [0, 0, 1, 1], [], []>, precision = #tpu.contract_precision<fp32>, transpose_lhs_hint = false} : vector<4096x16xf32>, vector<16x32xf32>, vector<4096x32xf32> -> vector<4096x32xf32>
    %get3A_8 = arith.constant 0 : index
    %get3A_9 = arith.constant 0 : index
    %get3A_10 = vector.load %arg1[%get3A_8, %get3A_9] : memref<4096x32xbf16, #tpu.memory_space<vmem>>, vector<4096x32xbf16>
    %convert_element_type3A_11 = arith.extf %get3A_10 : vector<4096x32xbf16> to vector<4096x32xf32>
    %get3A_12 = arith.constant 0 : index
    %get3A_13 = arith.constant 0 : index
    %get3A_14 = vector.load %arg2[%get3A_12, %get3A_13] : memref<4096x32xbf16, #tpu.memory_space<vmem>>, vector<4096x32xbf16>
    %convert_element_type3A_15 = arith.extf %get3A_14 : vector<4096x32xbf16> to vector<4096x32xf32>
    %concatenate3A = tpu.concatenate %convert_element_type3A_11, %dot_general3A_7, %convert_element_type3A_15 in 1 : vector<4096x32xf32>, vector<4096x32xf32>, vector<4096x32xf32> -> vector<4096x96xf32>
    %get3A_16 = arith.constant 0 : index
    %get3A_17 = arith.constant 0 : index
    %get3A_18 = vector.load %arg5[%get3A_16, %get3A_17] : memref<96x32xf32, #tpu.memory_space<vmem>>, vector<96x32xf32>
    %dot_general3A_19 = arith.constant dense<0.000000e+00> : vector<4096x32xf32>
    %dot_general3A_20 = tpu.matmul %concatenate3A, %get3A_18, %dot_general3A_19 {dimension_numbers = #tpu.dot_dimension_numbers<[1], [0], [0], [1], [0, 0, 1, 1], [], []>, transpose_lhs_hint = false} : vector<4096x96xf32>, vector<96x32xf32>, vector<4096x32xf32> -> vector<4096x32xf32>
    %get3A_21 = arith.constant 0 : index
    %get3A_22 = arith.constant 0 : index
    %get3A_23 = vector.load %arg6[%get3A_21, %get3A_22] : memref<1x32xf32, #tpu.memory_space<vmem>>, vector<1x32xf32>
    %add3A = vector.broadcast %get3A_23 : vector<1x32xf32> to vector<4096x32xf32>
    %add3A_24 = arith.addf %dot_general3A_20, %add3A : vector<4096x32xf32>
    %max3A = arith.constant 0.000000e+00 : f32
    %max3A_25 = vector.broadcast %max3A : f32 to vector<4096x32xf32>
    %max3A_26 = arith.maximumf %add3A_24, %max3A_25 : vector<4096x32xf32>
    %get3A_27 = arith.constant 0 : index
    %get3A_28 = arith.constant 0 : index
    %get3A_29 = vector.load %arg7[%get3A_27, %get3A_28] : memref<32x96xf32, #tpu.memory_space<vmem>>, vector<32x96xf32>
    %dot_general3A_30 = arith.constant dense<0.000000e+00> : vector<4096x96xf32>
    %dot_general3A_31 = tpu.matmul %max3A_26, %get3A_29, %dot_general3A_30 {dimension_numbers = #tpu.dot_dimension_numbers<[1], [0], [0], [1], [0, 0, 1, 1], [], []>, transpose_lhs_hint = false} : vector<4096x32xf32>, vector<32x96xf32>, vector<4096x96xf32> -> vector<4096x96xf32>
    %get3A_32 = arith.constant 0 : index
    %get3A_33 = arith.constant 0 : index
    %get3A_34 = vector.load %arg8[%get3A_32, %get3A_33] : memref<1x96xf32, #tpu.memory_space<vmem>>, vector<1x96xf32>
    %add3A_35 = vector.broadcast %get3A_34 : vector<1x96xf32> to vector<4096x96xf32>
    %add3A_36 = arith.addf %dot_general3A_31, %add3A_35 : vector<4096x96xf32>
    %max3A_37 = arith.constant 0.000000e+00 : f32
    %max3A_38 = vector.broadcast %max3A_37 : f32 to vector<4096x96xf32>
    %max3A_39 = arith.maximumf %add3A_36, %max3A_38 : vector<4096x96xf32>
    %broadcast_in_dim3A = arith.constant 0.000000e+00 : f32
    %broadcast_in_dim3A_40 = vector.broadcast %broadcast_in_dim3A : f32 to vector<4096x32xf32>
    %concatenate3A_41 = tpu.concatenate %max3A_39, %broadcast_in_dim3A_40 in 1 : vector<4096x96xf32>, vector<4096x32xf32> -> vector<4096x128xf32>
    %swap3A = arith.constant 0 : index
    %swap3A_42 = arith.constant 0 : index
    %swap3A_43 = vector.load %arg9[%swap3A, %swap3A_42] : memref<4096x128xf32, #tpu.memory_space<vmem>>, vector<4096x128xf32>
    tpu.vector_store %arg9[%swap3A, %swap3A_42], %concatenate3A_41 {strides = array<i32>} : memref<4096x128xf32, #tpu.memory_space<vmem>>, vector<4096x128xf32>,
    return
  }
  func.func @transform_0(%arg0: i32) -> (i32, i32) {
    %c0_i32 = arith.constant 0 : i32
    %c0_i32_0 = arith.constant 0 : i32
    return %arg0, %c0_i32 : i32, i32
  }
  func.func @transform_1(%arg0: i32) -> (i32, i32) {
    %add3A = arith.constant 196 : i32
    %add3A_0 = arith.addi %arg0, %add3A : i32
    %c0_i32 = arith.constant 0 : i32
    %c0_i32_1 = arith.constant 0 : i32
    return %add3A_0, %c0_i32 : i32, i32
  }
  func.func @transform_2(%arg0: i32) -> (i32, i32) {
    %c0_i32 = arith.constant 0 : i32
    %c0_i32_0 = arith.constant 0 : i32
    return %arg0, %c0_i32 : i32, i32
  }
  func.func @transform_3(%arg0: i32) -> (i32, i32) {
    %c0_i32 = arith.constant 0 : i32
    %c0_i32_0 = arith.constant 0 : i32
    %c0_i32_1 = arith.constant 0 : i32
    return %c0_i32, %c0_i32_0 : i32, i32
  }
  func.func @transform_4(%arg0: i32) -> (i32, i32) {
    %c0_i32 = arith.constant 0 : i32
    %c0_i32_0 = arith.constant 0 : i32
    %c0_i32_1 = arith.constant 0 : i32
    return %c0_i32, %c0_i32_0 : i32, i32
  }
  func.func @transform_5(%arg0: i32) -> (i32, i32) {
    %c0_i32 = arith.constant 0 : i32
    %c0_i32_0 = arith.constant 0 : i32
    %c0_i32_1 = arith.constant 0 : i32
    return %c0_i32, %c0_i32_0 : i32, i32
  }
  func.func @transform_6(%arg0: i32) -> (i32, i32) {
    %c0_i32 = arith.constant 0 : i32
    %c0_i32_0 = arith.constant 0 : i32
    %c0_i32_1 = arith.constant 0 : i32
    return %c0_i32, %c0_i32_0 : i32, i32
  }
  func.func @transform_7(%arg0: i32) -> (i32, i32) {
    %c0_i32 = arith.constant 0 : i32
    %c0_i32_0 = arith.constant 0 : i32
    %c0_i32_1 = arith.constant 0 : i32
    return %c0_i32, %c0_i32_0 : i32, i32
  }
  func.func @transform_8(%arg0: i32) -> (i32, i32) {
    %c0_i32 = arith.constant 0 : i32
    %c0_i32_0 = arith.constant 0 : i32
    return %arg0, %c0_i32 : i32, i32
  }
}

module attributes {stable_mosaic.version = 14 : i64} {
  func.func @_node_body(%arg0: i32, %arg1: memref<2x2000x32xf32, #tpu.memory_space<vmem>>, %arg2: memref<2x2000x16xf32, #tpu.memory_space<vmem>>, %arg3: memref<32x32xf32, #tpu.memory_space<vmem>>, %arg4: memref<1x32xf32, #tpu.memory_space<vmem>>, %arg5: memref<32x32xf32, #tpu.memory_space<vmem>>, %arg6: memref<1x32xf32, #tpu.memory_space<vmem>>, %arg7: memref<2000x32xf32, #tpu.memory_space<vmem>>) attributes {dimension_semantics = [#tpu.dimension_semantics<arbitrary>], iteration_bounds = array<i64: 25>, scalar_prefetch = 0 : i64, scratch_operands = 0 : i64, tpu.core_type = #tpu.core_type<tc>, window_params = [{transform_indices = @transform_0, window_bounds = array<i64: 2, 2000, 32>}, {transform_indices = @transform_1, window_bounds = array<i64: 2, 2000, 16>}, {pipeline_mode = #tpu.pipeline_mode<synchronous>, transform_indices = @transform_2, window_bounds = array<i64: 32, 32>}, {pipeline_mode = #tpu.pipeline_mode<synchronous>, transform_indices = @transform_3, window_bounds = array<i64: 1, 32>}, {pipeline_mode = #tpu.pipeline_mode<synchronous>, transform_indices = @transform_4, window_bounds = array<i64: 32, 32>}, {pipeline_mode = #tpu.pipeline_mode<synchronous>, transform_indices = @transform_5, window_bounds = array<i64: 1, 32>}, {transform_indices = @transform_6, window_bounds = array<i64: 2000, 32>}]} {
    %get3A = arith.constant 0 : index
    %get3A_0 = arith.constant 0 : index
    %get3A_1 = arith.constant 0 : index
    %get3A_2 = vector.load %arg2[%get3A, %get3A_0, %get3A_1] : memref<2x2000x16xf32, #tpu.memory_space<vmem>>, vector<1x2000x16xf32>
    %get3A_3 = vector.shape_cast %get3A_2 : vector<1x2000x16xf32> to vector<2000x16xf32>
    %slice3A = vector.extract_strided_slice %get3A_3 {offsets = [0, 0], sizes = [2000, 1], strides = [1, 1]} : vector<2000x16xf32> to vector<2000x1xf32>
    %get3A_4 = arith.constant 1 : index
    %get3A_5 = arith.constant 0 : index
    %get3A_6 = arith.constant 0 : index
    %get3A_7 = vector.load %arg2[%get3A_4, %get3A_5, %get3A_6] : memref<2x2000x16xf32, #tpu.memory_space<vmem>>, vector<1x2000x16xf32>
    %get3A_8 = vector.shape_cast %get3A_7 : vector<1x2000x16xf32> to vector<2000x16xf32>
    %slice3A_9 = vector.extract_strided_slice %get3A_8 {offsets = [0, 0], sizes = [2000, 1], strides = [1, 1]} : vector<2000x16xf32> to vector<2000x1xf32>
    %add3A = arith.addf %slice3A, %slice3A_9 : vector<2000x1xf32>
    %get3A_10 = arith.constant 0 : index
    %get3A_11 = arith.constant 0 : index
    %get3A_12 = arith.constant 0 : index
    %get3A_13 = vector.load %arg1[%get3A_10, %get3A_11, %get3A_12] : memref<2x2000x32xf32, #tpu.memory_space<vmem>>, vector<1x2000x32xf32>
    %get3A_14 = vector.shape_cast %get3A_13 : vector<1x2000x32xf32> to vector<2000x32xf32>
    %get3A_15 = arith.constant 1 : index
    %get3A_16 = arith.constant 0 : index
    %get3A_17 = arith.constant 0 : index
    %get3A_18 = vector.load %arg1[%get3A_15, %get3A_16, %get3A_17] : memref<2x2000x32xf32, #tpu.memory_space<vmem>>, vector<1x2000x32xf32>
    %get3A_19 = vector.shape_cast %get3A_18 : vector<1x2000x32xf32> to vector<2000x32xf32>
    %add3A_20 = arith.addf %get3A_14, %get3A_19 : vector<2000x32xf32>
    %max3A = arith.constant 1.000000e+00 : f32
    %max3A_21 = vector.broadcast %max3A : f32 to vector<2000x1xf32>
    %max3A_22 = arith.maximumf %add3A, %max3A_21 : vector<2000x1xf32>
    %div3A = vector.broadcast %max3A_22 : vector<2000x1xf32> to vector<2000x32xf32>
    %div3A_23 = arith.divf %add3A_20, %div3A : vector<2000x32xf32>
    %get3A_24 = arith.constant 0 : index
    %get3A_25 = arith.constant 0 : index
    %get3A_26 = vector.load %arg3[%get3A_24, %get3A_25] : memref<32x32xf32, #tpu.memory_space<vmem>>, vector<32x32xf32>
    %dot_general3A = arith.constant dense<0.000000e+00> : vector<2000x32xf32>
    %dot_general3A_27 = tpu.matmul %div3A_23, %get3A_26, %dot_general3A {dimension_numbers = #tpu.dot_dimension_numbers<[1], [0], [0], [1], [0, 0, 1, 1], [], []>, transpose_lhs_hint = false} : vector<2000x32xf32>, vector<32x32xf32>, vector<2000x32xf32> -> vector<2000x32xf32>
    %get3A_28 = arith.constant 0 : index
    %get3A_29 = arith.constant 0 : index
    %get3A_30 = vector.load %arg4[%get3A_28, %get3A_29] : memref<1x32xf32, #tpu.memory_space<vmem>>, vector<1x32xf32>
    %add3A_31 = vector.broadcast %get3A_30 : vector<1x32xf32> to vector<2000x32xf32>
    %add3A_32 = arith.addf %dot_general3A_27, %add3A_31 : vector<2000x32xf32>
    %max3A_33 = arith.constant 0.000000e+00 : f32
    %max3A_34 = vector.broadcast %max3A_33 : f32 to vector<2000x32xf32>
    %max3A_35 = arith.maximumf %add3A_32, %max3A_34 : vector<2000x32xf32>
    %get3A_36 = arith.constant 0 : index
    %get3A_37 = arith.constant 0 : index
    %get3A_38 = vector.load %arg5[%get3A_36, %get3A_37] : memref<32x32xf32, #tpu.memory_space<vmem>>, vector<32x32xf32>
    %dot_general3A_39 = arith.constant dense<0.000000e+00> : vector<2000x32xf32>
    %dot_general3A_40 = tpu.matmul %max3A_35, %get3A_38, %dot_general3A_39 {dimension_numbers = #tpu.dot_dimension_numbers<[1], [0], [0], [1], [0, 0, 1, 1], [], []>, transpose_lhs_hint = false} : vector<2000x32xf32>, vector<32x32xf32>, vector<2000x32xf32> -> vector<2000x32xf32>
    %get3A_41 = arith.constant 0 : index
    %get3A_42 = arith.constant 0 : index
    %get3A_43 = vector.load %arg6[%get3A_41, %get3A_42] : memref<1x32xf32, #tpu.memory_space<vmem>>, vector<1x32xf32>
    %add3A_44 = vector.broadcast %get3A_43 : vector<1x32xf32> to vector<2000x32xf32>
    %add3A_45 = arith.addf %dot_general3A_40, %add3A_44 : vector<2000x32xf32>
    %max3A_46 = arith.constant 0.000000e+00 : f32
    %max3A_47 = vector.broadcast %max3A_46 : f32 to vector<2000x32xf32>
    %max3A_48 = arith.maximumf %add3A_45, %max3A_47 : vector<2000x32xf32>
    %swap3A = arith.constant 0 : index
    %swap3A_49 = arith.constant 0 : index
    %swap3A_50 = vector.load %arg7[%swap3A, %swap3A_49] : memref<2000x32xf32, #tpu.memory_space<vmem>>, vector<2000x32xf32>
    tpu.vector_store %arg7[%swap3A, %swap3A_49], %max3A_48 {strides = array<i32>} : memref<2000x32xf32, #tpu.memory_space<vmem>>, vector<2000x32xf32>,
    return
  }
  func.func @transform_0(%arg0: i32) -> (i32, i32, i32) {
    %c0_i32 = arith.constant 0 : i32
    %c0_i32_0 = arith.constant 0 : i32
    %c0_i32_1 = arith.constant 0 : i32
    return %c0_i32, %arg0, %c0_i32_0 : i32, i32, i32
  }
  func.func @transform_1(%arg0: i32) -> (i32, i32, i32) {
    %c0_i32 = arith.constant 0 : i32
    %c0_i32_0 = arith.constant 0 : i32
    %c0_i32_1 = arith.constant 0 : i32
    return %c0_i32, %arg0, %c0_i32_0 : i32, i32, i32
  }
  func.func @transform_2(%arg0: i32) -> (i32, i32) {
    %c0_i32 = arith.constant 0 : i32
    %c0_i32_0 = arith.constant 0 : i32
    %c0_i32_1 = arith.constant 0 : i32
    return %c0_i32, %c0_i32_0 : i32, i32
  }
  func.func @transform_3(%arg0: i32) -> (i32, i32) {
    %c0_i32 = arith.constant 0 : i32
    %c0_i32_0 = arith.constant 0 : i32
    %c0_i32_1 = arith.constant 0 : i32
    return %c0_i32, %c0_i32_0 : i32, i32
  }
  func.func @transform_4(%arg0: i32) -> (i32, i32) {
    %c0_i32 = arith.constant 0 : i32
    %c0_i32_0 = arith.constant 0 : i32
    %c0_i32_1 = arith.constant 0 : i32
    return %c0_i32, %c0_i32_0 : i32, i32
  }
  func.func @transform_5(%arg0: i32) -> (i32, i32) {
    %c0_i32 = arith.constant 0 : i32
    %c0_i32_0 = arith.constant 0 : i32
    %c0_i32_1 = arith.constant 0 : i32
    return %c0_i32, %c0_i32_0 : i32, i32
  }
  func.func @transform_6(%arg0: i32) -> (i32, i32) {
    %c0_i32 = arith.constant 0 : i32
    %c0_i32_0 = arith.constant 0 : i32
    return %arg0, %c0_i32 : i32, i32
  }
}

module attributes {stable_mosaic.version = 14 : i64} {
  func.func @_triple1_body(%arg0: i32, %arg1: memref<4096x32xbf16, #tpu.memory_space<vmem>>, %arg2: memref<4096x32xbf16, #tpu.memory_space<vmem>>, %arg3: memref<4096x128xf32, #tpu.memory_space<vmem>>, %arg4: memref<96x32xf32, #tpu.memory_space<vmem>>, %arg5: memref<1x32xf32, #tpu.memory_space<vmem>>, %arg6: memref<32x96xf32, #tpu.memory_space<vmem>>, %arg7: memref<1x96xf32, #tpu.memory_space<vmem>>, %arg8: memref<4096x128xf32, #tpu.memory_space<vmem>>) attributes {dimension_semantics = [#tpu.dimension_semantics<arbitrary>], iteration_bounds = array<i64: 196>, scalar_prefetch = 0 : i64, scratch_operands = 0 : i64, tpu.core_type = #tpu.core_type<tc>, window_params = [{transform_indices = @transform_0, window_bounds = array<i64: 4096, 32>}, {transform_indices = @transform_1, window_bounds = array<i64: 4096, 32>}, {transform_indices = @transform_2, window_bounds = array<i64: 4096, 128>}, {pipeline_mode = #tpu.pipeline_mode<synchronous>, transform_indices = @transform_3, window_bounds = array<i64: 96, 32>}, {pipeline_mode = #tpu.pipeline_mode<synchronous>, transform_indices = @transform_4, window_bounds = array<i64: 1, 32>}, {pipeline_mode = #tpu.pipeline_mode<synchronous>, transform_indices = @transform_5, window_bounds = array<i64: 32, 96>}, {pipeline_mode = #tpu.pipeline_mode<synchronous>, transform_indices = @transform_6, window_bounds = array<i64: 1, 96>}, {transform_indices = @transform_7, window_bounds = array<i64: 4096, 128>}]} {
    %get3A = arith.constant 0 : index
    %get3A_0 = arith.constant 0 : index
    %get3A_1 = vector.load %arg1[%get3A, %get3A_0] : memref<4096x32xbf16, #tpu.memory_space<vmem>>, vector<4096x32xbf16>
    %convert_element_type3A = arith.extf %get3A_1 : vector<4096x32xbf16> to vector<4096x32xf32>
    %get3A_2 = arith.constant 0 : index
    %get3A_3 = arith.constant 32 : index
    %get3A_4 = vector.load %arg3[%get3A_2, %get3A_3] : memref<4096x128xf32, #tpu.memory_space<vmem>>, vector<4096x32xf32>
    %get3A_5 = arith.constant 0 : index
    %get3A_6 = arith.constant 0 : index
    %get3A_7 = vector.load %arg2[%get3A_5, %get3A_6] : memref<4096x32xbf16, #tpu.memory_space<vmem>>, vector<4096x32xbf16>
    %convert_element_type3A_8 = arith.extf %get3A_7 : vector<4096x32xbf16> to vector<4096x32xf32>
    %concatenate3A = tpu.concatenate %convert_element_type3A, %get3A_4, %convert_element_type3A_8 in 1 : vector<4096x32xf32>, vector<4096x32xf32>, vector<4096x32xf32> -> vector<4096x96xf32>
    %get3A_9 = arith.constant 0 : index
    %get3A_10 = arith.constant 0 : index
    %get3A_11 = vector.load %arg4[%get3A_9, %get3A_10] : memref<96x32xf32, #tpu.memory_space<vmem>>, vector<96x32xf32>
    %dot_general3A = arith.constant dense<0.000000e+00> : vector<4096x32xf32>
    %dot_general3A_12 = tpu.matmul %concatenate3A, %get3A_11, %dot_general3A {dimension_numbers = #tpu.dot_dimension_numbers<[1], [0], [0], [1], [0, 0, 1, 1], [], []>, transpose_lhs_hint = false} : vector<4096x96xf32>, vector<96x32xf32>, vector<4096x32xf32> -> vector<4096x32xf32>
    %get3A_13 = arith.constant 0 : index
    %get3A_14 = arith.constant 0 : index
    %get3A_15 = vector.load %arg5[%get3A_13, %get3A_14] : memref<1x32xf32, #tpu.memory_space<vmem>>, vector<1x32xf32>
    %add3A = vector.broadcast %get3A_15 : vector<1x32xf32> to vector<4096x32xf32>
    %add3A_16 = arith.addf %dot_general3A_12, %add3A : vector<4096x32xf32>
    %max3A = arith.constant 0.000000e+00 : f32
    %max3A_17 = vector.broadcast %max3A : f32 to vector<4096x32xf32>
    %max3A_18 = arith.maximumf %add3A_16, %max3A_17 : vector<4096x32xf32>
    %get3A_19 = arith.constant 0 : index
    %get3A_20 = arith.constant 0 : index
    %get3A_21 = vector.load %arg6[%get3A_19, %get3A_20] : memref<32x96xf32, #tpu.memory_space<vmem>>, vector<32x96xf32>
    %dot_general3A_22 = arith.constant dense<0.000000e+00> : vector<4096x96xf32>
    %dot_general3A_23 = tpu.matmul %max3A_18, %get3A_21, %dot_general3A_22 {dimension_numbers = #tpu.dot_dimension_numbers<[1], [0], [0], [1], [0, 0, 1, 1], [], []>, transpose_lhs_hint = false} : vector<4096x32xf32>, vector<32x96xf32>, vector<4096x96xf32> -> vector<4096x96xf32>
    %get3A_24 = arith.constant 0 : index
    %get3A_25 = arith.constant 0 : index
    %get3A_26 = vector.load %arg7[%get3A_24, %get3A_25] : memref<1x96xf32, #tpu.memory_space<vmem>>, vector<1x96xf32>
    %add3A_27 = vector.broadcast %get3A_26 : vector<1x96xf32> to vector<4096x96xf32>
    %add3A_28 = arith.addf %dot_general3A_23, %add3A_27 : vector<4096x96xf32>
    %max3A_29 = arith.constant 0.000000e+00 : f32
    %max3A_30 = vector.broadcast %max3A_29 : f32 to vector<4096x96xf32>
    %max3A_31 = arith.maximumf %add3A_28, %max3A_30 : vector<4096x96xf32>
    %broadcast_in_dim3A = arith.constant 0.000000e+00 : f32
    %broadcast_in_dim3A_32 = vector.broadcast %broadcast_in_dim3A : f32 to vector<4096x32xf32>
    %concatenate3A_33 = tpu.concatenate %max3A_31, %broadcast_in_dim3A_32 in 1 : vector<4096x96xf32>, vector<4096x32xf32> -> vector<4096x128xf32>
    %swap3A = arith.constant 0 : index
    %swap3A_34 = arith.constant 0 : index
    %swap3A_35 = vector.load %arg8[%swap3A, %swap3A_34] : memref<4096x128xf32, #tpu.memory_space<vmem>>, vector<4096x128xf32>
    tpu.vector_store %arg8[%swap3A, %swap3A_34], %concatenate3A_33 {strides = array<i32>} : memref<4096x128xf32, #tpu.memory_space<vmem>>, vector<4096x128xf32>,
    return
  }
  func.func @transform_0(%arg0: i32) -> (i32, i32) {
    %c0_i32 = arith.constant 0 : i32
    %c0_i32_0 = arith.constant 0 : i32
    return %arg0, %c0_i32 : i32, i32
  }
  func.func @transform_1(%arg0: i32) -> (i32, i32) {
    %add3A = arith.constant 196 : i32
    %add3A_0 = arith.addi %arg0, %add3A : i32
    %c0_i32 = arith.constant 0 : i32
    %c0_i32_1 = arith.constant 0 : i32
    return %add3A_0, %c0_i32 : i32, i32
  }
  func.func @transform_2(%arg0: i32) -> (i32, i32) {
    %c0_i32 = arith.constant 0 : i32
    %c0_i32_0 = arith.constant 0 : i32
    return %arg0, %c0_i32 : i32, i32
  }
  func.func @transform_3(%arg0: i32) -> (i32, i32) {
    %c0_i32 = arith.constant 0 : i32
    %c0_i32_0 = arith.constant 0 : i32
    %c0_i32_1 = arith.constant 0 : i32
    return %c0_i32, %c0_i32_0 : i32, i32
  }
  func.func @transform_4(%arg0: i32) -> (i32, i32) {
    %c0_i32 = arith.constant 0 : i32
    %c0_i32_0 = arith.constant 0 : i32
    %c0_i32_1 = arith.constant 0 : i32
    return %c0_i32, %c0_i32_0 : i32, i32
  }
  func.func @transform_5(%arg0: i32) -> (i32, i32) {
    %c0_i32 = arith.constant 0 : i32
    %c0_i32_0 = arith.constant 0 : i32
    %c0_i32_1 = arith.constant 0 : i32
    return %c0_i32, %c0_i32_0 : i32, i32
  }
  func.func @transform_6(%arg0: i32) -> (i32, i32) {
    %c0_i32 = arith.constant 0 : i32
    %c0_i32_0 = arith.constant 0 : i32
    %c0_i32_1 = arith.constant 0 : i32
    return %c0_i32, %c0_i32_0 : i32, i32
  }
  func.func @transform_7(%arg0: i32) -> (i32, i32) {
    %c0_i32 = arith.constant 0 : i32
    %c0_i32_0 = arith.constant 0 : i32
    return %arg0, %c0_i32 : i32, i32
  }
}

module attributes {stable_mosaic.version = 14 : i64} {
  func.func @_final_body(%arg0: memref<5000x320xf32, #tpu.memory_space<vmem>>, %arg1: memref<320x32xf32, #tpu.memory_space<vmem>>, %arg2: memref<32x320xf32, #tpu.memory_space<vmem>>, %arg3: memref<320x16xf32, #tpu.memory_space<vmem>>, %arg4: memref<16x320xf32, #tpu.memory_space<vmem>>, %arg5: memref<320x320xf32, #tpu.memory_space<vmem>>, %arg6: memref<32x32xf32, #tpu.memory_space<vmem>>, %arg7: memref<1x32xf32, #tpu.memory_space<vmem>>, %arg8: memref<32x1xf32, #tpu.memory_space<vmem>>, %arg9: memref<1x1xf32, #tpu.memory_space<vmem>>, %arg10: memref<5000x1xf32, #tpu.memory_space<vmem>>) attributes {dimension_semantics = [], scalar_prefetch = 0 : i64, scratch_operands = 0 : i64, tpu.core_type = #tpu.core_type<tc>} {
    %get3A = arith.constant 0 : index
    %get3A_0 = arith.constant 0 : index
    %get3A_1 = vector.load %arg0[%get3A, %get3A_0] : memref<5000x320xf32, #tpu.memory_space<vmem>>, vector<5000x320xf32>
    %get3A_2 = arith.constant 0 : index
    %get3A_3 = arith.constant 0 : index
    %get3A_4 = vector.load %arg5[%get3A_2, %get3A_3] : memref<320x320xf32, #tpu.memory_space<vmem>>, vector<320x320xf32>
    %dot_general3A = arith.constant dense<0.000000e+00> : vector<5000x320xf32>
    %dot_general3A_5 = tpu.matmul %get3A_1, %get3A_4, %dot_general3A {dimension_numbers = #tpu.dot_dimension_numbers<[1], [0], [0], [1], [0, 0, 1, 1], [], []>, transpose_lhs_hint = false} : vector<5000x320xf32>, vector<320x320xf32>, vector<5000x320xf32> -> vector<5000x320xf32>
    %get3A_6 = arith.constant 0 : index
    %get3A_7 = arith.constant 0 : index
    %get3A_8 = vector.load %arg1[%get3A_6, %get3A_7] : memref<320x32xf32, #tpu.memory_space<vmem>>, vector<320x32xf32>
    %dot_general3A_9 = arith.constant dense<0.000000e+00> : vector<5000x32xf32>
    %dot_general3A_10 = tpu.matmul %dot_general3A_5, %get3A_8, %dot_general3A_9 {dimension_numbers = #tpu.dot_dimension_numbers<[1], [0], [0], [1], [0, 0, 1, 1], [], []>, precision = #tpu.contract_precision<fp32>, transpose_lhs_hint = false} : vector<5000x320xf32>, vector<320x32xf32>, vector<5000x32xf32> -> vector<5000x32xf32>
    %div3A = arith.constant 1.000000e+01 : f32
    %div3A_11 = vector.broadcast %div3A : f32 to vector<5000x32xf32>
    %div3A_12 = arith.divf %dot_general3A_10, %div3A_11 : vector<5000x32xf32>
    %tanh3A = math.tanh %div3A_12 : vector<5000x32xf32>
    %get3A_13 = arith.constant 0 : index
    %get3A_14 = arith.constant 0 : index
    %get3A_15 = vector.load %arg2[%get3A_13, %get3A_14] : memref<32x320xf32, #tpu.memory_space<vmem>>, vector<32x320xf32>
    %dot_general3A_16 = arith.constant dense<0.000000e+00> : vector<5000x320xf32>
    %dot_general3A_17 = tpu.matmul %tanh3A, %get3A_15, %dot_general3A_16 {dimension_numbers = #tpu.dot_dimension_numbers<[1], [0], [0], [1], [0, 0, 1, 1], [], []>, precision = #tpu.contract_precision<fp32>, transpose_lhs_hint = false} : vector<5000x32xf32>, vector<32x320xf32>, vector<5000x320xf32> -> vector<5000x320xf32>
    %mul3A = arith.mulf %get3A_1, %dot_general3A_17 : vector<5000x320xf32>
    %get3A_18 = arith.constant 0 : index
    %get3A_19 = arith.constant 0 : index
    %get3A_20 = vector.load %arg3[%get3A_18, %get3A_19] : memref<320x16xf32, #tpu.memory_space<vmem>>, vector<320x16xf32>
    %dot_general3A_21 = arith.constant dense<0.000000e+00> : vector<5000x16xf32>
    %dot_general3A_22 = tpu.matmul %mul3A, %get3A_20, %dot_general3A_21 {dimension_numbers = #tpu.dot_dimension_numbers<[1], [0], [0], [1], [0, 0, 1, 1], [], []>, precision = #tpu.contract_precision<fp32>, transpose_lhs_hint = false} : vector<5000x320xf32>, vector<320x16xf32>, vector<5000x16xf32> -> vector<5000x16xf32>
    %logistic3A = arith.negf %dot_general3A_22 : vector<5000x16xf32>
    %logistic3A_23 = math.exp %logistic3A : vector<5000x16xf32>
    %logistic3A_24 = arith.constant 1.000000e+00 : f32
    %logistic3A_25 = vector.broadcast %logistic3A_24 : f32 to vector<5000x16xf32>
    %logistic3A_26 = arith.addf %logistic3A_25, %logistic3A_23 : vector<5000x16xf32>
    %logistic3A_27 = arith.divf %logistic3A_25, %logistic3A_26 : vector<5000x16xf32>
    %get3A_28 = arith.constant 0 : index
    %get3A_29 = arith.constant 0 : index
    %get3A_30 = vector.load %arg4[%get3A_28, %get3A_29] : memref<16x320xf32, #tpu.memory_space<vmem>>, vector<16x320xf32>
    %dot_general3A_31 = arith.constant dense<0.000000e+00> : vector<5000x320xf32>
    %dot_general3A_32 = tpu.matmul %logistic3A_27, %get3A_30, %dot_general3A_31 {dimension_numbers = #tpu.dot_dimension_numbers<[1], [0], [0], [1], [0, 0, 1, 1], [], []>, precision = #tpu.contract_precision<fp32>, transpose_lhs_hint = false} : vector<5000x16xf32>, vector<16x320xf32>, vector<5000x320xf32> -> vector<5000x320xf32>
    %mul3A_33 = arith.mulf %get3A_1, %dot_general3A_32 : vector<5000x320xf32>
    %get3A_34 = arith.constant 0 : index
    %get3A_35 = arith.constant 0 : index
    %get3A_36 = vector.load %arg1[%get3A_34, %get3A_35] : memref<320x32xf32, #tpu.memory_space<vmem>>, vector<320x32xf32>
    %dot_general3A_37 = arith.constant dense<0.000000e+00> : vector<5000x32xf32>
    %dot_general3A_38 = tpu.matmul %mul3A_33, %get3A_36, %dot_general3A_37 {dimension_numbers = #tpu.dot_dimension_numbers<[1], [0], [0], [1], [0, 0, 1, 1], [], []>, precision = #tpu.contract_precision<fp32>, transpose_lhs_hint = false} : vector<5000x320xf32>, vector<320x32xf32>, vector<5000x32xf32> -> vector<5000x32xf32>
    %get3A_39 = arith.constant 0 : index
    %get3A_40 = arith.constant 0 : index
    %get3A_41 = vector.load %arg6[%get3A_39, %get3A_40] : memref<32x32xf32, #tpu.memory_space<vmem>>, vector<32x32xf32>
    %dot_general3A_42 = arith.constant dense<0.000000e+00> : vector<5000x32xf32>
    %dot_general3A_43 = tpu.matmul %dot_general3A_38, %get3A_41, %dot_general3A_42 {dimension_numbers = #tpu.dot_dimension_numbers<[1], [0], [0], [1], [0, 0, 1, 1], [], []>, transpose_lhs_hint = false} : vector<5000x32xf32>, vector<32x32xf32>, vector<5000x32xf32> -> vector<5000x32xf32>
    %get3A_44 = arith.constant 0 : index
    %get3A_45 = arith.constant 0 : index
    %get3A_46 = vector.load %arg7[%get3A_44, %get3A_45] : memref<1x32xf32, #tpu.memory_space<vmem>>, vector<1x32xf32>
    %add3A = vector.broadcast %get3A_46 : vector<1x32xf32> to vector<5000x32xf32>
    %add3A_47 = arith.addf %dot_general3A_43, %add3A : vector<5000x32xf32>
    %reduce_sum3A = arith.constant dense<0.000000e+00> : vector<32xf32>
    %reduce_sum3A_48 = vector.multi_reduction <add>, %add3A_47, %reduce_sum3A [0] : vector<5000x32xf32> to vector<32xf32>
    %broadcast_in_dim3A = vector.shape_cast %reduce_sum3A_48 : vector<32xf32> to vector<1x32xf32>
    %div3A_49 = arith.constant 5.000000e+03 : f32
    %div3A_50 = vector.broadcast %div3A_49 : f32 to vector<1x32xf32>
    %div3A_51 = arith.divf %broadcast_in_dim3A, %div3A_50 : vector<1x32xf32>
    %sub3A = vector.broadcast %div3A_51 : vector<1x32xf32> to vector<5000x32xf32>
    %sub3A_52 = arith.subf %add3A_47, %sub3A : vector<5000x32xf32>
    %integer_pow3A = arith.mulf %sub3A_52, %sub3A_52 : vector<5000x32xf32>
    %reduce_sum3A_53 = arith.constant dense<0.000000e+00> : vector<32xf32>
    %reduce_sum3A_54 = vector.multi_reduction <add>, %integer_pow3A, %reduce_sum3A_53 [0] : vector<5000x32xf32> to vector<32xf32>
    %broadcast_in_dim3A_55 = vector.shape_cast %reduce_sum3A_54 : vector<32xf32> to vector<1x32xf32>
    %div3A_56 = arith.constant 5.000000e+03 : f32
    %div3A_57 = vector.broadcast %div3A_56 : f32 to vector<1x32xf32>
    %div3A_58 = arith.divf %broadcast_in_dim3A_55, %div3A_57 : vector<1x32xf32>
    %sub3A_59 = vector.broadcast %div3A_51 : vector<1x32xf32> to vector<5000x32xf32>
    %sub3A_60 = arith.subf %add3A_47, %sub3A_59 : vector<5000x32xf32>
    %add3A_61 = arith.constant 9.99999974E-6 : f32
    %add3A_62 = vector.broadcast %add3A_61 : f32 to vector<1x32xf32>
    %add3A_63 = arith.addf %div3A_58, %add3A_62 : vector<1x32xf32>
    %sqrt3A = math.sqrt %add3A_63 : vector<1x32xf32>
    %div3A_64 = vector.broadcast %sqrt3A : vector<1x32xf32> to vector<5000x32xf32>
    %div3A_65 = arith.divf %sub3A_60, %div3A_64 : vector<5000x32xf32>
    %max3A = arith.constant 0.000000e+00 : f32
    %max3A_66 = vector.broadcast %max3A : f32 to vector<5000x32xf32>
    %max3A_67 = arith.maximumf %div3A_65, %max3A_66 : vector<5000x32xf32>
    %get3A_68 = arith.constant 0 : index
    %get3A_69 = arith.constant 0 : index
    %get3A_70 = vector.load %arg8[%get3A_68, %get3A_69] : memref<32x1xf32, #tpu.memory_space<vmem>>, vector<32x1xf32>
    %dot_general3A_71 = arith.constant dense<0.000000e+00> : vector<5000x1xf32>
    %dot_general3A_72 = tpu.matmul %max3A_67, %get3A_70, %dot_general3A_71 {dimension_numbers = #tpu.dot_dimension_numbers<[1], [0], [0], [1], [0, 0, 1, 1], [], []>, transpose_lhs_hint = false} : vector<5000x32xf32>, vector<32x1xf32>, vector<5000x1xf32> -> vector<5000x1xf32>
    %get3A_73 = arith.constant 0 : index
    %get3A_74 = arith.constant 0 : index
    %get3A_75 = vector.load %arg9[%get3A_73, %get3A_74] : memref<1x1xf32, #tpu.memory_space<vmem>>, vector<1x1xf32>
    %add3A_76 = vector.broadcast %get3A_75 : vector<1x1xf32> to vector<5000x1xf32>
    %add3A_77 = arith.addf %dot_general3A_72, %add3A_76 : vector<5000x1xf32>
    %logistic3A_78 = arith.negf %add3A_77 : vector<5000x1xf32>
    %logistic3A_79 = math.exp %logistic3A_78 : vector<5000x1xf32>
    %logistic3A_80 = arith.constant 1.000000e+00 : f32
    %logistic3A_81 = vector.broadcast %logistic3A_80 : f32 to vector<5000x1xf32>
    %logistic3A_82 = arith.addf %logistic3A_81, %logistic3A_79 : vector<5000x1xf32>
    %logistic3A_83 = arith.divf %logistic3A_81, %logistic3A_82 : vector<5000x1xf32>
    %swap3A = arith.constant 0 : index
    %swap3A_84 = arith.constant 0 : index
    %swap3A_85 = vector.load %arg10[%swap3A, %swap3A_84] : memref<5000x1xf32, #tpu.memory_space<vmem>>, vector<5000x1xf32>
    tpu.vector_store %arg10[%swap3A, %swap3A_84], %logistic3A_83 {strides = array<i32>} : memref<5000x1xf32, #tpu.memory_space<vmem>>, vector<5000x1xf32>,
    return
  }
}

</mosaic_0001>

<sc_bundles>
// kernel: kernel.13.cloned.1.call-start
scs
__scs_entry_jumppad:
0x0: {  	(pc) =	sbr.rel $0x88, $3  }
0x1: {  	(tag) =	ssettag $0x0;
	lr =	simm.s32 $0x1  }
0x2: {  	[smem:$0x3F86] =	sst lr;
	_ =	strace $0xD0000000  }
0x3: {  	_ = 	snop  }
0x4: {  	_ = 	snop  }
0x5: {  	_ = 	snop  }
0x6: {  	_ = 	snop  }
0x7: {  	_ = 	snop  }
__scs_overlays_trampoline_lowered:
0x8: {  	[smem:$0x3F95] =	sst s0  }
0x9: {  	[smem:$0x3F96] =	sst s1  }
0xa: {  	[smem:$0x3F97] =	sst s2  }
0xb: {  	[smem:$0x3F98] =	sst s3  }
0xc: {  	[smem:$0x3F99] =	sst s4  }
0xd: {  	[smem:$0x3F9A] =	sst s5  }
0xe: {  	[smem:$0x3F9B] =	sst s6  }
0xf: {  	[smem:$0x3F9C] =	sst s7  }
0x10: {  	[smem:$0x3F9D] =	sst s8  }
0x11: {  	[smem:$0x3F9E] =	sst s9;
	s0 =	simm.s32 @!p0 $0x0  }
0x12: {  	s1 =	sld [smem:$0x3F84];
	s0 =	simm.s32 @p0 $0x1  }
0x13: {  	[smem:$0x3F9F] =	sst s0;
	s0 =	simm.s32 @!p1 $0x0  }
0x14: {  	s2 =	sld [smem:$0x3F83];
	s0 =	simm.s32 @p1 $0x1  }
0x15: {  	[smem:$0x3FA0] =	sst s0;
	s0 =	simm.s32 @!p2 $0x0  }
0x16: {  	s3 =	sld [smem:$0x3FDB];
	s0 =	simm.s32 @p2 $0x1  }
0x17: {  	s4 =	simm.s32 $0x1BF5;
	[smem:$0x3FA2] =	sst s0  }
0x18: {  	s0 =	sld [smem:$0x3F85];
	_ =	swait.ge [sflag:s4], $0x0  }
0x19: {  	s7 =	sld [smem:$0x3F86]  }
0x1a: {  	s8 =	sadd.s32 $0xFFFFE003, lr  }
0x1b: {  	s9 =	sadd.s32 $0xFFFFFEF7, lr;
	s5 =	simm.s32 $0xFFFFFFFF;
	p2 =	slt.u32 s8, $0xFFFFF086  }
0x1c: {  	p1 =	slt.u32 s9, $0xF7A;
	s5 =	simm.s32 @!p2 $0x0  }
0x1d: {  	s5 =	simm.s32 @p1 $0x1;
	p0 =	seq.s32 s7, s2  }
0x1e: {  	s7 =	smul.u32 @!p0 $0xF7A, s2;
	p2 =	seq.s32 @!p0 s5, $0x0  }
0x1f: {  	s9 =	smul.u32 $0xF7A, s1;
	s8 =	simm.s32 @!p0 $0x1BF5;
	p2 =	por !p2, p0  }
0x20: {  	[sflag:s8] =	ssyncset.s32 @!p0 $0xFFFFF086;
	s6 =	sadd.s32 @!p0 s3, s7;
	s7 =	simm.s32 @!p0 $0x108  }
0x21: {  	s3 =	sadd.s32 s3, s9;
	s6 =	sadd.s32 @!p0 $0x88, s6;
	s7 =	simm.s32 @p2 $0x1082  }
0x22: {  	[simem:s7], [sflag:s8] =	dma.local @!p0 [hbm:s6], $0xF7A  }
0x23: {  	s9 =	sor.u32 $0xD0000000, s2;
	s6 =	simm.s32 $0x108;
	_ =	swait.ge @!p0 [sflag:s8], $0x0  }
0x24: {  	s3 =	sadd.s32 $0x88, s3;
	s6 =	simm.s32 @!p1 $0x1082;
	[sflag:s4] =	ssyncset.s32 $0xFFFFF086  }
0x25: {  	[simem:s6], [sflag:s4] =	dma.local [hbm:s3], $0xF7A  }
0x26: {  	[smem:$0x3F86] =	sst s1;
	(tag) =	ssettag s2;
	_ =	strace s9  }
0x27: {  	s1 =	sld [smem:$0x3F96]  }
0x28: {  	s2 =	sld [smem:$0x3F97]  }
0x29: {  	s4 =	sld [smem:$0x3F99]  }
0x2a: {  	p0 =	seq.s32 s5, $0x0;
	s5 =	sld [smem:$0x3F9A]  }
0x2b: {  	s6 =	sld [smem:$0x3F9B]  }
0x2c: {  	s7 =	sld [smem:$0x3F9C]  }
0x2d: {  	s3 =	simm.s32 $0x108;
	s8 =	sld [smem:$0x3F9D]  }
0x2e: {  	s3 =	simm.s32 @!p0 $0x1082;
	s9 =	sld [smem:$0x3F9E]  }
0x2f: {  	lr =	sadd.s32 s0, s3;
	s0 =	sld [smem:$0x3F95]  }
0x30: {  	s3 =	sld [smem:$0x3F98]  }
0x31: {  	[smem:$0x3FA1] =	sst s10  }
0x32: {  	s10 =	sld [smem:$0x3F9F];
	_ =	sdelay $0x3  }
0x33: {  	p0 =	seq.s32 s10, $0x1;
	s10 =	sld [smem:$0x3FA1];
	_ =	sdelay $0x3  }
0x34: {  	[smem:$0x3FA1] =	sst s10  }
0x35: {  	s10 =	sld [smem:$0x3FA0];
	_ =	sdelay $0x3  }
0x36: {  	p1 =	seq.s32 s10, $0x1;
	s10 =	sld [smem:$0x3FA1];
	_ =	sdelay $0x3  }
0x37: {  	[smem:$0x3FA1] =	sst s10  }
0x38: {  	s10 =	sld [smem:$0x3FA2]  }
0x39: {  	_ = 	snop;
	(pc) =	sbr.ind lr, $3  }
0x3a: {  	_ = 	snop  }
0x3b: {  	_ = 	snop  }
0x3c: {  	p2 =	seq.s32 s10, $0x1;
	s10 =	sld [smem:$0x3FA1]  }
0x3d: {  	_ =	shalt  }
0x3e: {  	_ =	shalt  }
0x3f: {  	_ =	shalt  }
0x40: {  	_ =	shalt  }
0x41: {  	_ =	shalt  }
0x42: {  	_ =	shalt  }
0x43: {  	_ =	shalt  }
0x44: {  	_ =	shalt  }
0x45: {  	_ =	shalt  }
0x46: {  	_ =	shalt  }
0x47: {  	_ =	shalt  }
0x48: {  	_ =	shalt  }
0x49: {  	_ =	shalt  }
0x4a: {  	_ =	shalt  }
0x4b: {  	_ =	shalt  }
0x4c: {  	_ =	shalt  }
0x4d: {  	_ =	shalt  }
0x4e: {  	_ =	shalt  }
0x4f: {  	_ =	shalt  }
0x50: {  	_ =	shalt  }
0x51: {  	_ =	shalt  }
0x52: {  	_ =	shalt  }
0x53: {  	_ =	shalt  }
0x54: {  	_ =	shalt  }
0x55: {  	_ =	shalt  }
0x56: {  	_ =	shalt  }
0x57: {  	_ =	shalt  }
0x58: {  	_ =	shalt  }
0x59: {  	_ =	shalt  }
0x5a: {  	_ =	shalt  }
0x5b: {  	_ =	shalt  }
0x5c: {  	_ =	shalt  }
0x5d: {  	_ =	shalt  }
0x5e: {  	_ =	shalt  }
0x5f: {  	_ =	shalt  }
0x60: {  	_ =	shalt  }
0x61: {  	_ =	shalt  }
0x62: {  	_ =	shalt  }
0x63: {  	_ =	shalt  }
0x64: {  	_ =	shalt  }
0x65: {  	_ =	shalt  }
0x66: {  	_ =	shalt  }
0x67: {  	_ =	shalt  }
0x68: {  	_ =	shalt  }
0x69: {  	_ =	shalt  }
0x6a: {  	_ =	shalt  }
0x6b: {  	_ =	shalt  }
0x6c: {  	_ =	shalt  }
0x6d: {  	_ =	shalt  }
0x6e: {  	_ =	shalt  }
0x6f: {  	_ =	shalt  }
0x70: {  	_ =	shalt  }
0x71: {  	_ =	shalt  }
0x72: {  	_ =	shalt  }
0x73: {  	_ =	shalt  }
0x74: {  	_ =	shalt  }
0x75: {  	_ =	shalt  }
0x76: {  	_ =	shalt  }
0x77: {  	_ =	shalt  }
0x78: {  	_ =	shalt  }
0x79: {  	_ =	shalt  }
0x7a: {  	_ =	shalt  }
0x7b: {  	_ =	shalt  }
0x7c: {  	_ =	shalt  }
0x7d: {  	_ =	shalt  }
0x7e: {  	_ =	shalt  }
0x7f: {  	_ =	shalt  }
0x80: {  	_ =	shalt  }
0x81: {  	_ =	shalt  }
0x82: {  	_ =	shalt  }
0x83: {  	_ =	shalt  }
0x84: {  	_ =	shalt  }
0x85: {  	_ =	shalt  }
0x86: {  	_ =	shalt  }
0x87: {  	_ =	shalt  }
.Lfunc_end0:
.L_simem_size_0:
called_computation_lowered:
.L_overlay_start_0:
0x88: {  	s2 =	sld [smem:$0x3FD9]  }
0x89: {  	s3 =	sld [smem:$0x3FFE];
	_ =	sdelay $0x1  }
0x8a: {  	s1 =	srdreg.scid  }
0x8b: {  	s0 =	sand.u32 $0x1, s1  }
0x8c: {  	s17 =	sshll.u32 s0, $0xA;
	s2 =	sadd.s32 s3, s2  }
0x8d: {  	s2 =	sadd.s32 s2, s17  }
0x8e: {  	[smem:$0x3FAD] =	sst s2  }
0x8f: {  	_ = 	snop  }
0x90: {  	(tm) =	ssettm $0x1  }
0x91: {  	s18 =	sld [smem:$0x3FFB];
	_ =	sdelay $0x3  }
0x92: {  	_ =	strace s18  }
0x93: {  	s2 =	sld [smem:$0x3FFC];
	_ =	sdelay $0x3  }
0x94: {  	_ =	strace s2  }
0x95: {  	s2 =	sld [smem:$0x3FFD];
	_ =	sdelay $0x3  }
0x96: {  	_ =	strace s2  }
0x97: {  	_ =	strace $0x8FFFFFFF  }
0x98: {  	s19 =	sld [smem:$0x3FDB];
	_ =	sdelay $0x1  }
0x99: {  	s20 =	simm.s32 $_scs_section_size  }
0x9a: {  	s4 =	simm.s32 $_size__tile_overlayer_lowered;
	s5 =	simm.s32 $_tile_overlayer_lowered  }
0x9b: {  	s6 =	simm.s32 $0x1BFF;
	s21 =	sshll.u32 s5, $0x1;
	s3 =	sadd.s32 s20, s19  }
0x9c: {  	s22 =	simm.s32 $0x0;
	s4 =	sshll.u32 s4, $0x1;
	s5 =	sadd.s32 s21, s3  }
0x9d: {  	[timem:s22], [sflag:s6] =	dma.local [hbm:s5], s4  }
0x9e: {  	_ =	swait.ge [sflag:s6], s4  }
0x9f: {  	s4 =	ssub.s32 $0x0, s4;
	[sflag:s6] =	ssyncset.done $0x0  }
0xa0: {  	[sflag:s6] =	ssyncadd.s32 s4;
	_ =	sdelay $0x1  }
0xa1: {  	s23 =	simm.s32 $0x1B8B  }
0xa2: {  	_ =	swait.ge [sflag:s23], $0x1  }
0xa3: {  	[sflag:s23] =	ssyncset.done $0x0  }
0xa4: {  	[sflag:s23] =	ssyncadd.s32 $0xFFFFFFFF  }
0xa5: {  	s4 =	sld [smem:$0x0]  }
0xa6: {  	s5 =	sand.u32 $0xFFFFFFFE, s1  }
0xa7: {  	p0 =	sne.s32 s1, s5  }
0xa8: {  	s5 =	sshll.u32 @p0 s5, $0xE  }
0xa9: {  	s5 =	sadd.s32 @p0 $0x11B8D, s5;
	s6 =	sshll.u32 @p0 s4, $0x11  }
0xaa: {  	s5 =	sor.u32 @p0 s6, s5  }
0xab: {  	[sflag:s5] =	ssyncadd.remote.s32 @p0 $0x1;
	_ =	sdelay $0x1  }
0xac: {  	s5 =	simm.s32 @p0 $0x1B8D  }
0xad: {  	_ =	swait.eq @p0 [sflag:s5], $0x1  }
0xae: {  	[sflag:s5] =	ssyncadd.s32 @p0 $0xFFFFFFFF  }
0xaf: {  	s6 =	sshll.u32 @!p0 s1, $0xE  }
0xb0: {  	s6 =	sor.u32 @!p0 $0x4000, s6;
	s5 =	simm.s32 @!p0 $0x1B8D  }
0xb1: {  	s4 =	sshll.u32 @!p0 s4, $0x11;
	s6 =	sadd.s32 @!p0 $0x11B8D, s6;
	_ =	swait.eq @!p0 [sflag:s5], $0x1  }
0xb2: {  	s4 =	sor.u32 @!p0 s4, s6;
	[sflag:s5] =	ssyncadd.s32 @!p0 $0xFFFFFFFF  }
0xb3: {  	s25 =	simm.s32 $0x1B8E;
	s24 =	sld [smem:$0x3FFE];
	[sflag:s4] =	ssyncadd.remote.s32 @!p0 $0x1  }
0xb4: {  	s26 =	simm.s32 $execute0_lowered;
	[smem:$0x3FD2] =	sst s25  }
0xb5: {  	s5 =	sshll.u32 s26, $0x1;
	_ =	strace $0x80000049;
	[dreg:$0x1] =	wrdreg $0xFFFFFFFF  }
0xb6: {  	s28 =	simm.s32 $_size_execute0_lowered;
	s3 =	sadd.s32 s3, s5;
	[dreg:$0x0] =	wrdreg $0x0  }
0xb7: {  	s5 =	sshll.u32 s28, $0x1;
	[dreg:$0x2] =	wrdreg s3  }
0xb8: {  	[dreg:$0x3] =	wrdreg s5  }
0xb9: {  	[dreg:$0x4] =	wrdreg $0xC0  }
0xba: {  	_ =	task [dreg:s22], $0x5FFFF  }
0xbb: {  	[dreg:$0x1] =	wrdreg $0xFFFFFFFF  }
0xbc: {  	[dreg:$0x0] =	wrdreg $0x60  }
0xbd: {  	[dreg:$0x2] =	wrdreg s24  }
0xbe: {  	[dreg:$0x3] =	wrdreg $0xD4000  }
0xbf: {  	[dreg:$0x4] =	wrdreg $0x9  }
0xc0: {  	_ =	task.clear_ibuf [dreg:s22], $0x5FFFF;
	_ =	strace $0x90000049  }
0xc1: {  	s29 =	simm.s32 $0x9;
	_ =	strace $0x8000004B  }
0xc2: {  	_ =	swait.ge [sflag:s29], $0x1  }
0xc3: {  	[sflag:s29] =	ssyncadd.s32 $0xFFFFFFFF  }
0xc4: {  	_ =	strace $0x9000004B  }
0xc5: {  	_ =	sfence  }
0xc6: {  	s30 =	sld [smem:$0x0];
	_ =	sdelay $0x2  }
0xc7: {  	s31 =	sshll.u32 s1, $0xD;
	s1 =	sshrl.u32 s1, $0x2  }
0xc8: {  	s4 =	sand.u32 $0x4000, s31;
	s1 =	sadd.s32 s1, s30  }
0xc9: {  	s0 =	sor.u32 s4, s0;
	s1 =	sshll.u32 s1, $0x11  }
0xca: {  	s0 =	sor.u32 s1, s0  }
0xcb: {  	s0 =	sadd.s32 $0x8F2B, s0  }
0xcc: {  	[sflag:s0] =	ssyncadd.remote.s32 $0x1  }
0xcd: {  	_ =	sfence.sel $0xFFFF  }
0xce: {  	[dreg:$0x0] =	wrdreg $0xFFFFFFFF;
	(pc) =	sbr.abs _section_cstart, $3  }
0xcf: {  	[dreg:$0x1] =	wrdreg $0xFFFFFFFF  }
0xd0: {  	_ =	task.clear_ibuf [dreg:s22], $0x2FFFF;
	_ =	strace $0x9FFFFFFF  }
0xd1: {  	(tm) =	ssettm $0x7FFFFFFF  }
tec
execute0_lowered:
.L_overlay_start_1:
0x0: {  	(tag) =	ssettag $0x1  }
0x1: {  	s0 =	srdreg.scid;
	s6 =	rddreg [dreg:$0x0]  }
0x2: {  	s2 =	rddreg [dreg:$0x1];
	s7 =	sand.u32 $0x1, s0  }
0x3: {  	s0 =	stileid.u32;
	s4 =	smul.u32 $0xC4000, s7  }
0x4: {  	s1 =	rddreg [dreg:$0x2];
	s3 =	simm.s32 $0x0;
	s5 =	smul.u32 $0xC400, s0  }
0x5: {  	s13 =	simm.s32 $0x80;
	s14 =	simm.s32 $0x1;
	s8 =	smul.u32 $0xC800, s0  }
0x6: {  	s15 =	simm.s32 $0x0;
	[smem:$0x7FF] =	sst s3;
	s9 =	smul.u32 $0xC8000, s7  }
0x7: {  	_ =	strace $0x8000004A;
	s11 =	smul.u32 $0x32000, s0;
	s7 =	ssub.s32 $0x2, s7  }
0x8: {  	s30 =	sshrl.u32 s7, $0x1;
	s4 =	sadd.s32 s5, s4;
	s5 =	sadd.s32 $0x3A7000, s6  }
0x9: {  	s8 =	sadd.s32 s8, s9;
	s11 =	sshrl.u32 s11, $0x2;
	s4 =	sshrl.u32 s4, $0x3  }
0xa: {  	s31 =	ssub.s32 s7, s30;
	s8 =	sshrl.u32 s8, $0x3;
	s10 =	sadd.s32 s4, s6  }
0xb: {  	s4 =	sadd.s32 $0x3A7200, s6;
	s12 =	sadd.s32 s8, s6;
	s6 =	sadd.s32 s11, s2  }
0xc: {  	s8 =	smax.u32 s31, $0x1;
	s11 =	simm.s32 $0x2;
	s7 =	sadd.s32 $0x376000, s10  }
0xd: {  	s9 =	sadd.s32 $0x3A7400, s12;
	s10 =	simm.s32 $0xCC00;
	s12 =	simm.s32 $0xC400  }
.LBB2_1:
0xe: {  	[tilespmem:s10], [sflag:$0x2] =	stream.linear.gather [hbm4b:s5+s3], $0x800, $0x38;
	[tilespmem:$0x19C00] =	vst v63  }
0xf: {  	_ =	swait.ge [sflag:s11], $0x800  }
0x10: {  	[sflag:s11] =	ssyncset.done $0x0  }
0x11: {  	s16 =	sadd.s32 $0x0, s6;
	[sflag:s11] =	ssyncadd.s32 $0xFFFFF800  }
0x12: {  	[spmem:s16] =	stream.linear.scatter [tilespmem:s10], [sflag:$0x2], $0x800, $0x38;
	[tilespmem:$0x19C00] =	vst v63  }
0x13: {  	s16 =	simm.s32 $0x2000;
	_ =	swait.ge [sflag:s11], $0x800  }
.LBB2_2:
0x14: {  	s17 =	sshra.s32 s16, $0x2;
	[sflag:s11] =	ssyncset.done $0x0;
	p0 =	sne.s32 s16, $0x30000  }
.Ltmp0:
0x15: {  	s17 =	sadd.s32 s17, s6;
	[sflag:s11] =	ssyncadd.s32 $0xFFFFF800;
	(pc) =	sbr.rel @p0 .LBB2_2-.Ltmp0, $3  }
0x16: {  	[spmem:s17] =	stream.linear.scatter [tilespmem:s10], [sflag:$0x2], $0x800, $0x38;
	[tilespmem:$0x19C00] =	vst v63  }
0x17: {  	s16 =	sadd.s32 $0x2000, s16;
	_ =	sdelay $0x1  }
0x18: {  	_ =	swait.ge [sflag:s11], $0x800  }
0x19: {  	[sflag:s11] =	ssyncset.done $0x0  }
0x1a: {  	s16 =	simm.s32 $0x0;
	[sflag:s11] =	ssyncadd.s32 $0xFFFFF800  }
0x1b: {  	[tilespmem:s12], [sflag:$0x2] =	stream.linear.gather [hbm4b:s4+s16], $0x800, $0x38;
	[tilespmem:$0x19C00] =	vst v63  }
0x1c: {  	_ =	swait.ge [sflag:s11], $0x800  }
0x1d: {  	[sflag:s11] =	ssyncset.done $0x0  }
0x1e: {  	[sflag:s11] =	ssyncadd.s32 $0xFFFFF800  }
0x1f: {  	[tilespmem:s16], [sflag:$0x2] =	stream.linear.gather [hbm4b:s7+s16], $0xC400, $0x38;
	[tilespmem:$0x19C00] =	vst v63  }
0x20: {  	_ =	swait.ge [sflag:s11], $0xC400  }
0x21: {  	[sflag:s11] =	ssyncset.done $0x0  }
0x22: {  	[sflag:s11] =	ssyncadd.s32 $0xFFFF3C00  }
0x23: {  	s23 =	simm.s32 $0x0;
	[bflag:$0x0] =	sbarrier.arrive $0xFFFF  }
0x24: {  	[spmem:s2] =	stream.indirect.scatter.add.f32 [tilespmem:s12], [sflag:$0x1], $0x10, s23, s13, $0xb8;
	[tilespmem:$0x19C00] =	vst v63  }
0x25: {  	s24 =	simm.s32 $0x80  }
0x26: {  	[spmem:s2] =	stream.indirect.scatter.add.f32 [tilespmem:s12], [sflag:$0x1], $0x10, s24, s13, $0xb8;
	[tilespmem:$0x19C00] =	vst v63  }
0x27: {  	s25 =	simm.s32 $0x100  }
0x28: {  	[spmem:s2] =	stream.indirect.scatter.add.f32 [tilespmem:s12], [sflag:$0x1], $0x10, s25, s13, $0xb8;
	[tilespmem:$0x19C00] =	vst v63  }
0x29: {  	s26 =	simm.s32 $0x180  }
0x2a: {  	[spmem:s2] =	stream.indirect.scatter.add.f32 [tilespmem:s12], [sflag:$0x1], $0x10, s26, s13, $0xb8;
	[tilespmem:$0x19C00] =	vst v63  }
0x2b: {  	s28 =	simm.s32 $0x200  }
0x2c: {  	[spmem:s2] =	stream.indirect.scatter.add.f32 [tilespmem:s12], [sflag:$0x1], $0x10, s28, s13, $0xb8;
	[tilespmem:$0x19C00] =	vst v63  }
0x2d: {  	s29 =	simm.s32 $0x280  }
0x2e: {  	[spmem:s2] =	stream.indirect.scatter.add.f32 [tilespmem:s12], [sflag:$0x1], $0x10, s29, s13, $0xb8;
	[tilespmem:$0x19C00] =	vst v63  }
0x2f: {  	s30 =	simm.s32 $0x300  }
0x30: {  	[spmem:s2] =	stream.indirect.scatter.add.f32 [tilespmem:s12], [sflag:$0x1], $0x10, s30, s13, $0xb8;
	[tilespmem:$0x19C00] =	vst v63  }
0x31: {  	s31 =	simm.s32 $0x380  }
0x32: {  	[spmem:s2] =	stream.indirect.scatter.add.f32 [tilespmem:s12], [sflag:$0x1], $0x10, s31, s13, $0xb8;
	[tilespmem:$0x19C00] =	vst v63  }
0x33: {  	_ =	swait.ge [sflag:s14], $0x800  }
0x34: {  	[sflag:s14] =	ssyncset.done $0x0  }
0x35: {  	[sflag:s14] =	ssyncadd.s32 $0xFFFFF800  }
0x36: {  	_ =	swait.ge [sflag:s14], $0x800  }
0x37: {  	[sflag:s14] =	ssyncset.done $0x0  }
0x38: {  	[sflag:s14] =	ssyncadd.s32 $0xFFFFF800  }
0x39: {  	_ =	swait.ge [sflag:s14], $0x800  }
0x3a: {  	[sflag:s14] =	ssyncset.done $0x0  }
0x3b: {  	[sflag:s14] =	ssyncadd.s32 $0xFFFFF800  }
0x3c: {  	_ =	swait.ge [sflag:s14], $0x800  }
0x3d: {  	[sflag:s14] =	ssyncset.done $0x0  }
0x3e: {  	[sflag:s14] =	ssyncadd.s32 $0xFFFFF800  }
0x3f: {  	_ =	swait.ge [sflag:s14], $0x800  }
0x40: {  	[sflag:s14] =	ssyncset.done $0x0  }
0x41: {  	[sflag:s14] =	ssyncadd.s32 $0xFFFFF800  }
0x42: {  	_ =	swait.ge [sflag:s14], $0x800  }
0x43: {  	[sflag:s14] =	ssyncset.done $0x0  }
0x44: {  	[sflag:s14] =	ssyncadd.s32 $0xFFFFF800  }
0x45: {  	_ =	swait.ge [sflag:s14], $0x800  }
0x46: {  	[sflag:s14] =	ssyncset.done $0x0  }
0x47: {  	[sflag:s14] =	ssyncadd.s32 $0xFFFFF800  }
0x48: {  	_ =	swait.ge [sflag:s14], $0x800  }
0x49: {  	s18 =	simm.s32 $0x2000;
	s16 =	simm.s32 $0x1000;
	[sflag:s14] =	ssyncset.done $0x0  }
.LBB2_4:
0x4a: {  	s19 =	sshra.s32 s16, $0x2  }
0x4b: {  	[sflag:s14] =	ssyncadd.s32 $0xFFFFF800;
	s16 =	smov.u32 s18;
	s17 =	sadd.s32 $0x1000, s18  }
0x4c: {  	[spmem:s2] =	stream.indirect.scatter.add.f32 [tilespmem:s12], [sflag:$0x1], $0x10, s19, s13, $0xb8;
	[tilespmem:$0x19C00] =	vst v63  }
0x4d: {  	p0 =	sne.s32 s18, $0x30000;
	s18 =	sadd.s32 $0x80, s19  }
0x4e: {  	[spmem:s2] =	stream.indirect.scatter.add.f32 [tilespmem:s12], [sflag:$0x1], $0x10, s18, s13, $0xb8;
	[tilespmem:$0x19C00] =	vst v63  }
0x4f: {  	s18 =	sadd.s32 $0x100, s19  }
0x50: {  	[spmem:s2] =	stream.indirect.scatter.add.f32 [tilespmem:s12], [sflag:$0x1], $0x10, s18, s13, $0xb8;
	[tilespmem:$0x19C00] =	vst v63  }
0x51: {  	s18 =	sadd.s32 $0x180, s19  }
0x52: {  	[spmem:s2] =	stream.indirect.scatter.add.f32 [tilespmem:s12], [sflag:$0x1], $0x10, s18, s13, $0xb8;
	[tilespmem:$0x19C00] =	vst v63  }
0x53: {  	s18 =	sadd.s32 $0x200, s19  }
0x54: {  	[spmem:s2] =	stream.indirect.scatter.add.f32 [tilespmem:s12], [sflag:$0x1], $0x10, s18, s13, $0xb8;
	[tilespmem:$0x19C00] =	vst v63  }
0x55: {  	s18 =	sadd.s32 $0x280, s19  }
0x56: {  	[spmem:s2] =	stream.indirect.scatter.add.f32 [tilespmem:s12], [sflag:$0x1], $0x10, s18, s13, $0xb8;
	[tilespmem:$0x19C00] =	vst v63  }
0x57: {  	s18 =	sadd.s32 $0x300, s19  }
0x58: {  	[spmem:s2] =	stream.indirect.scatter.add.f32 [tilespmem:s12], [sflag:$0x1], $0x10, s18, s13, $0xb8;
	[tilespmem:$0x19C00] =	vst v63  }
0x59: {  	s18 =	sadd.s32 $0x380, s19  }
0x5a: {  	[spmem:s2] =	stream.indirect.scatter.add.f32 [tilespmem:s12], [sflag:$0x1], $0x10, s18, s13, $0xb8;
	[tilespmem:$0x19C00] =	vst v63  }
0x5b: {  	_ =	swait.ge [sflag:s14], $0x800  }
0x5c: {  	[sflag:s14] =	ssyncset.done $0x0  }
0x5d: {  	[sflag:s14] =	ssyncadd.s32 $0xFFFFF800  }
0x5e: {  	_ =	swait.ge [sflag:s14], $0x800  }
0x5f: {  	[sflag:s14] =	ssyncset.done $0x0  }
0x60: {  	[sflag:s14] =	ssyncadd.s32 $0xFFFFF800  }
0x61: {  	_ =	swait.ge [sflag:s14], $0x800  }
0x62: {  	[sflag:s14] =	ssyncset.done $0x0  }
0x63: {  	[sflag:s14] =	ssyncadd.s32 $0xFFFFF800  }
0x64: {  	_ =	swait.ge [sflag:s14], $0x800  }
0x65: {  	[sflag:s14] =	ssyncset.done $0x0  }
0x66: {  	[sflag:s14] =	ssyncadd.s32 $0xFFFFF800  }
0x67: {  	_ =	swait.ge [sflag:s14], $0x800  }
0x68: {  	[sflag:s14] =	ssyncset.done $0x0  }
0x69: {  	[sflag:s14] =	ssyncadd.s32 $0xFFFFF800  }
0x6a: {  	_ =	swait.ge [sflag:s14], $0x800  }
0x6b: {  	[sflag:s14] =	ssyncset.done $0x0  }
0x6c: {  	[sflag:s14] =	ssyncadd.s32 $0xFFFFF800  }
.Ltmp1:
0x6d: {  	_ =	swait.ge [sflag:s14], $0x800;
	(pc) =	sbr.rel @p0 .LBB2_4-.Ltmp1, $4  }
0x6e: {  	[sflag:s14] =	ssyncset.done $0x0  }
0x6f: {  	[sflag:s14] =	ssyncadd.s32 $0xFFFFF800  }
0x70: {  	_ =	swait.ge [sflag:s14], $0x800  }
0x71: {  	s18 =	smov.u32 s17;
	[sflag:s14] =	ssyncset.done $0x0  }
0x72: {  	s16 =	sshra.s32 s16, $0x2;
	[sflag:s14] =	ssyncadd.s32 $0xFFFFF800  }
0x73: {  	[spmem:s2] =	stream.indirect.scatter.add.f32 [tilespmem:s12], [sflag:$0x1], $0x10, s16, s13, $0xb8;
	[tilespmem:$0x19C00] =	vst v63  }
0x74: {  	s17 =	sadd.s32 $0x80, s16  }
0x75: {  	[spmem:s2] =	stream.indirect.scatter.add.f32 [tilespmem:s12], [sflag:$0x1], $0x10, s17, s13, $0xb8;
	[tilespmem:$0x19C00] =	vst v63  }
0x76: {  	s25 =	sadd.s32 $0x100, s16  }
0x77: {  	[spmem:s2] =	stream.indirect.scatter.add.f32 [tilespmem:s12], [sflag:$0x1], $0x10, s25, s13, $0xb8;
	[tilespmem:$0x19C00] =	vst v63  }
0x78: {  	s26 =	sadd.s32 $0x180, s16  }
0x79: {  	[spmem:s2] =	stream.indirect.scatter.add.f32 [tilespmem:s12], [sflag:$0x1], $0x10, s26, s13, $0xb8;
	[tilespmem:$0x19C00] =	vst v63  }
0x7a: {  	s28 =	sadd.s32 $0x200, s16  }
0x7b: {  	[spmem:s2] =	stream.indirect.scatter.add.f32 [tilespmem:s12], [sflag:$0x1], $0x10, s28, s13, $0xb8;
	[tilespmem:$0x19C00] =	vst v63  }
0x7c: {  	s29 =	sadd.s32 $0x280, s16  }
0x7d: {  	[spmem:s2] =	stream.indirect.scatter.add.f32 [tilespmem:s12], [sflag:$0x1], $0x10, s29, s13, $0xb8;
	[tilespmem:$0x19C00] =	vst v63  }
0x7e: {  	s30 =	sadd.s32 $0x300, s16  }
0x7f: {  	[spmem:s2] =	stream.indirect.scatter.add.f32 [tilespmem:s12], [sflag:$0x1], $0x10, s30, s13, $0xb8;
	[tilespmem:$0x19C00] =	vst v63  }
0x80: {  	s16 =	sadd.s32 $0x380, s16  }
0x81: {  	[spmem:s2] =	stream.indirect.scatter.add.f32 [tilespmem:s12], [sflag:$0x1], $0x10, s16, s13, $0xb8;
	[tilespmem:$0x19C00] =	vst v63  }
0x82: {  	_ =	swait.ge [sflag:s14], $0x800  }
0x83: {  	[sflag:s14] =	ssyncset.done $0x0  }
0x84: {  	[sflag:s14] =	ssyncadd.s32 $0xFFFFF800  }
0x85: {  	_ =	swait.ge [sflag:s14], $0x800  }
0x86: {  	[sflag:s14] =	ssyncset.done $0x0  }
0x87: {  	[sflag:s14] =	ssyncadd.s32 $0xFFFFF800  }
0x88: {  	_ =	swait.ge [sflag:s14], $0x800  }
0x89: {  	[sflag:s14] =	ssyncset.done $0x0  }
0x8a: {  	[sflag:s14] =	ssyncadd.s32 $0xFFFFF800  }
0x8b: {  	_ =	swait.ge [sflag:s14], $0x800  }
0x8c: {  	[sflag:s14] =	ssyncset.done $0x0  }
0x8d: {  	[sflag:s14] =	ssyncadd.s32 $0xFFFFF800  }
0x8e: {  	_ =	swait.ge [sflag:s14], $0x800  }
0x8f: {  	[sflag:s14] =	ssyncset.done $0x0  }
0x90: {  	[sflag:s14] =	ssyncadd.s32 $0xFFFFF800  }
0x91: {  	_ =	swait.ge [sflag:s14], $0x800  }
0x92: {  	[sflag:s14] =	ssyncset.done $0x0  }
0x93: {  	[sflag:s14] =	ssyncadd.s32 $0xFFFFF800  }
0x94: {  	_ =	swait.ge [sflag:s14], $0x800  }
0x95: {  	[sflag:s14] =	ssyncset.done $0x0  }
0x96: {  	[sflag:s14] =	ssyncadd.s32 $0xFFFFF800  }
0x97: {  	_ =	swait.ge [sflag:s14], $0x800  }
0x98: {  	[sflag:s14] =	ssyncset.done $0x0  }
0x99: {  	[sflag:s14] =	ssyncadd.s32 $0xFFFFF800  }
0x9a: {  	[bflag:$0x0] =	sbarrier.arrive $0xFFFF  }
0x9b: {  	[tilespmem:s10], [sflag:$0x2] =	stream.linear.gather [spmem:s6], $0x800, $0x38;
	[tilespmem:$0x19C00] =	vst v63  }
0x9c: {  	_ =	swait.ge [sflag:s11], $0x800  }
0x9d: {  	[sflag:s11] =	ssyncset.done $0x0  }
0x9e: {  	s31 =	sadd.s32 $0x0, s9;
	[sflag:s11] =	ssyncadd.s32 $0xFFFFF800  }
0x9f: {  	[hbm4b:s31+s3] =	stream.linear.scatter [tilespmem:s10], [sflag:$0x2], $0x800, $0x38;
	[tilespmem:$0x19C00] =	vst v63  }
0xa0: {  	_ =	swait.ge [sflag:s11], $0x800  }
0xa1: {  	s17 =	smov.u32 s6;
	s16 =	simm.s32 $0x100;
	[sflag:s11] =	ssyncset.done $0x0  }
.LBB2_6:
0xa2: {  	p0 =	sne.s32 s16, $0x1800;
	[sflag:s11] =	ssyncadd.s32 $0xFFFFF800;
	s17 =	sadd.s32 $0x800, s17  }
0xa3: {  	[tilespmem:s10], [sflag:$0x2] =	stream.linear.gather [spmem:s17], $0x800, $0x38;
	[tilespmem:$0x19C00] =	vst v63  }
0xa4: {  	s18 =	smov.u32 s16;
	s16 =	sadd.s32 $0x100, s16;
	_ =	swait.ge [sflag:s11], $0x800  }
.Ltmp2:
0xa5: {  	[sflag:s11] =	ssyncset.done $0x0;
	(pc) =	sbr.rel @p0 .LBB2_6-.Ltmp2, $4  }
0xa6: {  	s18 =	sadd.s32 s18, s9;
	[sflag:s11] =	ssyncadd.s32 $0xFFFFF800  }
0xa7: {  	[hbm4b:s18+s3] =	stream.linear.scatter [tilespmem:s10], [sflag:$0x2], $0x800, $0x38;
	[tilespmem:$0x19C00] =	vst v63  }
0xa8: {  	_ =	swait.ge [sflag:s11], $0x800  }
0xa9: {  	[sflag:s11] =	ssyncset.done $0x0  }
0xaa: {  	s15 =	sadd.s32 $0x1, s15  }
0xab: {  	p0 =	sne.s32 s15, s8  }
.Ltmp3:
0xac: {  	_ = 	snop;
	(pc) =	sbr.rel @p0 .LBB2_1-.Ltmp3, $2  }
0xad: {  	_ =	sdelay $0x2  }
0xae: {  	[sflag:s11] =	ssyncadd.s32 $0xFFFFF800  }
0xaf: {  	_ =	sfence.sel $0x180000  }
0xb0: {  	[bflag:$0x0] =	sbarrier.arrive $0xFFFF  }
0xb1: {  	p0 =	sne.s32 s0, $0x0;
	_ =	strace $0x9000004A  }
0xb2: {  	s0 =	sadd.s32 @!p0 $0x100000, s1;
	[bflag:$0x2] =	sbarrier.arrive $0xFFFF  }
0xb3: {  	[sflag:s0] =	ssyncadd.tile.s32 @!p0 $0x1;
	_ =	shalt  }
.Lfunc_end2:
_tile_overlayer_lowered:
.L_overlay_start_2:
0xb4: {  	(tag) =	ssettag $0x2  }
0xb5: {  	s0 =	rddreg [dreg:$0x0];
	s2 =	stileid.u32  }
0xb6: {  	s1 =	rddreg [dreg:$0x1];
	p0 =	sne.s32 s2, $0x0  }
0xb7: {  	s3 =	rddreg [dreg:$0x2];
	[bflag:$0x3] =	sbarrier.arrive $0xFFFF;
	s2 =	simm.s32 @!p0 $0x1C02  }
0xb8: {  	[timem:s3], [sflag:s2] =	dma.local @!p0 [hbm:s0], s1  }
0xb9: {  	s0 =	simm.s32 @!p0 $0x2  }
0xba: {  	_ =	swait.ge @!p0 [sflag:s0], s1  }
0xbb: {  	s1 =	ssub.s32 @!p0 $0x0, s1;
	[sflag:s0] =	ssyncset.done @!p0 $0x0  }
0xbc: {  	[sflag:s0] =	ssyncadd.s32 @!p0 s1  }
0xbd: {  	[bflag:$0x3] =	sbarrier.arrive $0xFFFF  }
0xbe: {  	_ =	shalt  }

// kernel: kernel.16.cloned.1.call-start
scs
__scs_entry_jumppad:
0x0: {  	(pc) =	sbr.rel $0x88, $3  }
0x1: {  	(tag) =	ssettag $0x0;
	lr =	simm.s32 $0x1  }
0x2: {  	[smem:$0x3F86] =	sst lr;
	_ =	strace $0xD0000000  }
0x3: {  	_ = 	snop  }
0x4: {  	_ = 	snop  }
0x5: {  	_ = 	snop  }
0x6: {  	_ = 	snop  }
0x7: {  	_ = 	snop  }
__scs_overlays_trampoline_lowered:
0x8: {  	[smem:$0x3F95] =	sst s0  }
0x9: {  	[smem:$0x3F96] =	sst s1  }
0xa: {  	[smem:$0x3F97] =	sst s2  }
0xb: {  	[smem:$0x3F98] =	sst s3  }
0xc: {  	[smem:$0x3F99] =	sst s4  }
0xd: {  	[smem:$0x3F9A] =	sst s5  }
0xe: {  	[smem:$0x3F9B] =	sst s6  }
0xf: {  	[smem:$0x3F9C] =	sst s7  }
0x10: {  	[smem:$0x3F9D] =	sst s8  }
0x11: {  	[smem:$0x3F9E] =	sst s9;
	s0 =	simm.s32 @!p0 $0x0  }
0x12: {  	s1 =	sld [smem:$0x3F84];
	s0 =	simm.s32 @p0 $0x1  }
0x13: {  	[smem:$0x3F9F] =	sst s0;
	s0 =	simm.s32 @!p1 $0x0  }
0x14: {  	s2 =	sld [smem:$0x3F83];
	s0 =	simm.s32 @p1 $0x1  }
0x15: {  	[smem:$0x3FA0] =	sst s0;
	s0 =	simm.s32 @!p2 $0x0  }
0x16: {  	s3 =	sld [smem:$0x3FDB];
	s0 =	simm.s32 @p2 $0x1  }
0x17: {  	s4 =	simm.s32 $0x1BF5;
	[smem:$0x3FA2] =	sst s0  }
0x18: {  	s0 =	sld [smem:$0x3F85];
	_ =	swait.ge [sflag:s4], $0x0  }
0x19: {  	s7 =	sld [smem:$0x3F86]  }
0x1a: {  	s8 =	sadd.s32 $0xFFFFE003, lr  }
0x1b: {  	s9 =	sadd.s32 $0xFFFFFEF7, lr;
	s5 =	simm.s32 $0xFFFFFFFF;
	p2 =	slt.u32 s8, $0xFFFFF086  }
0x1c: {  	p1 =	slt.u32 s9, $0xF7A;
	s5 =	simm.s32 @!p2 $0x0  }
0x1d: {  	s5 =	simm.s32 @p1 $0x1;
	p0 =	seq.s32 s7, s2  }
0x1e: {  	s7 =	smul.u32 @!p0 $0xF7A, s2;
	p2 =	seq.s32 @!p0 s5, $0x0  }
0x1f: {  	s9 =	smul.u32 $0xF7A, s1;
	s8 =	simm.s32 @!p0 $0x1BF5;
	p2 =	por !p2, p0  }
0x20: {  	[sflag:s8] =	ssyncset.s32 @!p0 $0xFFFFF086;
	s6 =	sadd.s32 @!p0 s3, s7;
	s7 =	simm.s32 @!p0 $0x108  }
0x21: {  	s3 =	sadd.s32 s3, s9;
	s6 =	sadd.s32 @!p0 $0x88, s6;
	s7 =	simm.s32 @p2 $0x1082  }
0x22: {  	[simem:s7], [sflag:s8] =	dma.local @!p0 [hbm:s6], $0xF7A  }
0x23: {  	s9 =	sor.u32 $0xD0000000, s2;
	s6 =	simm.s32 $0x108;
	_ =	swait.ge @!p0 [sflag:s8], $0x0  }
0x24: {  	s3 =	sadd.s32 $0x88, s3;
	s6 =	simm.s32 @!p1 $0x1082;
	[sflag:s4] =	ssyncset.s32 $0xFFFFF086  }
0x25: {  	[simem:s6], [sflag:s4] =	dma.local [hbm:s3], $0xF7A  }
0x26: {  	[smem:$0x3F86] =	sst s1;
	(tag) =	ssettag s2;
	_ =	strace s9  }
0x27: {  	s1 =	sld [smem:$0x3F96]  }
0x28: {  	s2 =	sld [smem:$0x3F97]  }
0x29: {  	s4 =	sld [smem:$0x3F99]  }
0x2a: {  	p0 =	seq.s32 s5, $0x0;
	s5 =	sld [smem:$0x3F9A]  }
0x2b: {  	s6 =	sld [smem:$0x3F9B]  }
0x2c: {  	s7 =	sld [smem:$0x3F9C]  }
0x2d: {  	s3 =	simm.s32 $0x108;
	s8 =	sld [smem:$0x3F9D]  }
0x2e: {  	s3 =	simm.s32 @!p0 $0x1082;
	s9 =	sld [smem:$0x3F9E]  }
0x2f: {  	lr =	sadd.s32 s0, s3;
	s0 =	sld [smem:$0x3F95]  }
0x30: {  	s3 =	sld [smem:$0x3F98]  }
0x31: {  	[smem:$0x3FA1] =	sst s10  }
0x32: {  	s10 =	sld [smem:$0x3F9F];
	_ =	sdelay $0x3  }
0x33: {  	p0 =	seq.s32 s10, $0x1;
	s10 =	sld [smem:$0x3FA1];
	_ =	sdelay $0x3  }
0x34: {  	[smem:$0x3FA1] =	sst s10  }
0x35: {  	s10 =	sld [smem:$0x3FA0];
	_ =	sdelay $0x3  }
0x36: {  	p1 =	seq.s32 s10, $0x1;
	s10 =	sld [smem:$0x3FA1];
	_ =	sdelay $0x3  }
0x37: {  	[smem:$0x3FA1] =	sst s10  }
0x38: {  	s10 =	sld [smem:$0x3FA2]  }
0x39: {  	_ = 	snop;
	(pc) =	sbr.ind lr, $3  }
0x3a: {  	_ = 	snop  }
0x3b: {  	_ = 	snop  }
0x3c: {  	p2 =	seq.s32 s10, $0x1;
	s10 =	sld [smem:$0x3FA1]  }
0x3d: {  	_ =	shalt  }
0x3e: {  	_ =	shalt  }
0x3f: {  	_ =	shalt  }
0x40: {  	_ =	shalt  }
0x41: {  	_ =	shalt  }
0x42: {  	_ =	shalt  }
0x43: {  	_ =	shalt  }
0x44: {  	_ =	shalt  }
0x45: {  	_ =	shalt  }
0x46: {  	_ =	shalt  }
0x47: {  	_ =	shalt  }
0x48: {  	_ =	shalt  }
0x49: {  	_ =	shalt  }
0x4a: {  	_ =	shalt  }
0x4b: {  	_ =	shalt  }
0x4c: {  	_ =	shalt  }
0x4d: {  	_ =	shalt  }
0x4e: {  	_ =	shalt  }
0x4f: {  	_ =	shalt  }
0x50: {  	_ =	shalt  }
0x51: {  	_ =	shalt  }
0x52: {  	_ =	shalt  }
0x53: {  	_ =	shalt  }
0x54: {  	_ =	shalt  }
0x55: {  	_ =	shalt  }
0x56: {  	_ =	shalt  }
0x57: {  	_ =	shalt  }
0x58: {  	_ =	shalt  }
0x59: {  	_ =	shalt  }
0x5a: {  	_ =	shalt  }
0x5b: {  	_ =	shalt  }
0x5c: {  	_ =	shalt  }
0x5d: {  	_ =	shalt  }
0x5e: {  	_ =	shalt  }
0x5f: {  	_ =	shalt  }
0x60: {  	_ =	shalt  }
0x61: {  	_ =	shalt  }
0x62: {  	_ =	shalt  }
0x63: {  	_ =	shalt  }
0x64: {  	_ =	shalt  }
0x65: {  	_ =	shalt  }
0x66: {  	_ =	shalt  }
0x67: {  	_ =	shalt  }
0x68: {  	_ =	shalt  }
0x69: {  	_ =	shalt  }
0x6a: {  	_ =	shalt  }
0x6b: {  	_ =	shalt  }
0x6c: {  	_ =	shalt  }
0x6d: {  	_ =	shalt  }
0x6e: {  	_ =	shalt  }
0x6f: {  	_ =	shalt  }
0x70: {  	_ =	shalt  }
0x71: {  	_ =	shalt  }
0x72: {  	_ =	shalt  }
0x73: {  	_ =	shalt  }
0x74: {  	_ =	shalt  }
0x75: {  	_ =	shalt  }
0x76: {  	_ =	shalt  }
0x77: {  	_ =	shalt  }
0x78: {  	_ =	shalt  }
0x79: {  	_ =	shalt  }
0x7a: {  	_ =	shalt  }
0x7b: {  	_ =	shalt  }
0x7c: {  	_ =	shalt  }
0x7d: {  	_ =	shalt  }
0x7e: {  	_ =	shalt  }
0x7f: {  	_ =	shalt  }
0x80: {  	_ =	shalt  }
0x81: {  	_ =	shalt  }
0x82: {  	_ =	shalt  }
0x83: {  	_ =	shalt  }
0x84: {  	_ =	shalt  }
0x85: {  	_ =	shalt  }
0x86: {  	_ =	shalt  }
0x87: {  	_ =	shalt  }
.Lfunc_end0:
.L_simem_size_0:
called_computation.1_lowered:
.L_overlay_start_0:
0x88: {  	s2 =	sld [smem:$0x3FD9]  }
0x89: {  	s3 =	sld [smem:$0x3FFE];
	_ =	sdelay $0x1  }
0x8a: {  	s1 =	srdreg.scid  }
0x8b: {  	s0 =	sand.u32 $0x1, s1  }
0x8c: {  	s16 =	sshll.u32 s0, $0xA;
	s2 =	sadd.s32 s3, s2  }
0x8d: {  	s2 =	sadd.s32 s2, s16  }
0x8e: {  	[smem:$0x3FAD] =	sst s2  }
0x8f: {  	_ = 	snop  }
0x90: {  	(tm) =	ssettm $0x1  }
0x91: {  	s17 =	sld [smem:$0x3FFB];
	_ =	sdelay $0x3  }
0x92: {  	_ =	strace s17  }
0x93: {  	s2 =	sld [smem:$0x3FFC];
	_ =	sdelay $0x3  }
0x94: {  	_ =	strace s2  }
0x95: {  	s2 =	sld [smem:$0x3FFD];
	_ =	sdelay $0x3  }
0x96: {  	_ =	strace s2  }
0x97: {  	_ =	strace $0x8FFFFFFF  }
0x98: {  	s18 =	sld [smem:$0x3FDB];
	_ =	sdelay $0x1  }
0x99: {  	s19 =	simm.s32 $_scs_section_size  }
0x9a: {  	s4 =	simm.s32 $_size__tile_overlayer_lowered;
	s5 =	simm.s32 $_tile_overlayer_lowered  }
0x9b: {  	s22 =	simm.s32 $0x1BFF;
	s21 =	sshll.u32 s5, $0x1;
	s2 =	sadd.s32 s19, s18  }
0x9c: {  	s6 =	simm.s32 $0x0;
	s20 =	sshll.u32 s4, $0x1;
	s4 =	sadd.s32 s21, s2  }
0x9d: {  	[timem:s6], [sflag:s22] =	dma.local [hbm:s4], s20  }
0x9e: {  	_ =	swait.ge [sflag:s22], s20  }
0x9f: {  	s3 =	ssub.s32 $0x0, s20;
	[sflag:s22] =	ssyncset.done $0x0  }
0xa0: {  	[sflag:s22] =	ssyncadd.s32 s3;
	_ =	sdelay $0x1  }
0xa1: {  	s23 =	simm.s32 $0x1B8B  }
0xa2: {  	_ =	swait.ge [sflag:s23], $0x1  }
0xa3: {  	[sflag:s23] =	ssyncset.done $0x0  }
0xa4: {  	s25 =	simm.s32 $0x1B8E;
	s24 =	sld [smem:$0x3FFE];
	[sflag:s23] =	ssyncadd.s32 $0xFFFFFFFF  }
0xa5: {  	s26 =	simm.s32 $execute0_lowered;
	[smem:$0x3FD2] =	sst s25  }
0xa6: {  	s4 =	sshll.u32 s26, $0x1;
	_ =	strace $0x80000046;
	[dreg:$0x1] =	wrdreg $0xFFFFFFFF  }
0xa7: {  	s28 =	simm.s32 $_size_execute0_lowered;
	s2 =	sadd.s32 s2, s4;
	[dreg:$0x0] =	wrdreg $0x0  }
0xa8: {  	s4 =	sshll.u32 s28, $0x1;
	[dreg:$0x2] =	wrdreg s2  }
0xa9: {  	[dreg:$0x3] =	wrdreg s4  }
0xaa: {  	[dreg:$0x4] =	wrdreg $0xC0  }
0xab: {  	_ =	task [dreg:s6], $0x5FFFF  }
0xac: {  	[dreg:$0x1] =	wrdreg $0xFFFFFFFF  }
0xad: {  	[dreg:$0x0] =	wrdreg $0x60  }
0xae: {  	[dreg:$0x2] =	wrdreg s24  }
0xaf: {  	[dreg:$0x3] =	wrdreg $0xA  }
0xb0: {  	_ =	task.clear_ibuf [dreg:s6], $0x4FFFF;
	_ =	strace $0x90000046  }
0xb1: {  	s29 =	simm.s32 $0xA;
	_ =	strace $0x80000048  }
0xb2: {  	_ =	swait.ge [sflag:s29], $0x1  }
0xb3: {  	[sflag:s29] =	ssyncadd.s32 $0xFFFFFFFF  }
0xb4: {  	_ =	strace $0x90000048  }
0xb5: {  	_ =	sfence  }
0xb6: {  	s30 =	sld [smem:$0x0];
	_ =	sdelay $0x2  }
0xb7: {  	s31 =	sshll.u32 s1, $0xD;
	s1 =	sshrl.u32 s1, $0x2  }
0xb8: {  	s3 =	sand.u32 $0x4000, s31;
	s1 =	sadd.s32 s1, s30  }
0xb9: {  	s0 =	sor.u32 s3, s0;
	s1 =	sshll.u32 s1, $0x11  }
0xba: {  	s0 =	sor.u32 s1, s0  }
0xbb: {  	s0 =	sadd.s32 $0x8F2B, s0  }
0xbc: {  	[sflag:s0] =	ssyncadd.remote.s32 $0x1  }
0xbd: {  	_ =	sfence.sel $0xFFFF  }
0xbe: {  	[dreg:$0x0] =	wrdreg $0xFFFFFFFF;
	(pc) =	sbr.abs _section_cstart, $3  }
0xbf: {  	[dreg:$0x1] =	wrdreg $0xFFFFFFFF  }
0xc0: {  	_ =	task.clear_ibuf [dreg:s6], $0x2FFFF;
	_ =	strace $0x9FFFFFFF  }
0xc1: {  	(tm) =	ssettm $0x7FFFFFFF  }
tec
execute0_lowered:
.L_overlay_start_1:
0x0: {  	(tag) =	ssettag $0x1  }
0x1: {  	s0 =	srdreg.scid  }
0x2: {  	s5 =	rddreg [dreg:$0x0];
	s1 =	stileid.u32  }
0x3: {  	s2 =	simm.s32 $0x0;
	s15 =	simm.s32 $0x80;
	s16 =	simm.s32 $0xC400  }
0x4: {  	s17 =	simm.s32 $0xCC00;
	s18 =	simm.s32 $0x100;
	s19 =	simm.s32 $0xD400  }
0x5: {  	s20 =	simm.s32 $0x180;
	s21 =	simm.s32 $0xDC00;
	s29 =	smul.u32 $0xC400, s1  }
0x6: {  	s22 =	simm.s32 $0x1;
	s4 =	sand.u32 $0x1, s0;
	s30 =	smul.u32 $0x188000, s1  }
0x7: {  	[smem:$0x7FF] =	sst s2;
	s3 =	sshll.u32 s4, $0x4;
	s11 =	smul.u32 $0x1880000, s4  }
0x8: {  	s12 =	sadd.s32 $0x66000, s5;
	s26 =	smul.u32 $0xC4000, s4;
	s6 =	sor.u32 s1, s3  }
0x9: {  	_ =	strace $0x80000047;
	s9 =	ssub.s32 $0x2, s4;
	s7 =	smul.u32 $0xC400, s6  }
0xa: {  	s3 =	sadd.s32 $0x1C800, s5;
	s24 =	sshrl.u32 s9, $0x1;
	s8 =	smul.u32 $0x188000, s6  }
0xb: {  	s10 =	smul.u32 $0x18800, s6;
	s25 =	ssub.s32 s9, s24;
	s9 =	sadd.s32 s30, s11  }
0xc: {  	s24 =	simm.s32 $0x3;
	s13 =	sshrl.u32 s9, $0x4;
	s7 =	sshrl.u32 s7, $0x3  }
0xd: {  	s28 =	sshrl.u32 s8, $0x4;
	s10 =	sadd.s32 s12, s10;
	s8 =	sadd.s32 s29, s26  }
0xe: {  	s26 =	simm.s32 $0x0;
	s23 =	sadd.s32 s7, s5;
	s5 =	smax.u32 s25, $0x1  }
0xf: {  	s6 =	sadd.s32 s12, s28;
	s7 =	sadd.s32 $0x18500, s10;
	s31 =	sshll.u32 s8, $0x1  }
0x10: {  	s8 =	sadd.s32 $0x18600, s10;
	s9 =	sadd.s32 $0x18700, s10;
	s10 =	sadd.s32 s13, s12  }
0x11: {  	s25 =	simm.s32 $0x4;
	s4 =	sadd.s32 $0x35000, s23;
	s14 =	sadd.s32 s31, s12  }
0x12: {  	s6 =	sadd.s32 $0x18400, s6;
	s23 =	simm.s32 $0x2;
	s11 =	sadd.s32 $0x300, s14  }
0x13: {  	s12 =	sadd.s32 $0x200, s14;
	s13 =	sadd.s32 $0x100, s14;
	s14 =	simm.s32 $0x5  }
.LBB2_1:
0x14: {  	[tilespmem:s2], [sflag:$0x5] =	stream.linear.gather [hbm4b:s4+s2], $0xC400, $0x38;
	[tilespmem:$0xE400] =	vst v63  }
0x15: {  	_ =	swait.ge [sflag:s14], $0xC400  }
0x16: {  	[sflag:s14] =	ssyncset.done $0x0  }
0x17: {  	[sflag:s14] =	ssyncadd.s32 $0xFFFF3C00  }
0x18: {  	[tilespmem:s16], [sflag:$0x1] =	stream.indirect.gather [hbm4b:s3+s15], $0x10, s2, s15, $0xb8;
	[tilespmem:$0xE400] =	vst v63  }
0x19: {  	_ = 	snop  }
0x1a: {  	[tilespmem:s17], [sflag:$0x2] =	stream.indirect.gather [hbm4b:s3+s15], $0x10, s15, s15, $0xb8;
	[tilespmem:$0xE400] =	vst v63  }
0x1b: {  	_ = 	snop  }
0x1c: {  	[tilespmem:s19], [sflag:$0x3] =	stream.indirect.gather [hbm4b:s3+s15], $0x10, s18, s15, $0xb8;
	[tilespmem:$0xE400] =	vst v63  }
0x1d: {  	_ = 	snop  }
0x1e: {  	[tilespmem:s21], [sflag:$0x4] =	stream.indirect.gather [hbm4b:s3+s15], $0x10, s20, s15, $0xb8;
	[tilespmem:$0xE400] =	vst v63  }
0x1f: {  	_ =	swait.ge [sflag:s22], $0x800  }
0x20: {  	[sflag:s22] =	ssyncset.done $0x0  }
0x21: {  	s28 =	sadd.s32 $0x0, s10;
	[sflag:s22] =	ssyncadd.s32 $0xFFFFF800  }
0x22: {  	[hbm4b:s28+s2] =	stream.linear.scatter [tilespmem:s16], [sflag:$0x5], $0x800, $0x38;
	[tilespmem:$0xE400] =	vst v63  }
0x23: {  	_ =	swait.ge [sflag:s14], $0x800  }
0x24: {  	[sflag:s14] =	ssyncset.done $0x0  }
0x25: {  	s28 =	simm.s32 $0x200;
	[sflag:s14] =	ssyncadd.s32 $0xFFFFF800  }
0x26: {  	[tilespmem:s16], [sflag:$0x1] =	stream.indirect.gather [hbm4b:s3+s15], $0x10, s28, s15, $0xb8;
	[tilespmem:$0xE400] =	vst v63  }
0x27: {  	_ =	swait.ge [sflag:s23], $0x800  }
0x28: {  	[sflag:s23] =	ssyncset.done $0x0  }
0x29: {  	s28 =	sadd.s32 $0x0, s13;
	[sflag:s23] =	ssyncadd.s32 $0xFFFFF800  }
0x2a: {  	[hbm4b:s28+s2] =	stream.linear.scatter [tilespmem:s17], [sflag:$0x5], $0x800, $0x38;
	[tilespmem:$0xE400] =	vst v63  }
0x2b: {  	_ =	swait.ge [sflag:s14], $0x800  }
0x2c: {  	[sflag:s14] =	ssyncset.done $0x0  }
0x2d: {  	s28 =	simm.s32 $0x280;
	[sflag:s14] =	ssyncadd.s32 $0xFFFFF800  }
0x2e: {  	[tilespmem:s17], [sflag:$0x2] =	stream.indirect.gather [hbm4b:s3+s15], $0x10, s28, s15, $0xb8;
	[tilespmem:$0xE400] =	vst v63  }
0x2f: {  	_ =	swait.ge [sflag:s24], $0x800  }
0x30: {  	[sflag:s24] =	ssyncset.done $0x0  }
0x31: {  	s28 =	sadd.s32 $0x0, s12;
	[sflag:s24] =	ssyncadd.s32 $0xFFFFF800  }
0x32: {  	[hbm4b:s28+s2] =	stream.linear.scatter [tilespmem:s19], [sflag:$0x5], $0x800, $0x38;
	[tilespmem:$0xE400] =	vst v63  }
0x33: {  	_ =	swait.ge [sflag:s14], $0x800  }
0x34: {  	[sflag:s14] =	ssyncset.done $0x0  }
0x35: {  	s28 =	simm.s32 $0x300;
	[sflag:s14] =	ssyncadd.s32 $0xFFFFF800  }
0x36: {  	[tilespmem:s19], [sflag:$0x3] =	stream.indirect.gather [hbm4b:s3+s15], $0x10, s28, s15, $0xb8;
	[tilespmem:$0xE400] =	vst v63  }
0x37: {  	_ =	swait.ge [sflag:s25], $0x800  }
0x38: {  	[sflag:s25] =	ssyncset.done $0x0  }
0x39: {  	s28 =	sadd.s32 $0x0, s11;
	[sflag:s25] =	ssyncadd.s32 $0xFFFFF800  }
0x3a: {  	[hbm4b:s28+s2] =	stream.linear.scatter [tilespmem:s21], [sflag:$0x5], $0x800, $0x38;
	[tilespmem:$0xE400] =	vst v63  }
0x3b: {  	_ =	swait.ge [sflag:s14], $0x800  }
0x3c: {  	s29 =	simm.s32 $0x400;
	[sflag:s14] =	ssyncset.done $0x0  }
0x3d: {  	s30 =	simm.s32 $0x580;
	s28 =	simm.s32 $0x380;
	[sflag:s14] =	ssyncadd.s32 $0xFFFFF800  }
.LBB2_2:
0x3e: {  	[tilespmem:s21], [sflag:$0x4] =	stream.indirect.gather [hbm4b:s3+s15], $0x10, s28, s15, $0xb8;
	[tilespmem:$0xE400] =	vst v63  }
0x3f: {  	s31 =	smov.u32 s29;
	s28 =	smov.u32 s30  }
0x40: {  	p0 =	sne.s32 s29, $0x18000;
	s29 =	sadd.s32 $0x400, s29;
	_ =	swait.ge [sflag:s22], $0x800  }
0x41: {  	[sflag:s22] =	ssyncset.done $0x0  }
0x42: {  	s0 =	sadd.s32 s31, s10;
	[sflag:s22] =	ssyncadd.s32 $0xFFFFF800  }
0x43: {  	[hbm4b:s0+s2] =	stream.linear.scatter [tilespmem:s16], [sflag:$0x5], $0x800, $0x38;
	[tilespmem:$0xE400] =	vst v63  }
0x44: {  	_ =	swait.ge [sflag:s14], $0x800  }
0x45: {  	[sflag:s14] =	ssyncset.done $0x0  }
0x46: {  	s0 =	sadd.s32 $0xFFFFFE80, s30;
	[sflag:s14] =	ssyncadd.s32 $0xFFFFF800  }
0x47: {  	[tilespmem:s16], [sflag:$0x1] =	stream.indirect.gather [hbm4b:s3+s15], $0x10, s0, s15, $0xb8;
	[tilespmem:$0xE400] =	vst v63  }
0x48: {  	_ =	swait.ge [sflag:s23], $0x800  }
0x49: {  	[sflag:s23] =	ssyncset.done $0x0  }
0x4a: {  	s0 =	sadd.s32 s31, s13;
	[sflag:s23] =	ssyncadd.s32 $0xFFFFF800  }
0x4b: {  	[hbm4b:s0+s2] =	stream.linear.scatter [tilespmem:s17], [sflag:$0x5], $0x800, $0x38;
	[tilespmem:$0xE400] =	vst v63  }
0x4c: {  	_ =	swait.ge [sflag:s14], $0x800  }
0x4d: {  	[sflag:s14] =	ssyncset.done $0x0  }
0x4e: {  	s0 =	sadd.s32 $0xFFFFFF00, s30;
	[sflag:s14] =	ssyncadd.s32 $0xFFFFF800  }
0x4f: {  	[tilespmem:s17], [sflag:$0x2] =	stream.indirect.gather [hbm4b:s3+s15], $0x10, s0, s15, $0xb8;
	[tilespmem:$0xE400] =	vst v63  }
0x50: {  	_ =	swait.ge [sflag:s24], $0x800  }
0x51: {  	[sflag:s24] =	ssyncset.done $0x0  }
0x52: {  	s0 =	sadd.s32 s31, s12;
	[sflag:s24] =	ssyncadd.s32 $0xFFFFF800  }
0x53: {  	[hbm4b:s0+s2] =	stream.linear.scatter [tilespmem:s19], [sflag:$0x5], $0x800, $0x38;
	[tilespmem:$0xE400] =	vst v63  }
0x54: {  	_ =	swait.ge [sflag:s14], $0x800  }
0x55: {  	[sflag:s14] =	ssyncset.done $0x0  }
0x56: {  	s0 =	sadd.s32 $0xFFFFFF80, s30;
	[sflag:s14] =	ssyncadd.s32 $0xFFFFF800  }
0x57: {  	[tilespmem:s19], [sflag:$0x3] =	stream.indirect.gather [hbm4b:s3+s15], $0x10, s0, s15, $0xb8;
	[tilespmem:$0xE400] =	vst v63  }
0x58: {  	_ =	swait.ge [sflag:s25], $0x800  }
0x59: {  	[sflag:s25] =	ssyncset.done $0x0  }
.Ltmp0:
0x5a: {  	s0 =	sadd.s32 s31, s11;
	[sflag:s25] =	ssyncadd.s32 $0xFFFFF800;
	(pc) =	sbr.rel @p0 .LBB2_2-.Ltmp0, $4  }
0x5b: {  	[hbm4b:s0+s2] =	stream.linear.scatter [tilespmem:s21], [sflag:$0x5], $0x800, $0x38;
	[tilespmem:$0xE400] =	vst v63  }
0x5c: {  	_ =	swait.ge [sflag:s14], $0x800  }
0x5d: {  	[sflag:s14] =	ssyncset.done $0x0  }
0x5e: {  	s30 =	sadd.s32 $0x200, s30;
	[sflag:s14] =	ssyncadd.s32 $0xFFFFF800  }
0x5f: {  	[tilespmem:s21], [sflag:$0x4] =	stream.indirect.gather [hbm4b:s3+s15], $0x10, s28, s15, $0xb8;
	[tilespmem:$0xE400] =	vst v63  }
0x60: {  	_ =	swait.ge [sflag:s22], $0x800  }
0x61: {  	[sflag:s22] =	ssyncset.done $0x0  }
0x62: {  	[sflag:s22] =	ssyncadd.s32 $0xFFFFF800  }
0x63: {  	[hbm4b:s6+s2] =	stream.linear.scatter [tilespmem:s16], [sflag:$0x5], $0x800, $0x38;
	[tilespmem:$0xE400] =	vst v63  }
0x64: {  	_ =	swait.ge [sflag:s14], $0x800  }
0x65: {  	[sflag:s14] =	ssyncset.done $0x0  }
0x66: {  	[sflag:s14] =	ssyncadd.s32 $0xFFFFF800  }
0x67: {  	[tilespmem:s16], [sflag:$0x1] =	stream.indirect.gather [hbm4b:s3+s15], $0x10, s2, s15, $0xb8;
	[tilespmem:$0xE400] =	vst v63  }
0x68: {  	_ =	swait.ge [sflag:s23], $0x800  }
0x69: {  	[sflag:s23] =	ssyncset.done $0x0  }
0x6a: {  	[sflag:s23] =	ssyncadd.s32 $0xFFFFF800  }
0x6b: {  	[hbm4b:s7+s2] =	stream.linear.scatter [tilespmem:s17], [sflag:$0x5], $0x800, $0x38;
	[tilespmem:$0xE400] =	vst v63  }
0x6c: {  	_ =	swait.ge [sflag:s14], $0x800  }
0x6d: {  	[sflag:s14] =	ssyncset.done $0x0  }
0x6e: {  	[sflag:s14] =	ssyncadd.s32 $0xFFFFF800  }
0x6f: {  	[tilespmem:s17], [sflag:$0x2] =	stream.indirect.gather [hbm4b:s3+s15], $0x10, s15, s15, $0xb8;
	[tilespmem:$0xE400] =	vst v63  }
0x70: {  	_ =	swait.ge [sflag:s24], $0x800  }
0x71: {  	[sflag:s24] =	ssyncset.done $0x0  }
0x72: {  	[sflag:s24] =	ssyncadd.s32 $0xFFFFF800  }
0x73: {  	[hbm4b:s8+s2] =	stream.linear.scatter [tilespmem:s19], [sflag:$0x5], $0x800, $0x38;
	[tilespmem:$0xE400] =	vst v63  }
0x74: {  	_ =	swait.ge [sflag:s14], $0x800  }
0x75: {  	[sflag:s14] =	ssyncset.done $0x0  }
0x76: {  	[sflag:s14] =	ssyncadd.s32 $0xFFFFF800  }
0x77: {  	[tilespmem:s19], [sflag:$0x3] =	stream.indirect.gather [hbm4b:s3+s15], $0x10, s18, s15, $0xb8;
	[tilespmem:$0xE400] =	vst v63  }
0x78: {  	_ =	swait.ge [sflag:s25], $0x800  }
0x79: {  	[sflag:s25] =	ssyncset.done $0x0  }
0x7a: {  	[sflag:s25] =	ssyncadd.s32 $0xFFFFF800  }
0x7b: {  	[hbm4b:s9+s2] =	stream.linear.scatter [tilespmem:s21], [sflag:$0x5], $0x800, $0x38;
	[tilespmem:$0xE400] =	vst v63  }
0x7c: {  	_ =	swait.ge [sflag:s14], $0x800  }
0x7d: {  	[sflag:s14] =	ssyncset.done $0x0  }
0x7e: {  	[sflag:s14] =	ssyncadd.s32 $0xFFFFF800  }
0x7f: {  	[tilespmem:s21], [sflag:$0x4] =	stream.indirect.gather [hbm4b:s3+s15], $0x10, s20, s15, $0xb8;
	[tilespmem:$0xE400] =	vst v63  }
0x80: {  	_ =	swait.ge [sflag:s22], $0x800  }
0x81: {  	[sflag:s22] =	ssyncset.done $0x0  }
0x82: {  	[sflag:s22] =	ssyncadd.s32 $0xFFFFF800  }
0x83: {  	_ =	swait.ge [sflag:s23], $0x800  }
0x84: {  	[sflag:s23] =	ssyncset.done $0x0  }
0x85: {  	s26 =	sadd.s32 $0x1, s26;
	[sflag:s23] =	ssyncadd.s32 $0xFFFFF800  }
0x86: {  	p0 =	sne.s32 s26, s5;
	_ =	swait.ge [sflag:s24], $0x800  }
.Ltmp1:
0x87: {  	[sflag:s24] =	ssyncset.done $0x0;
	(pc) =	sbr.rel @p0 .LBB2_1-.Ltmp1, $4  }
0x88: {  	[sflag:s24] =	ssyncadd.s32 $0xFFFFF800  }
0x89: {  	_ =	swait.ge [sflag:s25], $0x800  }
0x8a: {  	[sflag:s25] =	ssyncset.done $0x0  }
0x8b: {  	[sflag:s25] =	ssyncadd.s32 $0xFFFFF800  }
0x8c: {  	_ =	sfence.sel $0x180000  }
0x8d: {  	[bflag:$0x0] =	sbarrier.arrive $0xFFFF  }
0x8e: {  	_ =	strace $0x90000047  }
0x8f: {  	[bflag:$0x2] =	sbarrier.arrive $0xFFFF  }
0x90: {  	p0 =	sne.s32 s1, $0x0;
	s0 =	rddreg [dreg:$0x1]  }
0x91: {  	s0 =	sadd.s32 @!p0 $0x100000, s0  }
0x92: {  	[sflag:s0] =	ssyncadd.tile.s32 @!p0 $0x1;
	_ =	shalt  }
.Lfunc_end2:
_tile_overlayer_lowered:
.L_overlay_start_2:
0x93: {  	(tag) =	ssettag $0x2  }
0x94: {  	s0 =	rddreg [dreg:$0x0];
	s2 =	stileid.u32  }
0x95: {  	s1 =	rddreg [dreg:$0x1];
	p0 =	sne.s32 s2, $0x0  }
0x96: {  	s3 =	rddreg [dreg:$0x2];
	[bflag:$0x3] =	sbarrier.arrive $0xFFFF;
	s2 =	simm.s32 @!p0 $0x1C05  }
0x97: {  	[timem:s3], [sflag:s2] =	dma.local @!p0 [hbm:s0], s1  }
0x98: {  	s0 =	simm.s32 @!p0 $0x5  }
0x99: {  	_ =	swait.ge @!p0 [sflag:s0], s1  }
0x9a: {  	s1 =	ssub.s32 @!p0 $0x0, s1;
	[sflag:s0] =	ssyncset.done @!p0 $0x0  }
0x9b: {  	[sflag:s0] =	ssyncadd.s32 @!p0 s1  }
0x9c: {  	[bflag:$0x3] =	sbarrier.arrive $0xFFFF  }
0x9d: {  	_ =	shalt  }

// kernel: kernel.19.cloned.1.call-start
scs
__scs_entry_jumppad:
0x0: {  	(pc) =	sbr.rel $0x88, $3  }
0x1: {  	(tag) =	ssettag $0x0;
	lr =	simm.s32 $0x1  }
0x2: {  	[smem:$0x3F86] =	sst lr;
	_ =	strace $0xD0000000  }
0x3: {  	_ = 	snop  }
0x4: {  	_ = 	snop  }
0x5: {  	_ = 	snop  }
0x6: {  	_ = 	snop  }
0x7: {  	_ = 	snop  }
__scs_overlays_trampoline_lowered:
0x8: {  	[smem:$0x3F95] =	sst s0  }
0x9: {  	[smem:$0x3F96] =	sst s1  }
0xa: {  	[smem:$0x3F97] =	sst s2  }
0xb: {  	[smem:$0x3F98] =	sst s3  }
0xc: {  	[smem:$0x3F99] =	sst s4  }
0xd: {  	[smem:$0x3F9A] =	sst s5  }
0xe: {  	[smem:$0x3F9B] =	sst s6  }
0xf: {  	[smem:$0x3F9C] =	sst s7  }
0x10: {  	[smem:$0x3F9D] =	sst s8  }
0x11: {  	[smem:$0x3F9E] =	sst s9;
	s0 =	simm.s32 @!p0 $0x0  }
0x12: {  	s1 =	sld [smem:$0x3F84];
	s0 =	simm.s32 @p0 $0x1  }
0x13: {  	[smem:$0x3F9F] =	sst s0;
	s0 =	simm.s32 @!p1 $0x0  }
0x14: {  	s2 =	sld [smem:$0x3F83];
	s0 =	simm.s32 @p1 $0x1  }
0x15: {  	[smem:$0x3FA0] =	sst s0;
	s0 =	simm.s32 @!p2 $0x0  }
0x16: {  	s3 =	sld [smem:$0x3FDB];
	s0 =	simm.s32 @p2 $0x1  }
0x17: {  	s4 =	simm.s32 $0x1BF5;
	[smem:$0x3FA2] =	sst s0  }
0x18: {  	s0 =	sld [smem:$0x3F85];
	_ =	swait.ge [sflag:s4], $0x0  }
0x19: {  	s7 =	sld [smem:$0x3F86]  }
0x1a: {  	s8 =	sadd.s32 $0xFFFFE003, lr  }
0x1b: {  	s9 =	sadd.s32 $0xFFFFFEF7, lr;
	s5 =	simm.s32 $0xFFFFFFFF;
	p2 =	slt.u32 s8, $0xFFFFF086  }
0x1c: {  	p1 =	slt.u32 s9, $0xF7A;
	s5 =	simm.s32 @!p2 $0x0  }
0x1d: {  	s5 =	simm.s32 @p1 $0x1;
	p0 =	seq.s32 s7, s2  }
0x1e: {  	s7 =	smul.u32 @!p0 $0xF7A, s2;
	p2 =	seq.s32 @!p0 s5, $0x0  }
0x1f: {  	s9 =	smul.u32 $0xF7A, s1;
	s8 =	simm.s32 @!p0 $0x1BF5;
	p2 =	por !p2, p0  }
0x20: {  	[sflag:s8] =	ssyncset.s32 @!p0 $0xFFFFF086;
	s6 =	sadd.s32 @!p0 s3, s7;
	s7 =	simm.s32 @!p0 $0x108  }
0x21: {  	s3 =	sadd.s32 s3, s9;
	s6 =	sadd.s32 @!p0 $0x88, s6;
	s7 =	simm.s32 @p2 $0x1082  }
0x22: {  	[simem:s7], [sflag:s8] =	dma.local @!p0 [hbm:s6], $0xF7A  }
0x23: {  	s9 =	sor.u32 $0xD0000000, s2;
	s6 =	simm.s32 $0x108;
	_ =	swait.ge @!p0 [sflag:s8], $0x0  }
0x24: {  	s3 =	sadd.s32 $0x88, s3;
	s6 =	simm.s32 @!p1 $0x1082;
	[sflag:s4] =	ssyncset.s32 $0xFFFFF086  }
0x25: {  	[simem:s6], [sflag:s4] =	dma.local [hbm:s3], $0xF7A  }
0x26: {  	[smem:$0x3F86] =	sst s1;
	(tag) =	ssettag s2;
	_ =	strace s9  }
0x27: {  	s1 =	sld [smem:$0x3F96]  }
0x28: {  	s2 =	sld [smem:$0x3F97]  }
0x29: {  	s4 =	sld [smem:$0x3F99]  }
0x2a: {  	p0 =	seq.s32 s5, $0x0;
	s5 =	sld [smem:$0x3F9A]  }
0x2b: {  	s6 =	sld [smem:$0x3F9B]  }
0x2c: {  	s7 =	sld [smem:$0x3F9C]  }
0x2d: {  	s3 =	simm.s32 $0x108;
	s8 =	sld [smem:$0x3F9D]  }
0x2e: {  	s3 =	simm.s32 @!p0 $0x1082;
	s9 =	sld [smem:$0x3F9E]  }
0x2f: {  	lr =	sadd.s32 s0, s3;
	s0 =	sld [smem:$0x3F95]  }
0x30: {  	s3 =	sld [smem:$0x3F98]  }
0x31: {  	[smem:$0x3FA1] =	sst s10  }
0x32: {  	s10 =	sld [smem:$0x3F9F];
	_ =	sdelay $0x3  }
0x33: {  	p0 =	seq.s32 s10, $0x1;
	s10 =	sld [smem:$0x3FA1];
	_ =	sdelay $0x3  }
0x34: {  	[smem:$0x3FA1] =	sst s10  }
0x35: {  	s10 =	sld [smem:$0x3FA0];
	_ =	sdelay $0x3  }
0x36: {  	p1 =	seq.s32 s10, $0x1;
	s10 =	sld [smem:$0x3FA1];
	_ =	sdelay $0x3  }
0x37: {  	[smem:$0x3FA1] =	sst s10  }
0x38: {  	s10 =	sld [smem:$0x3FA2]  }
0x39: {  	_ = 	snop;
	(pc) =	sbr.ind lr, $3  }
0x3a: {  	_ = 	snop  }
0x3b: {  	_ = 	snop  }
0x3c: {  	p2 =	seq.s32 s10, $0x1;
	s10 =	sld [smem:$0x3FA1]  }
0x3d: {  	_ =	shalt  }
0x3e: {  	_ =	shalt  }
0x3f: {  	_ =	shalt  }
0x40: {  	_ =	shalt  }
0x41: {  	_ =	shalt  }
0x42: {  	_ =	shalt  }
0x43: {  	_ =	shalt  }
0x44: {  	_ =	shalt  }
0x45: {  	_ =	shalt  }
0x46: {  	_ =	shalt  }
0x47: {  	_ =	shalt  }
0x48: {  	_ =	shalt  }
0x49: {  	_ =	shalt  }
0x4a: {  	_ =	shalt  }
0x4b: {  	_ =	shalt  }
0x4c: {  	_ =	shalt  }
0x4d: {  	_ =	shalt  }
0x4e: {  	_ =	shalt  }
0x4f: {  	_ =	shalt  }
0x50: {  	_ =	shalt  }
0x51: {  	_ =	shalt  }
0x52: {  	_ =	shalt  }
0x53: {  	_ =	shalt  }
0x54: {  	_ =	shalt  }
0x55: {  	_ =	shalt  }
0x56: {  	_ =	shalt  }
0x57: {  	_ =	shalt  }
0x58: {  	_ =	shalt  }
0x59: {  	_ =	shalt  }
0x5a: {  	_ =	shalt  }
0x5b: {  	_ =	shalt  }
0x5c: {  	_ =	shalt  }
0x5d: {  	_ =	shalt  }
0x5e: {  	_ =	shalt  }
0x5f: {  	_ =	shalt  }
0x60: {  	_ =	shalt  }
0x61: {  	_ =	shalt  }
0x62: {  	_ =	shalt  }
0x63: {  	_ =	shalt  }
0x64: {  	_ =	shalt  }
0x65: {  	_ =	shalt  }
0x66: {  	_ =	shalt  }
0x67: {  	_ =	shalt  }
0x68: {  	_ =	shalt  }
0x69: {  	_ =	shalt  }
0x6a: {  	_ =	shalt  }
0x6b: {  	_ =	shalt  }
0x6c: {  	_ =	shalt  }
0x6d: {  	_ =	shalt  }
0x6e: {  	_ =	shalt  }
0x6f: {  	_ =	shalt  }
0x70: {  	_ =	shalt  }
0x71: {  	_ =	shalt  }
0x72: {  	_ =	shalt  }
0x73: {  	_ =	shalt  }
0x74: {  	_ =	shalt  }
0x75: {  	_ =	shalt  }
0x76: {  	_ =	shalt  }
0x77: {  	_ =	shalt  }
0x78: {  	_ =	shalt  }
0x79: {  	_ =	shalt  }
0x7a: {  	_ =	shalt  }
0x7b: {  	_ =	shalt  }
0x7c: {  	_ =	shalt  }
0x7d: {  	_ =	shalt  }
0x7e: {  	_ =	shalt  }
0x7f: {  	_ =	shalt  }
0x80: {  	_ =	shalt  }
0x81: {  	_ =	shalt  }
0x82: {  	_ =	shalt  }
0x83: {  	_ =	shalt  }
0x84: {  	_ =	shalt  }
0x85: {  	_ =	shalt  }
0x86: {  	_ =	shalt  }
0x87: {  	_ =	shalt  }
.Lfunc_end0:
.L_simem_size_0:
called_computation.2_lowered:
.L_overlay_start_0:
0x88: {  	s2 =	sld [smem:$0x3FD9]  }
0x89: {  	s3 =	sld [smem:$0x3FFE];
	_ =	sdelay $0x1  }
0x8a: {  	s1 =	srdreg.scid  }
0x8b: {  	s0 =	sand.u32 $0x1, s1  }
0x8c: {  	s17 =	sshll.u32 s0, $0xA;
	s2 =	sadd.s32 s3, s2  }
0x8d: {  	s2 =	sadd.s32 s2, s17  }
0x8e: {  	[smem:$0x3FAD] =	sst s2  }
0x8f: {  	_ = 	snop  }
0x90: {  	s18 =	sld [smem:$0x3FD0];
	(tm) =	ssettm $0x1  }
0x91: {  	s19 =	sld [smem:$0x3FFB];
	_ =	sdelay $0x3  }
0x92: {  	_ =	strace s19  }
0x93: {  	s2 =	sld [smem:$0x3FFC];
	_ =	sdelay $0x3  }
0x94: {  	_ =	strace s2  }
0x95: {  	s2 =	sld [smem:$0x3FFD];
	_ =	sdelay $0x3  }
0x96: {  	_ =	strace s2  }
0x97: {  	_ =	strace $0x8FFFFFFF  }
0x98: {  	s20 =	sld [smem:$0x3FDB];
	_ =	sdelay $0x1  }
0x99: {  	s4 =	simm.s32 $_scs_section_size  }
0x9a: {  	s5 =	simm.s32 $_size__tile_overlayer_lowered;
	s6 =	simm.s32 $_tile_overlayer_lowered  }
0x9b: {  	s7 =	simm.s32 $0x1BFF;
	s21 =	sshll.u32 s6, $0x1;
	s4 =	sadd.s32 s4, s20  }
0x9c: {  	s22 =	simm.s32 $0x0;
	s5 =	sshll.u32 s5, $0x1;
	s6 =	sadd.s32 s21, s4  }
0x9d: {  	[timem:s22], [sflag:s7] =	dma.local [hbm:s6], s5  }
0x9e: {  	_ =	swait.ge [sflag:s7], s5  }
0x9f: {  	s5 =	ssub.s32 $0x0, s5;
	[sflag:s7] =	ssyncset.done $0x0  }
0xa0: {  	[sflag:s7] =	ssyncadd.s32 s5;
	_ =	sdelay $0x1  }
0xa1: {  	s23 =	simm.s32 $0x1B8B  }
0xa2: {  	_ =	swait.ge [sflag:s23], $0x1  }
0xa3: {  	[sflag:s23] =	ssyncset.done $0x0  }
0xa4: {  	[sflag:s23] =	ssyncadd.s32 $0xFFFFFFFF  }
0xa5: {  	s5 =	sld [smem:$0x0]  }
0xa6: {  	s6 =	sand.u32 $0xFFFFFFFE, s1  }
0xa7: {  	p0 =	sne.s32 s1, s6  }
0xa8: {  	s6 =	sshll.u32 @p0 s6, $0xE  }
0xa9: {  	s6 =	sadd.s32 @p0 $0x11B8D, s6;
	s7 =	sshll.u32 @p0 s5, $0x11  }
0xaa: {  	s6 =	sor.u32 @p0 s7, s6  }
0xab: {  	[sflag:s6] =	ssyncadd.remote.s32 @p0 $0x1;
	_ =	sdelay $0x1  }
0xac: {  	s6 =	simm.s32 @p0 $0x1B8D  }
0xad: {  	_ =	swait.eq @p0 [sflag:s6], $0x1  }
0xae: {  	[sflag:s6] =	ssyncadd.s32 @p0 $0xFFFFFFFF  }
0xaf: {  	s7 =	sshll.u32 @!p0 s1, $0xE  }
0xb0: {  	s7 =	sor.u32 @!p0 $0x4000, s7;
	s6 =	simm.s32 @!p0 $0x1B8D  }
0xb1: {  	s5 =	sshll.u32 @!p0 s5, $0x11;
	s7 =	sadd.s32 @!p0 $0x11B8D, s7;
	_ =	swait.eq @!p0 [sflag:s6], $0x1  }
0xb2: {  	s5 =	sor.u32 @!p0 s5, s7;
	[sflag:s6] =	ssyncadd.s32 @!p0 $0xFFFFFFFF  }
0xb3: {  	s25 =	simm.s32 $0x1B8E;
	s24 =	sld [smem:$0x3FFE];
	[sflag:s5] =	ssyncadd.remote.s32 @!p0 $0x1  }
0xb4: {  	s26 =	simm.s32 $execute0_lowered;
	[smem:$0x3FD2] =	sst s25  }
0xb5: {  	s6 =	sshll.u32 s26, $0x1;
	_ =	strace $0x8000004C;
	[dreg:$0x1] =	wrdreg $0xFFFFFFFF  }
0xb6: {  	s28 =	simm.s32 $_size_execute0_lowered;
	s4 =	sadd.s32 s4, s6;
	[dreg:$0x0] =	wrdreg $0x0  }
0xb7: {  	s6 =	sshll.u32 s28, $0x1;
	[dreg:$0x2] =	wrdreg s4  }
0xb8: {  	[dreg:$0x3] =	wrdreg s6  }
0xb9: {  	[dreg:$0x4] =	wrdreg $0xC0  }
0xba: {  	_ =	task [dreg:s22], $0x5FFFF  }
0xbb: {  	[dreg:$0x1] =	wrdreg $0xFFFFFFFF  }
0xbc: {  	[dreg:$0x0] =	wrdreg $0x60  }
0xbd: {  	[dreg:$0x2] =	wrdreg s24  }
0xbe: {  	[dreg:$0x3] =	wrdreg s18  }
0xbf: {  	[dreg:$0x4] =	wrdreg $0x5C000  }
0xc0: {  	[dreg:$0x5] =	wrdreg $0xA  }
0xc1: {  	_ =	task.clear_ibuf [dreg:s22], $0x6FFFF;
	_ =	strace $0x9000004C  }
0xc2: {  	s29 =	simm.s32 $0xA;
	_ =	strace $0x8000004E  }
0xc3: {  	_ =	swait.ge [sflag:s29], $0x1  }
0xc4: {  	[sflag:s29] =	ssyncadd.s32 $0xFFFFFFFF  }
0xc5: {  	_ =	strace $0x9000004E  }
0xc6: {  	_ =	sfence  }
0xc7: {  	s30 =	sld [smem:$0x0];
	_ =	sdelay $0x2  }
0xc8: {  	s31 =	sshll.u32 s1, $0xD;
	s1 =	sshrl.u32 s1, $0x2  }
0xc9: {  	s4 =	sand.u32 $0x4000, s31;
	s1 =	sadd.s32 s1, s30  }
0xca: {  	s0 =	sor.u32 s4, s0;
	s1 =	sshll.u32 s1, $0x11  }
0xcb: {  	s0 =	sor.u32 s1, s0  }
0xcc: {  	s0 =	sadd.s32 $0x8F2B, s0  }
0xcd: {  	[sflag:s0] =	ssyncadd.remote.s32 $0x1  }
0xce: {  	_ =	sfence.sel $0xFFFF  }
0xcf: {  	[dreg:$0x0] =	wrdreg $0xFFFFFFFF;
	(pc) =	sbr.abs _section_cstart, $3  }
0xd0: {  	[dreg:$0x1] =	wrdreg $0xFFFFFFFF  }
0xd1: {  	_ =	task.clear_ibuf [dreg:s22], $0x2FFFF;
	_ =	strace $0x9FFFFFFF  }
0xd2: {  	(tm) =	ssettm $0x7FFFFFFF  }
0xd3: {  	_ =	shalt  }
tec
execute0_lowered:
.L_overlay_start_1:
0x0: {  	(tag) =	ssettag $0x1  }
0x1: {  	s0 =	rddreg [dreg:$0x0]  }
0x2: {  	s3 =	rddreg [dreg:$0x2];
	s4 =	simm.s32 $0x0  }
0x3: {  	s1 =	srdreg.scid;
	s9 =	stileid.u32;
	s28 =	simm.s32 $0x1  }
0x4: {  	s29 =	simm.s32 $0x2;
	s30 =	simm.s32 $0x3;
	s2 =	smul.u32 $0x19000, s9  }
0x5: {  	s31 =	simm.s32 $0x4;
	[smem:$0x7FF] =	sst s4;
	s16 =	smul.u32 $0x64000, s9  }
0x6: {  	s1 =	sand.u32 $0x1, s1;
	s5 =	sadd.s32 $0x1C59400, s0;
	s13 =	smul.u32 $0xC400, s9  }
0x7: {  	s7 =	sadd.s32 $0x376000, s0;
	s17 =	smul.u32 $0x620000, s9;
	s18 =	sadd.s32 $0x1C59C00, s0  }
0x8: {  	_ =	strace $0x8000004D;
	s6 =	smul.u32 $0x190000, s1;
	[dreg:$0x4] =	wrdreg s7  }
0x9: {  	s15 =	ssub.s32 $0x2, s1;
	s12 =	smul.u32 $0xC4000, s1;
	s1 =	sshll.u32 s1, $0x6  }
0xa: {  	[dreg:$0x5] =	wrdreg s18;
	s8 =	sshrl.u32 s15, $0x1;
	s7 =	sshrl.u32 s16, $0x2  }
0xb: {  	s11 =	smov.u32 s1;
	s1 =	sor.u32 s1, s17;
	s10 =	smov.u32 s13  }
0xc: {  	s2 =	sadd.s32 s2, s6;
	s6 =	ssub.s32 s15, s8;
	s9 =	sadd.s32 s7, s3  }
0xd: {  	s19 =	sadd.s32 s12, s13;
	s12 =	sadd.s32 $0x1C5A400, s0;
	s20 =	sor.u32 $0x1C000, s1  }
0xe: {  	s13 =	sadd.s32 $0x1C5AC00, s0;
	s23 =	sor.u32 $0x18000, s1;
	s24 =	sor.u32 $0x14000, s1  }
0xf: {  	s1 =	sor.u32 $0x10000, s1;
	s2 =	sshrl.u32 s2, $0x3;
	[dreg:$0x6] =	wrdreg s19  }
0x10: {  	s21 =	smax.u32 s6, $0x1;
	s22 =	sshrl.u32 s20, $0x3;
	s6 =	sshrl.u32 s24, $0x3  }
0x11: {  	s26 =	sshrl.u32 s1, $0x3;
	s20 =	simm.s32 $0x1C00;
	s24 =	simm.s32 $0x2C00  }
0x12: {  	s1 =	simm.s32 $0x0;
	s2 =	sadd.s32 s2, s0;
	[dreg:$0x7] =	wrdreg s21  }
0x13: {  	s0 =	sadd.s32 s22, s5;
	s25 =	sadd.s32 s6, s5;
	s21 =	simm.s32 $0x5  }
0x14: {  	s22 =	simm.s32 $0x20;
	[dreg:$0x8] =	wrdreg s0;
	s0 =	sshrl.u32 s23, $0x3  }
0x15: {  	[dreg:$0xa] =	wrdreg s25;
	s19 =	sadd.s32 $0x66000, s2;
	s0 =	sadd.s32 s0, s5  }
0x16: {  	s23 =	simm.s32 $0x80;
	[dreg:$0x9] =	wrdreg s0;
	s0 =	sadd.s32 s26, s5  }
0x17: {  	s25 =	simm.s32 $0x3C00;
	s26 =	simm.s32 $0x4C00;
	[dreg:$0xb] =	wrdreg s0  }
.LBB2_1:
0x18: {  	[dreg:$0xc] =	wrdreg s1  }
0x19: {  	s0 =	rddreg [dreg:$0x1]  }
0x1a: {  	[tilespmem:s20], [sflag:$0x5] =	stream.linear.gather [hbm4b:s0+s4], $0x1000, $0x38;
	[tilespmem:$0x1EC00] =	vst v63  }
0x1b: {  	_ =	swait.ge [sflag:s21], $0x1000  }
0x1c: {  	[sflag:s21] =	ssyncset.done $0x0  }
0x1d: {  	s18 =	sadd.s32 $0x0, s9;
	[sflag:s21] =	ssyncadd.s32 $0xFFFFF000  }
0x1e: {  	[spmem:s18] =	stream.linear.scatter [tilespmem:s20], [sflag:$0x5], $0x1000, $0x38;
	[tilespmem:$0x1EC00] =	vst v63  }
0x1f: {  	s0 =	simm.s32 $0x4000;
	_ =	swait.ge [sflag:s21], $0x1000  }
.LBB2_2:
0x20: {  	s1 =	sshra.s32 s0, $0x2;
	[sflag:s21] =	ssyncset.done $0x0;
	p0 =	sne.s32 s0, $0x60000  }
.Ltmp0:
0x21: {  	s1 =	sadd.s32 s1, s9;
	[sflag:s21] =	ssyncadd.s32 $0xFFFFF000;
	(pc) =	sbr.rel @p0 .LBB2_2-.Ltmp0, $3  }
0x22: {  	[spmem:s1] =	stream.linear.scatter [tilespmem:s20], [sflag:$0x5], $0x1000, $0x38;
	[tilespmem:$0x1EC00] =	vst v63  }
0x23: {  	s0 =	sadd.s32 $0x4000, s0;
	_ =	sdelay $0x1  }
0x24: {  	_ =	swait.ge [sflag:s21], $0x1000  }
0x25: {  	[sflag:s21] =	ssyncset.done $0x0  }
0x26: {  	[sflag:s21] =	ssyncadd.s32 $0xFFFFF000  }
0x27: {  	[bflag:$0x0] =	sbarrier.arrive $0xFFFF  }
0x28: {  	s18 =	rddreg [dreg:$0xb]  }
0x29: {  	s17 =	rddreg [dreg:$0xa]  }
0x2a: {  	s15 =	rddreg [dreg:$0x9]  }
0x2b: {  	s2 =	simm.s32 $0x0;
	s0 =	rddreg [dreg:$0x8]  }
.LBB2_4:
0x2c: {  	s1 =	smul.u32 $0x1C00, s2  }
0x2d: {  	s6 =	rddreg [dreg:$0x6]  }
0x2e: {  	s6 =	sadd.s32 s6, s1  }
0x2f: {  	s7 =	rddreg [dreg:$0x4];
	s1 =	sadd.s32 s10, s1;
	s6 =	sshrl.u32 s6, $0x3  }
0x30: {  	s14 =	simm.s32 $0x0;
	s1 =	sshll.u32 s1, $0x7;
	s6 =	sadd.s32 s7, s6  }
0x31: {  	[tilespmem:s14], [sflag:$0x5] =	stream.linear.gather [hbm4b:s6+s14], $0x1C00, $0x38;
	[tilespmem:$0x1EC00] =	vst v63  }
0x32: {  	s1 =	sor.u32 s11, s1;
	_ =	swait.ge [sflag:s21], $0x1C00  }
0x33: {  	s1 =	sshrl.u32 s1, $0x3;
	[sflag:s21] =	ssyncset.done $0x0  }
0x34: {  	s14 =	sadd.s32 s5, s1;
	s16 =	rddreg [dreg:$0x5];
	[sflag:s21] =	ssyncadd.s32 $0xFFFFE400  }
0x35: {  	[tilespmem:s20], [sflag:$0x1] =	stream.strided.gather [hbm4b:s14+s22], $0x1000, s23, s22, $0x38;
	[tilespmem:$0x1EC00] =	vst v63  }
0x36: {  	s6 =	sadd.s32 s1, s16  }
0x37: {  	[tilespmem:s24], [sflag:$0x2] =	stream.strided.gather [hbm4b:s6+s22], $0x1000, s23, s22, $0x38;
	[tilespmem:$0x1EC00] =	vst v63  }
0x38: {  	s7 =	sadd.s32 s1, s12  }
0x39: {  	[tilespmem:s25], [sflag:$0x3] =	stream.strided.gather [hbm4b:s7+s22], $0x1000, s23, s22, $0x38;
	[tilespmem:$0x1EC00] =	vst v63  }
0x3a: {  	s8 =	sadd.s32 s1, s13  }
0x3b: {  	[tilespmem:s26], [sflag:$0x4] =	stream.strided.gather [hbm4b:s8+s22], $0x1000, s23, s22, $0x38;
	[tilespmem:$0x1EC00] =	vst v63  }
0x3c: {  	_ =	swait.ge [sflag:s28], $0x1000  }
0x3d: {  	[sflag:s28] =	ssyncset.done $0x0  }
0x3e: {  	s16 =	simm.s32 $0x0;
	[sflag:s28] =	ssyncadd.s32 $0xFFFFF000  }
0x3f: {  	[spmem:s3] =	stream.indirect.scatter.add.f32 [tilespmem:s20], [sflag:$0x5], $0x20, s16, s23, $0xb8;
	[tilespmem:$0x1EC00] =	vst v63  }
0x40: {  	_ =	swait.ge [sflag:s21], $0x1000  }
0x41: {  	[sflag:s21] =	ssyncset.done $0x0  }
0x42: {  	s7 =	sadd.s32 $0x0, s18;
	[sflag:s21] =	ssyncadd.s32 $0xFFFFF000  }
0x43: {  	[tilespmem:s20], [sflag:$0x1] =	stream.strided.gather [hbm4b:s7+s22], $0x1000, s23, s22, $0x38;
	[tilespmem:$0x1EC00] =	vst v63  }
0x44: {  	_ =	swait.ge [sflag:s29], $0x1000  }
0x45: {  	[sflag:s29] =	ssyncset.done $0x0  }
0x46: {  	s8 =	simm.s32 $0x80;
	[sflag:s29] =	ssyncadd.s32 $0xFFFFF000  }
0x47: {  	[spmem:s3] =	stream.indirect.scatter.add.f32 [tilespmem:s24], [sflag:$0x5], $0x20, s8, s23, $0xb8;
	[tilespmem:$0x1EC00] =	vst v63  }
0x48: {  	_ =	swait.ge [sflag:s21], $0x1000  }
0x49: {  	[sflag:s21] =	ssyncset.done $0x0  }
0x4a: {  	s16 =	sadd.s32 $0x0, s17;
	[sflag:s21] =	ssyncadd.s32 $0xFFFFF000  }
0x4b: {  	[tilespmem:s24], [sflag:$0x2] =	stream.strided.gather [hbm4b:s16+s22], $0x1000, s23, s22, $0x38;
	[tilespmem:$0x1EC00] =	vst v63  }
0x4c: {  	_ =	swait.ge [sflag:s30], $0x1000  }
0x4d: {  	[sflag:s30] =	ssyncset.done $0x0  }
0x4e: {  	s7 =	simm.s32 $0x100;
	[sflag:s30] =	ssyncadd.s32 $0xFFFFF000  }
0x4f: {  	[spmem:s3] =	stream.indirect.scatter.add.f32 [tilespmem:s25], [sflag:$0x5], $0x20, s7, s23, $0xb8;
	[tilespmem:$0x1EC00] =	vst v63  }
0x50: {  	_ =	swait.ge [sflag:s21], $0x1000  }
0x51: {  	[sflag:s21] =	ssyncset.done $0x0  }
0x52: {  	s8 =	sadd.s32 $0x0, s15;
	[sflag:s21] =	ssyncadd.s32 $0xFFFFF000  }
0x53: {  	[tilespmem:s25], [sflag:$0x3] =	stream.strided.gather [hbm4b:s8+s22], $0x1000, s23, s22, $0x38;
	[tilespmem:$0x1EC00] =	vst v63  }
0x54: {  	_ =	swait.ge [sflag:s31], $0x1000  }
0x55: {  	[sflag:s31] =	ssyncset.done $0x0  }
0x56: {  	s16 =	simm.s32 $0x180;
	[sflag:s31] =	ssyncadd.s32 $0xFFFFF000  }
0x57: {  	[spmem:s3] =	stream.indirect.scatter.add.f32 [tilespmem:s26], [sflag:$0x5], $0x20, s16, s23, $0xb8;
	[tilespmem:$0x1EC00] =	vst v63  }
0x58: {  	_ =	swait.ge [sflag:s21], $0x1000  }
0x59: {  	s6 =	simm.s32 $0x380;
	[sflag:s21] =	ssyncset.done $0x0  }
0x5a: {  	s7 =	sadd.s32 $0x0, s0;
	s16 =	simm.s32 $0x2000;
	[sflag:s21] =	ssyncadd.s32 $0xFFFFF000  }
.LBB2_5:
0x5b: {  	[tilespmem:s26], [sflag:$0x4] =	stream.strided.gather [hbm4b:s7+s22], $0x1000, s23, s22, $0x38;
	[tilespmem:$0x1EC00] =	vst v63  }
0x5c: {  	s7 =	smov.u32 s16  }
0x5d: {  	p0 =	sne.s32 s16, $0x18000;
	s16 =	sadd.s32 $0x2000, s16;
	_ =	swait.ge [sflag:s28], $0x1000  }
0x5e: {  	[sflag:s28] =	ssyncset.done $0x0  }
0x5f: {  	s8 =	sadd.s32 $0xFFFFFE80, s6;
	[sflag:s28] =	ssyncadd.s32 $0xFFFFF000  }
0x60: {  	[spmem:s3] =	stream.indirect.scatter.add.f32 [tilespmem:s20], [sflag:$0x5], $0x20, s8, s23, $0xb8;
	[tilespmem:$0x1EC00] =	vst v63  }
0x61: {  	_ =	swait.ge [sflag:s21], $0x1000  }
0x62: {  	[sflag:s21] =	ssyncset.done $0x0  }
0x63: {  	s8 =	sadd.s32 s7, s18;
	[sflag:s21] =	ssyncadd.s32 $0xFFFFF000  }
0x64: {  	[tilespmem:s20], [sflag:$0x1] =	stream.strided.gather [hbm4b:s8+s22], $0x1000, s23, s22, $0x38;
	[tilespmem:$0x1EC00] =	vst v63  }
0x65: {  	_ =	swait.ge [sflag:s29], $0x1000  }
0x66: {  	[sflag:s29] =	ssyncset.done $0x0  }
0x67: {  	s8 =	sadd.s32 $0xFFFFFF00, s6;
	[sflag:s29] =	ssyncadd.s32 $0xFFFFF000  }
0x68: {  	[spmem:s3] =	stream.indirect.scatter.add.f32 [tilespmem:s24], [sflag:$0x5], $0x20, s8, s23, $0xb8;
	[tilespmem:$0x1EC00] =	vst v63  }
0x69: {  	_ =	swait.ge [sflag:s21], $0x1000  }
0x6a: {  	[sflag:s21] =	ssyncset.done $0x0  }
0x6b: {  	s8 =	sadd.s32 s7, s17;
	[sflag:s21] =	ssyncadd.s32 $0xFFFFF000  }
0x6c: {  	[tilespmem:s24], [sflag:$0x2] =	stream.strided.gather [hbm4b:s8+s22], $0x1000, s23, s22, $0x38;
	[tilespmem:$0x1EC00] =	vst v63  }
0x6d: {  	_ =	swait.ge [sflag:s30], $0x1000  }
0x6e: {  	[sflag:s30] =	ssyncset.done $0x0  }
0x6f: {  	s8 =	sadd.s32 $0xFFFFFF80, s6;
	[sflag:s30] =	ssyncadd.s32 $0xFFFFF000  }
0x70: {  	[spmem:s3] =	stream.indirect.scatter.add.f32 [tilespmem:s25], [sflag:$0x5], $0x20, s8, s23, $0xb8;
	[tilespmem:$0x1EC00] =	vst v63  }
0x71: {  	_ =	swait.ge [sflag:s21], $0x1000  }
0x72: {  	[sflag:s21] =	ssyncset.done $0x0  }
0x73: {  	s8 =	sadd.s32 s7, s15;
	[sflag:s21] =	ssyncadd.s32 $0xFFFFF000  }
0x74: {  	[tilespmem:s25], [sflag:$0x3] =	stream.strided.gather [hbm4b:s8+s22], $0x1000, s23, s22, $0x38;
	[tilespmem:$0x1EC00] =	vst v63  }
0x75: {  	_ =	swait.ge [sflag:s31], $0x1000  }
0x76: {  	[sflag:s31] =	ssyncset.done $0x0  }
.Ltmp1:
0x77: {  	[sflag:s31] =	ssyncadd.s32 $0xFFFFF000;
	(pc) =	sbr.rel @p0 .LBB2_5-.Ltmp1, $4  }
0x78: {  	[spmem:s3] =	stream.indirect.scatter.add.f32 [tilespmem:s26], [sflag:$0x5], $0x20, s6, s23, $0xb8;
	[tilespmem:$0x1EC00] =	vst v63  }
0x79: {  	_ =	swait.ge [sflag:s21], $0x1000  }
0x7a: {  	[sflag:s21] =	ssyncset.done $0x0  }
0x7b: {  	s7 =	sadd.s32 s7, s0;
	s6 =	sadd.s32 $0x200, s6;
	[sflag:s21] =	ssyncadd.s32 $0xFFFFF000  }
0x7c: {  	[tilespmem:s26], [sflag:$0x4] =	stream.strided.gather [hbm4b:s7+s22], $0x1000, s23, s22, $0x38;
	[tilespmem:$0x1EC00] =	vst v63  }
0x7d: {  	_ =	swait.ge [sflag:s28], $0x1000  }
0x7e: {  	[sflag:s28] =	ssyncset.done $0x0  }
0x7f: {  	s6 =	simm.s32 $0x1A00;
	[sflag:s28] =	ssyncadd.s32 $0xFFFFF000  }
0x80: {  	[spmem:s3] =	stream.indirect.scatter.add.f32 [tilespmem:s20], [sflag:$0x5], $0x20, s6, s23, $0xb8;
	[tilespmem:$0x1EC00] =	vst v63  }
0x81: {  	_ =	swait.ge [sflag:s21], $0x1000  }
0x82: {  	[sflag:s21] =	ssyncset.done $0x0  }
0x83: {  	[sflag:s21] =	ssyncadd.s32 $0xFFFFF000  }
0x84: {  	[tilespmem:s20], [sflag:$0x1] =	stream.strided.gather [hbm4b:s14+s22], $0x1000, s23, s22, $0x38;
	[tilespmem:$0x1EC00] =	vst v63  }
0x85: {  	_ =	swait.ge [sflag:s29], $0x1000  }
0x86: {  	[sflag:s29] =	ssyncset.done $0x0  }
0x87: {  	s16 =	simm.s32 $0x1A80;
	[sflag:s29] =	ssyncadd.s32 $0xFFFFF000  }
0x88: {  	[spmem:s3] =	stream.indirect.scatter.add.f32 [tilespmem:s24], [sflag:$0x5], $0x20, s16, s23, $0xb8;
	[tilespmem:$0x1EC00] =	vst v63  }
0x89: {  	_ =	swait.ge [sflag:s21], $0x1000  }
0x8a: {  	s1 =	sadd.s32 s1, s5;
	[sflag:s21] =	ssyncset.done $0x0  }
0x8b: {  	s7 =	sadd.s32 $0x800, s1;
	[sflag:s21] =	ssyncadd.s32 $0xFFFFF000  }
0x8c: {  	[tilespmem:s24], [sflag:$0x2] =	stream.strided.gather [hbm4b:s7+s22], $0x1000, s23, s22, $0x38;
	[tilespmem:$0x1EC00] =	vst v63  }
0x8d: {  	_ =	swait.ge [sflag:s30], $0x1000  }
0x8e: {  	[sflag:s30] =	ssyncset.done $0x0  }
0x8f: {  	s8 =	simm.s32 $0x1B00;
	[sflag:s30] =	ssyncadd.s32 $0xFFFFF000  }
0x90: {  	[spmem:s3] =	stream.indirect.scatter.add.f32 [tilespmem:s25], [sflag:$0x5], $0x20, s8, s23, $0xb8;
	[tilespmem:$0x1EC00] =	vst v63  }
0x91: {  	_ =	swait.ge [sflag:s21], $0x1000  }
0x92: {  	[sflag:s21] =	ssyncset.done $0x0  }
0x93: {  	s14 =	sadd.s32 $0x1000, s1;
	[sflag:s21] =	ssyncadd.s32 $0xFFFFF000  }
0x94: {  	[tilespmem:s25], [sflag:$0x3] =	stream.strided.gather [hbm4b:s14+s22], $0x1000, s23, s22, $0x38;
	[tilespmem:$0x1EC00] =	vst v63  }
0x95: {  	_ =	swait.ge [sflag:s31], $0x1000  }
0x96: {  	[sflag:s31] =	ssyncset.done $0x0  }
0x97: {  	s16 =	simm.s32 $0x1B80;
	[sflag:s31] =	ssyncadd.s32 $0xFFFFF000  }
0x98: {  	[spmem:s3] =	stream.indirect.scatter.add.f32 [tilespmem:s26], [sflag:$0x5], $0x20, s16, s23, $0xb8;
	[tilespmem:$0x1EC00] =	vst v63  }
0x99: {  	_ =	swait.ge [sflag:s21], $0x1000  }
0x9a: {  	[sflag:s21] =	ssyncset.done $0x0  }
0x9b: {  	s1 =	sadd.s32 $0x1800, s1;
	[sflag:s21] =	ssyncadd.s32 $0xFFFFF000  }
0x9c: {  	[tilespmem:s26], [sflag:$0x4] =	stream.strided.gather [hbm4b:s1+s22], $0x1000, s23, s22, $0x38;
	[tilespmem:$0x1EC00] =	vst v63  }
0x9d: {  	_ =	swait.ge [sflag:s28], $0x1000  }
0x9e: {  	[sflag:s28] =	ssyncset.done $0x0  }
0x9f: {  	[sflag:s28] =	ssyncadd.s32 $0xFFFFF000  }
0xa0: {  	_ =	swait.ge [sflag:s29], $0x1000  }
0xa1: {  	[sflag:s29] =	ssyncset.done $0x0  }
0xa2: {  	s2 =	sadd.s32 $0x1, s2;
	[sflag:s29] =	ssyncadd.s32 $0xFFFFF000  }
0xa3: {  	p0 =	sne.s32 s2, $0x7;
	_ =	swait.ge [sflag:s30], $0x1000  }
.Ltmp2:
0xa4: {  	[sflag:s30] =	ssyncset.done $0x0;
	(pc) =	sbr.rel @p0 .LBB2_4-.Ltmp2, $4  }
0xa5: {  	[sflag:s30] =	ssyncadd.s32 $0xFFFFF000  }
0xa6: {  	_ =	swait.ge [sflag:s31], $0x1000  }
0xa7: {  	s0 =	sadd.s32 $0x1C000, s0;
	s15 =	sadd.s32 $0x1C000, s15;
	[sflag:s31] =	ssyncset.done $0x0  }
0xa8: {  	s17 =	sadd.s32 $0x1C000, s17;
	s18 =	sadd.s32 $0x1C000, s18;
	[sflag:s31] =	ssyncadd.s32 $0xFFFFF000  }
0xa9: {  	[bflag:$0x0] =	sbarrier.arrive $0xFFFF  }
0xaa: {  	[tilespmem:s20], [sflag:$0x5] =	stream.linear.gather [spmem:s9], $0x1000, $0x38;
	[tilespmem:$0x1EC00] =	vst v63  }
0xab: {  	_ =	swait.ge [sflag:s21], $0x1000  }
0xac: {  	[sflag:s21] =	ssyncset.done $0x0  }
0xad: {  	s0 =	sadd.s32 $0x0, s19;
	[sflag:s21] =	ssyncadd.s32 $0xFFFFF000  }
0xae: {  	[hbm4b:s0+s4] =	stream.linear.scatter [tilespmem:s20], [sflag:$0x5], $0x1000, $0x38;
	[tilespmem:$0x1EC00] =	vst v63  }
0xaf: {  	_ =	swait.ge [sflag:s21], $0x1000  }
0xb0: {  	s1 =	smov.u32 s9;
	s0 =	simm.s32 $0x200;
	[sflag:s21] =	ssyncset.done $0x0  }
.LBB2_8:
0xb1: {  	p0 =	sne.s32 s0, $0x3000;
	[sflag:s21] =	ssyncadd.s32 $0xFFFFF000;
	s1 =	sadd.s32 $0x1000, s1  }
0xb2: {  	[tilespmem:s20], [sflag:$0x5] =	stream.linear.gather [spmem:s1], $0x1000, $0x38;
	[tilespmem:$0x1EC00] =	vst v63  }
0xb3: {  	s2 =	smov.u32 s0;
	s0 =	sadd.s32 $0x200, s0;
	_ =	swait.ge [sflag:s21], $0x1000  }
.Ltmp3:
0xb4: {  	[sflag:s21] =	ssyncset.done $0x0;
	(pc) =	sbr.rel @p0 .LBB2_8-.Ltmp3, $4  }
0xb5: {  	s2 =	sadd.s32 s2, s19;
	[sflag:s21] =	ssyncadd.s32 $0xFFFFF000  }
0xb6: {  	[hbm4b:s2+s4] =	stream.linear.scatter [tilespmem:s20], [sflag:$0x5], $0x1000, $0x38;
	[tilespmem:$0x1EC00] =	vst v63  }
0xb7: {  	_ =	swait.ge [sflag:s21], $0x1000  }
0xb8: {  	[sflag:s21] =	ssyncset.done $0x0  }
0xb9: {  	s1 =	rddreg [dreg:$0xc]  }
0xba: {  	s0 =	rddreg [dreg:$0x7];
	s1 =	sadd.s32 $0x1, s1  }
0xbb: {  	p0 =	sne.s32 s1, s0  }
.Ltmp4:
0xbc: {  	_ = 	snop;
	(pc) =	sbr.rel @p0 .LBB2_1-.Ltmp4, $2  }
0xbd: {  	_ =	sdelay $0x2  }
0xbe: {  	[sflag:s21] =	ssyncadd.s32 $0xFFFFF000  }
0xbf: {  	_ =	sfence.sel $0x180000  }
0xc0: {  	[bflag:$0x0] =	sbarrier.arrive $0xFFFF  }
0xc1: {  	_ =	strace $0x9000004D  }
0xc2: {  	s0 =	stileid.u32;
	[bflag:$0x2] =	sbarrier.arrive $0xFFFF  }
0xc3: {  	p0 =	sne.s32 s0, $0x0;
	s0 =	rddreg [dreg:$0x3]  }
0xc4: {  	s0 =	sadd.s32 @!p0 $0x100000, s0  }
0xc5: {  	[sflag:s0] =	ssyncadd.tile.s32 @!p0 $0x1;
	_ =	shalt  }
.Lfunc_end2:
_tile_overlayer_lowered:
.L_overlay_start_2:
0xc6: {  	(tag) =	ssettag $0x2  }
0xc7: {  	s0 =	rddreg [dreg:$0x0];
	s2 =	stileid.u32  }
0xc8: {  	s1 =	rddreg [dreg:$0x1];
	p0 =	sne.s32 s2, $0x0  }
0xc9: {  	s3 =	rddreg [dreg:$0x2];
	[bflag:$0x3] =	sbarrier.arrive $0xFFFF;
	s2 =	simm.s32 @!p0 $0x1C05  }
0xca: {  	[timem:s3], [sflag:s2] =	dma.local @!p0 [hbm:s0], s1  }
0xcb: {  	s0 =	simm.s32 @!p0 $0x5  }
0xcc: {  	_ =	swait.ge @!p0 [sflag:s0], s1  }
0xcd: {  	s1 =	ssub.s32 @!p0 $0x0, s1;
	[sflag:s0] =	ssyncset.done @!p0 $0x0  }
0xce: {  	[sflag:s0] =	ssyncadd.s32 @!p0 s1  }
0xcf: {  	[bflag:$0x3] =	sbarrier.arrive $0xFFFF  }
0xd0: {  	_ =	shalt  }

// kernel: kernel.22.cloned.1.call-start
scs
__scs_entry_jumppad:
0x0: {  	(pc) =	sbr.rel $0x88, $3  }
0x1: {  	(tag) =	ssettag $0x0;
	lr =	simm.s32 $0x1  }
0x2: {  	[smem:$0x3F86] =	sst lr;
	_ =	strace $0xD0000000  }
0x3: {  	_ = 	snop  }
0x4: {  	_ = 	snop  }
0x5: {  	_ = 	snop  }
0x6: {  	_ = 	snop  }
0x7: {  	_ = 	snop  }
__scs_overlays_trampoline_lowered:
0x8: {  	[smem:$0x3F95] =	sst s0  }
0x9: {  	[smem:$0x3F96] =	sst s1  }
0xa: {  	[smem:$0x3F97] =	sst s2  }
0xb: {  	[smem:$0x3F98] =	sst s3  }
0xc: {  	[smem:$0x3F99] =	sst s4  }
0xd: {  	[smem:$0x3F9A] =	sst s5  }
0xe: {  	[smem:$0x3F9B] =	sst s6  }
0xf: {  	[smem:$0x3F9C] =	sst s7  }
0x10: {  	[smem:$0x3F9D] =	sst s8  }
0x11: {  	[smem:$0x3F9E] =	sst s9;
	s0 =	simm.s32 @!p0 $0x0  }
0x12: {  	s1 =	sld [smem:$0x3F84];
	s0 =	simm.s32 @p0 $0x1  }
0x13: {  	[smem:$0x3F9F] =	sst s0;
	s0 =	simm.s32 @!p1 $0x0  }
0x14: {  	s2 =	sld [smem:$0x3F83];
	s0 =	simm.s32 @p1 $0x1  }
0x15: {  	[smem:$0x3FA0] =	sst s0;
	s0 =	simm.s32 @!p2 $0x0  }
0x16: {  	s3 =	sld [smem:$0x3FDB];
	s0 =	simm.s32 @p2 $0x1  }
0x17: {  	s4 =	simm.s32 $0x1BF5;
	[smem:$0x3FA2] =	sst s0  }
0x18: {  	s0 =	sld [smem:$0x3F85];
	_ =	swait.ge [sflag:s4], $0x0  }
0x19: {  	s7 =	sld [smem:$0x3F86]  }
0x1a: {  	s8 =	sadd.s32 $0xFFFFE003, lr  }
0x1b: {  	s9 =	sadd.s32 $0xFFFFFEF7, lr;
	s5 =	simm.s32 $0xFFFFFFFF;
	p2 =	slt.u32 s8, $0xFFFFF086  }
0x1c: {  	p1 =	slt.u32 s9, $0xF7A;
	s5 =	simm.s32 @!p2 $0x0  }
0x1d: {  	s5 =	simm.s32 @p1 $0x1;
	p0 =	seq.s32 s7, s2  }
0x1e: {  	s7 =	smul.u32 @!p0 $0xF7A, s2;
	p2 =	seq.s32 @!p0 s5, $0x0  }
0x1f: {  	s9 =	smul.u32 $0xF7A, s1;
	s8 =	simm.s32 @!p0 $0x1BF5;
	p2 =	por !p2, p0  }
0x20: {  	[sflag:s8] =	ssyncset.s32 @!p0 $0xFFFFF086;
	s6 =	sadd.s32 @!p0 s3, s7;
	s7 =	simm.s32 @!p0 $0x108  }
0x21: {  	s3 =	sadd.s32 s3, s9;
	s6 =	sadd.s32 @!p0 $0x88, s6;
	s7 =	simm.s32 @p2 $0x1082  }
0x22: {  	[simem:s7], [sflag:s8] =	dma.local @!p0 [hbm:s6], $0xF7A  }
0x23: {  	s9 =	sor.u32 $0xD0000000, s2;
	s6 =	simm.s32 $0x108;
	_ =	swait.ge @!p0 [sflag:s8], $0x0  }
0x24: {  	s3 =	sadd.s32 $0x88, s3;
	s6 =	simm.s32 @!p1 $0x1082;
	[sflag:s4] =	ssyncset.s32 $0xFFFFF086  }
0x25: {  	[simem:s6], [sflag:s4] =	dma.local [hbm:s3], $0xF7A  }
0x26: {  	[smem:$0x3F86] =	sst s1;
	(tag) =	ssettag s2;
	_ =	strace s9  }
0x27: {  	s1 =	sld [smem:$0x3F96]  }
0x28: {  	s2 =	sld [smem:$0x3F97]  }
0x29: {  	s4 =	sld [smem:$0x3F99]  }
0x2a: {  	p0 =	seq.s32 s5, $0x0;
	s5 =	sld [smem:$0x3F9A]  }
0x2b: {  	s6 =	sld [smem:$0x3F9B]  }
0x2c: {  	s7 =	sld [smem:$0x3F9C]  }
0x2d: {  	s3 =	simm.s32 $0x108;
	s8 =	sld [smem:$0x3F9D]  }
0x2e: {  	s3 =	simm.s32 @!p0 $0x1082;
	s9 =	sld [smem:$0x3F9E]  }
0x2f: {  	lr =	sadd.s32 s0, s3;
	s0 =	sld [smem:$0x3F95]  }
0x30: {  	s3 =	sld [smem:$0x3F98]  }
0x31: {  	[smem:$0x3FA1] =	sst s10  }
0x32: {  	s10 =	sld [smem:$0x3F9F];
	_ =	sdelay $0x3  }
0x33: {  	p0 =	seq.s32 s10, $0x1;
	s10 =	sld [smem:$0x3FA1];
	_ =	sdelay $0x3  }
0x34: {  	[smem:$0x3FA1] =	sst s10  }
0x35: {  	s10 =	sld [smem:$0x3FA0];
	_ =	sdelay $0x3  }
0x36: {  	p1 =	seq.s32 s10, $0x1;
	s10 =	sld [smem:$0x3FA1];
	_ =	sdelay $0x3  }
0x37: {  	[smem:$0x3FA1] =	sst s10  }
0x38: {  	s10 =	sld [smem:$0x3FA2]  }
0x39: {  	_ = 	snop;
	(pc) =	sbr.ind lr, $3  }
0x3a: {  	_ = 	snop  }
0x3b: {  	_ = 	snop  }
0x3c: {  	p2 =	seq.s32 s10, $0x1;
	s10 =	sld [smem:$0x3FA1]  }
0x3d: {  	_ =	shalt  }
0x3e: {  	_ =	shalt  }
0x3f: {  	_ =	shalt  }
0x40: {  	_ =	shalt  }
0x41: {  	_ =	shalt  }
0x42: {  	_ =	shalt  }
0x43: {  	_ =	shalt  }
0x44: {  	_ =	shalt  }
0x45: {  	_ =	shalt  }
0x46: {  	_ =	shalt  }
0x47: {  	_ =	shalt  }
0x48: {  	_ =	shalt  }
0x49: {  	_ =	shalt  }
0x4a: {  	_ =	shalt  }
0x4b: {  	_ =	shalt  }
0x4c: {  	_ =	shalt  }
0x4d: {  	_ =	shalt  }
0x4e: {  	_ =	shalt  }
0x4f: {  	_ =	shalt  }
0x50: {  	_ =	shalt  }
0x51: {  	_ =	shalt  }
0x52: {  	_ =	shalt  }
0x53: {  	_ =	shalt  }
0x54: {  	_ =	shalt  }
0x55: {  	_ =	shalt  }
0x56: {  	_ =	shalt  }
0x57: {  	_ =	shalt  }
0x58: {  	_ =	shalt  }
0x59: {  	_ =	shalt  }
0x5a: {  	_ =	shalt  }
0x5b: {  	_ =	shalt  }
0x5c: {  	_ =	shalt  }
0x5d: {  	_ =	shalt  }
0x5e: {  	_ =	shalt  }
0x5f: {  	_ =	shalt  }
0x60: {  	_ =	shalt  }
0x61: {  	_ =	shalt  }
0x62: {  	_ =	shalt  }
0x63: {  	_ =	shalt  }
0x64: {  	_ =	shalt  }
0x65: {  	_ =	shalt  }
0x66: {  	_ =	shalt  }
0x67: {  	_ =	shalt  }
0x68: {  	_ =	shalt  }
0x69: {  	_ =	shalt  }
0x6a: {  	_ =	shalt  }
0x6b: {  	_ =	shalt  }
0x6c: {  	_ =	shalt  }
0x6d: {  	_ =	shalt  }
0x6e: {  	_ =	shalt  }
0x6f: {  	_ =	shalt  }
0x70: {  	_ =	shalt  }
0x71: {  	_ =	shalt  }
0x72: {  	_ =	shalt  }
0x73: {  	_ =	shalt  }
0x74: {  	_ =	shalt  }
0x75: {  	_ =	shalt  }
0x76: {  	_ =	shalt  }
0x77: {  	_ =	shalt  }
0x78: {  	_ =	shalt  }
0x79: {  	_ =	shalt  }
0x7a: {  	_ =	shalt  }
0x7b: {  	_ =	shalt  }
0x7c: {  	_ =	shalt  }
0x7d: {  	_ =	shalt  }
0x7e: {  	_ =	shalt  }
0x7f: {  	_ =	shalt  }
0x80: {  	_ =	shalt  }
0x81: {  	_ =	shalt  }
0x82: {  	_ =	shalt  }
0x83: {  	_ =	shalt  }
0x84: {  	_ =	shalt  }
0x85: {  	_ =	shalt  }
0x86: {  	_ =	shalt  }
0x87: {  	_ =	shalt  }
.Lfunc_end0:
.L_simem_size_0:
called_computation.3_lowered:
.L_overlay_start_0:
0x88: {  	s2 =	sld [smem:$0x3FD9]  }
0x89: {  	s3 =	sld [smem:$0x3FFE];
	_ =	sdelay $0x1  }
0x8a: {  	s1 =	srdreg.scid  }
0x8b: {  	s0 =	sand.u32 $0x1, s1  }
0x8c: {  	s16 =	sshll.u32 s0, $0xA;
	s2 =	sadd.s32 s3, s2  }
0x8d: {  	s2 =	sadd.s32 s2, s16  }
0x8e: {  	[smem:$0x3FAD] =	sst s2  }
0x8f: {  	_ = 	snop  }
0x90: {  	(tm) =	ssettm $0x1  }
0x91: {  	s17 =	sld [smem:$0x3FFB];
	_ =	sdelay $0x3  }
0x92: {  	_ =	strace s17  }
0x93: {  	s2 =	sld [smem:$0x3FFC];
	_ =	sdelay $0x3  }
0x94: {  	_ =	strace s2  }
0x95: {  	s2 =	sld [smem:$0x3FFD];
	_ =	sdelay $0x3  }
0x96: {  	_ =	strace s2  }
0x97: {  	_ =	strace $0x8FFFFFFF  }
0x98: {  	s18 =	sld [smem:$0x3FDB];
	_ =	sdelay $0x1  }
0x99: {  	s19 =	simm.s32 $_scs_section_size  }
0x9a: {  	s4 =	simm.s32 $_size__tile_overlayer_lowered;
	s5 =	simm.s32 $_tile_overlayer_lowered  }
0x9b: {  	s22 =	simm.s32 $0x1BFF;
	s21 =	sshll.u32 s5, $0x1;
	s2 =	sadd.s32 s19, s18  }
0x9c: {  	s6 =	simm.s32 $0x0;
	s20 =	sshll.u32 s4, $0x1;
	s4 =	sadd.s32 s21, s2  }
0x9d: {  	[timem:s6], [sflag:s22] =	dma.local [hbm:s4], s20  }
0x9e: {  	_ =	swait.ge [sflag:s22], s20  }
0x9f: {  	s3 =	ssub.s32 $0x0, s20;
	[sflag:s22] =	ssyncset.done $0x0  }
0xa0: {  	[sflag:s22] =	ssyncadd.s32 s3;
	_ =	sdelay $0x1  }
0xa1: {  	s23 =	simm.s32 $0x1B8B  }
0xa2: {  	_ =	swait.ge [sflag:s23], $0x1  }
0xa3: {  	[sflag:s23] =	ssyncset.done $0x0  }
0xa4: {  	s25 =	simm.s32 $0x1B8E;
	s24 =	sld [smem:$0x3FFE];
	[sflag:s23] =	ssyncadd.s32 $0xFFFFFFFF  }
0xa5: {  	s26 =	simm.s32 $execute0_lowered;
	[smem:$0x3FD2] =	sst s25  }
0xa6: {  	s4 =	sshll.u32 s26, $0x1;
	_ =	strace $0x8000004F;
	[dreg:$0x1] =	wrdreg $0xFFFFFFFF  }
0xa7: {  	s28 =	simm.s32 $_size_execute0_lowered;
	s2 =	sadd.s32 s2, s4;
	[dreg:$0x0] =	wrdreg $0x0  }
0xa8: {  	s4 =	sshll.u32 s28, $0x1;
	[dreg:$0x2] =	wrdreg s2  }
0xa9: {  	[dreg:$0x3] =	wrdreg s4  }
0xaa: {  	[dreg:$0x4] =	wrdreg $0xC0  }
0xab: {  	_ =	task [dreg:s6], $0x5FFFF  }
0xac: {  	[dreg:$0x1] =	wrdreg $0xFFFFFFFF  }
0xad: {  	[dreg:$0x0] =	wrdreg $0x60  }
0xae: {  	[dreg:$0x2] =	wrdreg s24  }
0xaf: {  	[dreg:$0x3] =	wrdreg $0x9  }
0xb0: {  	_ =	task.clear_ibuf [dreg:s6], $0x4FFFF;
	_ =	strace $0x9000004F  }
0xb1: {  	s29 =	simm.s32 $0x9;
	_ =	strace $0x80000051  }
0xb2: {  	_ =	swait.ge [sflag:s29], $0x1  }
0xb3: {  	[sflag:s29] =	ssyncadd.s32 $0xFFFFFFFF  }
0xb4: {  	_ =	strace $0x90000051  }
0xb5: {  	_ =	sfence  }
0xb6: {  	s30 =	sld [smem:$0x0];
	_ =	sdelay $0x2  }
0xb7: {  	s31 =	sshll.u32 s1, $0xD;
	s1 =	sshrl.u32 s1, $0x2  }
0xb8: {  	s3 =	sand.u32 $0x4000, s31;
	s1 =	sadd.s32 s1, s30  }
0xb9: {  	s0 =	sor.u32 s3, s0;
	s1 =	sshll.u32 s1, $0x11  }
0xba: {  	s0 =	sor.u32 s1, s0  }
0xbb: {  	s0 =	sadd.s32 $0x8F2B, s0  }
0xbc: {  	[sflag:s0] =	ssyncadd.remote.s32 $0x1  }
0xbd: {  	_ =	sfence.sel $0xFFFF  }
0xbe: {  	[dreg:$0x0] =	wrdreg $0xFFFFFFFF;
	(pc) =	sbr.abs _section_cstart, $3  }
0xbf: {  	[dreg:$0x1] =	wrdreg $0xFFFFFFFF  }
0xc0: {  	_ =	task.clear_ibuf [dreg:s6], $0x2FFFF;
	_ =	strace $0x9FFFFFFF  }
0xc1: {  	(tm) =	ssettm $0x7FFFFFFF  }
tec
execute0_lowered:
.L_overlay_start_1:
0x0: {  	(tag) =	ssettag $0x1  }
0x1: {  	s0 =	srdreg.scid  }
0x2: {  	s5 =	rddreg [dreg:$0x0];
	s1 =	stileid.u32  }
0x3: {  	s2 =	simm.s32 $0x0;
	s15 =	simm.s32 $0x80;
	s16 =	simm.s32 $0xC400  }
0x4: {  	s17 =	simm.s32 $0xCC00;
	s18 =	simm.s32 $0x100;
	s19 =	simm.s32 $0xD400  }
0x5: {  	s20 =	simm.s32 $0x180;
	s21 =	simm.s32 $0xDC00;
	s29 =	smul.u32 $0xC400, s1  }
0x6: {  	s22 =	simm.s32 $0x1;
	s4 =	sand.u32 $0x1, s0;
	s30 =	smul.u32 $0x188000, s1  }
0x7: {  	[smem:$0x7FF] =	sst s2;
	s3 =	sshll.u32 s4, $0x4;
	s11 =	smul.u32 $0x1880000, s4  }
0x8: {  	s12 =	sadd.s32 $0x3A7000, s5;
	s26 =	smul.u32 $0xC4000, s4;
	s6 =	sor.u32 s1, s3  }
0x9: {  	_ =	strace $0x80000050;
	s9 =	ssub.s32 $0x2, s4;
	s7 =	smul.u32 $0xC400, s6  }
0xa: {  	s3 =	sadd.s32 $0x4000, s5;
	s24 =	sshrl.u32 s9, $0x1;
	s8 =	smul.u32 $0x188000, s6  }
0xb: {  	s10 =	smul.u32 $0x18800, s6;
	s25 =	ssub.s32 s9, s24;
	s9 =	sadd.s32 s30, s11  }
0xc: {  	s24 =	simm.s32 $0x3;
	s13 =	sshrl.u32 s9, $0x4;
	s7 =	sshrl.u32 s7, $0x3  }
0xd: {  	s28 =	sshrl.u32 s8, $0x4;
	s10 =	sadd.s32 s12, s10;
	s8 =	sadd.s32 s29, s26  }
0xe: {  	s26 =	simm.s32 $0x0;
	s23 =	sadd.s32 s7, s5;
	s5 =	smax.u32 s25, $0x1  }
0xf: {  	s6 =	sadd.s32 s12, s28;
	s7 =	sadd.s32 $0x18500, s10;
	s31 =	sshll.u32 s8, $0x1  }
0x10: {  	s8 =	sadd.s32 $0x18600, s10;
	s9 =	sadd.s32 $0x18700, s10;
	s10 =	sadd.s32 s13, s12  }
0x11: {  	s25 =	simm.s32 $0x4;
	s4 =	sadd.s32 $0x35000, s23;
	s14 =	sadd.s32 s31, s12  }
0x12: {  	s6 =	sadd.s32 $0x18400, s6;
	s23 =	simm.s32 $0x2;
	s11 =	sadd.s32 $0x300, s14  }
0x13: {  	s12 =	sadd.s32 $0x200, s14;
	s13 =	sadd.s32 $0x100, s14;
	s14 =	simm.s32 $0x5  }
.LBB2_1:
0x14: {  	[tilespmem:s2], [sflag:$0x5] =	stream.linear.gather [hbm4b:s4+s2], $0xC400, $0x38;
	[tilespmem:$0xE400] =	vst v63  }
0x15: {  	_ =	swait.ge [sflag:s14], $0xC400  }
0x16: {  	[sflag:s14] =	ssyncset.done $0x0  }
0x17: {  	[sflag:s14] =	ssyncadd.s32 $0xFFFF3C00  }
0x18: {  	[tilespmem:s16], [sflag:$0x1] =	stream.indirect.gather [hbm4b:s3+s15], $0x10, s2, s15, $0xb8;
	[tilespmem:$0xE400] =	vst v63  }
0x19: {  	_ = 	snop  }
0x1a: {  	[tilespmem:s17], [sflag:$0x2] =	stream.indirect.gather [hbm4b:s3+s15], $0x10, s15, s15, $0xb8;
	[tilespmem:$0xE400] =	vst v63  }
0x1b: {  	_ = 	snop  }
0x1c: {  	[tilespmem:s19], [sflag:$0x3] =	stream.indirect.gather [hbm4b:s3+s15], $0x10, s18, s15, $0xb8;
	[tilespmem:$0xE400] =	vst v63  }
0x1d: {  	_ = 	snop  }
0x1e: {  	[tilespmem:s21], [sflag:$0x4] =	stream.indirect.gather [hbm4b:s3+s15], $0x10, s20, s15, $0xb8;
	[tilespmem:$0xE400] =	vst v63  }
0x1f: {  	_ =	swait.ge [sflag:s22], $0x800  }
0x20: {  	[sflag:s22] =	ssyncset.done $0x0  }
0x21: {  	s28 =	sadd.s32 $0x0, s10;
	[sflag:s22] =	ssyncadd.s32 $0xFFFFF800  }
0x22: {  	[hbm4b:s28+s2] =	stream.linear.scatter [tilespmem:s16], [sflag:$0x5], $0x800, $0x38;
	[tilespmem:$0xE400] =	vst v63  }
0x23: {  	_ =	swait.ge [sflag:s14], $0x800  }
0x24: {  	[sflag:s14] =	ssyncset.done $0x0  }
0x25: {  	s28 =	simm.s32 $0x200;
	[sflag:s14] =	ssyncadd.s32 $0xFFFFF800  }
0x26: {  	[tilespmem:s16], [sflag:$0x1] =	stream.indirect.gather [hbm4b:s3+s15], $0x10, s28, s15, $0xb8;
	[tilespmem:$0xE400] =	vst v63  }
0x27: {  	_ =	swait.ge [sflag:s23], $0x800  }
0x28: {  	[sflag:s23] =	ssyncset.done $0x0  }
0x29: {  	s28 =	sadd.s32 $0x0, s13;
	[sflag:s23] =	ssyncadd.s32 $0xFFFFF800  }
0x2a: {  	[hbm4b:s28+s2] =	stream.linear.scatter [tilespmem:s17], [sflag:$0x5], $0x800, $0x38;
	[tilespmem:$0xE400] =	vst v63  }
0x2b: {  	_ =	swait.ge [sflag:s14], $0x800  }
0x2c: {  	[sflag:s14] =	ssyncset.done $0x0  }
0x2d: {  	s28 =	simm.s32 $0x280;
	[sflag:s14] =	ssyncadd.s32 $0xFFFFF800  }
0x2e: {  	[tilespmem:s17], [sflag:$0x2] =	stream.indirect.gather [hbm4b:s3+s15], $0x10, s28, s15, $0xb8;
	[tilespmem:$0xE400] =	vst v63  }
0x2f: {  	_ =	swait.ge [sflag:s24], $0x800  }
0x30: {  	[sflag:s24] =	ssyncset.done $0x0  }
0x31: {  	s28 =	sadd.s32 $0x0, s12;
	[sflag:s24] =	ssyncadd.s32 $0xFFFFF800  }
0x32: {  	[hbm4b:s28+s2] =	stream.linear.scatter [tilespmem:s19], [sflag:$0x5], $0x800, $0x38;
	[tilespmem:$0xE400] =	vst v63  }
0x33: {  	_ =	swait.ge [sflag:s14], $0x800  }
0x34: {  	[sflag:s14] =	ssyncset.done $0x0  }
0x35: {  	s28 =	simm.s32 $0x300;
	[sflag:s14] =	ssyncadd.s32 $0xFFFFF800  }
0x36: {  	[tilespmem:s19], [sflag:$0x3] =	stream.indirect.gather [hbm4b:s3+s15], $0x10, s28, s15, $0xb8;
	[tilespmem:$0xE400] =	vst v63  }
0x37: {  	_ =	swait.ge [sflag:s25], $0x800  }
0x38: {  	[sflag:s25] =	ssyncset.done $0x0  }
0x39: {  	s28 =	sadd.s32 $0x0, s11;
	[sflag:s25] =	ssyncadd.s32 $0xFFFFF800  }
0x3a: {  	[hbm4b:s28+s2] =	stream.linear.scatter [tilespmem:s21], [sflag:$0x5], $0x800, $0x38;
	[tilespmem:$0xE400] =	vst v63  }
0x3b: {  	_ =	swait.ge [sflag:s14], $0x800  }
0x3c: {  	s29 =	simm.s32 $0x400;
	[sflag:s14] =	ssyncset.done $0x0  }
0x3d: {  	s30 =	simm.s32 $0x580;
	s28 =	simm.s32 $0x380;
	[sflag:s14] =	ssyncadd.s32 $0xFFFFF800  }
.LBB2_2:
0x3e: {  	[tilespmem:s21], [sflag:$0x4] =	stream.indirect.gather [hbm4b:s3+s15], $0x10, s28, s15, $0xb8;
	[tilespmem:$0xE400] =	vst v63  }
0x3f: {  	s31 =	smov.u32 s29;
	s28 =	smov.u32 s30  }
0x40: {  	p0 =	sne.s32 s29, $0x18000;
	s29 =	sadd.s32 $0x400, s29;
	_ =	swait.ge [sflag:s22], $0x800  }
0x41: {  	[sflag:s22] =	ssyncset.done $0x0  }
0x42: {  	s0 =	sadd.s32 s31, s10;
	[sflag:s22] =	ssyncadd.s32 $0xFFFFF800  }
0x43: {  	[hbm4b:s0+s2] =	stream.linear.scatter [tilespmem:s16], [sflag:$0x5], $0x800, $0x38;
	[tilespmem:$0xE400] =	vst v63  }
0x44: {  	_ =	swait.ge [sflag:s14], $0x800  }
0x45: {  	[sflag:s14] =	ssyncset.done $0x0  }
0x46: {  	s0 =	sadd.s32 $0xFFFFFE80, s30;
	[sflag:s14] =	ssyncadd.s32 $0xFFFFF800  }
0x47: {  	[tilespmem:s16], [sflag:$0x1] =	stream.indirect.gather [hbm4b:s3+s15], $0x10, s0, s15, $0xb8;
	[tilespmem:$0xE400] =	vst v63  }
0x48: {  	_ =	swait.ge [sflag:s23], $0x800  }
0x49: {  	[sflag:s23] =	ssyncset.done $0x0  }
0x4a: {  	s0 =	sadd.s32 s31, s13;
	[sflag:s23] =	ssyncadd.s32 $0xFFFFF800  }
0x4b: {  	[hbm4b:s0+s2] =	stream.linear.scatter [tilespmem:s17], [sflag:$0x5], $0x800, $0x38;
	[tilespmem:$0xE400] =	vst v63  }
0x4c: {  	_ =	swait.ge [sflag:s14], $0x800  }
0x4d: {  	[sflag:s14] =	ssyncset.done $0x0  }
0x4e: {  	s0 =	sadd.s32 $0xFFFFFF00, s30;
	[sflag:s14] =	ssyncadd.s32 $0xFFFFF800  }
0x4f: {  	[tilespmem:s17], [sflag:$0x2] =	stream.indirect.gather [hbm4b:s3+s15], $0x10, s0, s15, $0xb8;
	[tilespmem:$0xE400] =	vst v63  }
0x50: {  	_ =	swait.ge [sflag:s24], $0x800  }
0x51: {  	[sflag:s24] =	ssyncset.done $0x0  }
0x52: {  	s0 =	sadd.s32 s31, s12;
	[sflag:s24] =	ssyncadd.s32 $0xFFFFF800  }
0x53: {  	[hbm4b:s0+s2] =	stream.linear.scatter [tilespmem:s19], [sflag:$0x5], $0x800, $0x38;
	[tilespmem:$0xE400] =	vst v63  }
0x54: {  	_ =	swait.ge [sflag:s14], $0x800  }
0x55: {  	[sflag:s14] =	ssyncset.done $0x0  }
0x56: {  	s0 =	sadd.s32 $0xFFFFFF80, s30;
	[sflag:s14] =	ssyncadd.s32 $0xFFFFF800  }
0x57: {  	[tilespmem:s19], [sflag:$0x3] =	stream.indirect.gather [hbm4b:s3+s15], $0x10, s0, s15, $0xb8;
	[tilespmem:$0xE400] =	vst v63  }
0x58: {  	_ =	swait.ge [sflag:s25], $0x800  }
0x59: {  	[sflag:s25] =	ssyncset.done $0x0  }
.Ltmp0:
0x5a: {  	s0 =	sadd.s32 s31, s11;
	[sflag:s25] =	ssyncadd.s32 $0xFFFFF800;
	(pc) =	sbr.rel @p0 .LBB2_2-.Ltmp0, $4  }
0x5b: {  	[hbm4b:s0+s2] =	stream.linear.scatter [tilespmem:s21], [sflag:$0x5], $0x800, $0x38;
	[tilespmem:$0xE400] =	vst v63  }
0x5c: {  	_ =	swait.ge [sflag:s14], $0x800  }
0x5d: {  	[sflag:s14] =	ssyncset.done $0x0  }
0x5e: {  	s30 =	sadd.s32 $0x200, s30;
	[sflag:s14] =	ssyncadd.s32 $0xFFFFF800  }
0x5f: {  	[tilespmem:s21], [sflag:$0x4] =	stream.indirect.gather [hbm4b:s3+s15], $0x10, s28, s15, $0xb8;
	[tilespmem:$0xE400] =	vst v63  }
0x60: {  	_ =	swait.ge [sflag:s22], $0x800  }
0x61: {  	[sflag:s22] =	ssyncset.done $0x0  }
0x62: {  	[sflag:s22] =	ssyncadd.s32 $0xFFFFF800  }
0x63: {  	[hbm4b:s6+s2] =	stream.linear.scatter [tilespmem:s16], [sflag:$0x5], $0x800, $0x38;
	[tilespmem:$0xE400] =	vst v63  }
0x64: {  	_ =	swait.ge [sflag:s14], $0x800  }
0x65: {  	[sflag:s14] =	ssyncset.done $0x0  }
0x66: {  	[sflag:s14] =	ssyncadd.s32 $0xFFFFF800  }
0x67: {  	[tilespmem:s16], [sflag:$0x1] =	stream.indirect.gather [hbm4b:s3+s15], $0x10, s2, s15, $0xb8;
	[tilespmem:$0xE400] =	vst v63  }
0x68: {  	_ =	swait.ge [sflag:s23], $0x800  }
0x69: {  	[sflag:s23] =	ssyncset.done $0x0  }
0x6a: {  	[sflag:s23] =	ssyncadd.s32 $0xFFFFF800  }
0x6b: {  	[hbm4b:s7+s2] =	stream.linear.scatter [tilespmem:s17], [sflag:$0x5], $0x800, $0x38;
	[tilespmem:$0xE400] =	vst v63  }
0x6c: {  	_ =	swait.ge [sflag:s14], $0x800  }
0x6d: {  	[sflag:s14] =	ssyncset.done $0x0  }
0x6e: {  	[sflag:s14] =	ssyncadd.s32 $0xFFFFF800  }
0x6f: {  	[tilespmem:s17], [sflag:$0x2] =	stream.indirect.gather [hbm4b:s3+s15], $0x10, s15, s15, $0xb8;
	[tilespmem:$0xE400] =	vst v63  }
0x70: {  	_ =	swait.ge [sflag:s24], $0x800  }
0x71: {  	[sflag:s24] =	ssyncset.done $0x0  }
0x72: {  	[sflag:s24] =	ssyncadd.s32 $0xFFFFF800  }
0x73: {  	[hbm4b:s8+s2] =	stream.linear.scatter [tilespmem:s19], [sflag:$0x5], $0x800, $0x38;
	[tilespmem:$0xE400] =	vst v63  }
0x74: {  	_ =	swait.ge [sflag:s14], $0x800  }
0x75: {  	[sflag:s14] =	ssyncset.done $0x0  }
0x76: {  	[sflag:s14] =	ssyncadd.s32 $0xFFFFF800  }
0x77: {  	[tilespmem:s19], [sflag:$0x3] =	stream.indirect.gather [hbm4b:s3+s15], $0x10, s18, s15, $0xb8;
	[tilespmem:$0xE400] =	vst v63  }
0x78: {  	_ =	swait.ge [sflag:s25], $0x800  }
0x79: {  	[sflag:s25] =	ssyncset.done $0x0  }
0x7a: {  	[sflag:s25] =	ssyncadd.s32 $0xFFFFF800  }
0x7b: {  	[hbm4b:s9+s2] =	stream.linear.scatter [tilespmem:s21], [sflag:$0x5], $0x800, $0x38;
	[tilespmem:$0xE400] =	vst v63  }
0x7c: {  	_ =	swait.ge [sflag:s14], $0x800  }
0x7d: {  	[sflag:s14] =	ssyncset.done $0x0  }
0x7e: {  	[sflag:s14] =	ssyncadd.s32 $0xFFFFF800  }
0x7f: {  	[tilespmem:s21], [sflag:$0x4] =	stream.indirect.gather [hbm4b:s3+s15], $0x10, s20, s15, $0xb8;
	[tilespmem:$0xE400] =	vst v63  }
0x80: {  	_ =	swait.ge [sflag:s22], $0x800  }
0x81: {  	[sflag:s22] =	ssyncset.done $0x0  }
0x82: {  	[sflag:s22] =	ssyncadd.s32 $0xFFFFF800  }
0x83: {  	_ =	swait.ge [sflag:s23], $0x800  }
0x84: {  	[sflag:s23] =	ssyncset.done $0x0  }
0x85: {  	s26 =	sadd.s32 $0x1, s26;
	[sflag:s23] =	ssyncadd.s32 $0xFFFFF800  }
0x86: {  	p0 =	sne.s32 s26, s5;
	_ =	swait.ge [sflag:s24], $0x800  }
.Ltmp1:
0x87: {  	[sflag:s24] =	ssyncset.done $0x0;
	(pc) =	sbr.rel @p0 .LBB2_1-.Ltmp1, $4  }
0x88: {  	[sflag:s24] =	ssyncadd.s32 $0xFFFFF800  }
0x89: {  	_ =	swait.ge [sflag:s25], $0x800  }
0x8a: {  	[sflag:s25] =	ssyncset.done $0x0  }
0x8b: {  	[sflag:s25] =	ssyncadd.s32 $0xFFFFF800  }
0x8c: {  	_ =	sfence.sel $0x180000  }
0x8d: {  	[bflag:$0x0] =	sbarrier.arrive $0xFFFF  }
0x8e: {  	_ =	strace $0x90000050  }
0x8f: {  	[bflag:$0x2] =	sbarrier.arrive $0xFFFF  }
0x90: {  	p0 =	sne.s32 s1, $0x0;
	s0 =	rddreg [dreg:$0x1]  }
0x91: {  	s0 =	sadd.s32 @!p0 $0x100000, s0  }
0x92: {  	[sflag:s0] =	ssyncadd.tile.s32 @!p0 $0x1;
	_ =	shalt  }
.Lfunc_end2:
_tile_overlayer_lowered:
.L_overlay_start_2:
0x93: {  	(tag) =	ssettag $0x2  }
0x94: {  	s0 =	rddreg [dreg:$0x0];
	s2 =	stileid.u32  }
0x95: {  	s1 =	rddreg [dreg:$0x1];
	p0 =	sne.s32 s2, $0x0  }
0x96: {  	s3 =	rddreg [dreg:$0x2];
	[bflag:$0x3] =	sbarrier.arrive $0xFFFF;
	s2 =	simm.s32 @!p0 $0x1C05  }
0x97: {  	[timem:s3], [sflag:s2] =	dma.local @!p0 [hbm:s0], s1  }
0x98: {  	s0 =	simm.s32 @!p0 $0x5  }
0x99: {  	_ =	swait.ge @!p0 [sflag:s0], s1  }
0x9a: {  	s1 =	ssub.s32 @!p0 $0x0, s1;
	[sflag:s0] =	ssyncset.done @!p0 $0x0  }
0x9b: {  	[sflag:s0] =	ssyncadd.s32 @!p0 s1  }
0x9c: {  	[bflag:$0x3] =	sbarrier.arrive $0xFFFF  }
0x9d: {  	_ =	shalt  }

// kernel: kernel.25.cloned.1.call-start
scs
__scs_entry_jumppad:
0x0: {  	(pc) =	sbr.rel $0x88, $3  }
0x1: {  	(tag) =	ssettag $0x0;
	lr =	simm.s32 $0x1  }
0x2: {  	[smem:$0x3F86] =	sst lr;
	_ =	strace $0xD0000000  }
0x3: {  	_ = 	snop  }
0x4: {  	_ = 	snop  }
0x5: {  	_ = 	snop  }
0x6: {  	_ = 	snop  }
0x7: {  	_ = 	snop  }
__scs_overlays_trampoline_lowered:
0x8: {  	[smem:$0x3F95] =	sst s0  }
0x9: {  	[smem:$0x3F96] =	sst s1  }
0xa: {  	[smem:$0x3F97] =	sst s2  }
0xb: {  	[smem:$0x3F98] =	sst s3  }
0xc: {  	[smem:$0x3F99] =	sst s4  }
0xd: {  	[smem:$0x3F9A] =	sst s5  }
0xe: {  	[smem:$0x3F9B] =	sst s6  }
0xf: {  	[smem:$0x3F9C] =	sst s7  }
0x10: {  	[smem:$0x3F9D] =	sst s8  }
0x11: {  	[smem:$0x3F9E] =	sst s9;
	s0 =	simm.s32 @!p0 $0x0  }
0x12: {  	s1 =	sld [smem:$0x3F84];
	s0 =	simm.s32 @p0 $0x1  }
0x13: {  	[smem:$0x3F9F] =	sst s0;
	s0 =	simm.s32 @!p1 $0x0  }
0x14: {  	s2 =	sld [smem:$0x3F83];
	s0 =	simm.s32 @p1 $0x1  }
0x15: {  	[smem:$0x3FA0] =	sst s0;
	s0 =	simm.s32 @!p2 $0x0  }
0x16: {  	s3 =	sld [smem:$0x3FDB];
	s0 =	simm.s32 @p2 $0x1  }
0x17: {  	s4 =	simm.s32 $0x1BF5;
	[smem:$0x3FA2] =	sst s0  }
0x18: {  	s0 =	sld [smem:$0x3F85];
	_ =	swait.ge [sflag:s4], $0x0  }
0x19: {  	s7 =	sld [smem:$0x3F86]  }
0x1a: {  	s8 =	sadd.s32 $0xFFFFE003, lr  }
0x1b: {  	s9 =	sadd.s32 $0xFFFFFEF7, lr;
	s5 =	simm.s32 $0xFFFFFFFF;
	p2 =	slt.u32 s8, $0xFFFFF086  }
0x1c: {  	p1 =	slt.u32 s9, $0xF7A;
	s5 =	simm.s32 @!p2 $0x0  }
0x1d: {  	s5 =	simm.s32 @p1 $0x1;
	p0 =	seq.s32 s7, s2  }
0x1e: {  	s7 =	smul.u32 @!p0 $0xF7A, s2;
	p2 =	seq.s32 @!p0 s5, $0x0  }
0x1f: {  	s9 =	smul.u32 $0xF7A, s1;
	s8 =	simm.s32 @!p0 $0x1BF5;
	p2 =	por !p2, p0  }
0x20: {  	[sflag:s8] =	ssyncset.s32 @!p0 $0xFFFFF086;
	s6 =	sadd.s32 @!p0 s3, s7;
	s7 =	simm.s32 @!p0 $0x108  }
0x21: {  	s3 =	sadd.s32 s3, s9;
	s6 =	sadd.s32 @!p0 $0x88, s6;
	s7 =	simm.s32 @p2 $0x1082  }
0x22: {  	[simem:s7], [sflag:s8] =	dma.local @!p0 [hbm:s6], $0xF7A  }
0x23: {  	s9 =	sor.u32 $0xD0000000, s2;
	s6 =	simm.s32 $0x108;
	_ =	swait.ge @!p0 [sflag:s8], $0x0  }
0x24: {  	s3 =	sadd.s32 $0x88, s3;
	s6 =	simm.s32 @!p1 $0x1082;
	[sflag:s4] =	ssyncset.s32 $0xFFFFF086  }
0x25: {  	[simem:s6], [sflag:s4] =	dma.local [hbm:s3], $0xF7A  }
0x26: {  	[smem:$0x3F86] =	sst s1;
	(tag) =	ssettag s2;
	_ =	strace s9  }
0x27: {  	s1 =	sld [smem:$0x3F96]  }
0x28: {  	s2 =	sld [smem:$0x3F97]  }
0x29: {  	s4 =	sld [smem:$0x3F99]  }
0x2a: {  	p0 =	seq.s32 s5, $0x0;
	s5 =	sld [smem:$0x3F9A]  }
0x2b: {  	s6 =	sld [smem:$0x3F9B]  }
0x2c: {  	s7 =	sld [smem:$0x3F9C]  }
0x2d: {  	s3 =	simm.s32 $0x108;
	s8 =	sld [smem:$0x3F9D]  }
0x2e: {  	s3 =	simm.s32 @!p0 $0x1082;
	s9 =	sld [smem:$0x3F9E]  }
0x2f: {  	lr =	sadd.s32 s0, s3;
	s0 =	sld [smem:$0x3F95]  }
0x30: {  	s3 =	sld [smem:$0x3F98]  }
0x31: {  	[smem:$0x3FA1] =	sst s10  }
0x32: {  	s10 =	sld [smem:$0x3F9F];
	_ =	sdelay $0x3  }
0x33: {  	p0 =	seq.s32 s10, $0x1;
	s10 =	sld [smem:$0x3FA1];
	_ =	sdelay $0x3  }
0x34: {  	[smem:$0x3FA1] =	sst s10  }
0x35: {  	s10 =	sld [smem:$0x3FA0];
	_ =	sdelay $0x3  }
0x36: {  	p1 =	seq.s32 s10, $0x1;
	s10 =	sld [smem:$0x3FA1];
	_ =	sdelay $0x3  }
0x37: {  	[smem:$0x3FA1] =	sst s10  }
0x38: {  	s10 =	sld [smem:$0x3FA2]  }
0x39: {  	_ = 	snop;
	(pc) =	sbr.ind lr, $3  }
0x3a: {  	_ = 	snop  }
0x3b: {  	_ = 	snop  }
0x3c: {  	p2 =	seq.s32 s10, $0x1;
	s10 =	sld [smem:$0x3FA1]  }
0x3d: {  	_ =	shalt  }
0x3e: {  	_ =	shalt  }
0x3f: {  	_ =	shalt  }
0x40: {  	_ =	shalt  }
0x41: {  	_ =	shalt  }
0x42: {  	_ =	shalt  }
0x43: {  	_ =	shalt  }
0x44: {  	_ =	shalt  }
0x45: {  	_ =	shalt  }
0x46: {  	_ =	shalt  }
0x47: {  	_ =	shalt  }
0x48: {  	_ =	shalt  }
0x49: {  	_ =	shalt  }
0x4a: {  	_ =	shalt  }
0x4b: {  	_ =	shalt  }
0x4c: {  	_ =	shalt  }
0x4d: {  	_ =	shalt  }
0x4e: {  	_ =	shalt  }
0x4f: {  	_ =	shalt  }
0x50: {  	_ =	shalt  }
0x51: {  	_ =	shalt  }
0x52: {  	_ =	shalt  }
0x53: {  	_ =	shalt  }
0x54: {  	_ =	shalt  }
0x55: {  	_ =	shalt  }
0x56: {  	_ =	shalt  }
0x57: {  	_ =	shalt  }
0x58: {  	_ =	shalt  }
0x59: {  	_ =	shalt  }
0x5a: {  	_ =	shalt  }
0x5b: {  	_ =	shalt  }
0x5c: {  	_ =	shalt  }
0x5d: {  	_ =	shalt  }
0x5e: {  	_ =	shalt  }
0x5f: {  	_ =	shalt  }
0x60: {  	_ =	shalt  }
0x61: {  	_ =	shalt  }
0x62: {  	_ =	shalt  }
0x63: {  	_ =	shalt  }
0x64: {  	_ =	shalt  }
0x65: {  	_ =	shalt  }
0x66: {  	_ =	shalt  }
0x67: {  	_ =	shalt  }
0x68: {  	_ =	shalt  }
0x69: {  	_ =	shalt  }
0x6a: {  	_ =	shalt  }
0x6b: {  	_ =	shalt  }
0x6c: {  	_ =	shalt  }
0x6d: {  	_ =	shalt  }
0x6e: {  	_ =	shalt  }
0x6f: {  	_ =	shalt  }
0x70: {  	_ =	shalt  }
0x71: {  	_ =	shalt  }
0x72: {  	_ =	shalt  }
0x73: {  	_ =	shalt  }
0x74: {  	_ =	shalt  }
0x75: {  	_ =	shalt  }
0x76: {  	_ =	shalt  }
0x77: {  	_ =	shalt  }
0x78: {  	_ =	shalt  }
0x79: {  	_ =	shalt  }
0x7a: {  	_ =	shalt  }
0x7b: {  	_ =	shalt  }
0x7c: {  	_ =	shalt  }
0x7d: {  	_ =	shalt  }
0x7e: {  	_ =	shalt  }
0x7f: {  	_ =	shalt  }
0x80: {  	_ =	shalt  }
0x81: {  	_ =	shalt  }
0x82: {  	_ =	shalt  }
0x83: {  	_ =	shalt  }
0x84: {  	_ =	shalt  }
0x85: {  	_ =	shalt  }
0x86: {  	_ =	shalt  }
0x87: {  	_ =	shalt  }
.Lfunc_end0:
.L_simem_size_0:
called_computation.4_lowered:
.L_overlay_start_0:
0x88: {  	s2 =	sld [smem:$0x3FD9]  }
0x89: {  	s3 =	sld [smem:$0x3FFE];
	_ =	sdelay $0x1  }
0x8a: {  	s1 =	srdreg.scid  }
0x8b: {  	s0 =	sand.u32 $0x1, s1  }
0x8c: {  	s17 =	sshll.u32 s0, $0xA;
	s2 =	sadd.s32 s3, s2  }
0x8d: {  	s2 =	sadd.s32 s2, s17  }
0x8e: {  	[smem:$0x3FAD] =	sst s2  }
0x8f: {  	_ = 	snop  }
0x90: {  	s2 =	sld [smem:$0x3FD0];
	(tm) =	ssettm $0x1  }
0x91: {  	s18 =	sld [smem:$0x3FFB];
	_ =	sdelay $0x3  }
0x92: {  	_ =	strace s18  }
0x93: {  	s3 =	sld [smem:$0x3FFC];
	_ =	sdelay $0x3  }
0x94: {  	_ =	strace s3  }
0x95: {  	s3 =	sld [smem:$0x3FFD];
	_ =	sdelay $0x3  }
0x96: {  	_ =	strace s3  }
0x97: {  	_ =	strace $0x8FFFFFFF  }
0x98: {  	s19 =	sld [smem:$0x3FDB];
	_ =	sdelay $0x1  }
0x99: {  	s4 =	simm.s32 $_scs_section_size  }
0x9a: {  	s5 =	simm.s32 $_size__tile_overlayer_lowered;
	s6 =	simm.s32 $_tile_overlayer_lowered  }
0x9b: {  	s22 =	simm.s32 $0x1BFF;
	s21 =	sshll.u32 s6, $0x1;
	s3 =	sadd.s32 s4, s19  }
0x9c: {  	s7 =	simm.s32 $0x0;
	s20 =	sshll.u32 s5, $0x1;
	s5 =	sadd.s32 s21, s3  }
0x9d: {  	[timem:s7], [sflag:s22] =	dma.local [hbm:s5], s20  }
0x9e: {  	_ =	swait.ge [sflag:s22], s20  }
0x9f: {  	s4 =	ssub.s32 $0x0, s20;
	[sflag:s22] =	ssyncset.done $0x0  }
0xa0: {  	[sflag:s22] =	ssyncadd.s32 s4;
	_ =	sdelay $0x1  }
0xa1: {  	s23 =	simm.s32 $0x1B8B  }
0xa2: {  	_ =	swait.ge [sflag:s23], $0x1  }
0xa3: {  	[sflag:s23] =	ssyncset.done $0x0  }
0xa4: {  	s25 =	simm.s32 $0x1B8E;
	s24 =	sld [smem:$0x3FFE];
	[sflag:s23] =	ssyncadd.s32 $0xFFFFFFFF  }
0xa5: {  	s26 =	simm.s32 $execute0_lowered;
	[smem:$0x3FD2] =	sst s25  }
0xa6: {  	s5 =	sshll.u32 s26, $0x1;
	_ =	strace $0x80000052;
	[dreg:$0x1] =	wrdreg $0xFFFFFFFF  }
0xa7: {  	s28 =	simm.s32 $_size_execute0_lowered;
	s3 =	sadd.s32 s3, s5;
	[dreg:$0x0] =	wrdreg $0x0  }
0xa8: {  	s5 =	sshll.u32 s28, $0x1;
	[dreg:$0x2] =	wrdreg s3  }
0xa9: {  	[dreg:$0x3] =	wrdreg s5  }
0xaa: {  	[dreg:$0x4] =	wrdreg $0xC0  }
0xab: {  	_ =	task [dreg:s7], $0x5FFFF  }
0xac: {  	[dreg:$0x1] =	wrdreg $0xFFFFFFFF  }
0xad: {  	[dreg:$0x0] =	wrdreg $0x60  }
0xae: {  	[dreg:$0x2] =	wrdreg s24  }
0xaf: {  	[dreg:$0x3] =	wrdreg s2  }
0xb0: {  	[dreg:$0x4] =	wrdreg $0x5C000  }
0xb1: {  	[dreg:$0x5] =	wrdreg $0x9  }
0xb2: {  	_ =	task.clear_ibuf [dreg:s7], $0x6FFFF;
	_ =	strace $0x90000052  }
0xb3: {  	s29 =	simm.s32 $0x9;
	_ =	strace $0x80000054  }
0xb4: {  	_ =	swait.ge [sflag:s29], $0x1  }
0xb5: {  	[sflag:s29] =	ssyncadd.s32 $0xFFFFFFFF  }
0xb6: {  	_ =	strace $0x90000054  }
0xb7: {  	_ =	sfence  }
0xb8: {  	s30 =	sld [smem:$0x0];
	_ =	sdelay $0x2  }
0xb9: {  	s31 =	sshll.u32 s1, $0xD;
	s1 =	sshrl.u32 s1, $0x2  }
0xba: {  	s3 =	sand.u32 $0x4000, s31;
	s1 =	sadd.s32 s1, s30  }
0xbb: {  	s0 =	sor.u32 s3, s0;
	s1 =	sshll.u32 s1, $0x11  }
0xbc: {  	s0 =	sor.u32 s1, s0  }
0xbd: {  	s0 =	sadd.s32 $0x8F2B, s0  }
0xbe: {  	[sflag:s0] =	ssyncadd.remote.s32 $0x1  }
0xbf: {  	_ =	sfence.sel $0xFFFF  }
0xc0: {  	[dreg:$0x0] =	wrdreg $0xFFFFFFFF;
	(pc) =	sbr.abs _section_cstart, $3  }
0xc1: {  	[dreg:$0x1] =	wrdreg $0xFFFFFFFF  }
0xc2: {  	_ =	task.clear_ibuf [dreg:s7], $0x2FFFF;
	_ =	strace $0x9FFFFFFF  }
0xc3: {  	(tm) =	ssettm $0x7FFFFFFF  }
tec
execute0_lowered:
.L_overlay_start_1:
0x0: {  	(tag) =	ssettag $0x1  }
0x1: {  	s0 =	rddreg [dreg:$0x0]  }
0x2: {  	s3 =	rddreg [dreg:$0x2];
	s4 =	simm.s32 $0x0  }
0x3: {  	s1 =	srdreg.scid;
	s9 =	stileid.u32;
	s28 =	simm.s32 $0x1  }
0x4: {  	s29 =	simm.s32 $0x2;
	s30 =	simm.s32 $0x3;
	s2 =	smul.u32 $0x19000, s9  }
0x5: {  	s31 =	simm.s32 $0x4;
	[smem:$0x7FF] =	sst s4;
	s16 =	smul.u32 $0x64000, s9  }
0x6: {  	s1 =	sand.u32 $0x1, s1;
	s5 =	sadd.s32 $0x2899400, s0;
	s13 =	smul.u32 $0xC400, s9  }
0x7: {  	s7 =	sadd.s32 $0x376000, s0;
	s17 =	smul.u32 $0x620000, s9;
	s18 =	sadd.s32 $0x2899C00, s0  }
0x8: {  	_ =	strace $0x80000053;
	s6 =	smul.u32 $0x190000, s1;
	[dreg:$0x4] =	wrdreg s7  }
0x9: {  	s15 =	ssub.s32 $0x2, s1;
	s12 =	smul.u32 $0xC4000, s1;
	s1 =	sshll.u32 s1, $0x6  }
0xa: {  	[dreg:$0x5] =	wrdreg s18;
	s8 =	sshrl.u32 s15, $0x1;
	s7 =	sshrl.u32 s16, $0x2  }
0xb: {  	s11 =	smov.u32 s1;
	s1 =	sor.u32 s1, s17;
	s10 =	smov.u32 s13  }
0xc: {  	s2 =	sadd.s32 s2, s6;
	s6 =	ssub.s32 s15, s8;
	s9 =	sadd.s32 s7, s3  }
0xd: {  	s19 =	sadd.s32 s12, s13;
	s12 =	sadd.s32 $0x289A400, s0;
	s20 =	sor.u32 $0x1C000, s1  }
0xe: {  	s13 =	sadd.s32 $0x289AC00, s0;
	s23 =	sor.u32 $0x18000, s1;
	s24 =	sor.u32 $0x14000, s1  }
0xf: {  	s1 =	sor.u32 $0x10000, s1;
	s2 =	sshrl.u32 s2, $0x3;
	[dreg:$0x6] =	wrdreg s19  }
0x10: {  	s21 =	smax.u32 s6, $0x1;
	s22 =	sshrl.u32 s20, $0x3;
	s6 =	sshrl.u32 s24, $0x3  }
0x11: {  	s26 =	sshrl.u32 s1, $0x3;
	s20 =	simm.s32 $0x1C00;
	s24 =	simm.s32 $0x2C00  }
0x12: {  	s1 =	simm.s32 $0x0;
	s2 =	sadd.s32 s2, s0;
	[dreg:$0x7] =	wrdreg s21  }
0x13: {  	s0 =	sadd.s32 s22, s5;
	s25 =	sadd.s32 s6, s5;
	s21 =	simm.s32 $0x5  }
0x14: {  	s22 =	simm.s32 $0x20;
	[dreg:$0x8] =	wrdreg s0;
	s0 =	sshrl.u32 s23, $0x3  }
0x15: {  	[dreg:$0xa] =	wrdreg s25;
	s19 =	sadd.s32 $0x4000, s2;
	s0 =	sadd.s32 s0, s5  }
0x16: {  	s23 =	simm.s32 $0x80;
	[dreg:$0x9] =	wrdreg s0;
	s0 =	sadd.s32 s26, s5  }
0x17: {  	s25 =	simm.s32 $0x3C00;
	s26 =	simm.s32 $0x4C00;
	[dreg:$0xb] =	wrdreg s0  }
.LBB2_1:
0x18: {  	[dreg:$0xc] =	wrdreg s1  }
0x19: {  	s0 =	rddreg [dreg:$0x1]  }
0x1a: {  	[tilespmem:s20], [sflag:$0x5] =	stream.linear.gather [hbm4b:s0+s4], $0x1000, $0x38;
	[tilespmem:$0x1EC00] =	vst v63  }
0x1b: {  	_ =	swait.ge [sflag:s21], $0x1000  }
0x1c: {  	[sflag:s21] =	ssyncset.done $0x0  }
0x1d: {  	s18 =	sadd.s32 $0x0, s9;
	[sflag:s21] =	ssyncadd.s32 $0xFFFFF000  }
0x1e: {  	[spmem:s18] =	stream.linear.scatter [tilespmem:s20], [sflag:$0x5], $0x1000, $0x38;
	[tilespmem:$0x1EC00] =	vst v63  }
0x1f: {  	s0 =	simm.s32 $0x4000;
	_ =	swait.ge [sflag:s21], $0x1000  }
.LBB2_2:
0x20: {  	s1 =	sshra.s32 s0, $0x2;
	[sflag:s21] =	ssyncset.done $0x0;
	p0 =	sne.s32 s0, $0x60000  }
.Ltmp0:
0x21: {  	s1 =	sadd.s32 s1, s9;
	[sflag:s21] =	ssyncadd.s32 $0xFFFFF000;
	(pc) =	sbr.rel @p0 .LBB2_2-.Ltmp0, $3  }
0x22: {  	[spmem:s1] =	stream.linear.scatter [tilespmem:s20], [sflag:$0x5], $0x1000, $0x38;
	[tilespmem:$0x1EC00] =	vst v63  }
0x23: {  	s0 =	sadd.s32 $0x4000, s0;
	_ =	sdelay $0x1  }
0x24: {  	_ =	swait.ge [sflag:s21], $0x1000  }
0x25: {  	[sflag:s21] =	ssyncset.done $0x0  }
0x26: {  	[sflag:s21] =	ssyncadd.s32 $0xFFFFF000  }
0x27: {  	[bflag:$0x0] =	sbarrier.arrive $0xFFFF  }
0x28: {  	s18 =	rddreg [dreg:$0xb]  }
0x29: {  	s17 =	rddreg [dreg:$0xa]  }
0x2a: {  	s15 =	rddreg [dreg:$0x9]  }
0x2b: {  	s2 =	simm.s32 $0x0;
	s0 =	rddreg [dreg:$0x8]  }
.LBB2_4:
0x2c: {  	s1 =	smul.u32 $0x1C00, s2  }
0x2d: {  	s6 =	rddreg [dreg:$0x6]  }
0x2e: {  	s6 =	sadd.s32 s6, s1  }
0x2f: {  	s7 =	rddreg [dreg:$0x4];
	s1 =	sadd.s32 s10, s1;
	s6 =	sshrl.u32 s6, $0x3  }
0x30: {  	s14 =	simm.s32 $0x0;
	s1 =	sshll.u32 s1, $0x7;
	s6 =	sadd.s32 s7, s6  }
0x31: {  	[tilespmem:s14], [sflag:$0x5] =	stream.linear.gather [hbm4b:s6+s14], $0x1C00, $0x38;
	[tilespmem:$0x1EC00] =	vst v63  }
0x32: {  	s1 =	sor.u32 s11, s1;
	_ =	swait.ge [sflag:s21], $0x1C00  }
0x33: {  	s1 =	sshrl.u32 s1, $0x3;
	[sflag:s21] =	ssyncset.done $0x0  }
0x34: {  	s14 =	sadd.s32 s5, s1;
	s16 =	rddreg [dreg:$0x5];
	[sflag:s21] =	ssyncadd.s32 $0xFFFFE400  }
0x35: {  	[tilespmem:s20], [sflag:$0x1] =	stream.strided.gather [hbm4b:s14+s22], $0x1000, s23, s22, $0x38;
	[tilespmem:$0x1EC00] =	vst v63  }
0x36: {  	s6 =	sadd.s32 s1, s16  }
0x37: {  	[tilespmem:s24], [sflag:$0x2] =	stream.strided.gather [hbm4b:s6+s22], $0x1000, s23, s22, $0x38;
	[tilespmem:$0x1EC00] =	vst v63  }
0x38: {  	s7 =	sadd.s32 s1, s12  }
0x39: {  	[tilespmem:s25], [sflag:$0x3] =	stream.strided.gather [hbm4b:s7+s22], $0x1000, s23, s22, $0x38;
	[tilespmem:$0x1EC00] =	vst v63  }
0x3a: {  	s8 =	sadd.s32 s1, s13  }
0x3b: {  	[tilespmem:s26], [sflag:$0x4] =	stream.strided.gather [hbm4b:s8+s22], $0x1000, s23, s22, $0x38;
	[tilespmem:$0x1EC00] =	vst v63  }
0x3c: {  	_ =	swait.ge [sflag:s28], $0x1000  }
0x3d: {  	[sflag:s28] =	ssyncset.done $0x0  }
0x3e: {  	s16 =	simm.s32 $0x0;
	[sflag:s28] =	ssyncadd.s32 $0xFFFFF000  }
0x3f: {  	[spmem:s3] =	stream.indirect.scatter.add.f32 [tilespmem:s20], [sflag:$0x5], $0x20, s16, s23, $0xb8;
	[tilespmem:$0x1EC00] =	vst v63  }
0x40: {  	_ =	swait.ge [sflag:s21], $0x1000  }
0x41: {  	[sflag:s21] =	ssyncset.done $0x0  }
0x42: {  	s7 =	sadd.s32 $0x0, s18;
	[sflag:s21] =	ssyncadd.s32 $0xFFFFF000  }
0x43: {  	[tilespmem:s20], [sflag:$0x1] =	stream.strided.gather [hbm4b:s7+s22], $0x1000, s23, s22, $0x38;
	[tilespmem:$0x1EC00] =	vst v63  }
0x44: {  	_ =	swait.ge [sflag:s29], $0x1000  }
0x45: {  	[sflag:s29] =	ssyncset.done $0x0  }
0x46: {  	s8 =	simm.s32 $0x80;
	[sflag:s29] =	ssyncadd.s32 $0xFFFFF000  }
0x47: {  	[spmem:s3] =	stream.indirect.scatter.add.f32 [tilespmem:s24], [sflag:$0x5], $0x20, s8, s23, $0xb8;
	[tilespmem:$0x1EC00] =	vst v63  }
0x48: {  	_ =	swait.ge [sflag:s21], $0x1000  }
0x49: {  	[sflag:s21] =	ssyncset.done $0x0  }
0x4a: {  	s16 =	sadd.s32 $0x0, s17;
	[sflag:s21] =	ssyncadd.s32 $0xFFFFF000  }
0x4b: {  	[tilespmem:s24], [sflag:$0x2] =	stream.strided.gather [hbm4b:s16+s22], $0x1000, s23, s22, $0x38;
	[tilespmem:$0x1EC00] =	vst v63  }
0x4c: {  	_ =	swait.ge [sflag:s30], $0x1000  }
0x4d: {  	[sflag:s30] =	ssyncset.done $0x0  }
0x4e: {  	s7 =	simm.s32 $0x100;
	[sflag:s30] =	ssyncadd.s32 $0xFFFFF000  }
0x4f: {  	[spmem:s3] =	stream.indirect.scatter.add.f32 [tilespmem:s25], [sflag:$0x5], $0x20, s7, s23, $0xb8;
	[tilespmem:$0x1EC00] =	vst v63  }
0x50: {  	_ =	swait.ge [sflag:s21], $0x1000  }
0x51: {  	[sflag:s21] =	ssyncset.done $0x0  }
0x52: {  	s8 =	sadd.s32 $0x0, s15;
	[sflag:s21] =	ssyncadd.s32 $0xFFFFF000  }
0x53: {  	[tilespmem:s25], [sflag:$0x3] =	stream.strided.gather [hbm4b:s8+s22], $0x1000, s23, s22, $0x38;
	[tilespmem:$0x1EC00] =	vst v63  }
0x54: {  	_ =	swait.ge [sflag:s31], $0x1000  }
0x55: {  	[sflag:s31] =	ssyncset.done $0x0  }
0x56: {  	s16 =	simm.s32 $0x180;
	[sflag:s31] =	ssyncadd.s32 $0xFFFFF000  }
0x57: {  	[spmem:s3] =	stream.indirect.scatter.add.f32 [tilespmem:s26], [sflag:$0x5], $0x20, s16, s23, $0xb8;
	[tilespmem:$0x1EC00] =	vst v63  }
0x58: {  	_ =	swait.ge [sflag:s21], $0x1000  }
0x59: {  	s6 =	simm.s32 $0x380;
	[sflag:s21] =	ssyncset.done $0x0  }
0x5a: {  	s7 =	sadd.s32 $0x0, s0;
	s16 =	simm.s32 $0x2000;
	[sflag:s21] =	ssyncadd.s32 $0xFFFFF000  }
.LBB2_5:
0x5b: {  	[tilespmem:s26], [sflag:$0x4] =	stream.strided.gather [hbm4b:s7+s22], $0x1000, s23, s22, $0x38;
	[tilespmem:$0x1EC00] =	vst v63  }
0x5c: {  	s7 =	smov.u32 s16  }
0x5d: {  	p0 =	sne.s32 s16, $0x18000;
	s16 =	sadd.s32 $0x2000, s16;
	_ =	swait.ge [sflag:s28], $0x1000  }
0x5e: {  	[sflag:s28] =	ssyncset.done $0x0  }
0x5f: {  	s8 =	sadd.s32 $0xFFFFFE80, s6;
	[sflag:s28] =	ssyncadd.s32 $0xFFFFF000  }
0x60: {  	[spmem:s3] =	stream.indirect.scatter.add.f32 [tilespmem:s20], [sflag:$0x5], $0x20, s8, s23, $0xb8;
	[tilespmem:$0x1EC00] =	vst v63  }
0x61: {  	_ =	swait.ge [sflag:s21], $0x1000  }
0x62: {  	[sflag:s21] =	ssyncset.done $0x0  }
0x63: {  	s8 =	sadd.s32 s7, s18;
	[sflag:s21] =	ssyncadd.s32 $0xFFFFF000  }
0x64: {  	[tilespmem:s20], [sflag:$0x1] =	stream.strided.gather [hbm4b:s8+s22], $0x1000, s23, s22, $0x38;
	[tilespmem:$0x1EC00] =	vst v63  }
0x65: {  	_ =	swait.ge [sflag:s29], $0x1000  }
0x66: {  	[sflag:s29] =	ssyncset.done $0x0  }
0x67: {  	s8 =	sadd.s32 $0xFFFFFF00, s6;
	[sflag:s29] =	ssyncadd.s32 $0xFFFFF000  }
0x68: {  	[spmem:s3] =	stream.indirect.scatter.add.f32 [tilespmem:s24], [sflag:$0x5], $0x20, s8, s23, $0xb8;
	[tilespmem:$0x1EC00] =	vst v63  }
0x69: {  	_ =	swait.ge [sflag:s21], $0x1000  }
0x6a: {  	[sflag:s21] =	ssyncset.done $0x0  }
0x6b: {  	s8 =	sadd.s32 s7, s17;
	[sflag:s21] =	ssyncadd.s32 $0xFFFFF000  }
0x6c: {  	[tilespmem:s24], [sflag:$0x2] =	stream.strided.gather [hbm4b:s8+s22], $0x1000, s23, s22, $0x38;
	[tilespmem:$0x1EC00] =	vst v63  }
0x6d: {  	_ =	swait.ge [sflag:s30], $0x1000  }
0x6e: {  	[sflag:s30] =	ssyncset.done $0x0  }
0x6f: {  	s8 =	sadd.s32 $0xFFFFFF80, s6;
	[sflag:s30] =	ssyncadd.s32 $0xFFFFF000  }
0x70: {  	[spmem:s3] =	stream.indirect.scatter.add.f32 [tilespmem:s25], [sflag:$0x5], $0x20, s8, s23, $0xb8;
	[tilespmem:$0x1EC00] =	vst v63  }
0x71: {  	_ =	swait.ge [sflag:s21], $0x1000  }
0x72: {  	[sflag:s21] =	ssyncset.done $0x0  }
0x73: {  	s8 =	sadd.s32 s7, s15;
	[sflag:s21] =	ssyncadd.s32 $0xFFFFF000  }
0x74: {  	[tilespmem:s25], [sflag:$0x3] =	stream.strided.gather [hbm4b:s8+s22], $0x1000, s23, s22, $0x38;
	[tilespmem:$0x1EC00] =	vst v63  }
0x75: {  	_ =	swait.ge [sflag:s31], $0x1000  }
0x76: {  	[sflag:s31] =	ssyncset.done $0x0  }
.Ltmp1:
0x77: {  	[sflag:s31] =	ssyncadd.s32 $0xFFFFF000;
	(pc) =	sbr.rel @p0 .LBB2_5-.Ltmp1, $4  }
0x78: {  	[spmem:s3] =	stream.indirect.scatter.add.f32 [tilespmem:s26], [sflag:$0x5], $0x20, s6, s23, $0xb8;
	[tilespmem:$0x1EC00] =	vst v63  }
0x79: {  	_ =	swait.ge [sflag:s21], $0x1000  }
0x7a: {  	[sflag:s21] =	ssyncset.done $0x0  }
0x7b: {  	s7 =	sadd.s32 s7, s0;
	s6 =	sadd.s32 $0x200, s6;
	[sflag:s21] =	ssyncadd.s32 $0xFFFFF000  }
0x7c: {  	[tilespmem:s26], [sflag:$0x4] =	stream.strided.gather [hbm4b:s7+s22], $0x1000, s23, s22, $0x38;
	[tilespmem:$0x1EC00] =	vst v63  }
0x7d: {  	_ =	swait.ge [sflag:s28], $0x1000  }
0x7e: {  	[sflag:s28] =	ssyncset.done $0x0  }
0x7f: {  	s6 =	simm.s32 $0x1A00;
	[sflag:s28] =	ssyncadd.s32 $0xFFFFF000  }
0x80: {  	[spmem:s3] =	stream.indirect.scatter.add.f32 [tilespmem:s20], [sflag:$0x5], $0x20, s6, s23, $0xb8;
	[tilespmem:$0x1EC00] =	vst v63  }
0x81: {  	_ =	swait.ge [sflag:s21], $0x1000  }
0x82: {  	[sflag:s21] =	ssyncset.done $0x0  }
0x83: {  	[sflag:s21] =	ssyncadd.s32 $0xFFFFF000  }
0x84: {  	[tilespmem:s20], [sflag:$0x1] =	stream.strided.gather [hbm4b:s14+s22], $0x1000, s23, s22, $0x38;
	[tilespmem:$0x1EC00] =	vst v63  }
0x85: {  	_ =	swait.ge [sflag:s29], $0x1000  }
0x86: {  	[sflag:s29] =	ssyncset.done $0x0  }
0x87: {  	s16 =	simm.s32 $0x1A80;
	[sflag:s29] =	ssyncadd.s32 $0xFFFFF000  }
0x88: {  	[spmem:s3] =	stream.indirect.scatter.add.f32 [tilespmem:s24], [sflag:$0x5], $0x20, s16, s23, $0xb8;
	[tilespmem:$0x1EC00] =	vst v63  }
0x89: {  	_ =	swait.ge [sflag:s21], $0x1000  }
0x8a: {  	s1 =	sadd.s32 s1, s5;
	[sflag:s21] =	ssyncset.done $0x0  }
0x8b: {  	s7 =	sadd.s32 $0x800, s1;
	[sflag:s21] =	ssyncadd.s32 $0xFFFFF000  }
0x8c: {  	[tilespmem:s24], [sflag:$0x2] =	stream.strided.gather [hbm4b:s7+s22], $0x1000, s23, s22, $0x38;
	[tilespmem:$0x1EC00] =	vst v63  }
0x8d: {  	_ =	swait.ge [sflag:s30], $0x1000  }
0x8e: {  	[sflag:s30] =	ssyncset.done $0x0  }
0x8f: {  	s8 =	simm.s32 $0x1B00;
	[sflag:s30] =	ssyncadd.s32 $0xFFFFF000  }
0x90: {  	[spmem:s3] =	stream.indirect.scatter.add.f32 [tilespmem:s25], [sflag:$0x5], $0x20, s8, s23, $0xb8;
	[tilespmem:$0x1EC00] =	vst v63  }
0x91: {  	_ =	swait.ge [sflag:s21], $0x1000  }
0x92: {  	[sflag:s21] =	ssyncset.done $0x0  }
0x93: {  	s14 =	sadd.s32 $0x1000, s1;
	[sflag:s21] =	ssyncadd.s32 $0xFFFFF000  }
0x94: {  	[tilespmem:s25], [sflag:$0x3] =	stream.strided.gather [hbm4b:s14+s22], $0x1000, s23, s22, $0x38;
	[tilespmem:$0x1EC00] =	vst v63  }
0x95: {  	_ =	swait.ge [sflag:s31], $0x1000  }
0x96: {  	[sflag:s31] =	ssyncset.done $0x0  }
0x97: {  	s16 =	simm.s32 $0x1B80;
	[sflag:s31] =	ssyncadd.s32 $0xFFFFF000  }
0x98: {  	[spmem:s3] =	stream.indirect.scatter.add.f32 [tilespmem:s26], [sflag:$0x5], $0x20, s16, s23, $0xb8;
	[tilespmem:$0x1EC00] =	vst v63  }
0x99: {  	_ =	swait.ge [sflag:s21], $0x1000  }
0x9a: {  	[sflag:s21] =	ssyncset.done $0x0  }
0x9b: {  	s1 =	sadd.s32 $0x1800, s1;
	[sflag:s21] =	ssyncadd.s32 $0xFFFFF000  }
0x9c: {  	[tilespmem:s26], [sflag:$0x4] =	stream.strided.gather [hbm4b:s1+s22], $0x1000, s23, s22, $0x38;
	[tilespmem:$0x1EC00] =	vst v63  }
0x9d: {  	_ =	swait.ge [sflag:s28], $0x1000  }
0x9e: {  	[sflag:s28] =	ssyncset.done $0x0  }
0x9f: {  	[sflag:s28] =	ssyncadd.s32 $0xFFFFF000  }
0xa0: {  	_ =	swait.ge [sflag:s29], $0x1000  }
0xa1: {  	[sflag:s29] =	ssyncset.done $0x0  }
0xa2: {  	s2 =	sadd.s32 $0x1, s2;
	[sflag:s29] =	ssyncadd.s32 $0xFFFFF000  }
0xa3: {  	p0 =	sne.s32 s2, $0x7;
	_ =	swait.ge [sflag:s30], $0x1000  }
.Ltmp2:
0xa4: {  	[sflag:s30] =	ssyncset.done $0x0;
	(pc) =	sbr.rel @p0 .LBB2_4-.Ltmp2, $4  }
0xa5: {  	[sflag:s30] =	ssyncadd.s32 $0xFFFFF000  }
0xa6: {  	_ =	swait.ge [sflag:s31], $0x1000  }
0xa7: {  	s0 =	sadd.s32 $0x1C000, s0;
	s15 =	sadd.s32 $0x1C000, s15;
	[sflag:s31] =	ssyncset.done $0x0  }
0xa8: {  	s17 =	sadd.s32 $0x1C000, s17;
	s18 =	sadd.s32 $0x1C000, s18;
	[sflag:s31] =	ssyncadd.s32 $0xFFFFF000  }
0xa9: {  	[bflag:$0x0] =	sbarrier.arrive $0xFFFF  }
0xaa: {  	[tilespmem:s20], [sflag:$0x5] =	stream.linear.gather [spmem:s9], $0x1000, $0x38;
	[tilespmem:$0x1EC00] =	vst v63  }
0xab: {  	_ =	swait.ge [sflag:s21], $0x1000  }
0xac: {  	[sflag:s21] =	ssyncset.done $0x0  }
0xad: {  	s0 =	sadd.s32 $0x0, s19;
	[sflag:s21] =	ssyncadd.s32 $0xFFFFF000  }
0xae: {  	[hbm4b:s0+s4] =	stream.linear.scatter [tilespmem:s20], [sflag:$0x5], $0x1000, $0x38;
	[tilespmem:$0x1EC00] =	vst v63  }
0xaf: {  	_ =	swait.ge [sflag:s21], $0x1000  }
0xb0: {  	s1 =	smov.u32 s9;
	s0 =	simm.s32 $0x200;
	[sflag:s21] =	ssyncset.done $0x0  }
.LBB2_8:
0xb1: {  	p0 =	sne.s32 s0, $0x3000;
	[sflag:s21] =	ssyncadd.s32 $0xFFFFF000;
	s1 =	sadd.s32 $0x1000, s1  }
0xb2: {  	[tilespmem:s20], [sflag:$0x5] =	stream.linear.gather [spmem:s1], $0x1000, $0x38;
	[tilespmem:$0x1EC00] =	vst v63  }
0xb3: {  	s2 =	smov.u32 s0;
	s0 =	sadd.s32 $0x200, s0;
	_ =	swait.ge [sflag:s21], $0x1000  }
.Ltmp3:
0xb4: {  	[sflag:s21] =	ssyncset.done $0x0;
	(pc) =	sbr.rel @p0 .LBB2_8-.Ltmp3, $4  }
0xb5: {  	s2 =	sadd.s32 s2, s19;
	[sflag:s21] =	ssyncadd.s32 $0xFFFFF000  }
0xb6: {  	[hbm4b:s2+s4] =	stream.linear.scatter [tilespmem:s20], [sflag:$0x5], $0x1000, $0x38;
	[tilespmem:$0x1EC00] =	vst v63  }
0xb7: {  	_ =	swait.ge [sflag:s21], $0x1000  }
0xb8: {  	[sflag:s21] =	ssyncset.done $0x0  }
0xb9: {  	s1 =	rddreg [dreg:$0xc]  }
0xba: {  	s0 =	rddreg [dreg:$0x7];
	s1 =	sadd.s32 $0x1, s1  }
0xbb: {  	p0 =	sne.s32 s1, s0  }
.Ltmp4:
0xbc: {  	_ = 	snop;
	(pc) =	sbr.rel @p0 .LBB2_1-.Ltmp4, $2  }
0xbd: {  	_ =	sdelay $0x2  }
0xbe: {  	[sflag:s21] =	ssyncadd.s32 $0xFFFFF000  }
0xbf: {  	_ =	sfence.sel $0x180000  }
0xc0: {  	[bflag:$0x0] =	sbarrier.arrive $0xFFFF  }
0xc1: {  	_ =	strace $0x90000053  }
0xc2: {  	s0 =	stileid.u32;
	[bflag:$0x2] =	sbarrier.arrive $0xFFFF  }
0xc3: {  	p0 =	sne.s32 s0, $0x0;
	s0 =	rddreg [dreg:$0x3]  }
0xc4: {  	s0 =	sadd.s32 @!p0 $0x100000, s0  }
0xc5: {  	[sflag:s0] =	ssyncadd.tile.s32 @!p0 $0x1;
	_ =	shalt  }
.Lfunc_end2:
_tile_overlayer_lowered:
.L_overlay_start_2:
0xc6: {  	(tag) =	ssettag $0x2  }
0xc7: {  	s0 =	rddreg [dreg:$0x0];
	s2 =	stileid.u32  }
0xc8: {  	s1 =	rddreg [dreg:$0x1];
	p0 =	sne.s32 s2, $0x0  }
0xc9: {  	s3 =	rddreg [dreg:$0x2];
	[bflag:$0x3] =	sbarrier.arrive $0xFFFF;
	s2 =	simm.s32 @!p0 $0x1C05  }
0xca: {  	[timem:s3], [sflag:s2] =	dma.local @!p0 [hbm:s0], s1  }
0xcb: {  	s0 =	simm.s32 @!p0 $0x5  }
0xcc: {  	_ =	swait.ge @!p0 [sflag:s0], s1  }
0xcd: {  	s1 =	ssub.s32 @!p0 $0x0, s1;
	[sflag:s0] =	ssyncset.done @!p0 $0x0  }
0xce: {  	[sflag:s0] =	ssyncadd.s32 @!p0 s1  }
0xcf: {  	[bflag:$0x3] =	sbarrier.arrive $0xFFFF  }
0xd0: {  	_ =	shalt  }

</sc_bundles>
